<compile_context>
chip_gen: v7x
topology: tpu7x:2x2x1
jax: 0.10.2.dev20260603
libtpu: 0.0.44.dev20260713+nightly
codegen_flags: <defaults>
</compile_context>

<pallas_src>
import functools

import jax
import jax.numpy as jnp
from jax import lax
from jax.experimental import pallas as pl
from jax.experimental.pallas import tpu as pltpu
from jax.experimental.pallas import tpu_sc as plsc

L = 16
NBUF = 4
NC, NS = 2, 16
NW = NC * NS


def _splits(hist):
    out, off = [], 0
    while off < hist:
        n = min(128, hist - off)
        out.append((off, n))
        off += n
    return out


def kernel(inputs, table):
    B, H = inputs.shape
    V, D = table.shape
    BPT = B // NW
    HP = (H + L - 1) // L * L
    idx = inputs.astype(jnp.int32)
    if HP != H:
        idx = jnp.pad(idx, ((0, 0), (0, HP - H)), constant_values=1)
    idx = idx.reshape(B * HP)
    table_w = jnp.pad(table, ((0, 0), (0, 128 - D)))
    mesh = plsc.VectorSubcoreMesh(core_axis_name="c", subcore_axis_name="s")
    chunks = _splits(H)
    goffs = list(range(0, HP, L))
    ngroups = len(goffs)
    last_off = goffs[-1]

    @functools.partial(
        pl.kernel,
        out_type=jax.ShapeDtypeStruct((B, H, 128), table.dtype),
        mesh=mesh,
        scratch_types=[
            pltpu.VMEM((BPT * HP,), jnp.int32),
            pltpu.VMEM((H, 128), jnp.float32),
            pltpu.VMEM((H, 128), jnp.float32),
            pltpu.VMEM((H, 128), jnp.float32),
            pltpu.VMEM((H, 128), jnp.float32),
            pltpu.SemaphoreType.DMA,
            pltpu.SemaphoreType.DMA,
            pltpu.SemaphoreType.DMA,
            pltpu.SemaphoreType.DMA,
            pltpu.SemaphoreType.DMA,
            pltpu.SemaphoreType.DMA,
            pltpu.SemaphoreType.DMA,
            pltpu.SemaphoreType.DMA,
            pltpu.SemaphoreType.DMA,
        ],
        compiler_params=pltpu.CompilerParams(
            needs_layout_passes=False, use_tc_tiling_on_sc=True
        ),
    )
    def gather_kernel(table_hbm, idx_hbm, out_hbm, idx_v, w0, w1, w2, w3,
                      isem, g0, g1, g2, g3, s0, s1, s2, s3):
        wid = lax.axis_index("s") * NC + lax.axis_index("c")
        base = wid * BPT
        bufs = [w0, w1, w2, w3]
        gsems, wsems = [g0, g1, g2, g3], [s0, s1, s2, s3]

        pltpu.async_copy(
            idx_hbm.at[pl.ds(base * HP, BPT * HP)], idx_v, isem
        ).wait()

        def issue_gathers(b, row):
            for off, n in chunks:
                pltpu.async_copy(
                    table_hbm.at[idx_v.at[pl.ds(row * HP + off, n)]],
                    bufs[b].at[pl.ds(off, n)],
                    gsems[b],
                )

        def wait_gathers(b):
            for off, n in chunks:
                pltpu.make_async_copy(
                    table_hbm.at[idx_v.at[pl.ds(off, n)]],
                    bufs[b].at[pl.ds(off, n)],
                    gsems[b],
                ).wait()

        def issue_write(b, row):
            pltpu.async_copy(bufs[b], out_hbm.at[base + row], wsems[b])

        def wait_write(b):
            pltpu.make_async_copy(
                bufs[b], out_hbm.at[base], wsems[b]
            ).wait()

        def fixup(b, row):
            rbase = row * HP
            minv = idx_v[pl.ds(rbase, L)]
            for g in goffs[1:]:
                minv = jnp.minimum(minv, idx_v[pl.ds(rbase + g, L)])

            @pl.when(jnp.min(minv) == 0)
            def _fix():
                @pl.loop(0, ngroups)
                def _(gi):
                    g = jnp.minimum(gi * L, last_off)
                    iv = idx_v[pl.ds(rbase + g, L)]

                    @pl.when(jnp.min(iv) == 0)
                    def _group():
                        lane = lax.iota(jnp.int32, L)
                        for l in range(L):
                            zl = jnp.min(jnp.where(lane == l, iv, 1))

                            @pl.when(zl == 0)
                            def _zero_row(l=l):
                                for c in range(D // L):
                                    sl = (g + l, pl.ds(c * L, L))
                                    bufs[b][sl] = jnp.zeros(
                                        (L,), jnp.float32
                                    )

        issue_gathers(0, 0)
        issue_gathers(1, 1)
        issue_gathers(2, 2)

        main = BPT - BPT % NBUF

        @pl.loop(0, main, step=NBUF)
        def _(r0):
            for j in range(NBUF):
                row = r0 + j
                b = j
                wait_gathers(b)
                fixup(b, row)
                issue_write(b, row)
                nxt = row + 3
                bn = (j + 3) % NBUF

                @pl.when(nxt < BPT)
                def _(row=row, nxt=nxt, bn=bn):
                    @pl.when(row >= 1)
                    def _():
                        wait_write(bn)

                    issue_gathers(bn, nxt)

        for row in range(main, BPT):
            b = row % NBUF
            wait_gathers(b)
            fixup(b, row)
            issue_write(b, row)

        for b in range(NBUF):
            wait_write(b)

    return gather_kernel(table_w, idx)[:, :, :D]

# --- scband reference (transcript-rebuilt; emitter-appended) ---
"""Pipeline reference for scband-masked-embedding-46488726012025 (READ-ONLY COPY).

The authoritative reference and input builder live on the scoring server;
editing this copy changes nothing except your own understanding.
"""

import jax, jax.numpy as jnp
import numpy as np

INPUT_DIM = 100000
OUTPUT_DIM = 64
BATCH = 4096
HIST = 200

def setup_inputs(seed: int = 0) -> dict:
    key = jax.random.key(seed)
    k1, k2 = jax.random.split(key)
    inputs = jax.random.randint(k1, (BATCH, HIST), 0, INPUT_DIM, dtype=jnp.int64) if jax.config.jax_enable_x64 else jax.random.randint(k1, (BATCH, HIST), 0, INPUT_DIM, dtype=jnp.int32)
    table = jax.random.normal(k2, (INPUT_DIM, OUTPUT_DIM), dtype=jnp.float32) * 0.05
    return {"inputs": inputs, "table": table}

def reference(inputs, table):
    # mask = 1.0 where index != 0 (keras mask_zero semantics)
    mask = jnp.not_equal(inputs, 0).astype(jnp.float32)
    embeddings = jnp.take(table, inputs, axis=0)
    masked_embeddings = embeddings * mask[..., None]
    return masked_embeddings

if __name__ == "__main__":
    import jax
    _d = setup_inputs()
    print(jax.jit(kernel)(*tuple(_d.values())))

</pallas_src>

<mosaic_0001>
#map = affine_map<(d0, d1) -> (0, 0)>
#map1 = affine_map<(d0, d1) -> (0)>
#map2 = affine_map<(d0, d1) -> (0, 0, 0)>
module attributes {stable_mosaic.version = 14 : i64} {
  func.func @gather_kernel(%arg0: i32, %arg1: i32, %arg2: memref<100000x128xf32, #tpu.memory_space<hbm>>, %arg3: memref<851968xi32, #tpu.memory_space<hbm>>, %arg4: memref<4096x200x128xf32, #tpu.memory_space<hbm>>, %arg5: memref<26624xi32, #tpu.memory_space<vmem>>, %arg6: memref<200x128xf32, #tpu.memory_space<vmem>>, %arg7: memref<200x128xf32, #tpu.memory_space<vmem>>, %arg8: memref<200x128xf32, #tpu.memory_space<vmem>>, %arg9: memref<200x128xf32, #tpu.memory_space<vmem>>, %arg10: memref<!tpu.dma_semaphore, #tpu.memory_space<semaphore_mem>>, %arg11: memref<!tpu.dma_semaphore, #tpu.memory_space<semaphore_mem>>, %arg12: memref<!tpu.dma_semaphore, #tpu.memory_space<semaphore_mem>>, %arg13: memref<!tpu.dma_semaphore, #tpu.memory_space<semaphore_mem>>, %arg14: memref<!tpu.dma_semaphore, #tpu.memory_space<semaphore_mem>>, %arg15: memref<!tpu.dma_semaphore, #tpu.memory_space<semaphore_mem>>, %arg16: memref<!tpu.dma_semaphore, #tpu.memory_space<semaphore_mem>>, %arg17: memref<!tpu.dma_semaphore, #tpu.memory_space<semaphore_mem>>, %arg18: memref<!tpu.dma_semaphore, #tpu.memory_space<semaphore_mem>>) attributes {dimension_semantics = [#tpu.dimension_semantics<core_parallel>, #tpu.dimension_semantics<subcore_parallel>], iteration_bounds = array<i64: 2, 16>, scalar_prefetch = 0 : i64, scratch_operands = 14 : i64, tpu.core_type = #tpu.core_type<sc_vector_subcore>, window_params = [{transform_indices = #map}, {transform_indices = #map1}, {transform_indices = #map2}]} {
    %mul3A = arith.constant 2 : i32
    %mul3A_0 = arith.muli %arg1, %mul3A : i32
    %add3A = arith.addi %mul3A_0, %arg0 : i32
    %mul3A_1 = arith.constant 128 : i32
    %mul3A_2 = arith.muli %add3A, %mul3A_1 : i32
    %mul3A_3 = arith.constant 208 : i32
    %mul3A_4 = arith.muli %mul3A_2, %mul3A_3 : i32
    %dma_start3A = tpu.memref_slice %arg3[%mul3A_4] : memref<851968xi32, #tpu.memory_space<hbm>> -> memref<26624xi32, #tpu.memory_space<hbm>>
    %dma_start3A_5 = tpu.memref_slice %arg3[%mul3A_4] : memref<851968xi32, #tpu.memory_space<hbm>> -> memref<26624xi32, #tpu.memory_space<hbm>>
    tpu.enqueue_dma source(%dma_start3A_5 : memref<26624xi32, #tpu.memory_space<hbm>>) target(%arg5 : memref<26624xi32, #tpu.memory_space<vmem>>) target_semaphore(%arg10 : memref<!tpu.dma_semaphore, #tpu.memory_space<semaphore_mem>>)
    %dma_wait3A = tpu.memref_slice %arg3[%mul3A_4] : memref<851968xi32, #tpu.memory_space<hbm>> -> memref<26624xi32, #tpu.memory_space<hbm>>
    %dma_wait3A_6 = tpu.memref_slice %arg3[%mul3A_4] : memref<851968xi32, #tpu.memory_space<hbm>> -> memref<26624xi32, #tpu.memory_space<hbm>>
    tpu.wait_dma2 semaphore(%arg10 : memref<!tpu.dma_semaphore, #tpu.memory_space<semaphore_mem>>) src(%dma_wait3A_6 : memref<26624xi32, #tpu.memory_space<hbm>>) dst(%arg5 : memref<26624xi32, #tpu.memory_space<vmem>>)
    %dma_start3A_7 = arith.constant 0 : i32
    %dma_start3A_8 = arith.constant 0 : i32
    %dma_start3A_9 = tpu.memref_slice %arg6[%dma_start3A_7, %dma_start3A_8] : memref<200x128xf32, #tpu.memory_space<vmem>> -> memref<128x128xf32, #tpu.memory_space<vmem>>
    %dma_start3A_10 = arith.constant 0 : i32
    %dma_start3A_11 = tpu.memref_slice %arg5[%dma_start3A_10] : memref<26624xi32, #tpu.memory_space<vmem>> -> memref<128xi32, #tpu.memory_space<vmem>>
    %dma_start3A_12 = arith.constant 0 : i32
    %dma_start3A_13 = arith.constant 0 : i32
    %dma_start3A_14 = tpu.memref_slice %arg2[%dma_start3A_12, %dma_start3A_13] : memref<100000x128xf32, #tpu.memory_space<hbm>> -> memref<100000x128xf32, #tpu.memory_space<hbm>>
    tpu.enqueue_indirect_dma source(%dma_start3A_14 : memref<100000x128xf32, #tpu.memory_space<hbm>>) target(%dma_start3A_9 : memref<128x128xf32, #tpu.memory_space<vmem>>) offsets(%dma_start3A_11 : memref<128xi32, #tpu.memory_space<vmem>>) semaphore(%arg11 : memref<!tpu.dma_semaphore, #tpu.memory_space<semaphore_mem>>)
    %dma_start3A_15 = arith.constant 128 : i32
    %dma_start3A_16 = arith.constant 0 : i32
    %dma_start3A_17 = tpu.memref_slice %arg6[%dma_start3A_15, %dma_start3A_16] : memref<200x128xf32, #tpu.memory_space<vmem>> -> memref<72x128xf32, #tpu.memory_space<vmem>>
    %dma_start3A_18 = arith.constant 128 : i32
    %dma_start3A_19 = tpu.memref_slice %arg5[%dma_start3A_18] : memref<26624xi32, #tpu.memory_space<vmem>> -> memref<72xi32, #tpu.memory_space<vmem>>
    %dma_start3A_20 = arith.constant 0 : i32
    %dma_start3A_21 = arith.constant 0 : i32
    %dma_start3A_22 = tpu.memref_slice %arg2[%dma_start3A_20, %dma_start3A_21] : memref<100000x128xf32, #tpu.memory_space<hbm>> -> memref<100000x128xf32, #tpu.memory_space<hbm>>
    tpu.enqueue_indirect_dma source(%dma_start3A_22 : memref<100000x128xf32, #tpu.memory_space<hbm>>) target(%dma_start3A_17 : memref<72x128xf32, #tpu.memory_space<vmem>>) offsets(%dma_start3A_19 : memref<72xi32, #tpu.memory_space<vmem>>) semaphore(%arg11 : memref<!tpu.dma_semaphore, #tpu.memory_space<semaphore_mem>>)
    %dma_start3A_23 = arith.constant 0 : i32
    %dma_start3A_24 = arith.constant 0 : i32
    %dma_start3A_25 = tpu.memref_slice %arg7[%dma_start3A_23, %dma_start3A_24] : memref<200x128xf32, #tpu.memory_space<vmem>> -> memref<128x128xf32, #tpu.memory_space<vmem>>
    %dma_start3A_26 = arith.constant 208 : i32
    %dma_start3A_27 = tpu.memref_slice %arg5[%dma_start3A_26] : memref<26624xi32, #tpu.memory_space<vmem>> -> memref<128xi32, #tpu.memory_space<vmem>>
    %dma_start3A_28 = arith.constant 0 : i32
    %dma_start3A_29 = arith.constant 0 : i32
    %dma_start3A_30 = tpu.memref_slice %arg2[%dma_start3A_28, %dma_start3A_29] : memref<100000x128xf32, #tpu.memory_space<hbm>> -> memref<100000x128xf32, #tpu.memory_space<hbm>>
    tpu.enqueue_indirect_dma source(%dma_start3A_30 : memref<100000x128xf32, #tpu.memory_space<hbm>>) target(%dma_start3A_25 : memref<128x128xf32, #tpu.memory_space<vmem>>) offsets(%dma_start3A_27 : memref<128xi32, #tpu.memory_space<vmem>>) semaphore(%arg12 : memref<!tpu.dma_semaphore, #tpu.memory_space<semaphore_mem>>)
    %dma_start3A_31 = arith.constant 128 : i32
    %dma_start3A_32 = arith.constant 0 : i32
    %dma_start3A_33 = tpu.memref_slice %arg7[%dma_start3A_31, %dma_start3A_32] : memref<200x128xf32, #tpu.memory_space<vmem>> -> memref<72x128xf32, #tpu.memory_space<vmem>>
    %dma_start3A_34 = arith.constant 336 : i32
    %dma_start3A_35 = tpu.memref_slice %arg5[%dma_start3A_34] : memref<26624xi32, #tpu.memory_space<vmem>> -> memref<72xi32, #tpu.memory_space<vmem>>
    %dma_start3A_36 = arith.constant 0 : i32
    %dma_start3A_37 = arith.constant 0 : i32
    %dma_start3A_38 = tpu.memref_slice %arg2[%dma_start3A_36, %dma_start3A_37] : memref<100000x128xf32, #tpu.memory_space<hbm>> -> memref<100000x128xf32, #tpu.memory_space<hbm>>
    tpu.enqueue_indirect_dma source(%dma_start3A_38 : memref<100000x128xf32, #tpu.memory_space<hbm>>) target(%dma_start3A_33 : memref<72x128xf32, #tpu.memory_space<vmem>>) offsets(%dma_start3A_35 : memref<72xi32, #tpu.memory_space<vmem>>) semaphore(%arg12 : memref<!tpu.dma_semaphore, #tpu.memory_space<semaphore_mem>>)
    %dma_start3A_39 = arith.constant 0 : i32
    %dma_start3A_40 = arith.constant 0 : i32
    %dma_start3A_41 = tpu.memref_slice %arg8[%dma_start3A_39, %dma_start3A_40] : memref<200x128xf32, #tpu.memory_space<vmem>> -> memref<128x128xf32, #tpu.memory_space<vmem>>
    %dma_start3A_42 = arith.constant 416 : i32
    %dma_start3A_43 = tpu.memref_slice %arg5[%dma_start3A_42] : memref<26624xi32, #tpu.memory_space<vmem>> -> memref<128xi32, #tpu.memory_space<vmem>>
    %dma_start3A_44 = arith.constant 0 : i32
    %dma_start3A_45 = arith.constant 0 : i32
    %dma_start3A_46 = tpu.memref_slice %arg2[%dma_start3A_44, %dma_start3A_45] : memref<100000x128xf32, #tpu.memory_space<hbm>> -> memref<100000x128xf32, #tpu.memory_space<hbm>>
    tpu.enqueue_indirect_dma source(%dma_start3A_46 : memref<100000x128xf32, #tpu.memory_space<hbm>>) target(%dma_start3A_41 : memref<128x128xf32, #tpu.memory_space<vmem>>) offsets(%dma_start3A_43 : memref<128xi32, #tpu.memory_space<vmem>>) semaphore(%arg13 : memref<!tpu.dma_semaphore, #tpu.memory_space<semaphore_mem>>)
    %dma_start3A_47 = arith.constant 128 : i32
    %dma_start3A_48 = arith.constant 0 : i32
    %dma_start3A_49 = tpu.memref_slice %arg8[%dma_start3A_47, %dma_start3A_48] : memref<200x128xf32, #tpu.memory_space<vmem>> -> memref<72x128xf32, #tpu.memory_space<vmem>>
    %dma_start3A_50 = arith.constant 544 : i32
    %dma_start3A_51 = tpu.memref_slice %arg5[%dma_start3A_50] : memref<26624xi32, #tpu.memory_space<vmem>> -> memref<72xi32, #tpu.memory_space<vmem>>
    %dma_start3A_52 = arith.constant 0 : i32
    %dma_start3A_53 = arith.constant 0 : i32
    %dma_start3A_54 = tpu.memref_slice %arg2[%dma_start3A_52, %dma_start3A_53] : memref<100000x128xf32, #tpu.memory_space<hbm>> -> memref<100000x128xf32, #tpu.memory_space<hbm>>
    tpu.enqueue_indirect_dma source(%dma_start3A_54 : memref<100000x128xf32, #tpu.memory_space<hbm>>) target(%dma_start3A_49 : memref<72x128xf32, #tpu.memory_space<vmem>>) offsets(%dma_start3A_51 : memref<72xi32, #tpu.memory_space<vmem>>) semaphore(%arg13 : memref<!tpu.dma_semaphore, #tpu.memory_space<semaphore_mem>>)
    %scan3A = arith.constant 0 : i32
    %scan3A_55 = arith.constant 32 : i32
    %scan3A_56 = arith.addi %scan3A, %scan3A_55 : i32
    %scan3A_57 = arith.constant 1 : i32
    scf.for %scan3A_91 = %scan3A to %scan3A_56 step %scan3A_57  : i32 {
      %mul3A_92 = arith.constant 4 : i32
      %mul3A_93 = arith.muli %scan3A_91, %mul3A_92 : i32
      %add3A_94 = arith.constant 0 : i32
      %add3A_95 = arith.addi %add3A_94, %mul3A_93 : i32
      %add3A_96 = arith.constant 0 : i32
      %add3A_97 = arith.addi %add3A_95, %add3A_96 : i32
      %dma_wait3A_98 = arith.constant 0 : i32
      %dma_wait3A_99 = arith.constant 0 : i32
      %dma_wait3A_100 = tpu.memref_slice %arg6[%dma_wait3A_98, %dma_wait3A_99] : memref<200x128xf32, #tpu.memory_space<vmem>> -> memref<128x128xf32, #tpu.memory_space<vmem>>
      %dma_wait3A_101 = arith.constant 0 : i32
      %dma_wait3A_102 = tpu.memref_slice %arg5[%dma_wait3A_101] : memref<26624xi32, #tpu.memory_space<vmem>> -> memref<128xi32, #tpu.memory_space<vmem>>
      %dma_wait3A_103 = arith.constant 0 : i32
      %dma_wait3A_104 = arith.constant 0 : i32
      %dma_wait3A_105 = tpu.memref_slice %arg2[%dma_wait3A_103, %dma_wait3A_104] : memref<100000x128xf32, #tpu.memory_space<hbm>> -> memref<100000x128xf32, #tpu.memory_space<hbm>>
      tpu.wait_indirect_dma semaphore(%arg11 : memref<!tpu.dma_semaphore, #tpu.memory_space<semaphore_mem>>) src(%dma_wait3A_105 : memref<100000x128xf32, #tpu.memory_space<hbm>>) dst(%dma_wait3A_100 : memref<128x128xf32, #tpu.memory_space<vmem>>)
      %dma_wait3A_106 = arith.constant 128 : i32
      %dma_wait3A_107 = arith.constant 0 : i32
      %dma_wait3A_108 = tpu.memref_slice %arg6[%dma_wait3A_106, %dma_wait3A_107] : memref<200x128xf32, #tpu.memory_space<vmem>> -> memref<72x128xf32, #tpu.memory_space<vmem>>
      %dma_wait3A_109 = arith.constant 128 : i32
      %dma_wait3A_110 = tpu.memref_slice %arg5[%dma_wait3A_109] : memref<26624xi32, #tpu.memory_space<vmem>> -> memref<72xi32, #tpu.memory_space<vmem>>
      %dma_wait3A_111 = arith.constant 0 : i32
      %dma_wait3A_112 = arith.constant 0 : i32
      %dma_wait3A_113 = tpu.memref_slice %arg2[%dma_wait3A_111, %dma_wait3A_112] : memref<100000x128xf32, #tpu.memory_space<hbm>> -> memref<100000x128xf32, #tpu.memory_space<hbm>>
      tpu.wait_indirect_dma semaphore(%arg11 : memref<!tpu.dma_semaphore, #tpu.memory_space<semaphore_mem>>) src(%dma_wait3A_113 : memref<100000x128xf32, #tpu.memory_space<hbm>>) dst(%dma_wait3A_108 : memref<72x128xf32, #tpu.memory_space<vmem>>)
      %mul3A_114 = arith.constant 208 : i32
      %mul3A_115 = arith.muli %add3A_97, %mul3A_114 : i32
      %get3A = arith.index_cast %mul3A_115 : i32 to index
      %get3A_116 = tpu.vector_load %arg5[%get3A] {strides = array<i32>} : memref<26624xi32, #tpu.memory_space<vmem>>, vector<16xi32>,
      %add3A_117 = arith.constant 16 : i32
      %add3A_118 = arith.addi %mul3A_115, %add3A_117 : i32
      %get3A_119 = arith.index_cast %add3A_118 : i32 to index
      %get3A_120 = tpu.vector_load %arg5[%get3A_119] {strides = array<i32>} : memref<26624xi32, #tpu.memory_space<vmem>>, vector<16xi32>,
      %min3A = arith.minsi %get3A_116, %get3A_120 : vector<16xi32>
      %add3A_121 = arith.constant 32 : i32
      %add3A_122 = arith.addi %mul3A_115, %add3A_121 : i32
      %get3A_123 = arith.index_cast %add3A_122 : i32 to index
      %get3A_124 = tpu.vector_load %arg5[%get3A_123] {strides = array<i32>} : memref<26624xi32, #tpu.memory_space<vmem>>, vector<16xi32>,
      %min3A_125 = arith.minsi %min3A, %get3A_124 : vector<16xi32>
      %add3A_126 = arith.constant 48 : i32
      %add3A_127 = arith.addi %mul3A_115, %add3A_126 : i32
      %get3A_128 = arith.index_cast %add3A_127 : i32 to index
      %get3A_129 = tpu.vector_load %arg5[%get3A_128] {strides = array<i32>} : memref<26624xi32, #tpu.memory_space<vmem>>, vector<16xi32>,
      %min3A_130 = arith.minsi %min3A_125, %get3A_129 : vector<16xi32>
      %add3A_131 = arith.constant 64 : i32
      %add3A_132 = arith.addi %mul3A_115, %add3A_131 : i32
      %get3A_133 = arith.index_cast %add3A_132 : i32 to index
      %get3A_134 = tpu.vector_load %arg5[%get3A_133] {strides = array<i32>} : memref<26624xi32, #tpu.memory_space<vmem>>, vector<16xi32>,
      %min3A_135 = arith.minsi %min3A_130, %get3A_134 : vector<16xi32>
      %add3A_136 = arith.constant 80 : i32
      %add3A_137 = arith.addi %mul3A_115, %add3A_136 : i32
      %get3A_138 = arith.index_cast %add3A_137 : i32 to index
      %get3A_139 = tpu.vector_load %arg5[%get3A_138] {strides = array<i32>} : memref<26624xi32, #tpu.memory_space<vmem>>, vector<16xi32>,
      %min3A_140 = arith.minsi %min3A_135, %get3A_139 : vector<16xi32>
      %add3A_141 = arith.constant 96 : i32
      %add3A_142 = arith.addi %mul3A_115, %add3A_141 : i32
      %get3A_143 = arith.index_cast %add3A_142 : i32 to index
      %get3A_144 = tpu.vector_load %arg5[%get3A_143] {strides = array<i32>} : memref<26624xi32, #tpu.memory_space<vmem>>, vector<16xi32>,
      %min3A_145 = arith.minsi %min3A_140, %get3A_144 : vector<16xi32>
      %add3A_146 = arith.constant 112 : i32
      %add3A_147 = arith.addi %mul3A_115, %add3A_146 : i32
      %get3A_148 = arith.index_cast %add3A_147 : i32 to index
      %get3A_149 = tpu.vector_load %arg5[%get3A_148] {strides = array<i32>} : memref<26624xi32, #tpu.memory_space<vmem>>, vector<16xi32>,
      %min3A_150 = arith.minsi %min3A_145, %get3A_149 : vector<16xi32>
      %add3A_151 = arith.constant 128 : i32
      %add3A_152 = arith.addi %mul3A_115, %add3A_151 : i32
      %get3A_153 = arith.index_cast %add3A_152 : i32 to index
      %get3A_154 = tpu.vector_load %arg5[%get3A_153] {strides = array<i32>} : memref<26624xi32, #tpu.memory_space<vmem>>, vector<16xi32>,
      %min3A_155 = arith.minsi %min3A_150, %get3A_154 : vector<16xi32>
      %add3A_156 = arith.constant 144 : i32
      %add3A_157 = arith.addi %mul3A_115, %add3A_156 : i32
      %get3A_158 = arith.index_cast %add3A_157 : i32 to index
      %get3A_159 = tpu.vector_load %arg5[%get3A_158] {strides = array<i32>} : memref<26624xi32, #tpu.memory_space<vmem>>, vector<16xi32>,
      %min3A_160 = arith.minsi %min3A_155, %get3A_159 : vector<16xi32>
      %add3A_161 = arith.constant 160 : i32
      %add3A_162 = arith.addi %mul3A_115, %add3A_161 : i32
      %get3A_163 = arith.index_cast %add3A_162 : i32 to index
      %get3A_164 = tpu.vector_load %arg5[%get3A_163] {strides = array<i32>} : memref<26624xi32, #tpu.memory_space<vmem>>, vector<16xi32>,
      %min3A_165 = arith.minsi %min3A_160, %get3A_164 : vector<16xi32>
      %add3A_166 = arith.constant 176 : i32
      %add3A_167 = arith.addi %mul3A_115, %add3A_166 : i32
      %get3A_168 = arith.index_cast %add3A_167 : i32 to index
      %get3A_169 = tpu.vector_load %arg5[%get3A_168] {strides = array<i32>} : memref<26624xi32, #tpu.memory_space<vmem>>, vector<16xi32>,
      %min3A_170 = arith.minsi %min3A_165, %get3A_169 : vector<16xi32>
      %add3A_171 = arith.constant 192 : i32
      %add3A_172 = arith.addi %mul3A_115, %add3A_171 : i32
      %get3A_173 = arith.index_cast %add3A_172 : i32 to index
      %get3A_174 = tpu.vector_load %arg5[%get3A_173] {strides = array<i32>} : memref<26624xi32, #tpu.memory_space<vmem>>, vector<16xi32>,
      %min3A_175 = arith.minsi %min3A_170, %get3A_174 : vector<16xi32>
      %reduce_min3A = arith.constant true
      %reduce_min3A_176 = vector.broadcast %reduce_min3A : i1 to vector<16xi1>
      %reduce_min3A_177 = arith.constant -2147483648 : i32
      %reduce_min3A_178 = vector.broadcast %reduce_min3A_177 : i32 to vector<16xi32>
      %reduce_min3A_179 = arith.xori %min3A_175, %reduce_min3A_178 : vector<16xi32>
      %reduce_min3A_180 = tpu.scan <min>, %reduce_min3A_179 masked %reduce_min3A_176 : vector<16xi32>, vector<16xi1> -> vector<16xi32>
      %reduce_min3A_181 = arith.xori %reduce_min3A_180, %reduce_min3A_178 : vector<16xi32>
      %reduce_min3A_182 = vector.extract %reduce_min3A_181[15] : i32 from vector<16xi32>
      %eq3A = arith.constant 0 : i32
      %eq3A_183 = arith.cmpi eq, %reduce_min3A_182, %eq3A : i32
      %convert_element_type3A = arith.extui %eq3A_183 : i1 to i32
      %cond3A = arith.constant 0 : i32
      %cond3A_184 = arith.cmpi ne, %convert_element_type3A, %cond3A : i32
      scf.if %cond3A_184 {
        %scan3A_533 = arith.constant 0 : i32
        %scan3A_534 = arith.constant 13 : i32
        %scan3A_535 = arith.addi %scan3A_533, %scan3A_534 : i32
        %scan3A_536 = arith.constant 1 : i32
        scf.for %scan3A_538 = %scan3A_533 to %scan3A_535 step %scan3A_536  : i32 {
          %mul3A_539 = arith.constant 1 : i32
          %mul3A_540 = arith.muli %scan3A_538, %mul3A_539 : i32
          %add3A_541 = arith.constant 0 : i32
          %add3A_542 = arith.addi %add3A_541, %mul3A_540 : i32
          %mul3A_543 = arith.constant 16 : i32
          %mul3A_544 = arith.muli %add3A_542, %mul3A_543 : i32
          %min3A_545 = arith.constant 192 : i32
          %min3A_546 = arith.minsi %mul3A_544, %min3A_545 : i32
          %add3A_547 = arith.addi %mul3A_115, %min3A_546 : i32
          %get3A_548 = arith.index_cast %add3A_547 : i32 to index
          %get3A_549 = tpu.vector_load %arg5[%get3A_548] {strides = array<i32>} : memref<26624xi32, #tpu.memory_space<vmem>>, vector<16xi32>,
          %reduce_min3A_550 = arith.constant true
          %reduce_min3A_551 = vector.broadcast %reduce_min3A_550 : i1 to vector<16xi1>
          %reduce_min3A_552 = arith.constant -2147483648 : i32
          %reduce_min3A_553 = vector.broadcast %reduce_min3A_552 : i32 to vector<16xi32>
          %reduce_min3A_554 = arith.xori %get3A_549, %reduce_min3A_553 : vector<16xi32>
          %reduce_min3A_555 = tpu.scan <min>, %reduce_min3A_554 masked %reduce_min3A_551 : vector<16xi32>, vector<16xi1> -> vector<16xi32>
          %reduce_min3A_556 = arith.xori %reduce_min3A_555, %reduce_min3A_553 : vector<16xi32>
          %reduce_min3A_557 = vector.extract %reduce_min3A_556[15] : i32 from vector<16xi32>
          %eq3A_558 = arith.constant 0 : i32
          %eq3A_559 = arith.cmpi eq, %reduce_min3A_557, %eq3A_558 : i32
          %convert_element_type3A_560 = arith.extui %eq3A_559 : i1 to i32
          %cond3A_561 = arith.constant 0 : i32
          %cond3A_562 = arith.cmpi ne, %convert_element_type3A_560, %cond3A_561 : i32
          scf.if %cond3A_562 {
            %iota3A = tpu.iota {dimensions = array<i32: 0>} : vector<16xi32>
            %eq3A_563 = arith.constant 0 : i32
            %eq3A_564 = vector.broadcast %eq3A_563 : i32 to vector<16xi32>
            %eq3A_565 = arith.cmpi eq, %iota3A, %eq3A_564 : vector<16xi32>
            %jit3A = arith.constant 1 : i32
            %broadcast_in_dim3A = vector.broadcast %jit3A : i32 to vector<16xi32>
            %select_n3A = arith.select %eq3A_565, %get3A_549, %broadcast_in_dim3A : vector<16xi1>, vector<16xi32>
            %reduce_min3A_566 = arith.constant true
            %reduce_min3A_567 = vector.broadcast %reduce_min3A_566 : i1 to vector<16xi1>
            %reduce_min3A_568 = arith.constant -2147483648 : i32
            %reduce_min3A_569 = vector.broadcast %reduce_min3A_568 : i32 to vector<16xi32>
            %reduce_min3A_570 = arith.xori %select_n3A, %reduce_min3A_569 : vector<16xi32>
            %reduce_min3A_571 = tpu.scan <min>, %reduce_min3A_570 masked %reduce_min3A_567 : vector<16xi32>, vector<16xi1> -> vector<16xi32>
            %reduce_min3A_572 = arith.xori %reduce_min3A_571, %reduce_min3A_569 : vector<16xi32>
            %reduce_min3A_573 = vector.extract %reduce_min3A_572[15] : i32 from vector<16xi32>
            %eq3A_574 = arith.constant 0 : i32
            %eq3A_575 = arith.cmpi eq, %reduce_min3A_573, %eq3A_574 : i32
            %convert_element_type3A_576 = arith.extui %eq3A_575 : i1 to i32
            %cond3A_577 = arith.constant 0 : i32
            %cond3A_578 = arith.cmpi ne, %convert_element_type3A_576, %cond3A_577 : i32
            scf.if %cond3A_578 {
              %add3A_864 = arith.constant 0 : i32
              %add3A_865 = arith.addi %min3A_546, %add3A_864 : i32
              %broadcast_in_dim3A_866 = arith.constant 0.000000e+00 : f32
              %broadcast_in_dim3A_867 = vector.broadcast %broadcast_in_dim3A_866 : f32 to vector<16xf32>
              %swap3A = arith.index_cast %add3A_865 : i32 to index
              %swap3A_868 = arith.constant 0 : index
              %swap3A_869 = tpu.vector_load %arg6[%swap3A, %swap3A_868] {strides = array<i32>} : memref<200x128xf32, #tpu.memory_space<vmem>>, vector<16xf32>,
              tpu.vector_store %arg6[%swap3A, %swap3A_868], %broadcast_in_dim3A_867 {strides = array<i32>} : memref<200x128xf32, #tpu.memory_space<vmem>>, vector<16xf32>,
              %add3A_870 = arith.constant 0 : i32
              %add3A_871 = arith.addi %min3A_546, %add3A_870 : i32
              %broadcast_in_dim3A_872 = arith.constant 0.000000e+00 : f32
              %broadcast_in_dim3A_873 = vector.broadcast %broadcast_in_dim3A_872 : f32 to vector<16xf32>
              %swap3A_874 = arith.index_cast %add3A_871 : i32 to index
              %swap3A_875 = arith.constant 16 : index
              %swap3A_876 = tpu.vector_load %arg6[%swap3A_874, %swap3A_875] {strides = array<i32>} : memref<200x128xf32, #tpu.memory_space<vmem>>, vector<16xf32>,
              tpu.vector_store %arg6[%swap3A_874, %swap3A_875], %broadcast_in_dim3A_873 {strides = array<i32>} : memref<200x128xf32, #tpu.memory_space<vmem>>, vector<16xf32>,
              %add3A_877 = arith.constant 0 : i32
              %add3A_878 = arith.addi %min3A_546, %add3A_877 : i32
              %broadcast_in_dim3A_879 = arith.constant 0.000000e+00 : f32
              %broadcast_in_dim3A_880 = vector.broadcast %broadcast_in_dim3A_879 : f32 to vector<16xf32>
              %swap3A_881 = arith.index_cast %add3A_878 : i32 to index
              %swap3A_882 = arith.constant 32 : index
              %swap3A_883 = tpu.vector_load %arg6[%swap3A_881, %swap3A_882] {strides = array<i32>} : memref<200x128xf32, #tpu.memory_space<vmem>>, vector<16xf32>,
              tpu.vector_store %arg6[%swap3A_881, %swap3A_882], %broadcast_in_dim3A_880 {strides = array<i32>} : memref<200x128xf32, #tpu.memory_space<vmem>>, vector<16xf32>,
              %add3A_884 = arith.constant 0 : i32
              %add3A_885 = arith.addi %min3A_546, %add3A_884 : i32
              %broadcast_in_dim3A_886 = arith.constant 0.000000e+00 : f32
              %broadcast_in_dim3A_887 = vector.broadcast %broadcast_in_dim3A_886 : f32 to vector<16xf32>
              %swap3A_888 = arith.index_cast %add3A_885 : i32 to index
              %swap3A_889 = arith.constant 48 : index
              %swap3A_890 = tpu.vector_load %arg6[%swap3A_888, %swap3A_889] {strides = array<i32>} : memref<200x128xf32, #tpu.memory_space<vmem>>, vector<16xf32>,
              tpu.vector_store %arg6[%swap3A_888, %swap3A_889], %broadcast_in_dim3A_887 {strides = array<i32>} : memref<200x128xf32, #tpu.memory_space<vmem>>, vector<16xf32>,
            } else {
            }
            %eq3A_579 = arith.constant 1 : i32
            %eq3A_580 = vector.broadcast %eq3A_579 : i32 to vector<16xi32>
            %eq3A_581 = arith.cmpi eq, %iota3A, %eq3A_580 : vector<16xi32>
            %jit3A_582 = arith.constant 1 : i32
            %broadcast_in_dim3A_583 = vector.broadcast %jit3A_582 : i32 to vector<16xi32>
            %select_n3A_584 = arith.select %eq3A_581, %get3A_549, %broadcast_in_dim3A_583 : vector<16xi1>, vector<16xi32>
            %reduce_min3A_585 = arith.constant true
            %reduce_min3A_586 = vector.broadcast %reduce_min3A_585 : i1 to vector<16xi1>
            %reduce_min3A_587 = arith.constant -2147483648 : i32
            %reduce_min3A_588 = vector.broadcast %reduce_min3A_587 : i32 to vector<16xi32>
            %reduce_min3A_589 = arith.xori %select_n3A_584, %reduce_min3A_588 : vector<16xi32>
            %reduce_min3A_590 = tpu.scan <min>, %reduce_min3A_589 masked %reduce_min3A_586 : vector<16xi32>, vector<16xi1> -> vector<16xi32>
            %reduce_min3A_591 = arith.xori %reduce_min3A_590, %reduce_min3A_588 : vector<16xi32>
            %reduce_min3A_592 = vector.extract %reduce_min3A_591[15] : i32 from vector<16xi32>
            %eq3A_593 = arith.constant 0 : i32
            %eq3A_594 = arith.cmpi eq, %reduce_min3A_592, %eq3A_593 : i32
            %convert_element_type3A_595 = arith.extui %eq3A_594 : i1 to i32
            %cond3A_596 = arith.constant 0 : i32
            %cond3A_597 = arith.cmpi ne, %convert_element_type3A_595, %cond3A_596 : i32
            scf.if %cond3A_597 {
              %add3A_864 = arith.constant 1 : i32
              %add3A_865 = arith.addi %min3A_546, %add3A_864 : i32
              %broadcast_in_dim3A_866 = arith.constant 0.000000e+00 : f32
              %broadcast_in_dim3A_867 = vector.broadcast %broadcast_in_dim3A_866 : f32 to vector<16xf32>
              %swap3A = arith.index_cast %add3A_865 : i32 to index
              %swap3A_868 = arith.constant 0 : index
              %swap3A_869 = tpu.vector_load %arg6[%swap3A, %swap3A_868] {strides = array<i32>} : memref<200x128xf32, #tpu.memory_space<vmem>>, vector<16xf32>,
              tpu.vector_store %arg6[%swap3A, %swap3A_868], %broadcast_in_dim3A_867 {strides = array<i32>} : memref<200x128xf32, #tpu.memory_space<vmem>>, vector<16xf32>,
              %add3A_870 = arith.constant 1 : i32
              %add3A_871 = arith.addi %min3A_546, %add3A_870 : i32
              %broadcast_in_dim3A_872 = arith.constant 0.000000e+00 : f32
              %broadcast_in_dim3A_873 = vector.broadcast %broadcast_in_dim3A_872 : f32 to vector<16xf32>
              %swap3A_874 = arith.index_cast %add3A_871 : i32 to index
              %swap3A_875 = arith.constant 16 : index
              %swap3A_876 = tpu.vector_load %arg6[%swap3A_874, %swap3A_875] {strides = array<i32>} : memref<200x128xf32, #tpu.memory_space<vmem>>, vector<16xf32>,
              tpu.vector_store %arg6[%swap3A_874, %swap3A_875], %broadcast_in_dim3A_873 {strides = array<i32>} : memref<200x128xf32, #tpu.memory_space<vmem>>, vector<16xf32>,
              %add3A_877 = arith.constant 1 : i32
              %add3A_878 = arith.addi %min3A_546, %add3A_877 : i32
              %broadcast_in_dim3A_879 = arith.constant 0.000000e+00 : f32
              %broadcast_in_dim3A_880 = vector.broadcast %broadcast_in_dim3A_879 : f32 to vector<16xf32>
              %swap3A_881 = arith.index_cast %add3A_878 : i32 to index
              %swap3A_882 = arith.constant 32 : index
              %swap3A_883 = tpu.vector_load %arg6[%swap3A_881, %swap3A_882] {strides = array<i32>} : memref<200x128xf32, #tpu.memory_space<vmem>>, vector<16xf32>,
              tpu.vector_store %arg6[%swap3A_881, %swap3A_882], %broadcast_in_dim3A_880 {strides = array<i32>} : memref<200x128xf32, #tpu.memory_space<vmem>>, vector<16xf32>,
              %add3A_884 = arith.constant 1 : i32
              %add3A_885 = arith.addi %min3A_546, %add3A_884 : i32
              %broadcast_in_dim3A_886 = arith.constant 0.000000e+00 : f32
              %broadcast_in_dim3A_887 = vector.broadcast %broadcast_in_dim3A_886 : f32 to vector<16xf32>
              %swap3A_888 = arith.index_cast %add3A_885 : i32 to index
              %swap3A_889 = arith.constant 48 : index
              %swap3A_890 = tpu.vector_load %arg6[%swap3A_888, %swap3A_889] {strides = array<i32>} : memref<200x128xf32, #tpu.memory_space<vmem>>, vector<16xf32>,
              tpu.vector_store %arg6[%swap3A_888, %swap3A_889], %broadcast_in_dim3A_887 {strides = array<i32>} : memref<200x128xf32, #tpu.memory_space<vmem>>, vector<16xf32>,
            } else {
            }
            %eq3A_598 = arith.constant 2 : i32
            %eq3A_599 = vector.broadcast %eq3A_598 : i32 to vector<16xi32>
            %eq3A_600 = arith.cmpi eq, %iota3A, %eq3A_599 : vector<16xi32>
            %jit3A_601 = arith.constant 1 : i32
            %broadcast_in_dim3A_602 = vector.broadcast %jit3A_601 : i32 to vector<16xi32>
            %select_n3A_603 = arith.select %eq3A_600, %get3A_549, %broadcast_in_dim3A_602 : vector<16xi1>, vector<16xi32>
            %reduce_min3A_604 = arith.constant true
            %reduce_min3A_605 = vector.broadcast %reduce_min3A_604 : i1 to vector<16xi1>
            %reduce_min3A_606 = arith.constant -2147483648 : i32
            %reduce_min3A_607 = vector.broadcast %reduce_min3A_606 : i32 to vector<16xi32>
            %reduce_min3A_608 = arith.xori %select_n3A_603, %reduce_min3A_607 : vector<16xi32>
            %reduce_min3A_609 = tpu.scan <min>, %reduce_min3A_608 masked %reduce_min3A_605 : vector<16xi32>, vector<16xi1> -> vector<16xi32>
            %reduce_min3A_610 = arith.xori %reduce_min3A_609, %reduce_min3A_607 : vector<16xi32>
            %reduce_min3A_611 = vector.extract %reduce_min3A_610[15] : i32 from vector<16xi32>
            %eq3A_612 = arith.constant 0 : i32
            %eq3A_613 = arith.cmpi eq, %reduce_min3A_611, %eq3A_612 : i32
            %convert_element_type3A_614 = arith.extui %eq3A_613 : i1 to i32
            %cond3A_615 = arith.constant 0 : i32
            %cond3A_616 = arith.cmpi ne, %convert_element_type3A_614, %cond3A_615 : i32
            scf.if %cond3A_616 {
              %add3A_864 = arith.constant 2 : i32
              %add3A_865 = arith.addi %min3A_546, %add3A_864 : i32
              %broadcast_in_dim3A_866 = arith.constant 0.000000e+00 : f32
              %broadcast_in_dim3A_867 = vector.broadcast %broadcast_in_dim3A_866 : f32 to vector<16xf32>
              %swap3A = arith.index_cast %add3A_865 : i32 to index
              %swap3A_868 = arith.constant 0 : index
              %swap3A_869 = tpu.vector_load %arg6[%swap3A, %swap3A_868] {strides = array<i32>} : memref<200x128xf32, #tpu.memory_space<vmem>>, vector<16xf32>,
              tpu.vector_store %arg6[%swap3A, %swap3A_868], %broadcast_in_dim3A_867 {strides = array<i32>} : memref<200x128xf32, #tpu.memory_space<vmem>>, vector<16xf32>,
              %add3A_870 = arith.constant 2 : i32
              %add3A_871 = arith.addi %min3A_546, %add3A_870 : i32
              %broadcast_in_dim3A_872 = arith.constant 0.000000e+00 : f32
              %broadcast_in_dim3A_873 = vector.broadcast %broadcast_in_dim3A_872 : f32 to vector<16xf32>
              %swap3A_874 = arith.index_cast %add3A_871 : i32 to index
              %swap3A_875 = arith.constant 16 : index
              %swap3A_876 = tpu.vector_load %arg6[%swap3A_874, %swap3A_875] {strides = array<i32>} : memref<200x128xf32, #tpu.memory_space<vmem>>, vector<16xf32>,
              tpu.vector_store %arg6[%swap3A_874, %swap3A_875], %broadcast_in_dim3A_873 {strides = array<i32>} : memref<200x128xf32, #tpu.memory_space<vmem>>, vector<16xf32>,
              %add3A_877 = arith.constant 2 : i32
              %add3A_878 = arith.addi %min3A_546, %add3A_877 : i32
              %broadcast_in_dim3A_879 = arith.constant 0.000000e+00 : f32
              %broadcast_in_dim3A_880 = vector.broadcast %broadcast_in_dim3A_879 : f32 to vector<16xf32>
              %swap3A_881 = arith.index_cast %add3A_878 : i32 to index
              %swap3A_882 = arith.constant 32 : index
              %swap3A_883 = tpu.vector_load %arg6[%swap3A_881, %swap3A_882] {strides = array<i32>} : memref<200x128xf32, #tpu.memory_space<vmem>>, vector<16xf32>,
              tpu.vector_store %arg6[%swap3A_881, %swap3A_882], %broadcast_in_dim3A_880 {strides = array<i32>} : memref<200x128xf32, #tpu.memory_space<vmem>>, vector<16xf32>,
              %add3A_884 = arith.constant 2 : i32
              %add3A_885 = arith.addi %min3A_546, %add3A_884 : i32
              %broadcast_in_dim3A_886 = arith.constant 0.000000e+00 : f32
              %broadcast_in_dim3A_887 = vector.broadcast %broadcast_in_dim3A_886 : f32 to vector<16xf32>
              %swap3A_888 = arith.index_cast %add3A_885 : i32 to index
              %swap3A_889 = arith.constant 48 : index
              %swap3A_890 = tpu.vector_load %arg6[%swap3A_888, %swap3A_889] {strides = array<i32>} : memref<200x128xf32, #tpu.memory_space<vmem>>, vector<16xf32>,
              tpu.vector_store %arg6[%swap3A_888, %swap3A_889], %broadcast_in_dim3A_887 {strides = array<i32>} : memref<200x128xf32, #tpu.memory_space<vmem>>, vector<16xf32>,
            } else {
            }
            %eq3A_617 = arith.constant 3 : i32
            %eq3A_618 = vector.broadcast %eq3A_617 : i32 to vector<16xi32>
            %eq3A_619 = arith.cmpi eq, %iota3A, %eq3A_618 : vector<16xi32>
            %jit3A_620 = arith.constant 1 : i32
            %broadcast_in_dim3A_621 = vector.broadcast %jit3A_620 : i32 to vector<16xi32>
            %select_n3A_622 = arith.select %eq3A_619, %get3A_549, %broadcast_in_dim3A_621 : vector<16xi1>, vector<16xi32>
            %reduce_min3A_623 = arith.constant true
            %reduce_min3A_624 = vector.broadcast %reduce_min3A_623 : i1 to vector<16xi1>
            %reduce_min3A_625 = arith.constant -2147483648 : i32
            %reduce_min3A_626 = vector.broadcast %reduce_min3A_625 : i32 to vector<16xi32>
            %reduce_min3A_627 = arith.xori %select_n3A_622, %reduce_min3A_626 : vector<16xi32>
            %reduce_min3A_628 = tpu.scan <min>, %reduce_min3A_627 masked %reduce_min3A_624 : vector<16xi32>, vector<16xi1> -> vector<16xi32>
            %reduce_min3A_629 = arith.xori %reduce_min3A_628, %reduce_min3A_626 : vector<16xi32>
            %reduce_min3A_630 = vector.extract %reduce_min3A_629[15] : i32 from vector<16xi32>
            %eq3A_631 = arith.constant 0 : i32
            %eq3A_632 = arith.cmpi eq, %reduce_min3A_630, %eq3A_631 : i32
            %convert_element_type3A_633 = arith.extui %eq3A_632 : i1 to i32
            %cond3A_634 = arith.constant 0 : i32
            %cond3A_635 = arith.cmpi ne, %convert_element_type3A_633, %cond3A_634 : i32
            scf.if %cond3A_635 {
              %add3A_864 = arith.constant 3 : i32
              %add3A_865 = arith.addi %min3A_546, %add3A_864 : i32
              %broadcast_in_dim3A_866 = arith.constant 0.000000e+00 : f32
              %broadcast_in_dim3A_867 = vector.broadcast %broadcast_in_dim3A_866 : f32 to vector<16xf32>
              %swap3A = arith.index_cast %add3A_865 : i32 to index
              %swap3A_868 = arith.constant 0 : index
              %swap3A_869 = tpu.vector_load %arg6[%swap3A, %swap3A_868] {strides = array<i32>} : memref<200x128xf32, #tpu.memory_space<vmem>>, vector<16xf32>,
              tpu.vector_store %arg6[%swap3A, %swap3A_868], %broadcast_in_dim3A_867 {strides = array<i32>} : memref<200x128xf32, #tpu.memory_space<vmem>>, vector<16xf32>,
              %add3A_870 = arith.constant 3 : i32
              %add3A_871 = arith.addi %min3A_546, %add3A_870 : i32
              %broadcast_in_dim3A_872 = arith.constant 0.000000e+00 : f32
              %broadcast_in_dim3A_873 = vector.broadcast %broadcast_in_dim3A_872 : f32 to vector<16xf32>
              %swap3A_874 = arith.index_cast %add3A_871 : i32 to index
              %swap3A_875 = arith.constant 16 : index
              %swap3A_876 = tpu.vector_load %arg6[%swap3A_874, %swap3A_875] {strides = array<i32>} : memref<200x128xf32, #tpu.memory_space<vmem>>, vector<16xf32>,
              tpu.vector_store %arg6[%swap3A_874, %swap3A_875], %broadcast_in_dim3A_873 {strides = array<i32>} : memref<200x128xf32, #tpu.memory_space<vmem>>, vector<16xf32>,
              %add3A_877 = arith.constant 3 : i32
              %add3A_878 = arith.addi %min3A_546, %add3A_877 : i32
              %broadcast_in_dim3A_879 = arith.constant 0.000000e+00 : f32
              %broadcast_in_dim3A_880 = vector.broadcast %broadcast_in_dim3A_879 : f32 to vector<16xf32>
              %swap3A_881 = arith.index_cast %add3A_878 : i32 to index
              %swap3A_882 = arith.constant 32 : index
              %swap3A_883 = tpu.vector_load %arg6[%swap3A_881, %swap3A_882] {strides = array<i32>} : memref<200x128xf32, #tpu.memory_space<vmem>>, vector<16xf32>,
              tpu.vector_store %arg6[%swap3A_881, %swap3A_882], %broadcast_in_dim3A_880 {strides = array<i32>} : memref<200x128xf32, #tpu.memory_space<vmem>>, vector<16xf32>,
              %add3A_884 = arith.constant 3 : i32
              %add3A_885 = arith.addi %min3A_546, %add3A_884 : i32
              %broadcast_in_dim3A_886 = arith.constant 0.000000e+00 : f32
              %broadcast_in_dim3A_887 = vector.broadcast %broadcast_in_dim3A_886 : f32 to vector<16xf32>
              %swap3A_888 = arith.index_cast %add3A_885 : i32 to index
              %swap3A_889 = arith.constant 48 : index
              %swap3A_890 = tpu.vector_load %arg6[%swap3A_888, %swap3A_889] {strides = array<i32>} : memref<200x128xf32, #tpu.memory_space<vmem>>, vector<16xf32>,
              tpu.vector_store %arg6[%swap3A_888, %swap3A_889], %broadcast_in_dim3A_887 {strides = array<i32>} : memref<200x128xf32, #tpu.memory_space<vmem>>, vector<16xf32>,
            } else {
            }
            %eq3A_636 = arith.constant 4 : i32
            %eq3A_637 = vector.broadcast %eq3A_636 : i32 to vector<16xi32>
            %eq3A_638 = arith.cmpi eq, %iota3A, %eq3A_637 : vector<16xi32>
            %jit3A_639 = arith.constant 1 : i32
            %broadcast_in_dim3A_640 = vector.broadcast %jit3A_639 : i32 to vector<16xi32>
            %select_n3A_641 = arith.select %eq3A_638, %get3A_549, %broadcast_in_dim3A_640 : vector<16xi1>, vector<16xi32>
            %reduce_min3A_642 = arith.constant true
            %reduce_min3A_643 = vector.broadcast %reduce_min3A_642 : i1 to vector<16xi1>
            %reduce_min3A_644 = arith.constant -2147483648 : i32
            %reduce_min3A_645 = vector.broadcast %reduce_min3A_644 : i32 to vector<16xi32>
            %reduce_min3A_646 = arith.xori %select_n3A_641, %reduce_min3A_645 : vector<16xi32>
            %reduce_min3A_647 = tpu.scan <min>, %reduce_min3A_646 masked %reduce_min3A_643 : vector<16xi32>, vector<16xi1> -> vector<16xi32>
            %reduce_min3A_648 = arith.xori %reduce_min3A_647, %reduce_min3A_645 : vector<16xi32>
            %reduce_min3A_649 = vector.extract %reduce_min3A_648[15] : i32 from vector<16xi32>
            %eq3A_650 = arith.constant 0 : i32
            %eq3A_651 = arith.cmpi eq, %reduce_min3A_649, %eq3A_650 : i32
            %convert_element_type3A_652 = arith.extui %eq3A_651 : i1 to i32
            %cond3A_653 = arith.constant 0 : i32
            %cond3A_654 = arith.cmpi ne, %convert_element_type3A_652, %cond3A_653 : i32
            scf.if %cond3A_654 {
              %add3A_864 = arith.constant 4 : i32
              %add3A_865 = arith.addi %min3A_546, %add3A_864 : i32
              %broadcast_in_dim3A_866 = arith.constant 0.000000e+00 : f32
              %broadcast_in_dim3A_867 = vector.broadcast %broadcast_in_dim3A_866 : f32 to vector<16xf32>
              %swap3A = arith.index_cast %add3A_865 : i32 to index
              %swap3A_868 = arith.constant 0 : index
              %swap3A_869 = tpu.vector_load %arg6[%swap3A, %swap3A_868] {strides = array<i32>} : memref<200x128xf32, #tpu.memory_space<vmem>>, vector<16xf32>,
              tpu.vector_store %arg6[%swap3A, %swap3A_868], %broadcast_in_dim3A_867 {strides = array<i32>} : memref<200x128xf32, #tpu.memory_space<vmem>>, vector<16xf32>,
              %add3A_870 = arith.constant 4 : i32
              %add3A_871 = arith.addi %min3A_546, %add3A_870 : i32
              %broadcast_in_dim3A_872 = arith.constant 0.000000e+00 : f32
              %broadcast_in_dim3A_873 = vector.broadcast %broadcast_in_dim3A_872 : f32 to vector<16xf32>
              %swap3A_874 = arith.index_cast %add3A_871 : i32 to index
              %swap3A_875 = arith.constant 16 : index
              %swap3A_876 = tpu.vector_load %arg6[%swap3A_874, %swap3A_875] {strides = array<i32>} : memref<200x128xf32, #tpu.memory_space<vmem>>, vector<16xf32>,
              tpu.vector_store %arg6[%swap3A_874, %swap3A_875], %broadcast_in_dim3A_873 {strides = array<i32>} : memref<200x128xf32, #tpu.memory_space<vmem>>, vector<16xf32>,
              %add3A_877 = arith.constant 4 : i32
              %add3A_878 = arith.addi %min3A_546, %add3A_877 : i32
              %broadcast_in_dim3A_879 = arith.constant 0.000000e+00 : f32
              %broadcast_in_dim3A_880 = vector.broadcast %broadcast_in_dim3A_879 : f32 to vector<16xf32>
              %swap3A_881 = arith.index_cast %add3A_878 : i32 to index
              %swap3A_882 = arith.constant 32 : index
              %swap3A_883 = tpu.vector_load %arg6[%swap3A_881, %swap3A_882] {strides = array<i32>} : memref<200x128xf32, #tpu.memory_space<vmem>>, vector<16xf32>,
              tpu.vector_store %arg6[%swap3A_881, %swap3A_882], %broadcast_in_dim3A_880 {strides = array<i32>} : memref<200x128xf32, #tpu.memory_space<vmem>>, vector<16xf32>,
              %add3A_884 = arith.constant 4 : i32
              %add3A_885 = arith.addi %min3A_546, %add3A_884 : i32
              %broadcast_in_dim3A_886 = arith.constant 0.000000e+00 : f32
              %broadcast_in_dim3A_887 = vector.broadcast %broadcast_in_dim3A_886 : f32 to vector<16xf32>
              %swap3A_888 = arith.index_cast %add3A_885 : i32 to index
              %swap3A_889 = arith.constant 48 : index
              %swap3A_890 = tpu.vector_load %arg6[%swap3A_888, %swap3A_889] {strides = array<i32>} : memref<200x128xf32, #tpu.memory_space<vmem>>, vector<16xf32>,
              tpu.vector_store %arg6[%swap3A_888, %swap3A_889], %broadcast_in_dim3A_887 {strides = array<i32>} : memref<200x128xf32, #tpu.memory_space<vmem>>, vector<16xf32>,
            } else {
            }
            %eq3A_655 = arith.constant 5 : i32
            %eq3A_656 = vector.broadcast %eq3A_655 : i32 to vector<16xi32>
            %eq3A_657 = arith.cmpi eq, %iota3A, %eq3A_656 : vector<16xi32>
            %jit3A_658 = arith.constant 1 : i32
            %broadcast_in_dim3A_659 = vector.broadcast %jit3A_658 : i32 to vector<16xi32>
            %select_n3A_660 = arith.select %eq3A_657, %get3A_549, %broadcast_in_dim3A_659 : vector<16xi1>, vector<16xi32>
            %reduce_min3A_661 = arith.constant true
            %reduce_min3A_662 = vector.broadcast %reduce_min3A_661 : i1 to vector<16xi1>
            %reduce_min3A_663 = arith.constant -2147483648 : i32
            %reduce_min3A_664 = vector.broadcast %reduce_min3A_663 : i32 to vector<16xi32>
            %reduce_min3A_665 = arith.xori %select_n3A_660, %reduce_min3A_664 : vector<16xi32>
            %reduce_min3A_666 = tpu.scan <min>, %reduce_min3A_665 masked %reduce_min3A_662 : vector<16xi32>, vector<16xi1> -> vector<16xi32>
            %reduce_min3A_667 = arith.xori %reduce_min3A_666, %reduce_min3A_664 : vector<16xi32>
            %reduce_min3A_668 = vector.extract %reduce_min3A_667[15] : i32 from vector<16xi32>
            %eq3A_669 = arith.constant 0 : i32
            %eq3A_670 = arith.cmpi eq, %reduce_min3A_668, %eq3A_669 : i32
            %convert_element_type3A_671 = arith.extui %eq3A_670 : i1 to i32
            %cond3A_672 = arith.constant 0 : i32
            %cond3A_673 = arith.cmpi ne, %convert_element_type3A_671, %cond3A_672 : i32
            scf.if %cond3A_673 {
              %add3A_864 = arith.constant 5 : i32
              %add3A_865 = arith.addi %min3A_546, %add3A_864 : i32
              %broadcast_in_dim3A_866 = arith.constant 0.000000e+00 : f32
              %broadcast_in_dim3A_867 = vector.broadcast %broadcast_in_dim3A_866 : f32 to vector<16xf32>
              %swap3A = arith.index_cast %add3A_865 : i32 to index
              %swap3A_868 = arith.constant 0 : index
              %swap3A_869 = tpu.vector_load %arg6[%swap3A, %swap3A_868] {strides = array<i32>} : memref<200x128xf32, #tpu.memory_space<vmem>>, vector<16xf32>,
              tpu.vector_store %arg6[%swap3A, %swap3A_868], %broadcast_in_dim3A_867 {strides = array<i32>} : memref<200x128xf32, #tpu.memory_space<vmem>>, vector<16xf32>,
              %add3A_870 = arith.constant 5 : i32
              %add3A_871 = arith.addi %min3A_546, %add3A_870 : i32
              %broadcast_in_dim3A_872 = arith.constant 0.000000e+00 : f32
              %broadcast_in_dim3A_873 = vector.broadcast %broadcast_in_dim3A_872 : f32 to vector<16xf32>
              %swap3A_874 = arith.index_cast %add3A_871 : i32 to index
              %swap3A_875 = arith.constant 16 : index
              %swap3A_876 = tpu.vector_load %arg6[%swap3A_874, %swap3A_875] {strides = array<i32>} : memref<200x128xf32, #tpu.memory_space<vmem>>, vector<16xf32>,
              tpu.vector_store %arg6[%swap3A_874, %swap3A_875], %broadcast_in_dim3A_873 {strides = array<i32>} : memref<200x128xf32, #tpu.memory_space<vmem>>, vector<16xf32>,
              %add3A_877 = arith.constant 5 : i32
              %add3A_878 = arith.addi %min3A_546, %add3A_877 : i32
              %broadcast_in_dim3A_879 = arith.constant 0.000000e+00 : f32
              %broadcast_in_dim3A_880 = vector.broadcast %broadcast_in_dim3A_879 : f32 to vector<16xf32>
              %swap3A_881 = arith.index_cast %add3A_878 : i32 to index
              %swap3A_882 = arith.constant 32 : index
              %swap3A_883 = tpu.vector_load %arg6[%swap3A_881, %swap3A_882] {strides = array<i32>} : memref<200x128xf32, #tpu.memory_space<vmem>>, vector<16xf32>,
              tpu.vector_store %arg6[%swap3A_881, %swap3A_882], %broadcast_in_dim3A_880 {strides = array<i32>} : memref<200x128xf32, #tpu.memory_space<vmem>>, vector<16xf32>,
              %add3A_884 = arith.constant 5 : i32
              %add3A_885 = arith.addi %min3A_546, %add3A_884 : i32
              %broadcast_in_dim3A_886 = arith.constant 0.000000e+00 : f32
              %broadcast_in_dim3A_887 = vector.broadcast %broadcast_in_dim3A_886 : f32 to vector<16xf32>
              %swap3A_888 = arith.index_cast %add3A_885 : i32 to index
              %swap3A_889 = arith.constant 48 : index
              %swap3A_890 = tpu.vector_load %arg6[%swap3A_888, %swap3A_889] {strides = array<i32>} : memref<200x128xf32, #tpu.memory_space<vmem>>, vector<16xf32>,
              tpu.vector_store %arg6[%swap3A_888, %swap3A_889], %broadcast_in_dim3A_887 {strides = array<i32>} : memref<200x128xf32, #tpu.memory_space<vmem>>, vector<16xf32>,
            } else {
            }
            %eq3A_674 = arith.constant 6 : i32
            %eq3A_675 = vector.broadcast %eq3A_674 : i32 to vector<16xi32>
            %eq3A_676 = arith.cmpi eq, %iota3A, %eq3A_675 : vector<16xi32>
            %jit3A_677 = arith.constant 1 : i32
            %broadcast_in_dim3A_678 = vector.broadcast %jit3A_677 : i32 to vector<16xi32>
            %select_n3A_679 = arith.select %eq3A_676, %get3A_549, %broadcast_in_dim3A_678 : vector<16xi1>, vector<16xi32>
            %reduce_min3A_680 = arith.constant true
            %reduce_min3A_681 = vector.broadcast %reduce_min3A_680 : i1 to vector<16xi1>
            %reduce_min3A_682 = arith.constant -2147483648 : i32
            %reduce_min3A_683 = vector.broadcast %reduce_min3A_682 : i32 to vector<16xi32>
            %reduce_min3A_684 = arith.xori %select_n3A_679, %reduce_min3A_683 : vector<16xi32>
            %reduce_min3A_685 = tpu.scan <min>, %reduce_min3A_684 masked %reduce_min3A_681 : vector<16xi32>, vector<16xi1> -> vector<16xi32>
            %reduce_min3A_686 = arith.xori %reduce_min3A_685, %reduce_min3A_683 : vector<16xi32>
            %reduce_min3A_687 = vector.extract %reduce_min3A_686[15] : i32 from vector<16xi32>
            %eq3A_688 = arith.constant 0 : i32
            %eq3A_689 = arith.cmpi eq, %reduce_min3A_687, %eq3A_688 : i32
            %convert_element_type3A_690 = arith.extui %eq3A_689 : i1 to i32
            %cond3A_691 = arith.constant 0 : i32
            %cond3A_692 = arith.cmpi ne, %convert_element_type3A_690, %cond3A_691 : i32
            scf.if %cond3A_692 {
              %add3A_864 = arith.constant 6 : i32
              %add3A_865 = arith.addi %min3A_546, %add3A_864 : i32
              %broadcast_in_dim3A_866 = arith.constant 0.000000e+00 : f32
              %broadcast_in_dim3A_867 = vector.broadcast %broadcast_in_dim3A_866 : f32 to vector<16xf32>
              %swap3A = arith.index_cast %add3A_865 : i32 to index
              %swap3A_868 = arith.constant 0 : index
              %swap3A_869 = tpu.vector_load %arg6[%swap3A, %swap3A_868] {strides = array<i32>} : memref<200x128xf32, #tpu.memory_space<vmem>>, vector<16xf32>,
              tpu.vector_store %arg6[%swap3A, %swap3A_868], %broadcast_in_dim3A_867 {strides = array<i32>} : memref<200x128xf32, #tpu.memory_space<vmem>>, vector<16xf32>,
              %add3A_870 = arith.constant 6 : i32
              %add3A_871 = arith.addi %min3A_546, %add3A_870 : i32
              %broadcast_in_dim3A_872 = arith.constant 0.000000e+00 : f32
              %broadcast_in_dim3A_873 = vector.broadcast %broadcast_in_dim3A_872 : f32 to vector<16xf32>
              %swap3A_874 = arith.index_cast %add3A_871 : i32 to index
              %swap3A_875 = arith.constant 16 : index
              %swap3A_876 = tpu.vector_load %arg6[%swap3A_874, %swap3A_875] {strides = array<i32>} : memref<200x128xf32, #tpu.memory_space<vmem>>, vector<16xf32>,
              tpu.vector_store %arg6[%swap3A_874, %swap3A_875], %broadcast_in_dim3A_873 {strides = array<i32>} : memref<200x128xf32, #tpu.memory_space<vmem>>, vector<16xf32>,
              %add3A_877 = arith.constant 6 : i32
              %add3A_878 = arith.addi %min3A_546, %add3A_877 : i32
              %broadcast_in_dim3A_879 = arith.constant 0.000000e+00 : f32
              %broadcast_in_dim3A_880 = vector.broadcast %broadcast_in_dim3A_879 : f32 to vector<16xf32>
              %swap3A_881 = arith.index_cast %add3A_878 : i32 to index
              %swap3A_882 = arith.constant 32 : index
              %swap3A_883 = tpu.vector_load %arg6[%swap3A_881, %swap3A_882] {strides = array<i32>} : memref<200x128xf32, #tpu.memory_space<vmem>>, vector<16xf32>,
              tpu.vector_store %arg6[%swap3A_881, %swap3A_882], %broadcast_in_dim3A_880 {strides = array<i32>} : memref<200x128xf32, #tpu.memory_space<vmem>>, vector<16xf32>,
              %add3A_884 = arith.constant 6 : i32
              %add3A_885 = arith.addi %min3A_546, %add3A_884 : i32
              %broadcast_in_dim3A_886 = arith.constant 0.000000e+00 : f32
              %broadcast_in_dim3A_887 = vector.broadcast %broadcast_in_dim3A_886 : f32 to vector<16xf32>
              %swap3A_888 = arith.index_cast %add3A_885 : i32 to index
              %swap3A_889 = arith.constant 48 : index
              %swap3A_890 = tpu.vector_load %arg6[%swap3A_888, %swap3A_889] {strides = array<i32>} : memref<200x128xf32, #tpu.memory_space<vmem>>, vector<16xf32>,
              tpu.vector_store %arg6[%swap3A_888, %swap3A_889], %broadcast_in_dim3A_887 {strides = array<i32>} : memref<200x128xf32, #tpu.memory_space<vmem>>, vector<16xf32>,
            } else {
            }
            %eq3A_693 = arith.constant 7 : i32
            %eq3A_694 = vector.broadcast %eq3A_693 : i32 to vector<16xi32>
            %eq3A_695 = arith.cmpi eq, %iota3A, %eq3A_694 : vector<16xi32>
            %jit3A_696 = arith.constant 1 : i32
            %broadcast_in_dim3A_697 = vector.broadcast %jit3A_696 : i32 to vector<16xi32>
            %select_n3A_698 = arith.select %eq3A_695, %get3A_549, %broadcast_in_dim3A_697 : vector<16xi1>, vector<16xi32>
            %reduce_min3A_699 = arith.constant true
            %reduce_min3A_700 = vector.broadcast %reduce_min3A_699 : i1 to vector<16xi1>
            %reduce_min3A_701 = arith.constant -2147483648 : i32
            %reduce_min3A_702 = vector.broadcast %reduce_min3A_701 : i32 to vector<16xi32>
            %reduce_min3A_703 = arith.xori %select_n3A_698, %reduce_min3A_702 : vector<16xi32>
            %reduce_min3A_704 = tpu.scan <min>, %reduce_min3A_703 masked %reduce_min3A_700 : vector<16xi32>, vector<16xi1> -> vector<16xi32>
            %reduce_min3A_705 = arith.xori %reduce_min3A_704, %reduce_min3A_702 : vector<16xi32>
            %reduce_min3A_706 = vector.extract %reduce_min3A_705[15] : i32 from vector<16xi32>
            %eq3A_707 = arith.constant 0 : i32
            %eq3A_708 = arith.cmpi eq, %reduce_min3A_706, %eq3A_707 : i32
            %convert_element_type3A_709 = arith.extui %eq3A_708 : i1 to i32
            %cond3A_710 = arith.constant 0 : i32
            %cond3A_711 = arith.cmpi ne, %convert_element_type3A_709, %cond3A_710 : i32
            scf.if %cond3A_711 {
              %add3A_864 = arith.constant 7 : i32
              %add3A_865 = arith.addi %min3A_546, %add3A_864 : i32
              %broadcast_in_dim3A_866 = arith.constant 0.000000e+00 : f32
              %broadcast_in_dim3A_867 = vector.broadcast %broadcast_in_dim3A_866 : f32 to vector<16xf32>
              %swap3A = arith.index_cast %add3A_865 : i32 to index
              %swap3A_868 = arith.constant 0 : index
              %swap3A_869 = tpu.vector_load %arg6[%swap3A, %swap3A_868] {strides = array<i32>} : memref<200x128xf32, #tpu.memory_space<vmem>>, vector<16xf32>,
              tpu.vector_store %arg6[%swap3A, %swap3A_868], %broadcast_in_dim3A_867 {strides = array<i32>} : memref<200x128xf32, #tpu.memory_space<vmem>>, vector<16xf32>,
              %add3A_870 = arith.constant 7 : i32
              %add3A_871 = arith.addi %min3A_546, %add3A_870 : i32
              %broadcast_in_dim3A_872 = arith.constant 0.000000e+00 : f32
              %broadcast_in_dim3A_873 = vector.broadcast %broadcast_in_dim3A_872 : f32 to vector<16xf32>
              %swap3A_874 = arith.index_cast %add3A_871 : i32 to index
              %swap3A_875 = arith.constant 16 : index
              %swap3A_876 = tpu.vector_load %arg6[%swap3A_874, %swap3A_875] {strides = array<i32>} : memref<200x128xf32, #tpu.memory_space<vmem>>, vector<16xf32>,
              tpu.vector_store %arg6[%swap3A_874, %swap3A_875], %broadcast_in_dim3A_873 {strides = array<i32>} : memref<200x128xf32, #tpu.memory_space<vmem>>, vector<16xf32>,
              %add3A_877 = arith.constant 7 : i32
              %add3A_878 = arith.addi %min3A_546, %add3A_877 : i32
              %broadcast_in_dim3A_879 = arith.constant 0.000000e+00 : f32
              %broadcast_in_dim3A_880 = vector.broadcast %broadcast_in_dim3A_879 : f32 to vector<16xf32>
              %swap3A_881 = arith.index_cast %add3A_878 : i32 to index
              %swap3A_882 = arith.constant 32 : index
              %swap3A_883 = tpu.vector_load %arg6[%swap3A_881, %swap3A_882] {strides = array<i32>} : memref<200x128xf32, #tpu.memory_space<vmem>>, vector<16xf32>,
              tpu.vector_store %arg6[%swap3A_881, %swap3A_882], %broadcast_in_dim3A_880 {strides = array<i32>} : memref<200x128xf32, #tpu.memory_space<vmem>>, vector<16xf32>,
              %add3A_884 = arith.constant 7 : i32
              %add3A_885 = arith.addi %min3A_546, %add3A_884 : i32
              %broadcast_in_dim3A_886 = arith.constant 0.000000e+00 : f32
              %broadcast_in_dim3A_887 = vector.broadcast %broadcast_in_dim3A_886 : f32 to vector<16xf32>
              %swap3A_888 = arith.index_cast %add3A_885 : i32 to index
              %swap3A_889 = arith.constant 48 : index
              %swap3A_890 = tpu.vector_load %arg6[%swap3A_888, %swap3A_889] {strides = array<i32>} : memref<200x128xf32, #tpu.memory_space<vmem>>, vector<16xf32>,
              tpu.vector_store %arg6[%swap3A_888, %swap3A_889], %broadcast_in_dim3A_887 {strides = array<i32>} : memref<200x128xf32, #tpu.memory_space<vmem>>, vector<16xf32>,
            } else {
            }
            %eq3A_712 = arith.constant 8 : i32
            %eq3A_713 = vector.broadcast %eq3A_712 : i32 to vector<16xi32>
            %eq3A_714 = arith.cmpi eq, %iota3A, %eq3A_713 : vector<16xi32>
            %jit3A_715 = arith.constant 1 : i32
            %broadcast_in_dim3A_716 = vector.broadcast %jit3A_715 : i32 to vector<16xi32>
            %select_n3A_717 = arith.select %eq3A_714, %get3A_549, %broadcast_in_dim3A_716 : vector<16xi1>, vector<16xi32>
            %reduce_min3A_718 = arith.constant true
            %reduce_min3A_719 = vector.broadcast %reduce_min3A_718 : i1 to vector<16xi1>
            %reduce_min3A_720 = arith.constant -2147483648 : i32
            %reduce_min3A_721 = vector.broadcast %reduce_min3A_720 : i32 to vector<16xi32>
            %reduce_min3A_722 = arith.xori %select_n3A_717, %reduce_min3A_721 : vector<16xi32>
            %reduce_min3A_723 = tpu.scan <min>, %reduce_min3A_722 masked %reduce_min3A_719 : vector<16xi32>, vector<16xi1> -> vector<16xi32>
            %reduce_min3A_724 = arith.xori %reduce_min3A_723, %reduce_min3A_721 : vector<16xi32>
            %reduce_min3A_725 = vector.extract %reduce_min3A_724[15] : i32 from vector<16xi32>
            %eq3A_726 = arith.constant 0 : i32
            %eq3A_727 = arith.cmpi eq, %reduce_min3A_725, %eq3A_726 : i32
            %convert_element_type3A_728 = arith.extui %eq3A_727 : i1 to i32
            %cond3A_729 = arith.constant 0 : i32
            %cond3A_730 = arith.cmpi ne, %convert_element_type3A_728, %cond3A_729 : i32
            scf.if %cond3A_730 {
              %add3A_864 = arith.constant 8 : i32
              %add3A_865 = arith.addi %min3A_546, %add3A_864 : i32
              %broadcast_in_dim3A_866 = arith.constant 0.000000e+00 : f32
              %broadcast_in_dim3A_867 = vector.broadcast %broadcast_in_dim3A_866 : f32 to vector<16xf32>
              %swap3A = arith.index_cast %add3A_865 : i32 to index
              %swap3A_868 = arith.constant 0 : index
              %swap3A_869 = tpu.vector_load %arg6[%swap3A, %swap3A_868] {strides = array<i32>} : memref<200x128xf32, #tpu.memory_space<vmem>>, vector<16xf32>,
              tpu.vector_store %arg6[%swap3A, %swap3A_868], %broadcast_in_dim3A_867 {strides = array<i32>} : memref<200x128xf32, #tpu.memory_space<vmem>>, vector<16xf32>,
              %add3A_870 = arith.constant 8 : i32
              %add3A_871 = arith.addi %min3A_546, %add3A_870 : i32
              %broadcast_in_dim3A_872 = arith.constant 0.000000e+00 : f32
              %broadcast_in_dim3A_873 = vector.broadcast %broadcast_in_dim3A_872 : f32 to vector<16xf32>
              %swap3A_874 = arith.index_cast %add3A_871 : i32 to index
              %swap3A_875 = arith.constant 16 : index
              %swap3A_876 = tpu.vector_load %arg6[%swap3A_874, %swap3A_875] {strides = array<i32>} : memref<200x128xf32, #tpu.memory_space<vmem>>, vector<16xf32>,
              tpu.vector_store %arg6[%swap3A_874, %swap3A_875], %broadcast_in_dim3A_873 {strides = array<i32>} : memref<200x128xf32, #tpu.memory_space<vmem>>, vector<16xf32>,
              %add3A_877 = arith.constant 8 : i32
              %add3A_878 = arith.addi %min3A_546, %add3A_877 : i32
              %broadcast_in_dim3A_879 = arith.constant 0.000000e+00 : f32
              %broadcast_in_dim3A_880 = vector.broadcast %broadcast_in_dim3A_879 : f32 to vector<16xf32>
              %swap3A_881 = arith.index_cast %add3A_878 : i32 to index
              %swap3A_882 = arith.constant 32 : index
              %swap3A_883 = tpu.vector_load %arg6[%swap3A_881, %swap3A_882] {strides = array<i32>} : memref<200x128xf32, #tpu.memory_space<vmem>>, vector<16xf32>,
              tpu.vector_store %arg6[%swap3A_881, %swap3A_882], %broadcast_in_dim3A_880 {strides = array<i32>} : memref<200x128xf32, #tpu.memory_space<vmem>>, vector<16xf32>,
              %add3A_884 = arith.constant 8 : i32
              %add3A_885 = arith.addi %min3A_546, %add3A_884 : i32
              %broadcast_in_dim3A_886 = arith.constant 0.000000e+00 : f32
              %broadcast_in_dim3A_887 = vector.broadcast %broadcast_in_dim3A_886 : f32 to vector<16xf32>
              %swap3A_888 = arith.index_cast %add3A_885 : i32 to index
              %swap3A_889 = arith.constant 48 : index
              %swap3A_890 = tpu.vector_load %arg6[%swap3A_888, %swap3A_889] {strides = array<i32>} : memref<200x128xf32, #tpu.memory_space<vmem>>, vector<16xf32>,
              tpu.vector_store %arg6[%swap3A_888, %swap3A_889], %broadcast_in_dim3A_887 {strides = array<i32>} : memref<200x128xf32, #tpu.memory_space<vmem>>, vector<16xf32>,
            } else {
            }
            %eq3A_731 = arith.constant 9 : i32
            %eq3A_732 = vector.broadcast %eq3A_731 : i32 to vector<16xi32>
            %eq3A_733 = arith.cmpi eq, %iota3A, %eq3A_732 : vector<16xi32>
            %jit3A_734 = arith.constant 1 : i32
            %broadcast_in_dim3A_735 = vector.broadcast %jit3A_734 : i32 to vector<16xi32>
            %select_n3A_736 = arith.select %eq3A_733, %get3A_549, %broadcast_in_dim3A_735 : vector<16xi1>, vector<16xi32>
            %reduce_min3A_737 = arith.constant true
            %reduce_min3A_738 = vector.broadcast %reduce_min3A_737 : i1 to vector<16xi1>
            %reduce_min3A_739 = arith.constant -2147483648 : i32
            %reduce_min3A_740 = vector.broadcast %reduce_min3A_739 : i32 to vector<16xi32>
            %reduce_min3A_741 = arith.xori %select_n3A_736, %reduce_min3A_740 : vector<16xi32>
            %reduce_min3A_742 = tpu.scan <min>, %reduce_min3A_741 masked %reduce_min3A_738 : vector<16xi32>, vector<16xi1> -> vector<16xi32>
            %reduce_min3A_743 = arith.xori %reduce_min3A_742, %reduce_min3A_740 : vector<16xi32>
            %reduce_min3A_744 = vector.extract %reduce_min3A_743[15] : i32 from vector<16xi32>
            %eq3A_745 = arith.constant 0 : i32
            %eq3A_746 = arith.cmpi eq, %reduce_min3A_744, %eq3A_745 : i32
            %convert_element_type3A_747 = arith.extui %eq3A_746 : i1 to i32
            %cond3A_748 = arith.constant 0 : i32
            %cond3A_749 = arith.cmpi ne, %convert_element_type3A_747, %cond3A_748 : i32
            scf.if %cond3A_749 {
              %add3A_864 = arith.constant 9 : i32
              %add3A_865 = arith.addi %min3A_546, %add3A_864 : i32
              %broadcast_in_dim3A_866 = arith.constant 0.000000e+00 : f32
              %broadcast_in_dim3A_867 = vector.broadcast %broadcast_in_dim3A_866 : f32 to vector<16xf32>
              %swap3A = arith.index_cast %add3A_865 : i32 to index
              %swap3A_868 = arith.constant 0 : index
              %swap3A_869 = tpu.vector_load %arg6[%swap3A, %swap3A_868] {strides = array<i32>} : memref<200x128xf32, #tpu.memory_space<vmem>>, vector<16xf32>,
              tpu.vector_store %arg6[%swap3A, %swap3A_868], %broadcast_in_dim3A_867 {strides = array<i32>} : memref<200x128xf32, #tpu.memory_space<vmem>>, vector<16xf32>,
              %add3A_870 = arith.constant 9 : i32
              %add3A_871 = arith.addi %min3A_546, %add3A_870 : i32
              %broadcast_in_dim3A_872 = arith.constant 0.000000e+00 : f32
              %broadcast_in_dim3A_873 = vector.broadcast %broadcast_in_dim3A_872 : f32 to vector<16xf32>
              %swap3A_874 = arith.index_cast %add3A_871 : i32 to index
              %swap3A_875 = arith.constant 16 : index
              %swap3A_876 = tpu.vector_load %arg6[%swap3A_874, %swap3A_875] {strides = array<i32>} : memref<200x128xf32, #tpu.memory_space<vmem>>, vector<16xf32>,
              tpu.vector_store %arg6[%swap3A_874, %swap3A_875], %broadcast_in_dim3A_873 {strides = array<i32>} : memref<200x128xf32, #tpu.memory_space<vmem>>, vector<16xf32>,
              %add3A_877 = arith.constant 9 : i32
              %add3A_878 = arith.addi %min3A_546, %add3A_877 : i32
              %broadcast_in_dim3A_879 = arith.constant 0.000000e+00 : f32
              %broadcast_in_dim3A_880 = vector.broadcast %broadcast_in_dim3A_879 : f32 to vector<16xf32>
              %swap3A_881 = arith.index_cast %add3A_878 : i32 to index
              %swap3A_882 = arith.constant 32 : index
              %swap3A_883 = tpu.vector_load %arg6[%swap3A_881, %swap3A_882] {strides = array<i32>} : memref<200x128xf32, #tpu.memory_space<vmem>>, vector<16xf32>,
              tpu.vector_store %arg6[%swap3A_881, %swap3A_882], %broadcast_in_dim3A_880 {strides = array<i32>} : memref<200x128xf32, #tpu.memory_space<vmem>>, vector<16xf32>,
              %add3A_884 = arith.constant 9 : i32
              %add3A_885 = arith.addi %min3A_546, %add3A_884 : i32
              %broadcast_in_dim3A_886 = arith.constant 0.000000e+00 : f32
              %broadcast_in_dim3A_887 = vector.broadcast %broadcast_in_dim3A_886 : f32 to vector<16xf32>
              %swap3A_888 = arith.index_cast %add3A_885 : i32 to index
              %swap3A_889 = arith.constant 48 : index
              %swap3A_890 = tpu.vector_load %arg6[%swap3A_888, %swap3A_889] {strides = array<i32>} : memref<200x128xf32, #tpu.memory_space<vmem>>, vector<16xf32>,
              tpu.vector_store %arg6[%swap3A_888, %swap3A_889], %broadcast_in_dim3A_887 {strides = array<i32>} : memref<200x128xf32, #tpu.memory_space<vmem>>, vector<16xf32>,
            } else {
            }
            %eq3A_750 = arith.constant 10 : i32
            %eq3A_751 = vector.broadcast %eq3A_750 : i32 to vector<16xi32>
            %eq3A_752 = arith.cmpi eq, %iota3A, %eq3A_751 : vector<16xi32>
            %jit3A_753 = arith.constant 1 : i32
            %broadcast_in_dim3A_754 = vector.broadcast %jit3A_753 : i32 to vector<16xi32>
            %select_n3A_755 = arith.select %eq3A_752, %get3A_549, %broadcast_in_dim3A_754 : vector<16xi1>, vector<16xi32>
            %reduce_min3A_756 = arith.constant true
            %reduce_min3A_757 = vector.broadcast %reduce_min3A_756 : i1 to vector<16xi1>
            %reduce_min3A_758 = arith.constant -2147483648 : i32
            %reduce_min3A_759 = vector.broadcast %reduce_min3A_758 : i32 to vector<16xi32>
            %reduce_min3A_760 = arith.xori %select_n3A_755, %reduce_min3A_759 : vector<16xi32>
            %reduce_min3A_761 = tpu.scan <min>, %reduce_min3A_760 masked %reduce_min3A_757 : vector<16xi32>, vector<16xi1> -> vector<16xi32>
            %reduce_min3A_762 = arith.xori %reduce_min3A_761, %reduce_min3A_759 : vector<16xi32>
            %reduce_min3A_763 = vector.extract %reduce_min3A_762[15] : i32 from vector<16xi32>
            %eq3A_764 = arith.constant 0 : i32
            %eq3A_765 = arith.cmpi eq, %reduce_min3A_763, %eq3A_764 : i32
            %convert_element_type3A_766 = arith.extui %eq3A_765 : i1 to i32
            %cond3A_767 = arith.constant 0 : i32
            %cond3A_768 = arith.cmpi ne, %convert_element_type3A_766, %cond3A_767 : i32
            scf.if %cond3A_768 {
              %add3A_864 = arith.constant 10 : i32
              %add3A_865 = arith.addi %min3A_546, %add3A_864 : i32
              %broadcast_in_dim3A_866 = arith.constant 0.000000e+00 : f32
              %broadcast_in_dim3A_867 = vector.broadcast %broadcast_in_dim3A_866 : f32 to vector<16xf32>
              %swap3A = arith.index_cast %add3A_865 : i32 to index
              %swap3A_868 = arith.constant 0 : index
              %swap3A_869 = tpu.vector_load %arg6[%swap3A, %swap3A_868] {strides = array<i32>} : memref<200x128xf32, #tpu.memory_space<vmem>>, vector<16xf32>,
              tpu.vector_store %arg6[%swap3A, %swap3A_868], %broadcast_in_dim3A_867 {strides = array<i32>} : memref<200x128xf32, #tpu.memory_space<vmem>>, vector<16xf32>,
              %add3A_870 = arith.constant 10 : i32
              %add3A_871 = arith.addi %min3A_546, %add3A_870 : i32
              %broadcast_in_dim3A_872 = arith.constant 0.000000e+00 : f32
              %broadcast_in_dim3A_873 = vector.broadcast %broadcast_in_dim3A_872 : f32 to vector<16xf32>
              %swap3A_874 = arith.index_cast %add3A_871 : i32 to index
              %swap3A_875 = arith.constant 16 : index
              %swap3A_876 = tpu.vector_load %arg6[%swap3A_874, %swap3A_875] {strides = array<i32>} : memref<200x128xf32, #tpu.memory_space<vmem>>, vector<16xf32>,
              tpu.vector_store %arg6[%swap3A_874, %swap3A_875], %broadcast_in_dim3A_873 {strides = array<i32>} : memref<200x128xf32, #tpu.memory_space<vmem>>, vector<16xf32>,
              %add3A_877 = arith.constant 10 : i32
              %add3A_878 = arith.addi %min3A_546, %add3A_877 : i32
              %broadcast_in_dim3A_879 = arith.constant 0.000000e+00 : f32
              %broadcast_in_dim3A_880 = vector.broadcast %broadcast_in_dim3A_879 : f32 to vector<16xf32>
              %swap3A_881 = arith.index_cast %add3A_878 : i32 to index
              %swap3A_882 = arith.constant 32 : index
              %swap3A_883 = tpu.vector_load %arg6[%swap3A_881, %swap3A_882] {strides = array<i32>} : memref<200x128xf32, #tpu.memory_space<vmem>>, vector<16xf32>,
              tpu.vector_store %arg6[%swap3A_881, %swap3A_882], %broadcast_in_dim3A_880 {strides = array<i32>} : memref<200x128xf32, #tpu.memory_space<vmem>>, vector<16xf32>,
              %add3A_884 = arith.constant 10 : i32
              %add3A_885 = arith.addi %min3A_546, %add3A_884 : i32
              %broadcast_in_dim3A_886 = arith.constant 0.000000e+00 : f32
              %broadcast_in_dim3A_887 = vector.broadcast %broadcast_in_dim3A_886 : f32 to vector<16xf32>
              %swap3A_888 = arith.index_cast %add3A_885 : i32 to index
              %swap3A_889 = arith.constant 48 : index
              %swap3A_890 = tpu.vector_load %arg6[%swap3A_888, %swap3A_889] {strides = array<i32>} : memref<200x128xf32, #tpu.memory_space<vmem>>, vector<16xf32>,
              tpu.vector_store %arg6[%swap3A_888, %swap3A_889], %broadcast_in_dim3A_887 {strides = array<i32>} : memref<200x128xf32, #tpu.memory_space<vmem>>, vector<16xf32>,
            } else {
            }
            %eq3A_769 = arith.constant 11 : i32
            %eq3A_770 = vector.broadcast %eq3A_769 : i32 to vector<16xi32>
            %eq3A_771 = arith.cmpi eq, %iota3A, %eq3A_770 : vector<16xi32>
            %jit3A_772 = arith.constant 1 : i32
            %broadcast_in_dim3A_773 = vector.broadcast %jit3A_772 : i32 to vector<16xi32>
            %select_n3A_774 = arith.select %eq3A_771, %get3A_549, %broadcast_in_dim3A_773 : vector<16xi1>, vector<16xi32>
            %reduce_min3A_775 = arith.constant true
            %reduce_min3A_776 = vector.broadcast %reduce_min3A_775 : i1 to vector<16xi1>
            %reduce_min3A_777 = arith.constant -2147483648 : i32
            %reduce_min3A_778 = vector.broadcast %reduce_min3A_777 : i32 to vector<16xi32>
            %reduce_min3A_779 = arith.xori %select_n3A_774, %reduce_min3A_778 : vector<16xi32>
            %reduce_min3A_780 = tpu.scan <min>, %reduce_min3A_779 masked %reduce_min3A_776 : vector<16xi32>, vector<16xi1> -> vector<16xi32>
            %reduce_min3A_781 = arith.xori %reduce_min3A_780, %reduce_min3A_778 : vector<16xi32>
            %reduce_min3A_782 = vector.extract %reduce_min3A_781[15] : i32 from vector<16xi32>
            %eq3A_783 = arith.constant 0 : i32
            %eq3A_784 = arith.cmpi eq, %reduce_min3A_782, %eq3A_783 : i32
            %convert_element_type3A_785 = arith.extui %eq3A_784 : i1 to i32
            %cond3A_786 = arith.constant 0 : i32
            %cond3A_787 = arith.cmpi ne, %convert_element_type3A_785, %cond3A_786 : i32
            scf.if %cond3A_787 {
              %add3A_864 = arith.constant 11 : i32
              %add3A_865 = arith.addi %min3A_546, %add3A_864 : i32
              %broadcast_in_dim3A_866 = arith.constant 0.000000e+00 : f32
              %broadcast_in_dim3A_867 = vector.broadcast %broadcast_in_dim3A_866 : f32 to vector<16xf32>
              %swap3A = arith.index_cast %add3A_865 : i32 to index
              %swap3A_868 = arith.constant 0 : index
              %swap3A_869 = tpu.vector_load %arg6[%swap3A, %swap3A_868] {strides = array<i32>} : memref<200x128xf32, #tpu.memory_space<vmem>>, vector<16xf32>,
              tpu.vector_store %arg6[%swap3A, %swap3A_868], %broadcast_in_dim3A_867 {strides = array<i32>} : memref<200x128xf32, #tpu.memory_space<vmem>>, vector<16xf32>,
              %add3A_870 = arith.constant 11 : i32
              %add3A_871 = arith.addi %min3A_546, %add3A_870 : i32
              %broadcast_in_dim3A_872 = arith.constant 0.000000e+00 : f32
              %broadcast_in_dim3A_873 = vector.broadcast %broadcast_in_dim3A_872 : f32 to vector<16xf32>
              %swap3A_874 = arith.index_cast %add3A_871 : i32 to index
              %swap3A_875 = arith.constant 16 : index
              %swap3A_876 = tpu.vector_load %arg6[%swap3A_874, %swap3A_875] {strides = array<i32>} : memref<200x128xf32, #tpu.memory_space<vmem>>, vector<16xf32>,
              tpu.vector_store %arg6[%swap3A_874, %swap3A_875], %broadcast_in_dim3A_873 {strides = array<i32>} : memref<200x128xf32, #tpu.memory_space<vmem>>, vector<16xf32>,
              %add3A_877 = arith.constant 11 : i32
              %add3A_878 = arith.addi %min3A_546, %add3A_877 : i32
              %broadcast_in_dim3A_879 = arith.constant 0.000000e+00 : f32
              %broadcast_in_dim3A_880 = vector.broadcast %broadcast_in_dim3A_879 : f32 to vector<16xf32>
              %swap3A_881 = arith.index_cast %add3A_878 : i32 to index
              %swap3A_882 = arith.constant 32 : index
              %swap3A_883 = tpu.vector_load %arg6[%swap3A_881, %swap3A_882] {strides = array<i32>} : memref<200x128xf32, #tpu.memory_space<vmem>>, vector<16xf32>,
              tpu.vector_store %arg6[%swap3A_881, %swap3A_882], %broadcast_in_dim3A_880 {strides = array<i32>} : memref<200x128xf32, #tpu.memory_space<vmem>>, vector<16xf32>,
              %add3A_884 = arith.constant 11 : i32
              %add3A_885 = arith.addi %min3A_546, %add3A_884 : i32
              %broadcast_in_dim3A_886 = arith.constant 0.000000e+00 : f32
              %broadcast_in_dim3A_887 = vector.broadcast %broadcast_in_dim3A_886 : f32 to vector<16xf32>
              %swap3A_888 = arith.index_cast %add3A_885 : i32 to index
              %swap3A_889 = arith.constant 48 : index
              %swap3A_890 = tpu.vector_load %arg6[%swap3A_888, %swap3A_889] {strides = array<i32>} : memref<200x128xf32, #tpu.memory_space<vmem>>, vector<16xf32>,
              tpu.vector_store %arg6[%swap3A_888, %swap3A_889], %broadcast_in_dim3A_887 {strides = array<i32>} : memref<200x128xf32, #tpu.memory_space<vmem>>, vector<16xf32>,
            } else {
            }
            %eq3A_788 = arith.constant 12 : i32
            %eq3A_789 = vector.broadcast %eq3A_788 : i32 to vector<16xi32>
            %eq3A_790 = arith.cmpi eq, %iota3A, %eq3A_789 : vector<16xi32>
            %jit3A_791 = arith.constant 1 : i32
            %broadcast_in_dim3A_792 = vector.broadcast %jit3A_791 : i32 to vector<16xi32>
            %select_n3A_793 = arith.select %eq3A_790, %get3A_549, %broadcast_in_dim3A_792 : vector<16xi1>, vector<16xi32>
            %reduce_min3A_794 = arith.constant true
            %reduce_min3A_795 = vector.broadcast %reduce_min3A_794 : i1 to vector<16xi1>
            %reduce_min3A_796 = arith.constant -2147483648 : i32
            %reduce_min3A_797 = vector.broadcast %reduce_min3A_796 : i32 to vector<16xi32>
            %reduce_min3A_798 = arith.xori %select_n3A_793, %reduce_min3A_797 : vector<16xi32>
            %reduce_min3A_799 = tpu.scan <min>, %reduce_min3A_798 masked %reduce_min3A_795 : vector<16xi32>, vector<16xi1> -> vector<16xi32>
            %reduce_min3A_800 = arith.xori %reduce_min3A_799, %reduce_min3A_797 : vector<16xi32>
            %reduce_min3A_801 = vector.extract %reduce_min3A_800[15] : i32 from vector<16xi32>
            %eq3A_802 = arith.constant 0 : i32
            %eq3A_803 = arith.cmpi eq, %reduce_min3A_801, %eq3A_802 : i32
            %convert_element_type3A_804 = arith.extui %eq3A_803 : i1 to i32
            %cond3A_805 = arith.constant 0 : i32
            %cond3A_806 = arith.cmpi ne, %convert_element_type3A_804, %cond3A_805 : i32
            scf.if %cond3A_806 {
              %add3A_864 = arith.constant 12 : i32
              %add3A_865 = arith.addi %min3A_546, %add3A_864 : i32
              %broadcast_in_dim3A_866 = arith.constant 0.000000e+00 : f32
              %broadcast_in_dim3A_867 = vector.broadcast %broadcast_in_dim3A_866 : f32 to vector<16xf32>
              %swap3A = arith.index_cast %add3A_865 : i32 to index
              %swap3A_868 = arith.constant 0 : index
              %swap3A_869 = tpu.vector_load %arg6[%swap3A, %swap3A_868] {strides = array<i32>} : memref<200x128xf32, #tpu.memory_space<vmem>>, vector<16xf32>,
              tpu.vector_store %arg6[%swap3A, %swap3A_868], %broadcast_in_dim3A_867 {strides = array<i32>} : memref<200x128xf32, #tpu.memory_space<vmem>>, vector<16xf32>,
              %add3A_870 = arith.constant 12 : i32
              %add3A_871 = arith.addi %min3A_546, %add3A_870 : i32
              %broadcast_in_dim3A_872 = arith.constant 0.000000e+00 : f32
              %broadcast_in_dim3A_873 = vector.broadcast %broadcast_in_dim3A_872 : f32 to vector<16xf32>
              %swap3A_874 = arith.index_cast %add3A_871 : i32 to index
              %swap3A_875 = arith.constant 16 : index
              %swap3A_876 = tpu.vector_load %arg6[%swap3A_874, %swap3A_875] {strides = array<i32>} : memref<200x128xf32, #tpu.memory_space<vmem>>, vector<16xf32>,
              tpu.vector_store %arg6[%swap3A_874, %swap3A_875], %broadcast_in_dim3A_873 {strides = array<i32>} : memref<200x128xf32, #tpu.memory_space<vmem>>, vector<16xf32>,
              %add3A_877 = arith.constant 12 : i32
              %add3A_878 = arith.addi %min3A_546, %add3A_877 : i32
              %broadcast_in_dim3A_879 = arith.constant 0.000000e+00 : f32
              %broadcast_in_dim3A_880 = vector.broadcast %broadcast_in_dim3A_879 : f32 to vector<16xf32>
              %swap3A_881 = arith.index_cast %add3A_878 : i32 to index
              %swap3A_882 = arith.constant 32 : index
              %swap3A_883 = tpu.vector_load %arg6[%swap3A_881, %swap3A_882] {strides = array<i32>} : memref<200x128xf32, #tpu.memory_space<vmem>>, vector<16xf32>,
              tpu.vector_store %arg6[%swap3A_881, %swap3A_882], %broadcast_in_dim3A_880 {strides = array<i32>} : memref<200x128xf32, #tpu.memory_space<vmem>>, vector<16xf32>,
              %add3A_884 = arith.constant 12 : i32
              %add3A_885 = arith.addi %min3A_546, %add3A_884 : i32
              %broadcast_in_dim3A_886 = arith.constant 0.000000e+00 : f32
              %broadcast_in_dim3A_887 = vector.broadcast %broadcast_in_dim3A_886 : f32 to vector<16xf32>
              %swap3A_888 = arith.index_cast %add3A_885 : i32 to index
              %swap3A_889 = arith.constant 48 : index
              %swap3A_890 = tpu.vector_load %arg6[%swap3A_888, %swap3A_889] {strides = array<i32>} : memref<200x128xf32, #tpu.memory_space<vmem>>, vector<16xf32>,
              tpu.vector_store %arg6[%swap3A_888, %swap3A_889], %broadcast_in_dim3A_887 {strides = array<i32>} : memref<200x128xf32, #tpu.memory_space<vmem>>, vector<16xf32>,
            } else {
            }
            %eq3A_807 = arith.constant 13 : i32
            %eq3A_808 = vector.broadcast %eq3A_807 : i32 to vector<16xi32>
            %eq3A_809 = arith.cmpi eq, %iota3A, %eq3A_808 : vector<16xi32>
            %jit3A_810 = arith.constant 1 : i32
            %broadcast_in_dim3A_811 = vector.broadcast %jit3A_810 : i32 to vector<16xi32>
            %select_n3A_812 = arith.select %eq3A_809, %get3A_549, %broadcast_in_dim3A_811 : vector<16xi1>, vector<16xi32>
            %reduce_min3A_813 = arith.constant true
            %reduce_min3A_814 = vector.broadcast %reduce_min3A_813 : i1 to vector<16xi1>
            %reduce_min3A_815 = arith.constant -2147483648 : i32
            %reduce_min3A_816 = vector.broadcast %reduce_min3A_815 : i32 to vector<16xi32>
            %reduce_min3A_817 = arith.xori %select_n3A_812, %reduce_min3A_816 : vector<16xi32>
            %reduce_min3A_818 = tpu.scan <min>, %reduce_min3A_817 masked %reduce_min3A_814 : vector<16xi32>, vector<16xi1> -> vector<16xi32>
            %reduce_min3A_819 = arith.xori %reduce_min3A_818, %reduce_min3A_816 : vector<16xi32>
            %reduce_min3A_820 = vector.extract %reduce_min3A_819[15] : i32 from vector<16xi32>
            %eq3A_821 = arith.constant 0 : i32
            %eq3A_822 = arith.cmpi eq, %reduce_min3A_820, %eq3A_821 : i32
            %convert_element_type3A_823 = arith.extui %eq3A_822 : i1 to i32
            %cond3A_824 = arith.constant 0 : i32
            %cond3A_825 = arith.cmpi ne, %convert_element_type3A_823, %cond3A_824 : i32
            scf.if %cond3A_825 {
              %add3A_864 = arith.constant 13 : i32
              %add3A_865 = arith.addi %min3A_546, %add3A_864 : i32
              %broadcast_in_dim3A_866 = arith.constant 0.000000e+00 : f32
              %broadcast_in_dim3A_867 = vector.broadcast %broadcast_in_dim3A_866 : f32 to vector<16xf32>
              %swap3A = arith.index_cast %add3A_865 : i32 to index
              %swap3A_868 = arith.constant 0 : index
              %swap3A_869 = tpu.vector_load %arg6[%swap3A, %swap3A_868] {strides = array<i32>} : memref<200x128xf32, #tpu.memory_space<vmem>>, vector<16xf32>,
              tpu.vector_store %arg6[%swap3A, %swap3A_868], %broadcast_in_dim3A_867 {strides = array<i32>} : memref<200x128xf32, #tpu.memory_space<vmem>>, vector<16xf32>,
              %add3A_870 = arith.constant 13 : i32
              %add3A_871 = arith.addi %min3A_546, %add3A_870 : i32
              %broadcast_in_dim3A_872 = arith.constant 0.000000e+00 : f32
              %broadcast_in_dim3A_873 = vector.broadcast %broadcast_in_dim3A_872 : f32 to vector<16xf32>
              %swap3A_874 = arith.index_cast %add3A_871 : i32 to index
              %swap3A_875 = arith.constant 16 : index
              %swap3A_876 = tpu.vector_load %arg6[%swap3A_874, %swap3A_875] {strides = array<i32>} : memref<200x128xf32, #tpu.memory_space<vmem>>, vector<16xf32>,
              tpu.vector_store %arg6[%swap3A_874, %swap3A_875], %broadcast_in_dim3A_873 {strides = array<i32>} : memref<200x128xf32, #tpu.memory_space<vmem>>, vector<16xf32>,
              %add3A_877 = arith.constant 13 : i32
              %add3A_878 = arith.addi %min3A_546, %add3A_877 : i32
              %broadcast_in_dim3A_879 = arith.constant 0.000000e+00 : f32
              %broadcast_in_dim3A_880 = vector.broadcast %broadcast_in_dim3A_879 : f32 to vector<16xf32>
              %swap3A_881 = arith.index_cast %add3A_878 : i32 to index
              %swap3A_882 = arith.constant 32 : index
              %swap3A_883 = tpu.vector_load %arg6[%swap3A_881, %swap3A_882] {strides = array<i32>} : memref<200x128xf32, #tpu.memory_space<vmem>>, vector<16xf32>,
              tpu.vector_store %arg6[%swap3A_881, %swap3A_882], %broadcast_in_dim3A_880 {strides = array<i32>} : memref<200x128xf32, #tpu.memory_space<vmem>>, vector<16xf32>,
              %add3A_884 = arith.constant 13 : i32
              %add3A_885 = arith.addi %min3A_546, %add3A_884 : i32
              %broadcast_in_dim3A_886 = arith.constant 0.000000e+00 : f32
              %broadcast_in_dim3A_887 = vector.broadcast %broadcast_in_dim3A_886 : f32 to vector<16xf32>
              %swap3A_888 = arith.index_cast %add3A_885 : i32 to index
              %swap3A_889 = arith.constant 48 : index
              %swap3A_890 = tpu.vector_load %arg6[%swap3A_888, %swap3A_889] {strides = array<i32>} : memref<200x128xf32, #tpu.memory_space<vmem>>, vector<16xf32>,
              tpu.vector_store %arg6[%swap3A_888, %swap3A_889], %broadcast_in_dim3A_887 {strides = array<i32>} : memref<200x128xf32, #tpu.memory_space<vmem>>, vector<16xf32>,
            } else {
            }
            %eq3A_826 = arith.constant 14 : i32
            %eq3A_827 = vector.broadcast %eq3A_826 : i32 to vector<16xi32>
            %eq3A_828 = arith.cmpi eq, %iota3A, %eq3A_827 : vector<16xi32>
            %jit3A_829 = arith.constant 1 : i32
            %broadcast_in_dim3A_830 = vector.broadcast %jit3A_829 : i32 to vector<16xi32>
            %select_n3A_831 = arith.select %eq3A_828, %get3A_549, %broadcast_in_dim3A_830 : vector<16xi1>, vector<16xi32>
            %reduce_min3A_832 = arith.constant true
            %reduce_min3A_833 = vector.broadcast %reduce_min3A_832 : i1 to vector<16xi1>
            %reduce_min3A_834 = arith.constant -2147483648 : i32
            %reduce_min3A_835 = vector.broadcast %reduce_min3A_834 : i32 to vector<16xi32>
            %reduce_min3A_836 = arith.xori %select_n3A_831, %reduce_min3A_835 : vector<16xi32>
            %reduce_min3A_837 = tpu.scan <min>, %reduce_min3A_836 masked %reduce_min3A_833 : vector<16xi32>, vector<16xi1> -> vector<16xi32>
            %reduce_min3A_838 = arith.xori %reduce_min3A_837, %reduce_min3A_835 : vector<16xi32>
            %reduce_min3A_839 = vector.extract %reduce_min3A_838[15] : i32 from vector<16xi32>
            %eq3A_840 = arith.constant 0 : i32
            %eq3A_841 = arith.cmpi eq, %reduce_min3A_839, %eq3A_840 : i32
            %convert_element_type3A_842 = arith.extui %eq3A_841 : i1 to i32
            %cond3A_843 = arith.constant 0 : i32
            %cond3A_844 = arith.cmpi ne, %convert_element_type3A_842, %cond3A_843 : i32
            scf.if %cond3A_844 {
              %add3A_864 = arith.constant 14 : i32
              %add3A_865 = arith.addi %min3A_546, %add3A_864 : i32
              %broadcast_in_dim3A_866 = arith.constant 0.000000e+00 : f32
              %broadcast_in_dim3A_867 = vector.broadcast %broadcast_in_dim3A_866 : f32 to vector<16xf32>
              %swap3A = arith.index_cast %add3A_865 : i32 to index
              %swap3A_868 = arith.constant 0 : index
              %swap3A_869 = tpu.vector_load %arg6[%swap3A, %swap3A_868] {strides = array<i32>} : memref<200x128xf32, #tpu.memory_space<vmem>>, vector<16xf32>,
              tpu.vector_store %arg6[%swap3A, %swap3A_868], %broadcast_in_dim3A_867 {strides = array<i32>} : memref<200x128xf32, #tpu.memory_space<vmem>>, vector<16xf32>,
              %add3A_870 = arith.constant 14 : i32
              %add3A_871 = arith.addi %min3A_546, %add3A_870 : i32
              %broadcast_in_dim3A_872 = arith.constant 0.000000e+00 : f32
              %broadcast_in_dim3A_873 = vector.broadcast %broadcast_in_dim3A_872 : f32 to vector<16xf32>
              %swap3A_874 = arith.index_cast %add3A_871 : i32 to index
              %swap3A_875 = arith.constant 16 : index
              %swap3A_876 = tpu.vector_load %arg6[%swap3A_874, %swap3A_875] {strides = array<i32>} : memref<200x128xf32, #tpu.memory_space<vmem>>, vector<16xf32>,
              tpu.vector_store %arg6[%swap3A_874, %swap3A_875], %broadcast_in_dim3A_873 {strides = array<i32>} : memref<200x128xf32, #tpu.memory_space<vmem>>, vector<16xf32>,
              %add3A_877 = arith.constant 14 : i32
              %add3A_878 = arith.addi %min3A_546, %add3A_877 : i32
              %broadcast_in_dim3A_879 = arith.constant 0.000000e+00 : f32
              %broadcast_in_dim3A_880 = vector.broadcast %broadcast_in_dim3A_879 : f32 to vector<16xf32>
              %swap3A_881 = arith.index_cast %add3A_878 : i32 to index
              %swap3A_882 = arith.constant 32 : index
              %swap3A_883 = tpu.vector_load %arg6[%swap3A_881, %swap3A_882] {strides = array<i32>} : memref<200x128xf32, #tpu.memory_space<vmem>>, vector<16xf32>,
              tpu.vector_store %arg6[%swap3A_881, %swap3A_882], %broadcast_in_dim3A_880 {strides = array<i32>} : memref<200x128xf32, #tpu.memory_space<vmem>>, vector<16xf32>,
              %add3A_884 = arith.constant 14 : i32
              %add3A_885 = arith.addi %min3A_546, %add3A_884 : i32
              %broadcast_in_dim3A_886 = arith.constant 0.000000e+00 : f32
              %broadcast_in_dim3A_887 = vector.broadcast %broadcast_in_dim3A_886 : f32 to vector<16xf32>
              %swap3A_888 = arith.index_cast %add3A_885 : i32 to index
              %swap3A_889 = arith.constant 48 : index
              %swap3A_890 = tpu.vector_load %arg6[%swap3A_888, %swap3A_889] {strides = array<i32>} : memref<200x128xf32, #tpu.memory_space<vmem>>, vector<16xf32>,
              tpu.vector_store %arg6[%swap3A_888, %swap3A_889], %broadcast_in_dim3A_887 {strides = array<i32>} : memref<200x128xf32, #tpu.memory_space<vmem>>, vector<16xf32>,
            } else {
            }
            %eq3A_845 = arith.constant 15 : i32
            %eq3A_846 = vector.broadcast %eq3A_845 : i32 to vector<16xi32>
            %eq3A_847 = arith.cmpi eq, %iota3A, %eq3A_846 : vector<16xi32>
            %jit3A_848 = arith.constant 1 : i32
            %broadcast_in_dim3A_849 = vector.broadcast %jit3A_848 : i32 to vector<16xi32>
            %select_n3A_850 = arith.select %eq3A_847, %get3A_549, %broadcast_in_dim3A_849 : vector<16xi1>, vector<16xi32>
            %reduce_min3A_851 = arith.constant true
            %reduce_min3A_852 = vector.broadcast %reduce_min3A_851 : i1 to vector<16xi1>
            %reduce_min3A_853 = arith.constant -2147483648 : i32
            %reduce_min3A_854 = vector.broadcast %reduce_min3A_853 : i32 to vector<16xi32>
            %reduce_min3A_855 = arith.xori %select_n3A_850, %reduce_min3A_854 : vector<16xi32>
            %reduce_min3A_856 = tpu.scan <min>, %reduce_min3A_855 masked %reduce_min3A_852 : vector<16xi32>, vector<16xi1> -> vector<16xi32>
            %reduce_min3A_857 = arith.xori %reduce_min3A_856, %reduce_min3A_854 : vector<16xi32>
            %reduce_min3A_858 = vector.extract %reduce_min3A_857[15] : i32 from vector<16xi32>
            %eq3A_859 = arith.constant 0 : i32
            %eq3A_860 = arith.cmpi eq, %reduce_min3A_858, %eq3A_859 : i32
            %convert_element_type3A_861 = arith.extui %eq3A_860 : i1 to i32
            %cond3A_862 = arith.constant 0 : i32
            %cond3A_863 = arith.cmpi ne, %convert_element_type3A_861, %cond3A_862 : i32
            scf.if %cond3A_863 {
              %add3A_864 = arith.constant 15 : i32
              %add3A_865 = arith.addi %min3A_546, %add3A_864 : i32
              %broadcast_in_dim3A_866 = arith.constant 0.000000e+00 : f32
              %broadcast_in_dim3A_867 = vector.broadcast %broadcast_in_dim3A_866 : f32 to vector<16xf32>
              %swap3A = arith.index_cast %add3A_865 : i32 to index
              %swap3A_868 = arith.constant 0 : index
              %swap3A_869 = tpu.vector_load %arg6[%swap3A, %swap3A_868] {strides = array<i32>} : memref<200x128xf32, #tpu.memory_space<vmem>>, vector<16xf32>,
              tpu.vector_store %arg6[%swap3A, %swap3A_868], %broadcast_in_dim3A_867 {strides = array<i32>} : memref<200x128xf32, #tpu.memory_space<vmem>>, vector<16xf32>,
              %add3A_870 = arith.constant 15 : i32
              %add3A_871 = arith.addi %min3A_546, %add3A_870 : i32
              %broadcast_in_dim3A_872 = arith.constant 0.000000e+00 : f32
              %broadcast_in_dim3A_873 = vector.broadcast %broadcast_in_dim3A_872 : f32 to vector<16xf32>
              %swap3A_874 = arith.index_cast %add3A_871 : i32 to index
              %swap3A_875 = arith.constant 16 : index
              %swap3A_876 = tpu.vector_load %arg6[%swap3A_874, %swap3A_875] {strides = array<i32>} : memref<200x128xf32, #tpu.memory_space<vmem>>, vector<16xf32>,
              tpu.vector_store %arg6[%swap3A_874, %swap3A_875], %broadcast_in_dim3A_873 {strides = array<i32>} : memref<200x128xf32, #tpu.memory_space<vmem>>, vector<16xf32>,
              %add3A_877 = arith.constant 15 : i32
              %add3A_878 = arith.addi %min3A_546, %add3A_877 : i32
              %broadcast_in_dim3A_879 = arith.constant 0.000000e+00 : f32
              %broadcast_in_dim3A_880 = vector.broadcast %broadcast_in_dim3A_879 : f32 to vector<16xf32>
              %swap3A_881 = arith.index_cast %add3A_878 : i32 to index
              %swap3A_882 = arith.constant 32 : index
              %swap3A_883 = tpu.vector_load %arg6[%swap3A_881, %swap3A_882] {strides = array<i32>} : memref<200x128xf32, #tpu.memory_space<vmem>>, vector<16xf32>,
              tpu.vector_store %arg6[%swap3A_881, %swap3A_882], %broadcast_in_dim3A_880 {strides = array<i32>} : memref<200x128xf32, #tpu.memory_space<vmem>>, vector<16xf32>,
              %add3A_884 = arith.constant 15 : i32
              %add3A_885 = arith.addi %min3A_546, %add3A_884 : i32
              %broadcast_in_dim3A_886 = arith.constant 0.000000e+00 : f32
              %broadcast_in_dim3A_887 = vector.broadcast %broadcast_in_dim3A_886 : f32 to vector<16xf32>
              %swap3A_888 = arith.index_cast %add3A_885 : i32 to index
              %swap3A_889 = arith.constant 48 : index
              %swap3A_890 = tpu.vector_load %arg6[%swap3A_888, %swap3A_889] {strides = array<i32>} : memref<200x128xf32, #tpu.memory_space<vmem>>, vector<16xf32>,
              tpu.vector_store %arg6[%swap3A_888, %swap3A_889], %broadcast_in_dim3A_887 {strides = array<i32>} : memref<200x128xf32, #tpu.memory_space<vmem>>, vector<16xf32>,
            } else {
            }
          } else {
          }
        }
        %scan3A_537 = arith.constant 13 : i32
      } else {
      }
      %add3A_185 = arith.addi %mul3A_2, %add3A_97 : i32
      %dma_start3A_186 = arith.constant 0 : i32
      %dma_start3A_187 = arith.constant 0 : i32
      %dma_start3A_188 = tpu.memref_slice %arg4[%add3A_185, %dma_start3A_186, %dma_start3A_187] : memref<4096x200x128xf32, #tpu.memory_space<hbm>> -> memref<1x200x128xf32, #tpu.memory_space<hbm>>
      %dma_start3A_189 = tpu.memref_squeeze %dma_start3A_188 : memref<1x200x128xf32, #tpu.memory_space<hbm>> -> memref<200x128xf32, #tpu.memory_space<hbm>>
      %dma_start3A_190 = arith.constant 0 : i32
      %dma_start3A_191 = arith.constant 0 : i32
      %dma_start3A_192 = tpu.memref_slice %arg4[%add3A_185, %dma_start3A_190, %dma_start3A_191] : memref<4096x200x128xf32, #tpu.memory_space<hbm>> -> memref<1x200x128xf32, #tpu.memory_space<hbm>>
      %dma_start3A_193 = tpu.memref_squeeze %dma_start3A_192 : memref<1x200x128xf32, #tpu.memory_space<hbm>> -> memref<200x128xf32, #tpu.memory_space<hbm>>
      tpu.enqueue_dma source(%arg6 : memref<200x128xf32, #tpu.memory_space<vmem>>) target(%dma_start3A_193 : memref<200x128xf32, #tpu.memory_space<hbm>>) target_semaphore(%arg15 : memref<!tpu.dma_semaphore, #tpu.memory_space<semaphore_mem>>)
      %add3A_194 = arith.constant 3 : i32
      %add3A_195 = arith.addi %add3A_97, %add3A_194 : i32
      %lt3A = arith.constant 128 : i32
      %lt3A_196 = arith.cmpi slt, %add3A_195, %lt3A : i32
      %convert_element_type3A_197 = arith.extui %lt3A_196 : i1 to i32
      %cond3A_198 = arith.constant 0 : i32
      %cond3A_199 = arith.cmpi ne, %convert_element_type3A_197, %cond3A_198 : i32
      scf.if %cond3A_199 {
        %ge3A = arith.constant 1 : i32
        %ge3A_533 = arith.cmpi sge, %add3A_97, %ge3A : i32
        %convert_element_type3A_534 = arith.extui %ge3A_533 : i1 to i32
        %cond3A_535 = arith.constant 0 : i32
        %cond3A_536 = arith.cmpi ne, %convert_element_type3A_534, %cond3A_535 : i32
        scf.if %cond3A_536 {
          %dma_wait3A_559 = arith.constant 0 : i32
          %dma_wait3A_560 = arith.constant 0 : i32
          %dma_wait3A_561 = tpu.memref_slice %arg4[%mul3A_2, %dma_wait3A_559, %dma_wait3A_560] : memref<4096x200x128xf32, #tpu.memory_space<hbm>> -> memref<1x200x128xf32, #tpu.memory_space<hbm>>
          %dma_wait3A_562 = tpu.memref_squeeze %dma_wait3A_561 : memref<1x200x128xf32, #tpu.memory_space<hbm>> -> memref<200x128xf32, #tpu.memory_space<hbm>>
          %dma_wait3A_563 = arith.constant 0 : i32
          %dma_wait3A_564 = arith.constant 0 : i32
          %dma_wait3A_565 = tpu.memref_slice %arg4[%mul3A_2, %dma_wait3A_563, %dma_wait3A_564] : memref<4096x200x128xf32, #tpu.memory_space<hbm>> -> memref<1x200x128xf32, #tpu.memory_space<hbm>>
          %dma_wait3A_566 = tpu.memref_squeeze %dma_wait3A_565 : memref<1x200x128xf32, #tpu.memory_space<hbm>> -> memref<200x128xf32, #tpu.memory_space<hbm>>
          tpu.wait_dma2 semaphore(%arg18 : memref<!tpu.dma_semaphore, #tpu.memory_space<semaphore_mem>>) src(%arg9 : memref<200x128xf32, #tpu.memory_space<vmem>>) dst(%dma_wait3A_566 : memref<200x128xf32, #tpu.memory_space<hbm>>)
        } else {
        }
        %mul3A_537 = arith.constant 208 : i32
        %mul3A_538 = arith.muli %add3A_195, %mul3A_537 : i32
        %add3A_539 = arith.constant 0 : i32
        %add3A_540 = arith.addi %mul3A_538, %add3A_539 : i32
        %dma_start3A_541 = arith.constant 0 : i32
        %dma_start3A_542 = arith.constant 0 : i32
        %dma_start3A_543 = tpu.memref_slice %arg9[%dma_start3A_541, %dma_start3A_542] : memref<200x128xf32, #tpu.memory_space<vmem>> -> memref<128x128xf32, #tpu.memory_space<vmem>>
        %dma_start3A_544 = tpu.memref_slice %arg5[%add3A_540] : memref<26624xi32, #tpu.memory_space<vmem>> -> memref<128xi32, #tpu.memory_space<vmem>>
        %dma_start3A_545 = arith.constant 0 : i32
        %dma_start3A_546 = arith.constant 0 : i32
        %dma_start3A_547 = tpu.memref_slice %arg2[%dma_start3A_545, %dma_start3A_546] : memref<100000x128xf32, #tpu.memory_space<hbm>> -> memref<100000x128xf32, #tpu.memory_space<hbm>>
        tpu.enqueue_indirect_dma source(%dma_start3A_547 : memref<100000x128xf32, #tpu.memory_space<hbm>>) target(%dma_start3A_543 : memref<128x128xf32, #tpu.memory_space<vmem>>) offsets(%dma_start3A_544 : memref<128xi32, #tpu.memory_space<vmem>>) semaphore(%arg14 : memref<!tpu.dma_semaphore, #tpu.memory_space<semaphore_mem>>)
        %mul3A_548 = arith.constant 208 : i32
        %mul3A_549 = arith.muli %add3A_195, %mul3A_548 : i32
        %add3A_550 = arith.constant 128 : i32
        %add3A_551 = arith.addi %mul3A_549, %add3A_550 : i32
        %dma_start3A_552 = arith.constant 128 : i32
        %dma_start3A_553 = arith.constant 0 : i32
        %dma_start3A_554 = tpu.memref_slice %arg9[%dma_start3A_552, %dma_start3A_553] : memref<200x128xf32, #tpu.memory_space<vmem>> -> memref<72x128xf32, #tpu.memory_space<vmem>>
        %dma_start3A_555 = tpu.memref_slice %arg5[%add3A_551] : memref<26624xi32, #tpu.memory_space<vmem>> -> memref<72xi32, #tpu.memory_space<vmem>>
        %dma_start3A_556 = arith.constant 0 : i32
        %dma_start3A_557 = arith.constant 0 : i32
        %dma_start3A_558 = tpu.memref_slice %arg2[%dma_start3A_556, %dma_start3A_557] : memref<100000x128xf32, #tpu.memory_space<hbm>> -> memref<100000x128xf32, #tpu.memory_space<hbm>>
        tpu.enqueue_indirect_dma source(%dma_start3A_558 : memref<100000x128xf32, #tpu.memory_space<hbm>>) target(%dma_start3A_554 : memref<72x128xf32, #tpu.memory_space<vmem>>) offsets(%dma_start3A_555 : memref<72xi32, #tpu.memory_space<vmem>>) semaphore(%arg14 : memref<!tpu.dma_semaphore, #tpu.memory_space<semaphore_mem>>)
      } else {
      }
      %add3A_200 = arith.constant 1 : i32
      %add3A_201 = arith.addi %add3A_95, %add3A_200 : i32
      %dma_wait3A_202 = arith.constant 0 : i32
      %dma_wait3A_203 = arith.constant 0 : i32
      %dma_wait3A_204 = tpu.memref_slice %arg7[%dma_wait3A_202, %dma_wait3A_203] : memref<200x128xf32, #tpu.memory_space<vmem>> -> memref<128x128xf32, #tpu.memory_space<vmem>>
      %dma_wait3A_205 = arith.constant 0 : i32
      %dma_wait3A_206 = tpu.memref_slice %arg5[%dma_wait3A_205] : memref<26624xi32, #tpu.memory_space<vmem>> -> memref<128xi32, #tpu.memory_space<vmem>>
      %dma_wait3A_207 = arith.constant 0 : i32
      %dma_wait3A_208 = arith.constant 0 : i32
      %dma_wait3A_209 = tpu.memref_slice %arg2[%dma_wait3A_207, %dma_wait3A_208] : memref<100000x128xf32, #tpu.memory_space<hbm>> -> memref<100000x128xf32, #tpu.memory_space<hbm>>
      tpu.wait_indirect_dma semaphore(%arg12 : memref<!tpu.dma_semaphore, #tpu.memory_space<semaphore_mem>>) src(%dma_wait3A_209 : memref<100000x128xf32, #tpu.memory_space<hbm>>) dst(%dma_wait3A_204 : memref<128x128xf32, #tpu.memory_space<vmem>>)
      %dma_wait3A_210 = arith.constant 128 : i32
      %dma_wait3A_211 = arith.constant 0 : i32
      %dma_wait3A_212 = tpu.memref_slice %arg7[%dma_wait3A_210, %dma_wait3A_211] : memref<200x128xf32, #tpu.memory_space<vmem>> -> memref<72x128xf32, #tpu.memory_space<vmem>>
      %dma_wait3A_213 = arith.constant 128 : i32
      %dma_wait3A_214 = tpu.memref_slice %arg5[%dma_wait3A_213] : memref<26624xi32, #tpu.memory_space<vmem>> -> memref<72xi32, #tpu.memory_space<vmem>>
      %dma_wait3A_215 = arith.constant 0 : i32
      %dma_wait3A_216 = arith.constant 0 : i32
      %dma_wait3A_217 = tpu.memref_slice %arg2[%dma_wait3A_215, %dma_wait3A_216] : memref<100000x128xf32, #tpu.memory_space<hbm>> -> memref<100000x128xf32, #tpu.memory_space<hbm>>
      tpu.wait_indirect_dma semaphore(%arg12 : memref<!tpu.dma_semaphore, #tpu.memory_space<semaphore_mem>>) src(%dma_wait3A_217 : memref<100000x128xf32, #tpu.memory_space<hbm>>) dst(%dma_wait3A_212 : memref<72x128xf32, #tpu.memory_space<vmem>>)
      %mul3A_218 = arith.constant 208 : i32
      %mul3A_219 = arith.muli %add3A_201, %mul3A_218 : i32
      %get3A_220 = arith.index_cast %mul3A_219 : i32 to index
      %get3A_221 = tpu.vector_load %arg5[%get3A_220] {strides = array<i32>} : memref<26624xi32, #tpu.memory_space<vmem>>, vector<16xi32>,
      %add3A_222 = arith.constant 16 : i32
      %add3A_223 = arith.addi %mul3A_219, %add3A_222 : i32
      %get3A_224 = arith.index_cast %add3A_223 : i32 to index
      %get3A_225 = tpu.vector_load %arg5[%get3A_224] {strides = array<i32>} : memref<26624xi32, #tpu.memory_space<vmem>>, vector<16xi32>,
      %min3A_226 = arith.minsi %get3A_221, %get3A_225 : vector<16xi32>
      %add3A_227 = arith.constant 32 : i32
      %add3A_228 = arith.addi %mul3A_219, %add3A_227 : i32
      %get3A_229 = arith.index_cast %add3A_228 : i32 to index
      %get3A_230 = tpu.vector_load %arg5[%get3A_229] {strides = array<i32>} : memref<26624xi32, #tpu.memory_space<vmem>>, vector<16xi32>,
      %min3A_231 = arith.minsi %min3A_226, %get3A_230 : vector<16xi32>
      %add3A_232 = arith.constant 48 : i32
      %add3A_233 = arith.addi %mul3A_219, %add3A_232 : i32
      %get3A_234 = arith.index_cast %add3A_233 : i32 to index
      %get3A_235 = tpu.vector_load %arg5[%get3A_234] {strides = array<i32>} : memref<26624xi32, #tpu.memory_space<vmem>>, vector<16xi32>,
      %min3A_236 = arith.minsi %min3A_231, %get3A_235 : vector<16xi32>
      %add3A_237 = arith.constant 64 : i32
      %add3A_238 = arith.addi %mul3A_219, %add3A_237 : i32
      %get3A_239 = arith.index_cast %add3A_238 : i32 to index
      %get3A_240 = tpu.vector_load %arg5[%get3A_239] {strides = array<i32>} : memref<26624xi32, #tpu.memory_space<vmem>>, vector<16xi32>,
      %min3A_241 = arith.minsi %min3A_236, %get3A_240 : vector<16xi32>
      %add3A_242 = arith.constant 80 : i32
      %add3A_243 = arith.addi %mul3A_219, %add3A_242 : i32
      %get3A_244 = arith.index_cast %add3A_243 : i32 to index
      %get3A_245 = tpu.vector_load %arg5[%get3A_244] {strides = array<i32>} : memref<26624xi32, #tpu.memory_space<vmem>>, vector<16xi32>,
      %min3A_246 = arith.minsi %min3A_241, %get3A_245 : vector<16xi32>
      %add3A_247 = arith.constant 96 : i32
      %add3A_248 = arith.addi %mul3A_219, %add3A_247 : i32
      %get3A_249 = arith.index_cast %add3A_248 : i32 to index
      %get3A_250 = tpu.vector_load %arg5[%get3A_249] {strides = array<i32>} : memref<26624xi32, #tpu.memory_space<vmem>>, vector<16xi32>,
      %min3A_251 = arith.minsi %min3A_246, %get3A_250 : vector<16xi32>
      %add3A_252 = arith.constant 112 : i32
      %add3A_253 = arith.addi %mul3A_219, %add3A_252 : i32
      %get3A_254 = arith.index_cast %add3A_253 : i32 to index
      %get3A_255 = tpu.vector_load %arg5[%get3A_254] {strides = array<i32>} : memref<26624xi32, #tpu.memory_space<vmem>>, vector<16xi32>,
      %min3A_256 = arith.minsi %min3A_251, %get3A_255 : vector<16xi32>
      %add3A_257 = arith.constant 128 : i32
      %add3A_258 = arith.addi %mul3A_219, %add3A_257 : i32
      %get3A_259 = arith.index_cast %add3A_258 : i32 to index
      %get3A_260 = tpu.vector_load %arg5[%get3A_259] {strides = array<i32>} : memref<26624xi32, #tpu.memory_space<vmem>>, vector<16xi32>,
      %min3A_261 = arith.minsi %min3A_256, %get3A_260 : vector<16xi32>
      %add3A_262 = arith.constant 144 : i32
      %add3A_263 = arith.addi %mul3A_219, %add3A_262 : i32
      %get3A_264 = arith.index_cast %add3A_263 : i32 to index
      %get3A_265 = tpu.vector_load %arg5[%get3A_264] {strides = array<i32>} : memref<26624xi32, #tpu.memory_space<vmem>>, vector<16xi32>,
      %min3A_266 = arith.minsi %min3A_261, %get3A_265 : vector<16xi32>
      %add3A_267 = arith.constant 160 : i32
      %add3A_268 = arith.addi %mul3A_219, %add3A_267 : i32
      %get3A_269 = arith.index_cast %add3A_268 : i32 to index
      %get3A_270 = tpu.vector_load %arg5[%get3A_269] {strides = array<i32>} : memref<26624xi32, #tpu.memory_space<vmem>>, vector<16xi32>,
      %min3A_271 = arith.minsi %min3A_266, %get3A_270 : vector<16xi32>
      %add3A_272 = arith.constant 176 : i32
      %add3A_273 = arith.addi %mul3A_219, %add3A_272 : i32
      %get3A_274 = arith.index_cast %add3A_273 : i32 to index
      %get3A_275 = tpu.vector_load %arg5[%get3A_274] {strides = array<i32>} : memref<26624xi32, #tpu.memory_space<vmem>>, vector<16xi32>,
      %min3A_276 = arith.minsi %min3A_271, %get3A_275 : vector<16xi32>
      %add3A_277 = arith.constant 192 : i32
      %add3A_278 = arith.addi %mul3A_219, %add3A_277 : i32
      %get3A_279 = arith.index_cast %add3A_278 : i32 to index
      %get3A_280 = tpu.vector_load %arg5[%get3A_279] {strides = array<i32>} : memref<26624xi32, #tpu.memory_space<vmem>>, vector<16xi32>,
      %min3A_281 = arith.minsi %min3A_276, %get3A_280 : vector<16xi32>
      %reduce_min3A_282 = arith.constant true
      %reduce_min3A_283 = vector.broadcast %reduce_min3A_282 : i1 to vector<16xi1>
      %reduce_min3A_284 = arith.constant -2147483648 : i32
      %reduce_min3A_285 = vector.broadcast %reduce_min3A_284 : i32 to vector<16xi32>
      %reduce_min3A_286 = arith.xori %min3A_281, %reduce_min3A_285 : vector<16xi32>
      %reduce_min3A_287 = tpu.scan <min>, %reduce_min3A_286 masked %reduce_min3A_283 : vector<16xi32>, vector<16xi1> -> vector<16xi32>
      %reduce_min3A_288 = arith.xori %reduce_min3A_287, %reduce_min3A_285 : vector<16xi32>
      %reduce_min3A_289 = vector.extract %reduce_min3A_288[15] : i32 from vector<16xi32>
      %eq3A_290 = arith.constant 0 : i32
      %eq3A_291 = arith.cmpi eq, %reduce_min3A_289, %eq3A_290 : i32
      %convert_element_type3A_292 = arith.extui %eq3A_291 : i1 to i32
      %cond3A_293 = arith.constant 0 : i32
      %cond3A_294 = arith.cmpi ne, %convert_element_type3A_292, %cond3A_293 : i32
      scf.if %cond3A_294 {
        %scan3A_533 = arith.constant 0 : i32
        %scan3A_534 = arith.constant 13 : i32
        %scan3A_535 = arith.addi %scan3A_533, %scan3A_534 : i32
        %scan3A_536 = arith.constant 1 : i32
        scf.for %scan3A_538 = %scan3A_533 to %scan3A_535 step %scan3A_536  : i32 {
          %mul3A_539 = arith.constant 1 : i32
          %mul3A_540 = arith.muli %scan3A_538, %mul3A_539 : i32
          %add3A_541 = arith.constant 0 : i32
          %add3A_542 = arith.addi %add3A_541, %mul3A_540 : i32
          %mul3A_543 = arith.constant 16 : i32
          %mul3A_544 = arith.muli %add3A_542, %mul3A_543 : i32
          %min3A_545 = arith.constant 192 : i32
          %min3A_546 = arith.minsi %mul3A_544, %min3A_545 : i32
          %add3A_547 = arith.addi %mul3A_219, %min3A_546 : i32
          %get3A_548 = arith.index_cast %add3A_547 : i32 to index
          %get3A_549 = tpu.vector_load %arg5[%get3A_548] {strides = array<i32>} : memref<26624xi32, #tpu.memory_space<vmem>>, vector<16xi32>,
          %reduce_min3A_550 = arith.constant true
          %reduce_min3A_551 = vector.broadcast %reduce_min3A_550 : i1 to vector<16xi1>
          %reduce_min3A_552 = arith.constant -2147483648 : i32
          %reduce_min3A_553 = vector.broadcast %reduce_min3A_552 : i32 to vector<16xi32>
          %reduce_min3A_554 = arith.xori %get3A_549, %reduce_min3A_553 : vector<16xi32>
          %reduce_min3A_555 = tpu.scan <min>, %reduce_min3A_554 masked %reduce_min3A_551 : vector<16xi32>, vector<16xi1> -> vector<16xi32>
          %reduce_min3A_556 = arith.xori %reduce_min3A_555, %reduce_min3A_553 : vector<16xi32>
          %reduce_min3A_557 = vector.extract %reduce_min3A_556[15] : i32 from vector<16xi32>
          %eq3A_558 = arith.constant 0 : i32
          %eq3A_559 = arith.cmpi eq, %reduce_min3A_557, %eq3A_558 : i32
          %convert_element_type3A_560 = arith.extui %eq3A_559 : i1 to i32
          %cond3A_561 = arith.constant 0 : i32
          %cond3A_562 = arith.cmpi ne, %convert_element_type3A_560, %cond3A_561 : i32
          scf.if %cond3A_562 {
            %iota3A = tpu.iota {dimensions = array<i32: 0>} : vector<16xi32>
            %eq3A_563 = arith.constant 0 : i32
            %eq3A_564 = vector.broadcast %eq3A_563 : i32 to vector<16xi32>
            %eq3A_565 = arith.cmpi eq, %iota3A, %eq3A_564 : vector<16xi32>
            %jit3A = arith.constant 1 : i32
            %broadcast_in_dim3A = vector.broadcast %jit3A : i32 to vector<16xi32>
            %select_n3A = arith.select %eq3A_565, %get3A_549, %broadcast_in_dim3A : vector<16xi1>, vector<16xi32>
            %reduce_min3A_566 = arith.constant true
            %reduce_min3A_567 = vector.broadcast %reduce_min3A_566 : i1 to vector<16xi1>
            %reduce_min3A_568 = arith.constant -2147483648 : i32
            %reduce_min3A_569 = vector.broadcast %reduce_min3A_568 : i32 to vector<16xi32>
            %reduce_min3A_570 = arith.xori %select_n3A, %reduce_min3A_569 : vector<16xi32>
            %reduce_min3A_571 = tpu.scan <min>, %reduce_min3A_570 masked %reduce_min3A_567 : vector<16xi32>, vector<16xi1> -> vector<16xi32>
            %reduce_min3A_572 = arith.xori %reduce_min3A_571, %reduce_min3A_569 : vector<16xi32>
            %reduce_min3A_573 = vector.extract %reduce_min3A_572[15] : i32 from vector<16xi32>
            %eq3A_574 = arith.constant 0 : i32
            %eq3A_575 = arith.cmpi eq, %reduce_min3A_573, %eq3A_574 : i32
            %convert_element_type3A_576 = arith.extui %eq3A_575 : i1 to i32
            %cond3A_577 = arith.constant 0 : i32
            %cond3A_578 = arith.cmpi ne, %convert_element_type3A_576, %cond3A_577 : i32
            scf.if %cond3A_578 {
              %add3A_864 = arith.constant 0 : i32
              %add3A_865 = arith.addi %min3A_546, %add3A_864 : i32
              %broadcast_in_dim3A_866 = arith.constant 0.000000e+00 : f32
              %broadcast_in_dim3A_867 = vector.broadcast %broadcast_in_dim3A_866 : f32 to vector<16xf32>
              %swap3A = arith.index_cast %add3A_865 : i32 to index
              %swap3A_868 = arith.constant 0 : index
              %swap3A_869 = tpu.vector_load %arg7[%swap3A, %swap3A_868] {strides = array<i32>} : memref<200x128xf32, #tpu.memory_space<vmem>>, vector<16xf32>,
              tpu.vector_store %arg7[%swap3A, %swap3A_868], %broadcast_in_dim3A_867 {strides = array<i32>} : memref<200x128xf32, #tpu.memory_space<vmem>>, vector<16xf32>,
              %add3A_870 = arith.constant 0 : i32
              %add3A_871 = arith.addi %min3A_546, %add3A_870 : i32
              %broadcast_in_dim3A_872 = arith.constant 0.000000e+00 : f32
              %broadcast_in_dim3A_873 = vector.broadcast %broadcast_in_dim3A_872 : f32 to vector<16xf32>
              %swap3A_874 = arith.index_cast %add3A_871 : i32 to index
              %swap3A_875 = arith.constant 16 : index
              %swap3A_876 = tpu.vector_load %arg7[%swap3A_874, %swap3A_875] {strides = array<i32>} : memref<200x128xf32, #tpu.memory_space<vmem>>, vector<16xf32>,
              tpu.vector_store %arg7[%swap3A_874, %swap3A_875], %broadcast_in_dim3A_873 {strides = array<i32>} : memref<200x128xf32, #tpu.memory_space<vmem>>, vector<16xf32>,
              %add3A_877 = arith.constant 0 : i32
              %add3A_878 = arith.addi %min3A_546, %add3A_877 : i32
              %broadcast_in_dim3A_879 = arith.constant 0.000000e+00 : f32
              %broadcast_in_dim3A_880 = vector.broadcast %broadcast_in_dim3A_879 : f32 to vector<16xf32>
              %swap3A_881 = arith.index_cast %add3A_878 : i32 to index
              %swap3A_882 = arith.constant 32 : index
              %swap3A_883 = tpu.vector_load %arg7[%swap3A_881, %swap3A_882] {strides = array<i32>} : memref<200x128xf32, #tpu.memory_space<vmem>>, vector<16xf32>,
              tpu.vector_store %arg7[%swap3A_881, %swap3A_882], %broadcast_in_dim3A_880 {strides = array<i32>} : memref<200x128xf32, #tpu.memory_space<vmem>>, vector<16xf32>,
              %add3A_884 = arith.constant 0 : i32
              %add3A_885 = arith.addi %min3A_546, %add3A_884 : i32
              %broadcast_in_dim3A_886 = arith.constant 0.000000e+00 : f32
              %broadcast_in_dim3A_887 = vector.broadcast %broadcast_in_dim3A_886 : f32 to vector<16xf32>
              %swap3A_888 = arith.index_cast %add3A_885 : i32 to index
              %swap3A_889 = arith.constant 48 : index
              %swap3A_890 = tpu.vector_load %arg7[%swap3A_888, %swap3A_889] {strides = array<i32>} : memref<200x128xf32, #tpu.memory_space<vmem>>, vector<16xf32>,
              tpu.vector_store %arg7[%swap3A_888, %swap3A_889], %broadcast_in_dim3A_887 {strides = array<i32>} : memref<200x128xf32, #tpu.memory_space<vmem>>, vector<16xf32>,
            } else {
            }
            %eq3A_579 = arith.constant 1 : i32
            %eq3A_580 = vector.broadcast %eq3A_579 : i32 to vector<16xi32>
            %eq3A_581 = arith.cmpi eq, %iota3A, %eq3A_580 : vector<16xi32>
            %jit3A_582 = arith.constant 1 : i32
            %broadcast_in_dim3A_583 = vector.broadcast %jit3A_582 : i32 to vector<16xi32>
            %select_n3A_584 = arith.select %eq3A_581, %get3A_549, %broadcast_in_dim3A_583 : vector<16xi1>, vector<16xi32>
            %reduce_min3A_585 = arith.constant true
            %reduce_min3A_586 = vector.broadcast %reduce_min3A_585 : i1 to vector<16xi1>
            %reduce_min3A_587 = arith.constant -2147483648 : i32
            %reduce_min3A_588 = vector.broadcast %reduce_min3A_587 : i32 to vector<16xi32>
            %reduce_min3A_589 = arith.xori %select_n3A_584, %reduce_min3A_588 : vector<16xi32>
            %reduce_min3A_590 = tpu.scan <min>, %reduce_min3A_589 masked %reduce_min3A_586 : vector<16xi32>, vector<16xi1> -> vector<16xi32>
            %reduce_min3A_591 = arith.xori %reduce_min3A_590, %reduce_min3A_588 : vector<16xi32>
            %reduce_min3A_592 = vector.extract %reduce_min3A_591[15] : i32 from vector<16xi32>
            %eq3A_593 = arith.constant 0 : i32
            %eq3A_594 = arith.cmpi eq, %reduce_min3A_592, %eq3A_593 : i32
            %convert_element_type3A_595 = arith.extui %eq3A_594 : i1 to i32
            %cond3A_596 = arith.constant 0 : i32
            %cond3A_597 = arith.cmpi ne, %convert_element_type3A_595, %cond3A_596 : i32
            scf.if %cond3A_597 {
              %add3A_864 = arith.constant 1 : i32
              %add3A_865 = arith.addi %min3A_546, %add3A_864 : i32
              %broadcast_in_dim3A_866 = arith.constant 0.000000e+00 : f32
              %broadcast_in_dim3A_867 = vector.broadcast %broadcast_in_dim3A_866 : f32 to vector<16xf32>
              %swap3A = arith.index_cast %add3A_865 : i32 to index
              %swap3A_868 = arith.constant 0 : index
              %swap3A_869 = tpu.vector_load %arg7[%swap3A, %swap3A_868] {strides = array<i32>} : memref<200x128xf32, #tpu.memory_space<vmem>>, vector<16xf32>,
              tpu.vector_store %arg7[%swap3A, %swap3A_868], %broadcast_in_dim3A_867 {strides = array<i32>} : memref<200x128xf32, #tpu.memory_space<vmem>>, vector<16xf32>,
              %add3A_870 = arith.constant 1 : i32
              %add3A_871 = arith.addi %min3A_546, %add3A_870 : i32
              %broadcast_in_dim3A_872 = arith.constant 0.000000e+00 : f32
              %broadcast_in_dim3A_873 = vector.broadcast %broadcast_in_dim3A_872 : f32 to vector<16xf32>
              %swap3A_874 = arith.index_cast %add3A_871 : i32 to index
              %swap3A_875 = arith.constant 16 : index
              %swap3A_876 = tpu.vector_load %arg7[%swap3A_874, %swap3A_875] {strides = array<i32>} : memref<200x128xf32, #tpu.memory_space<vmem>>, vector<16xf32>,
              tpu.vector_store %arg7[%swap3A_874, %swap3A_875], %broadcast_in_dim3A_873 {strides = array<i32>} : memref<200x128xf32, #tpu.memory_space<vmem>>, vector<16xf32>,
              %add3A_877 = arith.constant 1 : i32
              %add3A_878 = arith.addi %min3A_546, %add3A_877 : i32
              %broadcast_in_dim3A_879 = arith.constant 0.000000e+00 : f32
              %broadcast_in_dim3A_880 = vector.broadcast %broadcast_in_dim3A_879 : f32 to vector<16xf32>
              %swap3A_881 = arith.index_cast %add3A_878 : i32 to index
              %swap3A_882 = arith.constant 32 : index
              %swap3A_883 = tpu.vector_load %arg7[%swap3A_881, %swap3A_882] {strides = array<i32>} : memref<200x128xf32, #tpu.memory_space<vmem>>, vector<16xf32>,
              tpu.vector_store %arg7[%swap3A_881, %swap3A_882], %broadcast_in_dim3A_880 {strides = array<i32>} : memref<200x128xf32, #tpu.memory_space<vmem>>, vector<16xf32>,
              %add3A_884 = arith.constant 1 : i32
              %add3A_885 = arith.addi %min3A_546, %add3A_884 : i32
              %broadcast_in_dim3A_886 = arith.constant 0.000000e+00 : f32
              %broadcast_in_dim3A_887 = vector.broadcast %broadcast_in_dim3A_886 : f32 to vector<16xf32>
              %swap3A_888 = arith.index_cast %add3A_885 : i32 to index
              %swap3A_889 = arith.constant 48 : index
              %swap3A_890 = tpu.vector_load %arg7[%swap3A_888, %swap3A_889] {strides = array<i32>} : memref<200x128xf32, #tpu.memory_space<vmem>>, vector<16xf32>,
              tpu.vector_store %arg7[%swap3A_888, %swap3A_889], %broadcast_in_dim3A_887 {strides = array<i32>} : memref<200x128xf32, #tpu.memory_space<vmem>>, vector<16xf32>,
            } else {
            }
            %eq3A_598 = arith.constant 2 : i32
            %eq3A_599 = vector.broadcast %eq3A_598 : i32 to vector<16xi32>
            %eq3A_600 = arith.cmpi eq, %iota3A, %eq3A_599 : vector<16xi32>
            %jit3A_601 = arith.constant 1 : i32
            %broadcast_in_dim3A_602 = vector.broadcast %jit3A_601 : i32 to vector<16xi32>
            %select_n3A_603 = arith.select %eq3A_600, %get3A_549, %broadcast_in_dim3A_602 : vector<16xi1>, vector<16xi32>
            %reduce_min3A_604 = arith.constant true
            %reduce_min3A_605 = vector.broadcast %reduce_min3A_604 : i1 to vector<16xi1>
            %reduce_min3A_606 = arith.constant -2147483648 : i32
            %reduce_min3A_607 = vector.broadcast %reduce_min3A_606 : i32 to vector<16xi32>
            %reduce_min3A_608 = arith.xori %select_n3A_603, %reduce_min3A_607 : vector<16xi32>
            %reduce_min3A_609 = tpu.scan <min>, %reduce_min3A_608 masked %reduce_min3A_605 : vector<16xi32>, vector<16xi1> -> vector<16xi32>
            %reduce_min3A_610 = arith.xori %reduce_min3A_609, %reduce_min3A_607 : vector<16xi32>
            %reduce_min3A_611 = vector.extract %reduce_min3A_610[15] : i32 from vector<16xi32>
            %eq3A_612 = arith.constant 0 : i32
            %eq3A_613 = arith.cmpi eq, %reduce_min3A_611, %eq3A_612 : i32
            %convert_element_type3A_614 = arith.extui %eq3A_613 : i1 to i32
            %cond3A_615 = arith.constant 0 : i32
            %cond3A_616 = arith.cmpi ne, %convert_element_type3A_614, %cond3A_615 : i32
            scf.if %cond3A_616 {
              %add3A_864 = arith.constant 2 : i32
              %add3A_865 = arith.addi %min3A_546, %add3A_864 : i32
              %broadcast_in_dim3A_866 = arith.constant 0.000000e+00 : f32
              %broadcast_in_dim3A_867 = vector.broadcast %broadcast_in_dim3A_866 : f32 to vector<16xf32>
              %swap3A = arith.index_cast %add3A_865 : i32 to index
              %swap3A_868 = arith.constant 0 : index
              %swap3A_869 = tpu.vector_load %arg7[%swap3A, %swap3A_868] {strides = array<i32>} : memref<200x128xf32, #tpu.memory_space<vmem>>, vector<16xf32>,
              tpu.vector_store %arg7[%swap3A, %swap3A_868], %broadcast_in_dim3A_867 {strides = array<i32>} : memref<200x128xf32, #tpu.memory_space<vmem>>, vector<16xf32>,
              %add3A_870 = arith.constant 2 : i32
              %add3A_871 = arith.addi %min3A_546, %add3A_870 : i32
              %broadcast_in_dim3A_872 = arith.constant 0.000000e+00 : f32
              %broadcast_in_dim3A_873 = vector.broadcast %broadcast_in_dim3A_872 : f32 to vector<16xf32>
              %swap3A_874 = arith.index_cast %add3A_871 : i32 to index
              %swap3A_875 = arith.constant 16 : index
              %swap3A_876 = tpu.vector_load %arg7[%swap3A_874, %swap3A_875] {strides = array<i32>} : memref<200x128xf32, #tpu.memory_space<vmem>>, vector<16xf32>,
              tpu.vector_store %arg7[%swap3A_874, %swap3A_875], %broadcast_in_dim3A_873 {strides = array<i32>} : memref<200x128xf32, #tpu.memory_space<vmem>>, vector<16xf32>,
              %add3A_877 = arith.constant 2 : i32
              %add3A_878 = arith.addi %min3A_546, %add3A_877 : i32
              %broadcast_in_dim3A_879 = arith.constant 0.000000e+00 : f32
              %broadcast_in_dim3A_880 = vector.broadcast %broadcast_in_dim3A_879 : f32 to vector<16xf32>
              %swap3A_881 = arith.index_cast %add3A_878 : i32 to index
              %swap3A_882 = arith.constant 32 : index
              %swap3A_883 = tpu.vector_load %arg7[%swap3A_881, %swap3A_882] {strides = array<i32>} : memref<200x128xf32, #tpu.memory_space<vmem>>, vector<16xf32>,
              tpu.vector_store %arg7[%swap3A_881, %swap3A_882], %broadcast_in_dim3A_880 {strides = array<i32>} : memref<200x128xf32, #tpu.memory_space<vmem>>, vector<16xf32>,
              %add3A_884 = arith.constant 2 : i32
              %add3A_885 = arith.addi %min3A_546, %add3A_884 : i32
              %broadcast_in_dim3A_886 = arith.constant 0.000000e+00 : f32
              %broadcast_in_dim3A_887 = vector.broadcast %broadcast_in_dim3A_886 : f32 to vector<16xf32>
              %swap3A_888 = arith.index_cast %add3A_885 : i32 to index
              %swap3A_889 = arith.constant 48 : index
              %swap3A_890 = tpu.vector_load %arg7[%swap3A_888, %swap3A_889] {strides = array<i32>} : memref<200x128xf32, #tpu.memory_space<vmem>>, vector<16xf32>,
              tpu.vector_store %arg7[%swap3A_888, %swap3A_889], %broadcast_in_dim3A_887 {strides = array<i32>} : memref<200x128xf32, #tpu.memory_space<vmem>>, vector<16xf32>,
            } else {
            }
            %eq3A_617 = arith.constant 3 : i32
            %eq3A_618 = vector.broadcast %eq3A_617 : i32 to vector<16xi32>
            %eq3A_619 = arith.cmpi eq, %iota3A, %eq3A_618 : vector<16xi32>
            %jit3A_620 = arith.constant 1 : i32
            %broadcast_in_dim3A_621 = vector.broadcast %jit3A_620 : i32 to vector<16xi32>
            %select_n3A_622 = arith.select %eq3A_619, %get3A_549, %broadcast_in_dim3A_621 : vector<16xi1>, vector<16xi32>
            %reduce_min3A_623 = arith.constant true
            %reduce_min3A_624 = vector.broadcast %reduce_min3A_623 : i1 to vector<16xi1>
            %reduce_min3A_625 = arith.constant -2147483648 : i32
            %reduce_min3A_626 = vector.broadcast %reduce_min3A_625 : i32 to vector<16xi32>
            %reduce_min3A_627 = arith.xori %select_n3A_622, %reduce_min3A_626 : vector<16xi32>
            %reduce_min3A_628 = tpu.scan <min>, %reduce_min3A_627 masked %reduce_min3A_624 : vector<16xi32>, vector<16xi1> -> vector<16xi32>
            %reduce_min3A_629 = arith.xori %reduce_min3A_628, %reduce_min3A_626 : vector<16xi32>
            %reduce_min3A_630 = vector.extract %reduce_min3A_629[15] : i32 from vector<16xi32>
            %eq3A_631 = arith.constant 0 : i32
            %eq3A_632 = arith.cmpi eq, %reduce_min3A_630, %eq3A_631 : i32
            %convert_element_type3A_633 = arith.extui %eq3A_632 : i1 to i32
            %cond3A_634 = arith.constant 0 : i32
            %cond3A_635 = arith.cmpi ne, %convert_element_type3A_633, %cond3A_634 : i32
            scf.if %cond3A_635 {
              %add3A_864 = arith.constant 3 : i32
              %add3A_865 = arith.addi %min3A_546, %add3A_864 : i32
              %broadcast_in_dim3A_866 = arith.constant 0.000000e+00 : f32
              %broadcast_in_dim3A_867 = vector.broadcast %broadcast_in_dim3A_866 : f32 to vector<16xf32>
              %swap3A = arith.index_cast %add3A_865 : i32 to index
              %swap3A_868 = arith.constant 0 : index
              %swap3A_869 = tpu.vector_load %arg7[%swap3A, %swap3A_868] {strides = array<i32>} : memref<200x128xf32, #tpu.memory_space<vmem>>, vector<16xf32>,
              tpu.vector_store %arg7[%swap3A, %swap3A_868], %broadcast_in_dim3A_867 {strides = array<i32>} : memref<200x128xf32, #tpu.memory_space<vmem>>, vector<16xf32>,
              %add3A_870 = arith.constant 3 : i32
              %add3A_871 = arith.addi %min3A_546, %add3A_870 : i32
              %broadcast_in_dim3A_872 = arith.constant 0.000000e+00 : f32
              %broadcast_in_dim3A_873 = vector.broadcast %broadcast_in_dim3A_872 : f32 to vector<16xf32>
              %swap3A_874 = arith.index_cast %add3A_871 : i32 to index
              %swap3A_875 = arith.constant 16 : index
              %swap3A_876 = tpu.vector_load %arg7[%swap3A_874, %swap3A_875] {strides = array<i32>} : memref<200x128xf32, #tpu.memory_space<vmem>>, vector<16xf32>,
              tpu.vector_store %arg7[%swap3A_874, %swap3A_875], %broadcast_in_dim3A_873 {strides = array<i32>} : memref<200x128xf32, #tpu.memory_space<vmem>>, vector<16xf32>,
              %add3A_877 = arith.constant 3 : i32
              %add3A_878 = arith.addi %min3A_546, %add3A_877 : i32
              %broadcast_in_dim3A_879 = arith.constant 0.000000e+00 : f32
              %broadcast_in_dim3A_880 = vector.broadcast %broadcast_in_dim3A_879 : f32 to vector<16xf32>
              %swap3A_881 = arith.index_cast %add3A_878 : i32 to index
              %swap3A_882 = arith.constant 32 : index
              %swap3A_883 = tpu.vector_load %arg7[%swap3A_881, %swap3A_882] {strides = array<i32>} : memref<200x128xf32, #tpu.memory_space<vmem>>, vector<16xf32>,
              tpu.vector_store %arg7[%swap3A_881, %swap3A_882], %broadcast_in_dim3A_880 {strides = array<i32>} : memref<200x128xf32, #tpu.memory_space<vmem>>, vector<16xf32>,
              %add3A_884 = arith.constant 3 : i32
              %add3A_885 = arith.addi %min3A_546, %add3A_884 : i32
              %broadcast_in_dim3A_886 = arith.constant 0.000000e+00 : f32
              %broadcast_in_dim3A_887 = vector.broadcast %broadcast_in_dim3A_886 : f32 to vector<16xf32>
              %swap3A_888 = arith.index_cast %add3A_885 : i32 to index
              %swap3A_889 = arith.constant 48 : index
              %swap3A_890 = tpu.vector_load %arg7[%swap3A_888, %swap3A_889] {strides = array<i32>} : memref<200x128xf32, #tpu.memory_space<vmem>>, vector<16xf32>,
              tpu.vector_store %arg7[%swap3A_888, %swap3A_889], %broadcast_in_dim3A_887 {strides = array<i32>} : memref<200x128xf32, #tpu.memory_space<vmem>>, vector<16xf32>,
            } else {
            }
            %eq3A_636 = arith.constant 4 : i32
            %eq3A_637 = vector.broadcast %eq3A_636 : i32 to vector<16xi32>
            %eq3A_638 = arith.cmpi eq, %iota3A, %eq3A_637 : vector<16xi32>
            %jit3A_639 = arith.constant 1 : i32
            %broadcast_in_dim3A_640 = vector.broadcast %jit3A_639 : i32 to vector<16xi32>
            %select_n3A_641 = arith.select %eq3A_638, %get3A_549, %broadcast_in_dim3A_640 : vector<16xi1>, vector<16xi32>
            %reduce_min3A_642 = arith.constant true
            %reduce_min3A_643 = vector.broadcast %reduce_min3A_642 : i1 to vector<16xi1>
            %reduce_min3A_644 = arith.constant -2147483648 : i32
            %reduce_min3A_645 = vector.broadcast %reduce_min3A_644 : i32 to vector<16xi32>
            %reduce_min3A_646 = arith.xori %select_n3A_641, %reduce_min3A_645 : vector<16xi32>
            %reduce_min3A_647 = tpu.scan <min>, %reduce_min3A_646 masked %reduce_min3A_643 : vector<16xi32>, vector<16xi1> -> vector<16xi32>
            %reduce_min3A_648 = arith.xori %reduce_min3A_647, %reduce_min3A_645 : vector<16xi32>
            %reduce_min3A_649 = vector.extract %reduce_min3A_648[15] : i32 from vector<16xi32>
            %eq3A_650 = arith.constant 0 : i32
            %eq3A_651 = arith.cmpi eq, %reduce_min3A_649, %eq3A_650 : i32
            %convert_element_type3A_652 = arith.extui %eq3A_651 : i1 to i32
            %cond3A_653 = arith.constant 0 : i32
            %cond3A_654 = arith.cmpi ne, %convert_element_type3A_652, %cond3A_653 : i32
            scf.if %cond3A_654 {
              %add3A_864 = arith.constant 4 : i32
              %add3A_865 = arith.addi %min3A_546, %add3A_864 : i32
              %broadcast_in_dim3A_866 = arith.constant 0.000000e+00 : f32
              %broadcast_in_dim3A_867 = vector.broadcast %broadcast_in_dim3A_866 : f32 to vector<16xf32>
              %swap3A = arith.index_cast %add3A_865 : i32 to index
              %swap3A_868 = arith.constant 0 : index
              %swap3A_869 = tpu.vector_load %arg7[%swap3A, %swap3A_868] {strides = array<i32>} : memref<200x128xf32, #tpu.memory_space<vmem>>, vector<16xf32>,
              tpu.vector_store %arg7[%swap3A, %swap3A_868], %broadcast_in_dim3A_867 {strides = array<i32>} : memref<200x128xf32, #tpu.memory_space<vmem>>, vector<16xf32>,
              %add3A_870 = arith.constant 4 : i32
              %add3A_871 = arith.addi %min3A_546, %add3A_870 : i32
              %broadcast_in_dim3A_872 = arith.constant 0.000000e+00 : f32
              %broadcast_in_dim3A_873 = vector.broadcast %broadcast_in_dim3A_872 : f32 to vector<16xf32>
              %swap3A_874 = arith.index_cast %add3A_871 : i32 to index
              %swap3A_875 = arith.constant 16 : index
              %swap3A_876 = tpu.vector_load %arg7[%swap3A_874, %swap3A_875] {strides = array<i32>} : memref<200x128xf32, #tpu.memory_space<vmem>>, vector<16xf32>,
              tpu.vector_store %arg7[%swap3A_874, %swap3A_875], %broadcast_in_dim3A_873 {strides = array<i32>} : memref<200x128xf32, #tpu.memory_space<vmem>>, vector<16xf32>,
              %add3A_877 = arith.constant 4 : i32
              %add3A_878 = arith.addi %min3A_546, %add3A_877 : i32
              %broadcast_in_dim3A_879 = arith.constant 0.000000e+00 : f32
              %broadcast_in_dim3A_880 = vector.broadcast %broadcast_in_dim3A_879 : f32 to vector<16xf32>
              %swap3A_881 = arith.index_cast %add3A_878 : i32 to index
              %swap3A_882 = arith.constant 32 : index
              %swap3A_883 = tpu.vector_load %arg7[%swap3A_881, %swap3A_882] {strides = array<i32>} : memref<200x128xf32, #tpu.memory_space<vmem>>, vector<16xf32>,
              tpu.vector_store %arg7[%swap3A_881, %swap3A_882], %broadcast_in_dim3A_880 {strides = array<i32>} : memref<200x128xf32, #tpu.memory_space<vmem>>, vector<16xf32>,
              %add3A_884 = arith.constant 4 : i32
              %add3A_885 = arith.addi %min3A_546, %add3A_884 : i32
              %broadcast_in_dim3A_886 = arith.constant 0.000000e+00 : f32
              %broadcast_in_dim3A_887 = vector.broadcast %broadcast_in_dim3A_886 : f32 to vector<16xf32>
              %swap3A_888 = arith.index_cast %add3A_885 : i32 to index
              %swap3A_889 = arith.constant 48 : index
              %swap3A_890 = tpu.vector_load %arg7[%swap3A_888, %swap3A_889] {strides = array<i32>} : memref<200x128xf32, #tpu.memory_space<vmem>>, vector<16xf32>,
              tpu.vector_store %arg7[%swap3A_888, %swap3A_889], %broadcast_in_dim3A_887 {strides = array<i32>} : memref<200x128xf32, #tpu.memory_space<vmem>>, vector<16xf32>,
            } else {
            }
            %eq3A_655 = arith.constant 5 : i32
            %eq3A_656 = vector.broadcast %eq3A_655 : i32 to vector<16xi32>
            %eq3A_657 = arith.cmpi eq, %iota3A, %eq3A_656 : vector<16xi32>
            %jit3A_658 = arith.constant 1 : i32
            %broadcast_in_dim3A_659 = vector.broadcast %jit3A_658 : i32 to vector<16xi32>
            %select_n3A_660 = arith.select %eq3A_657, %get3A_549, %broadcast_in_dim3A_659 : vector<16xi1>, vector<16xi32>
            %reduce_min3A_661 = arith.constant true
            %reduce_min3A_662 = vector.broadcast %reduce_min3A_661 : i1 to vector<16xi1>
            %reduce_min3A_663 = arith.constant -2147483648 : i32
            %reduce_min3A_664 = vector.broadcast %reduce_min3A_663 : i32 to vector<16xi32>
            %reduce_min3A_665 = arith.xori %select_n3A_660, %reduce_min3A_664 : vector<16xi32>
            %reduce_min3A_666 = tpu.scan <min>, %reduce_min3A_665 masked %reduce_min3A_662 : vector<16xi32>, vector<16xi1> -> vector<16xi32>
            %reduce_min3A_667 = arith.xori %reduce_min3A_666, %reduce_min3A_664 : vector<16xi32>
            %reduce_min3A_668 = vector.extract %reduce_min3A_667[15] : i32 from vector<16xi32>
            %eq3A_669 = arith.constant 0 : i32
            %eq3A_670 = arith.cmpi eq, %reduce_min3A_668, %eq3A_669 : i32
            %convert_element_type3A_671 = arith.extui %eq3A_670 : i1 to i32
            %cond3A_672 = arith.constant 0 : i32
            %cond3A_673 = arith.cmpi ne, %convert_element_type3A_671, %cond3A_672 : i32
            scf.if %cond3A_673 {
              %add3A_864 = arith.constant 5 : i32
              %add3A_865 = arith.addi %min3A_546, %add3A_864 : i32
              %broadcast_in_dim3A_866 = arith.constant 0.000000e+00 : f32
              %broadcast_in_dim3A_867 = vector.broadcast %broadcast_in_dim3A_866 : f32 to vector<16xf32>
              %swap3A = arith.index_cast %add3A_865 : i32 to index
              %swap3A_868 = arith.constant 0 : index
              %swap3A_869 = tpu.vector_load %arg7[%swap3A, %swap3A_868] {strides = array<i32>} : memref<200x128xf32, #tpu.memory_space<vmem>>, vector<16xf32>,
              tpu.vector_store %arg7[%swap3A, %swap3A_868], %broadcast_in_dim3A_867 {strides = array<i32>} : memref<200x128xf32, #tpu.memory_space<vmem>>, vector<16xf32>,
              %add3A_870 = arith.constant 5 : i32
              %add3A_871 = arith.addi %min3A_546, %add3A_870 : i32
              %broadcast_in_dim3A_872 = arith.constant 0.000000e+00 : f32
              %broadcast_in_dim3A_873 = vector.broadcast %broadcast_in_dim3A_872 : f32 to vector<16xf32>
              %swap3A_874 = arith.index_cast %add3A_871 : i32 to index
              %swap3A_875 = arith.constant 16 : index
              %swap3A_876 = tpu.vector_load %arg7[%swap3A_874, %swap3A_875] {strides = array<i32>} : memref<200x128xf32, #tpu.memory_space<vmem>>, vector<16xf32>,
              tpu.vector_store %arg7[%swap3A_874, %swap3A_875], %broadcast_in_dim3A_873 {strides = array<i32>} : memref<200x128xf32, #tpu.memory_space<vmem>>, vector<16xf32>,
              %add3A_877 = arith.constant 5 : i32
              %add3A_878 = arith.addi %min3A_546, %add3A_877 : i32
              %broadcast_in_dim3A_879 = arith.constant 0.000000e+00 : f32
              %broadcast_in_dim3A_880 = vector.broadcast %broadcast_in_dim3A_879 : f32 to vector<16xf32>
              %swap3A_881 = arith.index_cast %add3A_878 : i32 to index
              %swap3A_882 = arith.constant 32 : index
              %swap3A_883 = tpu.vector_load %arg7[%swap3A_881, %swap3A_882] {strides = array<i32>} : memref<200x128xf32, #tpu.memory_space<vmem>>, vector<16xf32>,
              tpu.vector_store %arg7[%swap3A_881, %swap3A_882], %broadcast_in_dim3A_880 {strides = array<i32>} : memref<200x128xf32, #tpu.memory_space<vmem>>, vector<16xf32>,
              %add3A_884 = arith.constant 5 : i32
              %add3A_885 = arith.addi %min3A_546, %add3A_884 : i32
              %broadcast_in_dim3A_886 = arith.constant 0.000000e+00 : f32
              %broadcast_in_dim3A_887 = vector.broadcast %broadcast_in_dim3A_886 : f32 to vector<16xf32>
              %swap3A_888 = arith.index_cast %add3A_885 : i32 to index
              %swap3A_889 = arith.constant 48 : index
              %swap3A_890 = tpu.vector_load %arg7[%swap3A_888, %swap3A_889] {strides = array<i32>} : memref<200x128xf32, #tpu.memory_space<vmem>>, vector<16xf32>,
              tpu.vector_store %arg7[%swap3A_888, %swap3A_889], %broadcast_in_dim3A_887 {strides = array<i32>} : memref<200x128xf32, #tpu.memory_space<vmem>>, vector<16xf32>,
            } else {
            }
            %eq3A_674 = arith.constant 6 : i32
            %eq3A_675 = vector.broadcast %eq3A_674 : i32 to vector<16xi32>
            %eq3A_676 = arith.cmpi eq, %iota3A, %eq3A_675 : vector<16xi32>
            %jit3A_677 = arith.constant 1 : i32
            %broadcast_in_dim3A_678 = vector.broadcast %jit3A_677 : i32 to vector<16xi32>
            %select_n3A_679 = arith.select %eq3A_676, %get3A_549, %broadcast_in_dim3A_678 : vector<16xi1>, vector<16xi32>
            %reduce_min3A_680 = arith.constant true
            %reduce_min3A_681 = vector.broadcast %reduce_min3A_680 : i1 to vector<16xi1>
            %reduce_min3A_682 = arith.constant -2147483648 : i32
            %reduce_min3A_683 = vector.broadcast %reduce_min3A_682 : i32 to vector<16xi32>
            %reduce_min3A_684 = arith.xori %select_n3A_679, %reduce_min3A_683 : vector<16xi32>
            %reduce_min3A_685 = tpu.scan <min>, %reduce_min3A_684 masked %reduce_min3A_681 : vector<16xi32>, vector<16xi1> -> vector<16xi32>
            %reduce_min3A_686 = arith.xori %reduce_min3A_685, %reduce_min3A_683 : vector<16xi32>
            %reduce_min3A_687 = vector.extract %reduce_min3A_686[15] : i32 from vector<16xi32>
            %eq3A_688 = arith.constant 0 : i32
            %eq3A_689 = arith.cmpi eq, %reduce_min3A_687, %eq3A_688 : i32
            %convert_element_type3A_690 = arith.extui %eq3A_689 : i1 to i32
            %cond3A_691 = arith.constant 0 : i32
            %cond3A_692 = arith.cmpi ne, %convert_element_type3A_690, %cond3A_691 : i32
            scf.if %cond3A_692 {
              %add3A_864 = arith.constant 6 : i32
              %add3A_865 = arith.addi %min3A_546, %add3A_864 : i32
              %broadcast_in_dim3A_866 = arith.constant 0.000000e+00 : f32
              %broadcast_in_dim3A_867 = vector.broadcast %broadcast_in_dim3A_866 : f32 to vector<16xf32>
              %swap3A = arith.index_cast %add3A_865 : i32 to index
              %swap3A_868 = arith.constant 0 : index
              %swap3A_869 = tpu.vector_load %arg7[%swap3A, %swap3A_868] {strides = array<i32>} : memref<200x128xf32, #tpu.memory_space<vmem>>, vector<16xf32>,
              tpu.vector_store %arg7[%swap3A, %swap3A_868], %broadcast_in_dim3A_867 {strides = array<i32>} : memref<200x128xf32, #tpu.memory_space<vmem>>, vector<16xf32>,
              %add3A_870 = arith.constant 6 : i32
              %add3A_871 = arith.addi %min3A_546, %add3A_870 : i32
              %broadcast_in_dim3A_872 = arith.constant 0.000000e+00 : f32
              %broadcast_in_dim3A_873 = vector.broadcast %broadcast_in_dim3A_872 : f32 to vector<16xf32>
              %swap3A_874 = arith.index_cast %add3A_871 : i32 to index
              %swap3A_875 = arith.constant 16 : index
              %swap3A_876 = tpu.vector_load %arg7[%swap3A_874, %swap3A_875] {strides = array<i32>} : memref<200x128xf32, #tpu.memory_space<vmem>>, vector<16xf32>,
              tpu.vector_store %arg7[%swap3A_874, %swap3A_875], %broadcast_in_dim3A_873 {strides = array<i32>} : memref<200x128xf32, #tpu.memory_space<vmem>>, vector<16xf32>,
              %add3A_877 = arith.constant 6 : i32
              %add3A_878 = arith.addi %min3A_546, %add3A_877 : i32
              %broadcast_in_dim3A_879 = arith.constant 0.000000e+00 : f32
              %broadcast_in_dim3A_880 = vector.broadcast %broadcast_in_dim3A_879 : f32 to vector<16xf32>
              %swap3A_881 = arith.index_cast %add3A_878 : i32 to index
              %swap3A_882 = arith.constant 32 : index
              %swap3A_883 = tpu.vector_load %arg7[%swap3A_881, %swap3A_882] {strides = array<i32>} : memref<200x128xf32, #tpu.memory_space<vmem>>, vector<16xf32>,
              tpu.vector_store %arg7[%swap3A_881, %swap3A_882], %broadcast_in_dim3A_880 {strides = array<i32>} : memref<200x128xf32, #tpu.memory_space<vmem>>, vector<16xf32>,
              %add3A_884 = arith.constant 6 : i32
              %add3A_885 = arith.addi %min3A_546, %add3A_884 : i32
              %broadcast_in_dim3A_886 = arith.constant 0.000000e+00 : f32
              %broadcast_in_dim3A_887 = vector.broadcast %broadcast_in_dim3A_886 : f32 to vector<16xf32>
              %swap3A_888 = arith.index_cast %add3A_885 : i32 to index
              %swap3A_889 = arith.constant 48 : index
              %swap3A_890 = tpu.vector_load %arg7[%swap3A_888, %swap3A_889] {strides = array<i32>} : memref<200x128xf32, #tpu.memory_space<vmem>>, vector<16xf32>,
              tpu.vector_store %arg7[%swap3A_888, %swap3A_889], %broadcast_in_dim3A_887 {strides = array<i32>} : memref<200x128xf32, #tpu.memory_space<vmem>>, vector<16xf32>,
            } else {
            }
            %eq3A_693 = arith.constant 7 : i32
            %eq3A_694 = vector.broadcast %eq3A_693 : i32 to vector<16xi32>
            %eq3A_695 = arith.cmpi eq, %iota3A, %eq3A_694 : vector<16xi32>
            %jit3A_696 = arith.constant 1 : i32
            %broadcast_in_dim3A_697 = vector.broadcast %jit3A_696 : i32 to vector<16xi32>
            %select_n3A_698 = arith.select %eq3A_695, %get3A_549, %broadcast_in_dim3A_697 : vector<16xi1>, vector<16xi32>
            %reduce_min3A_699 = arith.constant true
            %reduce_min3A_700 = vector.broadcast %reduce_min3A_699 : i1 to vector<16xi1>
            %reduce_min3A_701 = arith.constant -2147483648 : i32
            %reduce_min3A_702 = vector.broadcast %reduce_min3A_701 : i32 to vector<16xi32>
            %reduce_min3A_703 = arith.xori %select_n3A_698, %reduce_min3A_702 : vector<16xi32>
            %reduce_min3A_704 = tpu.scan <min>, %reduce_min3A_703 masked %reduce_min3A_700 : vector<16xi32>, vector<16xi1> -> vector<16xi32>
            %reduce_min3A_705 = arith.xori %reduce_min3A_704, %reduce_min3A_702 : vector<16xi32>
            %reduce_min3A_706 = vector.extract %reduce_min3A_705[15] : i32 from vector<16xi32>
            %eq3A_707 = arith.constant 0 : i32
            %eq3A_708 = arith.cmpi eq, %reduce_min3A_706, %eq3A_707 : i32
            %convert_element_type3A_709 = arith.extui %eq3A_708 : i1 to i32
            %cond3A_710 = arith.constant 0 : i32
            %cond3A_711 = arith.cmpi ne, %convert_element_type3A_709, %cond3A_710 : i32
            scf.if %cond3A_711 {
              %add3A_864 = arith.constant 7 : i32
              %add3A_865 = arith.addi %min3A_546, %add3A_864 : i32
              %broadcast_in_dim3A_866 = arith.constant 0.000000e+00 : f32
              %broadcast_in_dim3A_867 = vector.broadcast %broadcast_in_dim3A_866 : f32 to vector<16xf32>
              %swap3A = arith.index_cast %add3A_865 : i32 to index
              %swap3A_868 = arith.constant 0 : index
              %swap3A_869 = tpu.vector_load %arg7[%swap3A, %swap3A_868] {strides = array<i32>} : memref<200x128xf32, #tpu.memory_space<vmem>>, vector<16xf32>,
              tpu.vector_store %arg7[%swap3A, %swap3A_868], %broadcast_in_dim3A_867 {strides = array<i32>} : memref<200x128xf32, #tpu.memory_space<vmem>>, vector<16xf32>,
              %add3A_870 = arith.constant 7 : i32
              %add3A_871 = arith.addi %min3A_546, %add3A_870 : i32
              %broadcast_in_dim3A_872 = arith.constant 0.000000e+00 : f32
              %broadcast_in_dim3A_873 = vector.broadcast %broadcast_in_dim3A_872 : f32 to vector<16xf32>
              %swap3A_874 = arith.index_cast %add3A_871 : i32 to index
              %swap3A_875 = arith.constant 16 : index
              %swap3A_876 = tpu.vector_load %arg7[%swap3A_874, %swap3A_875] {strides = array<i32>} : memref<200x128xf32, #tpu.memory_space<vmem>>, vector<16xf32>,
              tpu.vector_store %arg7[%swap3A_874, %swap3A_875], %broadcast_in_dim3A_873 {strides = array<i32>} : memref<200x128xf32, #tpu.memory_space<vmem>>, vector<16xf32>,
              %add3A_877 = arith.constant 7 : i32
              %add3A_878 = arith.addi %min3A_546, %add3A_877 : i32
              %broadcast_in_dim3A_879 = arith.constant 0.000000e+00 : f32
              %broadcast_in_dim3A_880 = vector.broadcast %broadcast_in_dim3A_879 : f32 to vector<16xf32>
              %swap3A_881 = arith.index_cast %add3A_878 : i32 to index
              %swap3A_882 = arith.constant 32 : index
              %swap3A_883 = tpu.vector_load %arg7[%swap3A_881, %swap3A_882] {strides = array<i32>} : memref<200x128xf32, #tpu.memory_space<vmem>>, vector<16xf32>,
              tpu.vector_store %arg7[%swap3A_881, %swap3A_882], %broadcast_in_dim3A_880 {strides = array<i32>} : memref<200x128xf32, #tpu.memory_space<vmem>>, vector<16xf32>,
              %add3A_884 = arith.constant 7 : i32
              %add3A_885 = arith.addi %min3A_546, %add3A_884 : i32
              %broadcast_in_dim3A_886 = arith.constant 0.000000e+00 : f32
              %broadcast_in_dim3A_887 = vector.broadcast %broadcast_in_dim3A_886 : f32 to vector<16xf32>
              %swap3A_888 = arith.index_cast %add3A_885 : i32 to index
              %swap3A_889 = arith.constant 48 : index
              %swap3A_890 = tpu.vector_load %arg7[%swap3A_888, %swap3A_889] {strides = array<i32>} : memref<200x128xf32, #tpu.memory_space<vmem>>, vector<16xf32>,
              tpu.vector_store %arg7[%swap3A_888, %swap3A_889], %broadcast_in_dim3A_887 {strides = array<i32>} : memref<200x128xf32, #tpu.memory_space<vmem>>, vector<16xf32>,
            } else {
            }
            %eq3A_712 = arith.constant 8 : i32
            %eq3A_713 = vector.broadcast %eq3A_712 : i32 to vector<16xi32>
            %eq3A_714 = arith.cmpi eq, %iota3A, %eq3A_713 : vector<16xi32>
            %jit3A_715 = arith.constant 1 : i32
            %broadcast_in_dim3A_716 = vector.broadcast %jit3A_715 : i32 to vector<16xi32>
            %select_n3A_717 = arith.select %eq3A_714, %get3A_549, %broadcast_in_dim3A_716 : vector<16xi1>, vector<16xi32>
            %reduce_min3A_718 = arith.constant true
            %reduce_min3A_719 = vector.broadcast %reduce_min3A_718 : i1 to vector<16xi1>
            %reduce_min3A_720 = arith.constant -2147483648 : i32
            %reduce_min3A_721 = vector.broadcast %reduce_min3A_720 : i32 to vector<16xi32>
            %reduce_min3A_722 = arith.xori %select_n3A_717, %reduce_min3A_721 : vector<16xi32>
            %reduce_min3A_723 = tpu.scan <min>, %reduce_min3A_722 masked %reduce_min3A_719 : vector<16xi32>, vector<16xi1> -> vector<16xi32>
            %reduce_min3A_724 = arith.xori %reduce_min3A_723, %reduce_min3A_721 : vector<16xi32>
            %reduce_min3A_725 = vector.extract %reduce_min3A_724[15] : i32 from vector<16xi32>
            %eq3A_726 = arith.constant 0 : i32
            %eq3A_727 = arith.cmpi eq, %reduce_min3A_725, %eq3A_726 : i32
            %convert_element_type3A_728 = arith.extui %eq3A_727 : i1 to i32
            %cond3A_729 = arith.constant 0 : i32
            %cond3A_730 = arith.cmpi ne, %convert_element_type3A_728, %cond3A_729 : i32
            scf.if %cond3A_730 {
              %add3A_864 = arith.constant 8 : i32
              %add3A_865 = arith.addi %min3A_546, %add3A_864 : i32
              %broadcast_in_dim3A_866 = arith.constant 0.000000e+00 : f32
              %broadcast_in_dim3A_867 = vector.broadcast %broadcast_in_dim3A_866 : f32 to vector<16xf32>
              %swap3A = arith.index_cast %add3A_865 : i32 to index
              %swap3A_868 = arith.constant 0 : index
              %swap3A_869 = tpu.vector_load %arg7[%swap3A, %swap3A_868] {strides = array<i32>} : memref<200x128xf32, #tpu.memory_space<vmem>>, vector<16xf32>,
              tpu.vector_store %arg7[%swap3A, %swap3A_868], %broadcast_in_dim3A_867 {strides = array<i32>} : memref<200x128xf32, #tpu.memory_space<vmem>>, vector<16xf32>,
              %add3A_870 = arith.constant 8 : i32
              %add3A_871 = arith.addi %min3A_546, %add3A_870 : i32
              %broadcast_in_dim3A_872 = arith.constant 0.000000e+00 : f32
              %broadcast_in_dim3A_873 = vector.broadcast %broadcast_in_dim3A_872 : f32 to vector<16xf32>
              %swap3A_874 = arith.index_cast %add3A_871 : i32 to index
              %swap3A_875 = arith.constant 16 : index
              %swap3A_876 = tpu.vector_load %arg7[%swap3A_874, %swap3A_875] {strides = array<i32>} : memref<200x128xf32, #tpu.memory_space<vmem>>, vector<16xf32>,
              tpu.vector_store %arg7[%swap3A_874, %swap3A_875], %broadcast_in_dim3A_873 {strides = array<i32>} : memref<200x128xf32, #tpu.memory_space<vmem>>, vector<16xf32>,
              %add3A_877 = arith.constant 8 : i32
              %add3A_878 = arith.addi %min3A_546, %add3A_877 : i32
              %broadcast_in_dim3A_879 = arith.constant 0.000000e+00 : f32
              %broadcast_in_dim3A_880 = vector.broadcast %broadcast_in_dim3A_879 : f32 to vector<16xf32>
              %swap3A_881 = arith.index_cast %add3A_878 : i32 to index
              %swap3A_882 = arith.constant 32 : index
              %swap3A_883 = tpu.vector_load %arg7[%swap3A_881, %swap3A_882] {strides = array<i32>} : memref<200x128xf32, #tpu.memory_space<vmem>>, vector<16xf32>,
              tpu.vector_store %arg7[%swap3A_881, %swap3A_882], %broadcast_in_dim3A_880 {strides = array<i32>} : memref<200x128xf32, #tpu.memory_space<vmem>>, vector<16xf32>,
              %add3A_884 = arith.constant 8 : i32
              %add3A_885 = arith.addi %min3A_546, %add3A_884 : i32
              %broadcast_in_dim3A_886 = arith.constant 0.000000e+00 : f32
              %broadcast_in_dim3A_887 = vector.broadcast %broadcast_in_dim3A_886 : f32 to vector<16xf32>
              %swap3A_888 = arith.index_cast %add3A_885 : i32 to index
              %swap3A_889 = arith.constant 48 : index
              %swap3A_890 = tpu.vector_load %arg7[%swap3A_888, %swap3A_889] {strides = array<i32>} : memref<200x128xf32, #tpu.memory_space<vmem>>, vector<16xf32>,
              tpu.vector_store %arg7[%swap3A_888, %swap3A_889], %broadcast_in_dim3A_887 {strides = array<i32>} : memref<200x128xf32, #tpu.memory_space<vmem>>, vector<16xf32>,
            } else {
            }
            %eq3A_731 = arith.constant 9 : i32
            %eq3A_732 = vector.broadcast %eq3A_731 : i32 to vector<16xi32>
            %eq3A_733 = arith.cmpi eq, %iota3A, %eq3A_732 : vector<16xi32>
            %jit3A_734 = arith.constant 1 : i32
            %broadcast_in_dim3A_735 = vector.broadcast %jit3A_734 : i32 to vector<16xi32>
            %select_n3A_736 = arith.select %eq3A_733, %get3A_549, %broadcast_in_dim3A_735 : vector<16xi1>, vector<16xi32>
            %reduce_min3A_737 = arith.constant true
            %reduce_min3A_738 = vector.broadcast %reduce_min3A_737 : i1 to vector<16xi1>
            %reduce_min3A_739 = arith.constant -2147483648 : i32
            %reduce_min3A_740 = vector.broadcast %reduce_min3A_739 : i32 to vector<16xi32>
            %reduce_min3A_741 = arith.xori %select_n3A_736, %reduce_min3A_740 : vector<16xi32>
            %reduce_min3A_742 = tpu.scan <min>, %reduce_min3A_741 masked %reduce_min3A_738 : vector<16xi32>, vector<16xi1> -> vector<16xi32>
            %reduce_min3A_743 = arith.xori %reduce_min3A_742, %reduce_min3A_740 : vector<16xi32>
            %reduce_min3A_744 = vector.extract %reduce_min3A_743[15] : i32 from vector<16xi32>
            %eq3A_745 = arith.constant 0 : i32
            %eq3A_746 = arith.cmpi eq, %reduce_min3A_744, %eq3A_745 : i32
            %convert_element_type3A_747 = arith.extui %eq3A_746 : i1 to i32
            %cond3A_748 = arith.constant 0 : i32
            %cond3A_749 = arith.cmpi ne, %convert_element_type3A_747, %cond3A_748 : i32
            scf.if %cond3A_749 {
              %add3A_864 = arith.constant 9 : i32
              %add3A_865 = arith.addi %min3A_546, %add3A_864 : i32
              %broadcast_in_dim3A_866 = arith.constant 0.000000e+00 : f32
              %broadcast_in_dim3A_867 = vector.broadcast %broadcast_in_dim3A_866 : f32 to vector<16xf32>
              %swap3A = arith.index_cast %add3A_865 : i32 to index
              %swap3A_868 = arith.constant 0 : index
              %swap3A_869 = tpu.vector_load %arg7[%swap3A, %swap3A_868] {strides = array<i32>} : memref<200x128xf32, #tpu.memory_space<vmem>>, vector<16xf32>,
              tpu.vector_store %arg7[%swap3A, %swap3A_868], %broadcast_in_dim3A_867 {strides = array<i32>} : memref<200x128xf32, #tpu.memory_space<vmem>>, vector<16xf32>,
              %add3A_870 = arith.constant 9 : i32
              %add3A_871 = arith.addi %min3A_546, %add3A_870 : i32
              %broadcast_in_dim3A_872 = arith.constant 0.000000e+00 : f32
              %broadcast_in_dim3A_873 = vector.broadcast %broadcast_in_dim3A_872 : f32 to vector<16xf32>
              %swap3A_874 = arith.index_cast %add3A_871 : i32 to index
              %swap3A_875 = arith.constant 16 : index
              %swap3A_876 = tpu.vector_load %arg7[%swap3A_874, %swap3A_875] {strides = array<i32>} : memref<200x128xf32, #tpu.memory_space<vmem>>, vector<16xf32>,
              tpu.vector_store %arg7[%swap3A_874, %swap3A_875], %broadcast_in_dim3A_873 {strides = array<i32>} : memref<200x128xf32, #tpu.memory_space<vmem>>, vector<16xf32>,
              %add3A_877 = arith.constant 9 : i32
              %add3A_878 = arith.addi %min3A_546, %add3A_877 : i32
              %broadcast_in_dim3A_879 = arith.constant 0.000000e+00 : f32
              %broadcast_in_dim3A_880 = vector.broadcast %broadcast_in_dim3A_879 : f32 to vector<16xf32>
              %swap3A_881 = arith.index_cast %add3A_878 : i32 to index
              %swap3A_882 = arith.constant 32 : index
              %swap3A_883 = tpu.vector_load %arg7[%swap3A_881, %swap3A_882] {strides = array<i32>} : memref<200x128xf32, #tpu.memory_space<vmem>>, vector<16xf32>,
              tpu.vector_store %arg7[%swap3A_881, %swap3A_882], %broadcast_in_dim3A_880 {strides = array<i32>} : memref<200x128xf32, #tpu.memory_space<vmem>>, vector<16xf32>,
              %add3A_884 = arith.constant 9 : i32
              %add3A_885 = arith.addi %min3A_546, %add3A_884 : i32
              %broadcast_in_dim3A_886 = arith.constant 0.000000e+00 : f32
              %broadcast_in_dim3A_887 = vector.broadcast %broadcast_in_dim3A_886 : f32 to vector<16xf32>
              %swap3A_888 = arith.index_cast %add3A_885 : i32 to index
              %swap3A_889 = arith.constant 48 : index
              %swap3A_890 = tpu.vector_load %arg7[%swap3A_888, %swap3A_889] {strides = array<i32>} : memref<200x128xf32, #tpu.memory_space<vmem>>, vector<16xf32>,
              tpu.vector_store %arg7[%swap3A_888, %swap3A_889], %broadcast_in_dim3A_887 {strides = array<i32>} : memref<200x128xf32, #tpu.memory_space<vmem>>, vector<16xf32>,
            } else {
            }
            %eq3A_750 = arith.constant 10 : i32
            %eq3A_751 = vector.broadcast %eq3A_750 : i32 to vector<16xi32>
            %eq3A_752 = arith.cmpi eq, %iota3A, %eq3A_751 : vector<16xi32>
            %jit3A_753 = arith.constant 1 : i32
            %broadcast_in_dim3A_754 = vector.broadcast %jit3A_753 : i32 to vector<16xi32>
            %select_n3A_755 = arith.select %eq3A_752, %get3A_549, %broadcast_in_dim3A_754 : vector<16xi1>, vector<16xi32>
            %reduce_min3A_756 = arith.constant true
            %reduce_min3A_757 = vector.broadcast %reduce_min3A_756 : i1 to vector<16xi1>
            %reduce_min3A_758 = arith.constant -2147483648 : i32
            %reduce_min3A_759 = vector.broadcast %reduce_min3A_758 : i32 to vector<16xi32>
            %reduce_min3A_760 = arith.xori %select_n3A_755, %reduce_min3A_759 : vector<16xi32>
            %reduce_min3A_761 = tpu.scan <min>, %reduce_min3A_760 masked %reduce_min3A_757 : vector<16xi32>, vector<16xi1> -> vector<16xi32>
            %reduce_min3A_762 = arith.xori %reduce_min3A_761, %reduce_min3A_759 : vector<16xi32>
            %reduce_min3A_763 = vector.extract %reduce_min3A_762[15] : i32 from vector<16xi32>
            %eq3A_764 = arith.constant 0 : i32
            %eq3A_765 = arith.cmpi eq, %reduce_min3A_763, %eq3A_764 : i32
            %convert_element_type3A_766 = arith.extui %eq3A_765 : i1 to i32
            %cond3A_767 = arith.constant 0 : i32
            %cond3A_768 = arith.cmpi ne, %convert_element_type3A_766, %cond3A_767 : i32
            scf.if %cond3A_768 {
              %add3A_864 = arith.constant 10 : i32
              %add3A_865 = arith.addi %min3A_546, %add3A_864 : i32
              %broadcast_in_dim3A_866 = arith.constant 0.000000e+00 : f32
              %broadcast_in_dim3A_867 = vector.broadcast %broadcast_in_dim3A_866 : f32 to vector<16xf32>
              %swap3A = arith.index_cast %add3A_865 : i32 to index
              %swap3A_868 = arith.constant 0 : index
              %swap3A_869 = tpu.vector_load %arg7[%swap3A, %swap3A_868] {strides = array<i32>} : memref<200x128xf32, #tpu.memory_space<vmem>>, vector<16xf32>,
              tpu.vector_store %arg7[%swap3A, %swap3A_868], %broadcast_in_dim3A_867 {strides = array<i32>} : memref<200x128xf32, #tpu.memory_space<vmem>>, vector<16xf32>,
              %add3A_870 = arith.constant 10 : i32
              %add3A_871 = arith.addi %min3A_546, %add3A_870 : i32
              %broadcast_in_dim3A_872 = arith.constant 0.000000e+00 : f32
              %broadcast_in_dim3A_873 = vector.broadcast %broadcast_in_dim3A_872 : f32 to vector<16xf32>
              %swap3A_874 = arith.index_cast %add3A_871 : i32 to index
              %swap3A_875 = arith.constant 16 : index
              %swap3A_876 = tpu.vector_load %arg7[%swap3A_874, %swap3A_875] {strides = array<i32>} : memref<200x128xf32, #tpu.memory_space<vmem>>, vector<16xf32>,
              tpu.vector_store %arg7[%swap3A_874, %swap3A_875], %broadcast_in_dim3A_873 {strides = array<i32>} : memref<200x128xf32, #tpu.memory_space<vmem>>, vector<16xf32>,
              %add3A_877 = arith.constant 10 : i32
              %add3A_878 = arith.addi %min3A_546, %add3A_877 : i32
              %broadcast_in_dim3A_879 = arith.constant 0.000000e+00 : f32
              %broadcast_in_dim3A_880 = vector.broadcast %broadcast_in_dim3A_879 : f32 to vector<16xf32>
              %swap3A_881 = arith.index_cast %add3A_878 : i32 to index
              %swap3A_882 = arith.constant 32 : index
              %swap3A_883 = tpu.vector_load %arg7[%swap3A_881, %swap3A_882] {strides = array<i32>} : memref<200x128xf32, #tpu.memory_space<vmem>>, vector<16xf32>,
              tpu.vector_store %arg7[%swap3A_881, %swap3A_882], %broadcast_in_dim3A_880 {strides = array<i32>} : memref<200x128xf32, #tpu.memory_space<vmem>>, vector<16xf32>,
              %add3A_884 = arith.constant 10 : i32
              %add3A_885 = arith.addi %min3A_546, %add3A_884 : i32
              %broadcast_in_dim3A_886 = arith.constant 0.000000e+00 : f32
              %broadcast_in_dim3A_887 = vector.broadcast %broadcast_in_dim3A_886 : f32 to vector<16xf32>
              %swap3A_888 = arith.index_cast %add3A_885 : i32 to index
              %swap3A_889 = arith.constant 48 : index
              %swap3A_890 = tpu.vector_load %arg7[%swap3A_888, %swap3A_889] {strides = array<i32>} : memref<200x128xf32, #tpu.memory_space<vmem>>, vector<16xf32>,
              tpu.vector_store %arg7[%swap3A_888, %swap3A_889], %broadcast_in_dim3A_887 {strides = array<i32>} : memref<200x128xf32, #tpu.memory_space<vmem>>, vector<16xf32>,
            } else {
            }
            %eq3A_769 = arith.constant 11 : i32
            %eq3A_770 = vector.broadcast %eq3A_769 : i32 to vector<16xi32>
            %eq3A_771 = arith.cmpi eq, %iota3A, %eq3A_770 : vector<16xi32>
            %jit3A_772 = arith.constant 1 : i32
            %broadcast_in_dim3A_773 = vector.broadcast %jit3A_772 : i32 to vector<16xi32>
            %select_n3A_774 = arith.select %eq3A_771, %get3A_549, %broadcast_in_dim3A_773 : vector<16xi1>, vector<16xi32>
            %reduce_min3A_775 = arith.constant true
            %reduce_min3A_776 = vector.broadcast %reduce_min3A_775 : i1 to vector<16xi1>
            %reduce_min3A_777 = arith.constant -2147483648 : i32
            %reduce_min3A_778 = vector.broadcast %reduce_min3A_777 : i32 to vector<16xi32>
            %reduce_min3A_779 = arith.xori %select_n3A_774, %reduce_min3A_778 : vector<16xi32>
            %reduce_min3A_780 = tpu.scan <min>, %reduce_min3A_779 masked %reduce_min3A_776 : vector<16xi32>, vector<16xi1> -> vector<16xi32>
            %reduce_min3A_781 = arith.xori %reduce_min3A_780, %reduce_min3A_778 : vector<16xi32>
            %reduce_min3A_782 = vector.extract %reduce_min3A_781[15] : i32 from vector<16xi32>
            %eq3A_783 = arith.constant 0 : i32
            %eq3A_784 = arith.cmpi eq, %reduce_min3A_782, %eq3A_783 : i32
            %convert_element_type3A_785 = arith.extui %eq3A_784 : i1 to i32
            %cond3A_786 = arith.constant 0 : i32
            %cond3A_787 = arith.cmpi ne, %convert_element_type3A_785, %cond3A_786 : i32
            scf.if %cond3A_787 {
              %add3A_864 = arith.constant 11 : i32
              %add3A_865 = arith.addi %min3A_546, %add3A_864 : i32
              %broadcast_in_dim3A_866 = arith.constant 0.000000e+00 : f32
              %broadcast_in_dim3A_867 = vector.broadcast %broadcast_in_dim3A_866 : f32 to vector<16xf32>
              %swap3A = arith.index_cast %add3A_865 : i32 to index
              %swap3A_868 = arith.constant 0 : index
              %swap3A_869 = tpu.vector_load %arg7[%swap3A, %swap3A_868] {strides = array<i32>} : memref<200x128xf32, #tpu.memory_space<vmem>>, vector<16xf32>,
              tpu.vector_store %arg7[%swap3A, %swap3A_868], %broadcast_in_dim3A_867 {strides = array<i32>} : memref<200x128xf32, #tpu.memory_space<vmem>>, vector<16xf32>,
              %add3A_870 = arith.constant 11 : i32
              %add3A_871 = arith.addi %min3A_546, %add3A_870 : i32
              %broadcast_in_dim3A_872 = arith.constant 0.000000e+00 : f32
              %broadcast_in_dim3A_873 = vector.broadcast %broadcast_in_dim3A_872 : f32 to vector<16xf32>
              %swap3A_874 = arith.index_cast %add3A_871 : i32 to index
              %swap3A_875 = arith.constant 16 : index
              %swap3A_876 = tpu.vector_load %arg7[%swap3A_874, %swap3A_875] {strides = array<i32>} : memref<200x128xf32, #tpu.memory_space<vmem>>, vector<16xf32>,
              tpu.vector_store %arg7[%swap3A_874, %swap3A_875], %broadcast_in_dim3A_873 {strides = array<i32>} : memref<200x128xf32, #tpu.memory_space<vmem>>, vector<16xf32>,
              %add3A_877 = arith.constant 11 : i32
              %add3A_878 = arith.addi %min3A_546, %add3A_877 : i32
              %broadcast_in_dim3A_879 = arith.constant 0.000000e+00 : f32
              %broadcast_in_dim3A_880 = vector.broadcast %broadcast_in_dim3A_879 : f32 to vector<16xf32>
              %swap3A_881 = arith.index_cast %add3A_878 : i32 to index
              %swap3A_882 = arith.constant 32 : index
              %swap3A_883 = tpu.vector_load %arg7[%swap3A_881, %swap3A_882] {strides = array<i32>} : memref<200x128xf32, #tpu.memory_space<vmem>>, vector<16xf32>,
              tpu.vector_store %arg7[%swap3A_881, %swap3A_882], %broadcast_in_dim3A_880 {strides = array<i32>} : memref<200x128xf32, #tpu.memory_space<vmem>>, vector<16xf32>,
              %add3A_884 = arith.constant 11 : i32
              %add3A_885 = arith.addi %min3A_546, %add3A_884 : i32
              %broadcast_in_dim3A_886 = arith.constant 0.000000e+00 : f32
              %broadcast_in_dim3A_887 = vector.broadcast %broadcast_in_dim3A_886 : f32 to vector<16xf32>
              %swap3A_888 = arith.index_cast %add3A_885 : i32 to index
              %swap3A_889 = arith.constant 48 : index
              %swap3A_890 = tpu.vector_load %arg7[%swap3A_888, %swap3A_889] {strides = array<i32>} : memref<200x128xf32, #tpu.memory_space<vmem>>, vector<16xf32>,
              tpu.vector_store %arg7[%swap3A_888, %swap3A_889], %broadcast_in_dim3A_887 {strides = array<i32>} : memref<200x128xf32, #tpu.memory_space<vmem>>, vector<16xf32>,
            } else {
            }
            %eq3A_788 = arith.constant 12 : i32
            %eq3A_789 = vector.broadcast %eq3A_788 : i32 to vector<16xi32>
            %eq3A_790 = arith.cmpi eq, %iota3A, %eq3A_789 : vector<16xi32>
            %jit3A_791 = arith.constant 1 : i32
            %broadcast_in_dim3A_792 = vector.broadcast %jit3A_791 : i32 to vector<16xi32>
            %select_n3A_793 = arith.select %eq3A_790, %get3A_549, %broadcast_in_dim3A_792 : vector<16xi1>, vector<16xi32>
            %reduce_min3A_794 = arith.constant true
            %reduce_min3A_795 = vector.broadcast %reduce_min3A_794 : i1 to vector<16xi1>
            %reduce_min3A_796 = arith.constant -2147483648 : i32
            %reduce_min3A_797 = vector.broadcast %reduce_min3A_796 : i32 to vector<16xi32>
            %reduce_min3A_798 = arith.xori %select_n3A_793, %reduce_min3A_797 : vector<16xi32>
            %reduce_min3A_799 = tpu.scan <min>, %reduce_min3A_798 masked %reduce_min3A_795 : vector<16xi32>, vector<16xi1> -> vector<16xi32>
            %reduce_min3A_800 = arith.xori %reduce_min3A_799, %reduce_min3A_797 : vector<16xi32>
            %reduce_min3A_801 = vector.extract %reduce_min3A_800[15] : i32 from vector<16xi32>
            %eq3A_802 = arith.constant 0 : i32
            %eq3A_803 = arith.cmpi eq, %reduce_min3A_801, %eq3A_802 : i32
            %convert_element_type3A_804 = arith.extui %eq3A_803 : i1 to i32
            %cond3A_805 = arith.constant 0 : i32
            %cond3A_806 = arith.cmpi ne, %convert_element_type3A_804, %cond3A_805 : i32
            scf.if %cond3A_806 {
              %add3A_864 = arith.constant 12 : i32
              %add3A_865 = arith.addi %min3A_546, %add3A_864 : i32
              %broadcast_in_dim3A_866 = arith.constant 0.000000e+00 : f32
              %broadcast_in_dim3A_867 = vector.broadcast %broadcast_in_dim3A_866 : f32 to vector<16xf32>
              %swap3A = arith.index_cast %add3A_865 : i32 to index
              %swap3A_868 = arith.constant 0 : index
              %swap3A_869 = tpu.vector_load %arg7[%swap3A, %swap3A_868] {strides = array<i32>} : memref<200x128xf32, #tpu.memory_space<vmem>>, vector<16xf32>,
              tpu.vector_store %arg7[%swap3A, %swap3A_868], %broadcast_in_dim3A_867 {strides = array<i32>} : memref<200x128xf32, #tpu.memory_space<vmem>>, vector<16xf32>,
              %add3A_870 = arith.constant 12 : i32
              %add3A_871 = arith.addi %min3A_546, %add3A_870 : i32
              %broadcast_in_dim3A_872 = arith.constant 0.000000e+00 : f32
              %broadcast_in_dim3A_873 = vector.broadcast %broadcast_in_dim3A_872 : f32 to vector<16xf32>
              %swap3A_874 = arith.index_cast %add3A_871 : i32 to index
              %swap3A_875 = arith.constant 16 : index
              %swap3A_876 = tpu.vector_load %arg7[%swap3A_874, %swap3A_875] {strides = array<i32>} : memref<200x128xf32, #tpu.memory_space<vmem>>, vector<16xf32>,
              tpu.vector_store %arg7[%swap3A_874, %swap3A_875], %broadcast_in_dim3A_873 {strides = array<i32>} : memref<200x128xf32, #tpu.memory_space<vmem>>, vector<16xf32>,
              %add3A_877 = arith.constant 12 : i32
              %add3A_878 = arith.addi %min3A_546, %add3A_877 : i32
              %broadcast_in_dim3A_879 = arith.constant 0.000000e+00 : f32
              %broadcast_in_dim3A_880 = vector.broadcast %broadcast_in_dim3A_879 : f32 to vector<16xf32>
              %swap3A_881 = arith.index_cast %add3A_878 : i32 to index
              %swap3A_882 = arith.constant 32 : index
              %swap3A_883 = tpu.vector_load %arg7[%swap3A_881, %swap3A_882] {strides = array<i32>} : memref<200x128xf32, #tpu.memory_space<vmem>>, vector<16xf32>,
              tpu.vector_store %arg7[%swap3A_881, %swap3A_882], %broadcast_in_dim3A_880 {strides = array<i32>} : memref<200x128xf32, #tpu.memory_space<vmem>>, vector<16xf32>,
              %add3A_884 = arith.constant 12 : i32
              %add3A_885 = arith.addi %min3A_546, %add3A_884 : i32
              %broadcast_in_dim3A_886 = arith.constant 0.000000e+00 : f32
              %broadcast_in_dim3A_887 = vector.broadcast %broadcast_in_dim3A_886 : f32 to vector<16xf32>
              %swap3A_888 = arith.index_cast %add3A_885 : i32 to index
              %swap3A_889 = arith.constant 48 : index
              %swap3A_890 = tpu.vector_load %arg7[%swap3A_888, %swap3A_889] {strides = array<i32>} : memref<200x128xf32, #tpu.memory_space<vmem>>, vector<16xf32>,
              tpu.vector_store %arg7[%swap3A_888, %swap3A_889], %broadcast_in_dim3A_887 {strides = array<i32>} : memref<200x128xf32, #tpu.memory_space<vmem>>, vector<16xf32>,
            } else {
            }
            %eq3A_807 = arith.constant 13 : i32
            %eq3A_808 = vector.broadcast %eq3A_807 : i32 to vector<16xi32>
            %eq3A_809 = arith.cmpi eq, %iota3A, %eq3A_808 : vector<16xi32>
            %jit3A_810 = arith.constant 1 : i32
            %broadcast_in_dim3A_811 = vector.broadcast %jit3A_810 : i32 to vector<16xi32>
            %select_n3A_812 = arith.select %eq3A_809, %get3A_549, %broadcast_in_dim3A_811 : vector<16xi1>, vector<16xi32>
            %reduce_min3A_813 = arith.constant true
            %reduce_min3A_814 = vector.broadcast %reduce_min3A_813 : i1 to vector<16xi1>
            %reduce_min3A_815 = arith.constant -2147483648 : i32
            %reduce_min3A_816 = vector.broadcast %reduce_min3A_815 : i32 to vector<16xi32>
            %reduce_min3A_817 = arith.xori %select_n3A_812, %reduce_min3A_816 : vector<16xi32>
            %reduce_min3A_818 = tpu.scan <min>, %reduce_min3A_817 masked %reduce_min3A_814 : vector<16xi32>, vector<16xi1> -> vector<16xi32>
            %reduce_min3A_819 = arith.xori %reduce_min3A_818, %reduce_min3A_816 : vector<16xi32>
            %reduce_min3A_820 = vector.extract %reduce_min3A_819[15] : i32 from vector<16xi32>
            %eq3A_821 = arith.constant 0 : i32
            %eq3A_822 = arith.cmpi eq, %reduce_min3A_820, %eq3A_821 : i32
            %convert_element_type3A_823 = arith.extui %eq3A_822 : i1 to i32
            %cond3A_824 = arith.constant 0 : i32
            %cond3A_825 = arith.cmpi ne, %convert_element_type3A_823, %cond3A_824 : i32
            scf.if %cond3A_825 {
              %add3A_864 = arith.constant 13 : i32
              %add3A_865 = arith.addi %min3A_546, %add3A_864 : i32
              %broadcast_in_dim3A_866 = arith.constant 0.000000e+00 : f32
              %broadcast_in_dim3A_867 = vector.broadcast %broadcast_in_dim3A_866 : f32 to vector<16xf32>
              %swap3A = arith.index_cast %add3A_865 : i32 to index
              %swap3A_868 = arith.constant 0 : index
              %swap3A_869 = tpu.vector_load %arg7[%swap3A, %swap3A_868] {strides = array<i32>} : memref<200x128xf32, #tpu.memory_space<vmem>>, vector<16xf32>,
              tpu.vector_store %arg7[%swap3A, %swap3A_868], %broadcast_in_dim3A_867 {strides = array<i32>} : memref<200x128xf32, #tpu.memory_space<vmem>>, vector<16xf32>,
              %add3A_870 = arith.constant 13 : i32
              %add3A_871 = arith.addi %min3A_546, %add3A_870 : i32
              %broadcast_in_dim3A_872 = arith.constant 0.000000e+00 : f32
              %broadcast_in_dim3A_873 = vector.broadcast %broadcast_in_dim3A_872 : f32 to vector<16xf32>
              %swap3A_874 = arith.index_cast %add3A_871 : i32 to index
              %swap3A_875 = arith.constant 16 : index
              %swap3A_876 = tpu.vector_load %arg7[%swap3A_874, %swap3A_875] {strides = array<i32>} : memref<200x128xf32, #tpu.memory_space<vmem>>, vector<16xf32>,
              tpu.vector_store %arg7[%swap3A_874, %swap3A_875], %broadcast_in_dim3A_873 {strides = array<i32>} : memref<200x128xf32, #tpu.memory_space<vmem>>, vector<16xf32>,
              %add3A_877 = arith.constant 13 : i32
              %add3A_878 = arith.addi %min3A_546, %add3A_877 : i32
              %broadcast_in_dim3A_879 = arith.constant 0.000000e+00 : f32
              %broadcast_in_dim3A_880 = vector.broadcast %broadcast_in_dim3A_879 : f32 to vector<16xf32>
              %swap3A_881 = arith.index_cast %add3A_878 : i32 to index
              %swap3A_882 = arith.constant 32 : index
              %swap3A_883 = tpu.vector_load %arg7[%swap3A_881, %swap3A_882] {strides = array<i32>} : memref<200x128xf32, #tpu.memory_space<vmem>>, vector<16xf32>,
              tpu.vector_store %arg7[%swap3A_881, %swap3A_882], %broadcast_in_dim3A_880 {strides = array<i32>} : memref<200x128xf32, #tpu.memory_space<vmem>>, vector<16xf32>,
              %add3A_884 = arith.constant 13 : i32
              %add3A_885 = arith.addi %min3A_546, %add3A_884 : i32
              %broadcast_in_dim3A_886 = arith.constant 0.000000e+00 : f32
              %broadcast_in_dim3A_887 = vector.broadcast %broadcast_in_dim3A_886 : f32 to vector<16xf32>
              %swap3A_888 = arith.index_cast %add3A_885 : i32 to index
              %swap3A_889 = arith.constant 48 : index
              %swap3A_890 = tpu.vector_load %arg7[%swap3A_888, %swap3A_889] {strides = array<i32>} : memref<200x128xf32, #tpu.memory_space<vmem>>, vector<16xf32>,
              tpu.vector_store %arg7[%swap3A_888, %swap3A_889], %broadcast_in_dim3A_887 {strides = array<i32>} : memref<200x128xf32, #tpu.memory_space<vmem>>, vector<16xf32>,
            } else {
            }
            %eq3A_826 = arith.constant 14 : i32
            %eq3A_827 = vector.broadcast %eq3A_826 : i32 to vector<16xi32>
            %eq3A_828 = arith.cmpi eq, %iota3A, %eq3A_827 : vector<16xi32>
            %jit3A_829 = arith.constant 1 : i32
            %broadcast_in_dim3A_830 = vector.broadcast %jit3A_829 : i32 to vector<16xi32>
            %select_n3A_831 = arith.select %eq3A_828, %get3A_549, %broadcast_in_dim3A_830 : vector<16xi1>, vector<16xi32>
            %reduce_min3A_832 = arith.constant true
            %reduce_min3A_833 = vector.broadcast %reduce_min3A_832 : i1 to vector<16xi1>
            %reduce_min3A_834 = arith.constant -2147483648 : i32
            %reduce_min3A_835 = vector.broadcast %reduce_min3A_834 : i32 to vector<16xi32>
            %reduce_min3A_836 = arith.xori %select_n3A_831, %reduce_min3A_835 : vector<16xi32>
            %reduce_min3A_837 = tpu.scan <min>, %reduce_min3A_836 masked %reduce_min3A_833 : vector<16xi32>, vector<16xi1> -> vector<16xi32>
            %reduce_min3A_838 = arith.xori %reduce_min3A_837, %reduce_min3A_835 : vector<16xi32>
            %reduce_min3A_839 = vector.extract %reduce_min3A_838[15] : i32 from vector<16xi32>
            %eq3A_840 = arith.constant 0 : i32
            %eq3A_841 = arith.cmpi eq, %reduce_min3A_839, %eq3A_840 : i32
            %convert_element_type3A_842 = arith.extui %eq3A_841 : i1 to i32
            %cond3A_843 = arith.constant 0 : i32
            %cond3A_844 = arith.cmpi ne, %convert_element_type3A_842, %cond3A_843 : i32
            scf.if %cond3A_844 {
              %add3A_864 = arith.constant 14 : i32
              %add3A_865 = arith.addi %min3A_546, %add3A_864 : i32
              %broadcast_in_dim3A_866 = arith.constant 0.000000e+00 : f32
              %broadcast_in_dim3A_867 = vector.broadcast %broadcast_in_dim3A_866 : f32 to vector<16xf32>
              %swap3A = arith.index_cast %add3A_865 : i32 to index
              %swap3A_868 = arith.constant 0 : index
              %swap3A_869 = tpu.vector_load %arg7[%swap3A, %swap3A_868] {strides = array<i32>} : memref<200x128xf32, #tpu.memory_space<vmem>>, vector<16xf32>,
              tpu.vector_store %arg7[%swap3A, %swap3A_868], %broadcast_in_dim3A_867 {strides = array<i32>} : memref<200x128xf32, #tpu.memory_space<vmem>>, vector<16xf32>,
              %add3A_870 = arith.constant 14 : i32
              %add3A_871 = arith.addi %min3A_546, %add3A_870 : i32
              %broadcast_in_dim3A_872 = arith.constant 0.000000e+00 : f32
              %broadcast_in_dim3A_873 = vector.broadcast %broadcast_in_dim3A_872 : f32 to vector<16xf32>
              %swap3A_874 = arith.index_cast %add3A_871 : i32 to index
              %swap3A_875 = arith.constant 16 : index
              %swap3A_876 = tpu.vector_load %arg7[%swap3A_874, %swap3A_875] {strides = array<i32>} : memref<200x128xf32, #tpu.memory_space<vmem>>, vector<16xf32>,
              tpu.vector_store %arg7[%swap3A_874, %swap3A_875], %broadcast_in_dim3A_873 {strides = array<i32>} : memref<200x128xf32, #tpu.memory_space<vmem>>, vector<16xf32>,
              %add3A_877 = arith.constant 14 : i32
              %add3A_878 = arith.addi %min3A_546, %add3A_877 : i32
              %broadcast_in_dim3A_879 = arith.constant 0.000000e+00 : f32
              %broadcast_in_dim3A_880 = vector.broadcast %broadcast_in_dim3A_879 : f32 to vector<16xf32>
              %swap3A_881 = arith.index_cast %add3A_878 : i32 to index
              %swap3A_882 = arith.constant 32 : index
              %swap3A_883 = tpu.vector_load %arg7[%swap3A_881, %swap3A_882] {strides = array<i32>} : memref<200x128xf32, #tpu.memory_space<vmem>>, vector<16xf32>,
              tpu.vector_store %arg7[%swap3A_881, %swap3A_882], %broadcast_in_dim3A_880 {strides = array<i32>} : memref<200x128xf32, #tpu.memory_space<vmem>>, vector<16xf32>,
              %add3A_884 = arith.constant 14 : i32
              %add3A_885 = arith.addi %min3A_546, %add3A_884 : i32
              %broadcast_in_dim3A_886 = arith.constant 0.000000e+00 : f32
              %broadcast_in_dim3A_887 = vector.broadcast %broadcast_in_dim3A_886 : f32 to vector<16xf32>
              %swap3A_888 = arith.index_cast %add3A_885 : i32 to index
              %swap3A_889 = arith.constant 48 : index
              %swap3A_890 = tpu.vector_load %arg7[%swap3A_888, %swap3A_889] {strides = array<i32>} : memref<200x128xf32, #tpu.memory_space<vmem>>, vector<16xf32>,
              tpu.vector_store %arg7[%swap3A_888, %swap3A_889], %broadcast_in_dim3A_887 {strides = array<i32>} : memref<200x128xf32, #tpu.memory_space<vmem>>, vector<16xf32>,
            } else {
            }
            %eq3A_845 = arith.constant 15 : i32
            %eq3A_846 = vector.broadcast %eq3A_845 : i32 to vector<16xi32>
            %eq3A_847 = arith.cmpi eq, %iota3A, %eq3A_846 : vector<16xi32>
            %jit3A_848 = arith.constant 1 : i32
            %broadcast_in_dim3A_849 = vector.broadcast %jit3A_848 : i32 to vector<16xi32>
            %select_n3A_850 = arith.select %eq3A_847, %get3A_549, %broadcast_in_dim3A_849 : vector<16xi1>, vector<16xi32>
            %reduce_min3A_851 = arith.constant true
            %reduce_min3A_852 = vector.broadcast %reduce_min3A_851 : i1 to vector<16xi1>
            %reduce_min3A_853 = arith.constant -2147483648 : i32
            %reduce_min3A_854 = vector.broadcast %reduce_min3A_853 : i32 to vector<16xi32>
            %reduce_min3A_855 = arith.xori %select_n3A_850, %reduce_min3A_854 : vector<16xi32>
            %reduce_min3A_856 = tpu.scan <min>, %reduce_min3A_855 masked %reduce_min3A_852 : vector<16xi32>, vector<16xi1> -> vector<16xi32>
            %reduce_min3A_857 = arith.xori %reduce_min3A_856, %reduce_min3A_854 : vector<16xi32>
            %reduce_min3A_858 = vector.extract %reduce_min3A_857[15] : i32 from vector<16xi32>
            %eq3A_859 = arith.constant 0 : i32
            %eq3A_860 = arith.cmpi eq, %reduce_min3A_858, %eq3A_859 : i32
            %convert_element_type3A_861 = arith.extui %eq3A_860 : i1 to i32
            %cond3A_862 = arith.constant 0 : i32
            %cond3A_863 = arith.cmpi ne, %convert_element_type3A_861, %cond3A_862 : i32
            scf.if %cond3A_863 {
              %add3A_864 = arith.constant 15 : i32
              %add3A_865 = arith.addi %min3A_546, %add3A_864 : i32
              %broadcast_in_dim3A_866 = arith.constant 0.000000e+00 : f32
              %broadcast_in_dim3A_867 = vector.broadcast %broadcast_in_dim3A_866 : f32 to vector<16xf32>
              %swap3A = arith.index_cast %add3A_865 : i32 to index
              %swap3A_868 = arith.constant 0 : index
              %swap3A_869 = tpu.vector_load %arg7[%swap3A, %swap3A_868] {strides = array<i32>} : memref<200x128xf32, #tpu.memory_space<vmem>>, vector<16xf32>,
              tpu.vector_store %arg7[%swap3A, %swap3A_868], %broadcast_in_dim3A_867 {strides = array<i32>} : memref<200x128xf32, #tpu.memory_space<vmem>>, vector<16xf32>,
              %add3A_870 = arith.constant 15 : i32
              %add3A_871 = arith.addi %min3A_546, %add3A_870 : i32
              %broadcast_in_dim3A_872 = arith.constant 0.000000e+00 : f32
              %broadcast_in_dim3A_873 = vector.broadcast %broadcast_in_dim3A_872 : f32 to vector<16xf32>
              %swap3A_874 = arith.index_cast %add3A_871 : i32 to index
              %swap3A_875 = arith.constant 16 : index
              %swap3A_876 = tpu.vector_load %arg7[%swap3A_874, %swap3A_875] {strides = array<i32>} : memref<200x128xf32, #tpu.memory_space<vmem>>, vector<16xf32>,
              tpu.vector_store %arg7[%swap3A_874, %swap3A_875], %broadcast_in_dim3A_873 {strides = array<i32>} : memref<200x128xf32, #tpu.memory_space<vmem>>, vector<16xf32>,
              %add3A_877 = arith.constant 15 : i32
              %add3A_878 = arith.addi %min3A_546, %add3A_877 : i32
              %broadcast_in_dim3A_879 = arith.constant 0.000000e+00 : f32
              %broadcast_in_dim3A_880 = vector.broadcast %broadcast_in_dim3A_879 : f32 to vector<16xf32>
              %swap3A_881 = arith.index_cast %add3A_878 : i32 to index
              %swap3A_882 = arith.constant 32 : index
              %swap3A_883 = tpu.vector_load %arg7[%swap3A_881, %swap3A_882] {strides = array<i32>} : memref<200x128xf32, #tpu.memory_space<vmem>>, vector<16xf32>,
              tpu.vector_store %arg7[%swap3A_881, %swap3A_882], %broadcast_in_dim3A_880 {strides = array<i32>} : memref<200x128xf32, #tpu.memory_space<vmem>>, vector<16xf32>,
              %add3A_884 = arith.constant 15 : i32
              %add3A_885 = arith.addi %min3A_546, %add3A_884 : i32
              %broadcast_in_dim3A_886 = arith.constant 0.000000e+00 : f32
              %broadcast_in_dim3A_887 = vector.broadcast %broadcast_in_dim3A_886 : f32 to vector<16xf32>
              %swap3A_888 = arith.index_cast %add3A_885 : i32 to index
              %swap3A_889 = arith.constant 48 : index
              %swap3A_890 = tpu.vector_load %arg7[%swap3A_888, %swap3A_889] {strides = array<i32>} : memref<200x128xf32, #tpu.memory_space<vmem>>, vector<16xf32>,
              tpu.vector_store %arg7[%swap3A_888, %swap3A_889], %broadcast_in_dim3A_887 {strides = array<i32>} : memref<200x128xf32, #tpu.memory_space<vmem>>, vector<16xf32>,
            } else {
            }
          } else {
          }
        }
        %scan3A_537 = arith.constant 13 : i32
      } else {
      }
      %add3A_295 = arith.addi %mul3A_2, %add3A_201 : i32
      %dma_start3A_296 = arith.constant 0 : i32
      %dma_start3A_297 = arith.constant 0 : i32
      %dma_start3A_298 = tpu.memref_slice %arg4[%add3A_295, %dma_start3A_296, %dma_start3A_297] : memref<4096x200x128xf32, #tpu.memory_space<hbm>> -> memref<1x200x128xf32, #tpu.memory_space<hbm>>
      %dma_start3A_299 = tpu.memref_squeeze %dma_start3A_298 : memref<1x200x128xf32, #tpu.memory_space<hbm>> -> memref<200x128xf32, #tpu.memory_space<hbm>>
      %dma_start3A_300 = arith.constant 0 : i32
      %dma_start3A_301 = arith.constant 0 : i32
      %dma_start3A_302 = tpu.memref_slice %arg4[%add3A_295, %dma_start3A_300, %dma_start3A_301] : memref<4096x200x128xf32, #tpu.memory_space<hbm>> -> memref<1x200x128xf32, #tpu.memory_space<hbm>>
      %dma_start3A_303 = tpu.memref_squeeze %dma_start3A_302 : memref<1x200x128xf32, #tpu.memory_space<hbm>> -> memref<200x128xf32, #tpu.memory_space<hbm>>
      tpu.enqueue_dma source(%arg7 : memref<200x128xf32, #tpu.memory_space<vmem>>) target(%dma_start3A_303 : memref<200x128xf32, #tpu.memory_space<hbm>>) target_semaphore(%arg16 : memref<!tpu.dma_semaphore, #tpu.memory_space<semaphore_mem>>)
      %add3A_304 = arith.constant 3 : i32
      %add3A_305 = arith.addi %add3A_201, %add3A_304 : i32
      %lt3A_306 = arith.constant 128 : i32
      %lt3A_307 = arith.cmpi slt, %add3A_305, %lt3A_306 : i32
      %convert_element_type3A_308 = arith.extui %lt3A_307 : i1 to i32
      %cond3A_309 = arith.constant 0 : i32
      %cond3A_310 = arith.cmpi ne, %convert_element_type3A_308, %cond3A_309 : i32
      scf.if %cond3A_310 {
        %ge3A = arith.constant 1 : i32
        %ge3A_533 = arith.cmpi sge, %add3A_201, %ge3A : i32
        %convert_element_type3A_534 = arith.extui %ge3A_533 : i1 to i32
        %cond3A_535 = arith.constant 0 : i32
        %cond3A_536 = arith.cmpi ne, %convert_element_type3A_534, %cond3A_535 : i32
        scf.if %cond3A_536 {
          %dma_wait3A_559 = arith.constant 0 : i32
          %dma_wait3A_560 = arith.constant 0 : i32
          %dma_wait3A_561 = tpu.memref_slice %arg4[%mul3A_2, %dma_wait3A_559, %dma_wait3A_560] : memref<4096x200x128xf32, #tpu.memory_space<hbm>> -> memref<1x200x128xf32, #tpu.memory_space<hbm>>
          %dma_wait3A_562 = tpu.memref_squeeze %dma_wait3A_561 : memref<1x200x128xf32, #tpu.memory_space<hbm>> -> memref<200x128xf32, #tpu.memory_space<hbm>>
          %dma_wait3A_563 = arith.constant 0 : i32
          %dma_wait3A_564 = arith.constant 0 : i32
          %dma_wait3A_565 = tpu.memref_slice %arg4[%mul3A_2, %dma_wait3A_563, %dma_wait3A_564] : memref<4096x200x128xf32, #tpu.memory_space<hbm>> -> memref<1x200x128xf32, #tpu.memory_space<hbm>>
          %dma_wait3A_566 = tpu.memref_squeeze %dma_wait3A_565 : memref<1x200x128xf32, #tpu.memory_space<hbm>> -> memref<200x128xf32, #tpu.memory_space<hbm>>
          tpu.wait_dma2 semaphore(%arg15 : memref<!tpu.dma_semaphore, #tpu.memory_space<semaphore_mem>>) src(%arg6 : memref<200x128xf32, #tpu.memory_space<vmem>>) dst(%dma_wait3A_566 : memref<200x128xf32, #tpu.memory_space<hbm>>)
        } else {
        }
        %mul3A_537 = arith.constant 208 : i32
        %mul3A_538 = arith.muli %add3A_305, %mul3A_537 : i32
        %add3A_539 = arith.constant 0 : i32
        %add3A_540 = arith.addi %mul3A_538, %add3A_539 : i32
        %dma_start3A_541 = arith.constant 0 : i32
        %dma_start3A_542 = arith.constant 0 : i32
        %dma_start3A_543 = tpu.memref_slice %arg6[%dma_start3A_541, %dma_start3A_542] : memref<200x128xf32, #tpu.memory_space<vmem>> -> memref<128x128xf32, #tpu.memory_space<vmem>>
        %dma_start3A_544 = tpu.memref_slice %arg5[%add3A_540] : memref<26624xi32, #tpu.memory_space<vmem>> -> memref<128xi32, #tpu.memory_space<vmem>>
        %dma_start3A_545 = arith.constant 0 : i32
        %dma_start3A_546 = arith.constant 0 : i32
        %dma_start3A_547 = tpu.memref_slice %arg2[%dma_start3A_545, %dma_start3A_546] : memref<100000x128xf32, #tpu.memory_space<hbm>> -> memref<100000x128xf32, #tpu.memory_space<hbm>>
        tpu.enqueue_indirect_dma source(%dma_start3A_547 : memref<100000x128xf32, #tpu.memory_space<hbm>>) target(%dma_start3A_543 : memref<128x128xf32, #tpu.memory_space<vmem>>) offsets(%dma_start3A_544 : memref<128xi32, #tpu.memory_space<vmem>>) semaphore(%arg11 : memref<!tpu.dma_semaphore, #tpu.memory_space<semaphore_mem>>)
        %mul3A_548 = arith.constant 208 : i32
        %mul3A_549 = arith.muli %add3A_305, %mul3A_548 : i32
        %add3A_550 = arith.constant 128 : i32
        %add3A_551 = arith.addi %mul3A_549, %add3A_550 : i32
        %dma_start3A_552 = arith.constant 128 : i32
        %dma_start3A_553 = arith.constant 0 : i32
        %dma_start3A_554 = tpu.memref_slice %arg6[%dma_start3A_552, %dma_start3A_553] : memref<200x128xf32, #tpu.memory_space<vmem>> -> memref<72x128xf32, #tpu.memory_space<vmem>>
        %dma_start3A_555 = tpu.memref_slice %arg5[%add3A_551] : memref<26624xi32, #tpu.memory_space<vmem>> -> memref<72xi32, #tpu.memory_space<vmem>>
        %dma_start3A_556 = arith.constant 0 : i32
        %dma_start3A_557 = arith.constant 0 : i32
        %dma_start3A_558 = tpu.memref_slice %arg2[%dma_start3A_556, %dma_start3A_557] : memref<100000x128xf32, #tpu.memory_space<hbm>> -> memref<100000x128xf32, #tpu.memory_space<hbm>>
        tpu.enqueue_indirect_dma source(%dma_start3A_558 : memref<100000x128xf32, #tpu.memory_space<hbm>>) target(%dma_start3A_554 : memref<72x128xf32, #tpu.memory_space<vmem>>) offsets(%dma_start3A_555 : memref<72xi32, #tpu.memory_space<vmem>>) semaphore(%arg11 : memref<!tpu.dma_semaphore, #tpu.memory_space<semaphore_mem>>)
      } else {
      }
      %add3A_311 = arith.constant 2 : i32
      %add3A_312 = arith.addi %add3A_95, %add3A_311 : i32
      %dma_wait3A_313 = arith.constant 0 : i32
      %dma_wait3A_314 = arith.constant 0 : i32
      %dma_wait3A_315 = tpu.memref_slice %arg8[%dma_wait3A_313, %dma_wait3A_314] : memref<200x128xf32, #tpu.memory_space<vmem>> -> memref<128x128xf32, #tpu.memory_space<vmem>>
      %dma_wait3A_316 = arith.constant 0 : i32
      %dma_wait3A_317 = tpu.memref_slice %arg5[%dma_wait3A_316] : memref<26624xi32, #tpu.memory_space<vmem>> -> memref<128xi32, #tpu.memory_space<vmem>>
      %dma_wait3A_318 = arith.constant 0 : i32
      %dma_wait3A_319 = arith.constant 0 : i32
      %dma_wait3A_320 = tpu.memref_slice %arg2[%dma_wait3A_318, %dma_wait3A_319] : memref<100000x128xf32, #tpu.memory_space<hbm>> -> memref<100000x128xf32, #tpu.memory_space<hbm>>
      tpu.wait_indirect_dma semaphore(%arg13 : memref<!tpu.dma_semaphore, #tpu.memory_space<semaphore_mem>>) src(%dma_wait3A_320 : memref<100000x128xf32, #tpu.memory_space<hbm>>) dst(%dma_wait3A_315 : memref<128x128xf32, #tpu.memory_space<vmem>>)
      %dma_wait3A_321 = arith.constant 128 : i32
      %dma_wait3A_322 = arith.constant 0 : i32
      %dma_wait3A_323 = tpu.memref_slice %arg8[%dma_wait3A_321, %dma_wait3A_322] : memref<200x128xf32, #tpu.memory_space<vmem>> -> memref<72x128xf32, #tpu.memory_space<vmem>>
      %dma_wait3A_324 = arith.constant 128 : i32
      %dma_wait3A_325 = tpu.memref_slice %arg5[%dma_wait3A_324] : memref<26624xi32, #tpu.memory_space<vmem>> -> memref<72xi32, #tpu.memory_space<vmem>>
      %dma_wait3A_326 = arith.constant 0 : i32
      %dma_wait3A_327 = arith.constant 0 : i32
      %dma_wait3A_328 = tpu.memref_slice %arg2[%dma_wait3A_326, %dma_wait3A_327] : memref<100000x128xf32, #tpu.memory_space<hbm>> -> memref<100000x128xf32, #tpu.memory_space<hbm>>
      tpu.wait_indirect_dma semaphore(%arg13 : memref<!tpu.dma_semaphore, #tpu.memory_space<semaphore_mem>>) src(%dma_wait3A_328 : memref<100000x128xf32, #tpu.memory_space<hbm>>) dst(%dma_wait3A_323 : memref<72x128xf32, #tpu.memory_space<vmem>>)
      %mul3A_329 = arith.constant 208 : i32
      %mul3A_330 = arith.muli %add3A_312, %mul3A_329 : i32
      %get3A_331 = arith.index_cast %mul3A_330 : i32 to index
      %get3A_332 = tpu.vector_load %arg5[%get3A_331] {strides = array<i32>} : memref<26624xi32, #tpu.memory_space<vmem>>, vector<16xi32>,
      %add3A_333 = arith.constant 16 : i32
      %add3A_334 = arith.addi %mul3A_330, %add3A_333 : i32
      %get3A_335 = arith.index_cast %add3A_334 : i32 to index
      %get3A_336 = tpu.vector_load %arg5[%get3A_335] {strides = array<i32>} : memref<26624xi32, #tpu.memory_space<vmem>>, vector<16xi32>,
      %min3A_337 = arith.minsi %get3A_332, %get3A_336 : vector<16xi32>
      %add3A_338 = arith.constant 32 : i32
      %add3A_339 = arith.addi %mul3A_330, %add3A_338 : i32
      %get3A_340 = arith.index_cast %add3A_339 : i32 to index
      %get3A_341 = tpu.vector_load %arg5[%get3A_340] {strides = array<i32>} : memref<26624xi32, #tpu.memory_space<vmem>>, vector<16xi32>,
      %min3A_342 = arith.minsi %min3A_337, %get3A_341 : vector<16xi32>
      %add3A_343 = arith.constant 48 : i32
      %add3A_344 = arith.addi %mul3A_330, %add3A_343 : i32
      %get3A_345 = arith.index_cast %add3A_344 : i32 to index
      %get3A_346 = tpu.vector_load %arg5[%get3A_345] {strides = array<i32>} : memref<26624xi32, #tpu.memory_space<vmem>>, vector<16xi32>,
      %min3A_347 = arith.minsi %min3A_342, %get3A_346 : vector<16xi32>
      %add3A_348 = arith.constant 64 : i32
      %add3A_349 = arith.addi %mul3A_330, %add3A_348 : i32
      %get3A_350 = arith.index_cast %add3A_349 : i32 to index
      %get3A_351 = tpu.vector_load %arg5[%get3A_350] {strides = array<i32>} : memref<26624xi32, #tpu.memory_space<vmem>>, vector<16xi32>,
      %min3A_352 = arith.minsi %min3A_347, %get3A_351 : vector<16xi32>
      %add3A_353 = arith.constant 80 : i32
      %add3A_354 = arith.addi %mul3A_330, %add3A_353 : i32
      %get3A_355 = arith.index_cast %add3A_354 : i32 to index
      %get3A_356 = tpu.vector_load %arg5[%get3A_355] {strides = array<i32>} : memref<26624xi32, #tpu.memory_space<vmem>>, vector<16xi32>,
      %min3A_357 = arith.minsi %min3A_352, %get3A_356 : vector<16xi32>
      %add3A_358 = arith.constant 96 : i32
      %add3A_359 = arith.addi %mul3A_330, %add3A_358 : i32
      %get3A_360 = arith.index_cast %add3A_359 : i32 to index
      %get3A_361 = tpu.vector_load %arg5[%get3A_360] {strides = array<i32>} : memref<26624xi32, #tpu.memory_space<vmem>>, vector<16xi32>,
      %min3A_362 = arith.minsi %min3A_357, %get3A_361 : vector<16xi32>
      %add3A_363 = arith.constant 112 : i32
      %add3A_364 = arith.addi %mul3A_330, %add3A_363 : i32
      %get3A_365 = arith.index_cast %add3A_364 : i32 to index
      %get3A_366 = tpu.vector_load %arg5[%get3A_365] {strides = array<i32>} : memref<26624xi32, #tpu.memory_space<vmem>>, vector<16xi32>,
      %min3A_367 = arith.minsi %min3A_362, %get3A_366 : vector<16xi32>
      %add3A_368 = arith.constant 128 : i32
      %add3A_369 = arith.addi %mul3A_330, %add3A_368 : i32
      %get3A_370 = arith.index_cast %add3A_369 : i32 to index
      %get3A_371 = tpu.vector_load %arg5[%get3A_370] {strides = array<i32>} : memref<26624xi32, #tpu.memory_space<vmem>>, vector<16xi32>,
      %min3A_372 = arith.minsi %min3A_367, %get3A_371 : vector<16xi32>
      %add3A_373 = arith.constant 144 : i32
      %add3A_374 = arith.addi %mul3A_330, %add3A_373 : i32
      %get3A_375 = arith.index_cast %add3A_374 : i32 to index
      %get3A_376 = tpu.vector_load %arg5[%get3A_375] {strides = array<i32>} : memref<26624xi32, #tpu.memory_space<vmem>>, vector<16xi32>,
      %min3A_377 = arith.minsi %min3A_372, %get3A_376 : vector<16xi32>
      %add3A_378 = arith.constant 160 : i32
      %add3A_379 = arith.addi %mul3A_330, %add3A_378 : i32
      %get3A_380 = arith.index_cast %add3A_379 : i32 to index
      %get3A_381 = tpu.vector_load %arg5[%get3A_380] {strides = array<i32>} : memref<26624xi32, #tpu.memory_space<vmem>>, vector<16xi32>,
      %min3A_382 = arith.minsi %min3A_377, %get3A_381 : vector<16xi32>
      %add3A_383 = arith.constant 176 : i32
      %add3A_384 = arith.addi %mul3A_330, %add3A_383 : i32
      %get3A_385 = arith.index_cast %add3A_384 : i32 to index
      %get3A_386 = tpu.vector_load %arg5[%get3A_385] {strides = array<i32>} : memref<26624xi32, #tpu.memory_space<vmem>>, vector<16xi32>,
      %min3A_387 = arith.minsi %min3A_382, %get3A_386 : vector<16xi32>
      %add3A_388 = arith.constant 192 : i32
      %add3A_389 = arith.addi %mul3A_330, %add3A_388 : i32
      %get3A_390 = arith.index_cast %add3A_389 : i32 to index
      %get3A_391 = tpu.vector_load %arg5[%get3A_390] {strides = array<i32>} : memref<26624xi32, #tpu.memory_space<vmem>>, vector<16xi32>,
      %min3A_392 = arith.minsi %min3A_387, %get3A_391 : vector<16xi32>
      %reduce_min3A_393 = arith.constant true
      %reduce_min3A_394 = vector.broadcast %reduce_min3A_393 : i1 to vector<16xi1>
      %reduce_min3A_395 = arith.constant -2147483648 : i32
      %reduce_min3A_396 = vector.broadcast %reduce_min3A_395 : i32 to vector<16xi32>
      %reduce_min3A_397 = arith.xori %min3A_392, %reduce_min3A_396 : vector<16xi32>
      %reduce_min3A_398 = tpu.scan <min>, %reduce_min3A_397 masked %reduce_min3A_394 : vector<16xi32>, vector<16xi1> -> vector<16xi32>
      %reduce_min3A_399 = arith.xori %reduce_min3A_398, %reduce_min3A_396 : vector<16xi32>
      %reduce_min3A_400 = vector.extract %reduce_min3A_399[15] : i32 from vector<16xi32>
      %eq3A_401 = arith.constant 0 : i32
      %eq3A_402 = arith.cmpi eq, %reduce_min3A_400, %eq3A_401 : i32
      %convert_element_type3A_403 = arith.extui %eq3A_402 : i1 to i32
      %cond3A_404 = arith.constant 0 : i32
      %cond3A_405 = arith.cmpi ne, %convert_element_type3A_403, %cond3A_404 : i32
      scf.if %cond3A_405 {
        %scan3A_533 = arith.constant 0 : i32
        %scan3A_534 = arith.constant 13 : i32
        %scan3A_535 = arith.addi %scan3A_533, %scan3A_534 : i32
        %scan3A_536 = arith.constant 1 : i32
        scf.for %scan3A_538 = %scan3A_533 to %scan3A_535 step %scan3A_536  : i32 {
          %mul3A_539 = arith.constant 1 : i32
          %mul3A_540 = arith.muli %scan3A_538, %mul3A_539 : i32
          %add3A_541 = arith.constant 0 : i32
          %add3A_542 = arith.addi %add3A_541, %mul3A_540 : i32
          %mul3A_543 = arith.constant 16 : i32
          %mul3A_544 = arith.muli %add3A_542, %mul3A_543 : i32
          %min3A_545 = arith.constant 192 : i32
          %min3A_546 = arith.minsi %mul3A_544, %min3A_545 : i32
          %add3A_547 = arith.addi %mul3A_330, %min3A_546 : i32
          %get3A_548 = arith.index_cast %add3A_547 : i32 to index
          %get3A_549 = tpu.vector_load %arg5[%get3A_548] {strides = array<i32>} : memref<26624xi32, #tpu.memory_space<vmem>>, vector<16xi32>,
          %reduce_min3A_550 = arith.constant true
          %reduce_min3A_551 = vector.broadcast %reduce_min3A_550 : i1 to vector<16xi1>
          %reduce_min3A_552 = arith.constant -2147483648 : i32
          %reduce_min3A_553 = vector.broadcast %reduce_min3A_552 : i32 to vector<16xi32>
          %reduce_min3A_554 = arith.xori %get3A_549, %reduce_min3A_553 : vector<16xi32>
          %reduce_min3A_555 = tpu.scan <min>, %reduce_min3A_554 masked %reduce_min3A_551 : vector<16xi32>, vector<16xi1> -> vector<16xi32>
          %reduce_min3A_556 = arith.xori %reduce_min3A_555, %reduce_min3A_553 : vector<16xi32>
          %reduce_min3A_557 = vector.extract %reduce_min3A_556[15] : i32 from vector<16xi32>
          %eq3A_558 = arith.constant 0 : i32
          %eq3A_559 = arith.cmpi eq, %reduce_min3A_557, %eq3A_558 : i32
          %convert_element_type3A_560 = arith.extui %eq3A_559 : i1 to i32
          %cond3A_561 = arith.constant 0 : i32
          %cond3A_562 = arith.cmpi ne, %convert_element_type3A_560, %cond3A_561 : i32
          scf.if %cond3A_562 {
            %iota3A = tpu.iota {dimensions = array<i32: 0>} : vector<16xi32>
            %eq3A_563 = arith.constant 0 : i32
            %eq3A_564 = vector.broadcast %eq3A_563 : i32 to vector<16xi32>
            %eq3A_565 = arith.cmpi eq, %iota3A, %eq3A_564 : vector<16xi32>
            %jit3A = arith.constant 1 : i32
            %broadcast_in_dim3A = vector.broadcast %jit3A : i32 to vector<16xi32>
            %select_n3A = arith.select %eq3A_565, %get3A_549, %broadcast_in_dim3A : vector<16xi1>, vector<16xi32>
            %reduce_min3A_566 = arith.constant true
            %reduce_min3A_567 = vector.broadcast %reduce_min3A_566 : i1 to vector<16xi1>
            %reduce_min3A_568 = arith.constant -2147483648 : i32
            %reduce_min3A_569 = vector.broadcast %reduce_min3A_568 : i32 to vector<16xi32>
            %reduce_min3A_570 = arith.xori %select_n3A, %reduce_min3A_569 : vector<16xi32>
            %reduce_min3A_571 = tpu.scan <min>, %reduce_min3A_570 masked %reduce_min3A_567 : vector<16xi32>, vector<16xi1> -> vector<16xi32>
            %reduce_min3A_572 = arith.xori %reduce_min3A_571, %reduce_min3A_569 : vector<16xi32>
            %reduce_min3A_573 = vector.extract %reduce_min3A_572[15] : i32 from vector<16xi32>
            %eq3A_574 = arith.constant 0 : i32
            %eq3A_575 = arith.cmpi eq, %reduce_min3A_573, %eq3A_574 : i32
            %convert_element_type3A_576 = arith.extui %eq3A_575 : i1 to i32
            %cond3A_577 = arith.constant 0 : i32
            %cond3A_578 = arith.cmpi ne, %convert_element_type3A_576, %cond3A_577 : i32
            scf.if %cond3A_578 {
              %add3A_864 = arith.constant 0 : i32
              %add3A_865 = arith.addi %min3A_546, %add3A_864 : i32
              %broadcast_in_dim3A_866 = arith.constant 0.000000e+00 : f32
              %broadcast_in_dim3A_867 = vector.broadcast %broadcast_in_dim3A_866 : f32 to vector<16xf32>
              %swap3A = arith.index_cast %add3A_865 : i32 to index
              %swap3A_868 = arith.constant 0 : index
              %swap3A_869 = tpu.vector_load %arg8[%swap3A, %swap3A_868] {strides = array<i32>} : memref<200x128xf32, #tpu.memory_space<vmem>>, vector<16xf32>,
              tpu.vector_store %arg8[%swap3A, %swap3A_868], %broadcast_in_dim3A_867 {strides = array<i32>} : memref<200x128xf32, #tpu.memory_space<vmem>>, vector<16xf32>,
              %add3A_870 = arith.constant 0 : i32
              %add3A_871 = arith.addi %min3A_546, %add3A_870 : i32
              %broadcast_in_dim3A_872 = arith.constant 0.000000e+00 : f32
              %broadcast_in_dim3A_873 = vector.broadcast %broadcast_in_dim3A_872 : f32 to vector<16xf32>
              %swap3A_874 = arith.index_cast %add3A_871 : i32 to index
              %swap3A_875 = arith.constant 16 : index
              %swap3A_876 = tpu.vector_load %arg8[%swap3A_874, %swap3A_875] {strides = array<i32>} : memref<200x128xf32, #tpu.memory_space<vmem>>, vector<16xf32>,
              tpu.vector_store %arg8[%swap3A_874, %swap3A_875], %broadcast_in_dim3A_873 {strides = array<i32>} : memref<200x128xf32, #tpu.memory_space<vmem>>, vector<16xf32>,
              %add3A_877 = arith.constant 0 : i32
              %add3A_878 = arith.addi %min3A_546, %add3A_877 : i32
              %broadcast_in_dim3A_879 = arith.constant 0.000000e+00 : f32
              %broadcast_in_dim3A_880 = vector.broadcast %broadcast_in_dim3A_879 : f32 to vector<16xf32>
              %swap3A_881 = arith.index_cast %add3A_878 : i32 to index
              %swap3A_882 = arith.constant 32 : index
              %swap3A_883 = tpu.vector_load %arg8[%swap3A_881, %swap3A_882] {strides = array<i32>} : memref<200x128xf32, #tpu.memory_space<vmem>>, vector<16xf32>,
              tpu.vector_store %arg8[%swap3A_881, %swap3A_882], %broadcast_in_dim3A_880 {strides = array<i32>} : memref<200x128xf32, #tpu.memory_space<vmem>>, vector<16xf32>,
              %add3A_884 = arith.constant 0 : i32
              %add3A_885 = arith.addi %min3A_546, %add3A_884 : i32
              %broadcast_in_dim3A_886 = arith.constant 0.000000e+00 : f32
              %broadcast_in_dim3A_887 = vector.broadcast %broadcast_in_dim3A_886 : f32 to vector<16xf32>
              %swap3A_888 = arith.index_cast %add3A_885 : i32 to index
              %swap3A_889 = arith.constant 48 : index
              %swap3A_890 = tpu.vector_load %arg8[%swap3A_888, %swap3A_889] {strides = array<i32>} : memref<200x128xf32, #tpu.memory_space<vmem>>, vector<16xf32>,
              tpu.vector_store %arg8[%swap3A_888, %swap3A_889], %broadcast_in_dim3A_887 {strides = array<i32>} : memref<200x128xf32, #tpu.memory_space<vmem>>, vector<16xf32>,
            } else {
            }
            %eq3A_579 = arith.constant 1 : i32
            %eq3A_580 = vector.broadcast %eq3A_579 : i32 to vector<16xi32>
            %eq3A_581 = arith.cmpi eq, %iota3A, %eq3A_580 : vector<16xi32>
            %jit3A_582 = arith.constant 1 : i32
            %broadcast_in_dim3A_583 = vector.broadcast %jit3A_582 : i32 to vector<16xi32>
            %select_n3A_584 = arith.select %eq3A_581, %get3A_549, %broadcast_in_dim3A_583 : vector<16xi1>, vector<16xi32>
            %reduce_min3A_585 = arith.constant true
            %reduce_min3A_586 = vector.broadcast %reduce_min3A_585 : i1 to vector<16xi1>
            %reduce_min3A_587 = arith.constant -2147483648 : i32
            %reduce_min3A_588 = vector.broadcast %reduce_min3A_587 : i32 to vector<16xi32>
            %reduce_min3A_589 = arith.xori %select_n3A_584, %reduce_min3A_588 : vector<16xi32>
            %reduce_min3A_590 = tpu.scan <min>, %reduce_min3A_589 masked %reduce_min3A_586 : vector<16xi32>, vector<16xi1> -> vector<16xi32>
            %reduce_min3A_591 = arith.xori %reduce_min3A_590, %reduce_min3A_588 : vector<16xi32>
            %reduce_min3A_592 = vector.extract %reduce_min3A_591[15] : i32 from vector<16xi32>
            %eq3A_593 = arith.constant 0 : i32
            %eq3A_594 = arith.cmpi eq, %reduce_min3A_592, %eq3A_593 : i32
            %convert_element_type3A_595 = arith.extui %eq3A_594 : i1 to i32
            %cond3A_596 = arith.constant 0 : i32
            %cond3A_597 = arith.cmpi ne, %convert_element_type3A_595, %cond3A_596 : i32
            scf.if %cond3A_597 {
              %add3A_864 = arith.constant 1 : i32
              %add3A_865 = arith.addi %min3A_546, %add3A_864 : i32
              %broadcast_in_dim3A_866 = arith.constant 0.000000e+00 : f32
              %broadcast_in_dim3A_867 = vector.broadcast %broadcast_in_dim3A_866 : f32 to vector<16xf32>
              %swap3A = arith.index_cast %add3A_865 : i32 to index
              %swap3A_868 = arith.constant 0 : index
              %swap3A_869 = tpu.vector_load %arg8[%swap3A, %swap3A_868] {strides = array<i32>} : memref<200x128xf32, #tpu.memory_space<vmem>>, vector<16xf32>,
              tpu.vector_store %arg8[%swap3A, %swap3A_868], %broadcast_in_dim3A_867 {strides = array<i32>} : memref<200x128xf32, #tpu.memory_space<vmem>>, vector<16xf32>,
              %add3A_870 = arith.constant 1 : i32
              %add3A_871 = arith.addi %min3A_546, %add3A_870 : i32
              %broadcast_in_dim3A_872 = arith.constant 0.000000e+00 : f32
              %broadcast_in_dim3A_873 = vector.broadcast %broadcast_in_dim3A_872 : f32 to vector<16xf32>
              %swap3A_874 = arith.index_cast %add3A_871 : i32 to index
              %swap3A_875 = arith.constant 16 : index
              %swap3A_876 = tpu.vector_load %arg8[%swap3A_874, %swap3A_875] {strides = array<i32>} : memref<200x128xf32, #tpu.memory_space<vmem>>, vector<16xf32>,
              tpu.vector_store %arg8[%swap3A_874, %swap3A_875], %broadcast_in_dim3A_873 {strides = array<i32>} : memref<200x128xf32, #tpu.memory_space<vmem>>, vector<16xf32>,
              %add3A_877 = arith.constant 1 : i32
              %add3A_878 = arith.addi %min3A_546, %add3A_877 : i32
              %broadcast_in_dim3A_879 = arith.constant 0.000000e+00 : f32
              %broadcast_in_dim3A_880 = vector.broadcast %broadcast_in_dim3A_879 : f32 to vector<16xf32>
              %swap3A_881 = arith.index_cast %add3A_878 : i32 to index
              %swap3A_882 = arith.constant 32 : index
              %swap3A_883 = tpu.vector_load %arg8[%swap3A_881, %swap3A_882] {strides = array<i32>} : memref<200x128xf32, #tpu.memory_space<vmem>>, vector<16xf32>,
              tpu.vector_store %arg8[%swap3A_881, %swap3A_882], %broadcast_in_dim3A_880 {strides = array<i32>} : memref<200x128xf32, #tpu.memory_space<vmem>>, vector<16xf32>,
              %add3A_884 = arith.constant 1 : i32
              %add3A_885 = arith.addi %min3A_546, %add3A_884 : i32
              %broadcast_in_dim3A_886 = arith.constant 0.000000e+00 : f32
              %broadcast_in_dim3A_887 = vector.broadcast %broadcast_in_dim3A_886 : f32 to vector<16xf32>
              %swap3A_888 = arith.index_cast %add3A_885 : i32 to index
              %swap3A_889 = arith.constant 48 : index
              %swap3A_890 = tpu.vector_load %arg8[%swap3A_888, %swap3A_889] {strides = array<i32>} : memref<200x128xf32, #tpu.memory_space<vmem>>, vector<16xf32>,
              tpu.vector_store %arg8[%swap3A_888, %swap3A_889], %broadcast_in_dim3A_887 {strides = array<i32>} : memref<200x128xf32, #tpu.memory_space<vmem>>, vector<16xf32>,
            } else {
            }
            %eq3A_598 = arith.constant 2 : i32
            %eq3A_599 = vector.broadcast %eq3A_598 : i32 to vector<16xi32>
            %eq3A_600 = arith.cmpi eq, %iota3A, %eq3A_599 : vector<16xi32>
            %jit3A_601 = arith.constant 1 : i32
            %broadcast_in_dim3A_602 = vector.broadcast %jit3A_601 : i32 to vector<16xi32>
            %select_n3A_603 = arith.select %eq3A_600, %get3A_549, %broadcast_in_dim3A_602 : vector<16xi1>, vector<16xi32>
            %reduce_min3A_604 = arith.constant true
            %reduce_min3A_605 = vector.broadcast %reduce_min3A_604 : i1 to vector<16xi1>
            %reduce_min3A_606 = arith.constant -2147483648 : i32
            %reduce_min3A_607 = vector.broadcast %reduce_min3A_606 : i32 to vector<16xi32>
            %reduce_min3A_608 = arith.xori %select_n3A_603, %reduce_min3A_607 : vector<16xi32>
            %reduce_min3A_609 = tpu.scan <min>, %reduce_min3A_608 masked %reduce_min3A_605 : vector<16xi32>, vector<16xi1> -> vector<16xi32>
            %reduce_min3A_610 = arith.xori %reduce_min3A_609, %reduce_min3A_607 : vector<16xi32>
            %reduce_min3A_611 = vector.extract %reduce_min3A_610[15] : i32 from vector<16xi32>
            %eq3A_612 = arith.constant 0 : i32
            %eq3A_613 = arith.cmpi eq, %reduce_min3A_611, %eq3A_612 : i32
            %convert_element_type3A_614 = arith.extui %eq3A_613 : i1 to i32
            %cond3A_615 = arith.constant 0 : i32
            %cond3A_616 = arith.cmpi ne, %convert_element_type3A_614, %cond3A_615 : i32
            scf.if %cond3A_616 {
              %add3A_864 = arith.constant 2 : i32
              %add3A_865 = arith.addi %min3A_546, %add3A_864 : i32
              %broadcast_in_dim3A_866 = arith.constant 0.000000e+00 : f32
              %broadcast_in_dim3A_867 = vector.broadcast %broadcast_in_dim3A_866 : f32 to vector<16xf32>
              %swap3A = arith.index_cast %add3A_865 : i32 to index
              %swap3A_868 = arith.constant 0 : index
              %swap3A_869 = tpu.vector_load %arg8[%swap3A, %swap3A_868] {strides = array<i32>} : memref<200x128xf32, #tpu.memory_space<vmem>>, vector<16xf32>,
              tpu.vector_store %arg8[%swap3A, %swap3A_868], %broadcast_in_dim3A_867 {strides = array<i32>} : memref<200x128xf32, #tpu.memory_space<vmem>>, vector<16xf32>,
              %add3A_870 = arith.constant 2 : i32
              %add3A_871 = arith.addi %min3A_546, %add3A_870 : i32
              %broadcast_in_dim3A_872 = arith.constant 0.000000e+00 : f32
              %broadcast_in_dim3A_873 = vector.broadcast %broadcast_in_dim3A_872 : f32 to vector<16xf32>
              %swap3A_874 = arith.index_cast %add3A_871 : i32 to index
              %swap3A_875 = arith.constant 16 : index
              %swap3A_876 = tpu.vector_load %arg8[%swap3A_874, %swap3A_875] {strides = array<i32>} : memref<200x128xf32, #tpu.memory_space<vmem>>, vector<16xf32>,
              tpu.vector_store %arg8[%swap3A_874, %swap3A_875], %broadcast_in_dim3A_873 {strides = array<i32>} : memref<200x128xf32, #tpu.memory_space<vmem>>, vector<16xf32>,
              %add3A_877 = arith.constant 2 : i32
              %add3A_878 = arith.addi %min3A_546, %add3A_877 : i32
              %broadcast_in_dim3A_879 = arith.constant 0.000000e+00 : f32
              %broadcast_in_dim3A_880 = vector.broadcast %broadcast_in_dim3A_879 : f32 to vector<16xf32>
              %swap3A_881 = arith.index_cast %add3A_878 : i32 to index
              %swap3A_882 = arith.constant 32 : index
              %swap3A_883 = tpu.vector_load %arg8[%swap3A_881, %swap3A_882] {strides = array<i32>} : memref<200x128xf32, #tpu.memory_space<vmem>>, vector<16xf32>,
              tpu.vector_store %arg8[%swap3A_881, %swap3A_882], %broadcast_in_dim3A_880 {strides = array<i32>} : memref<200x128xf32, #tpu.memory_space<vmem>>, vector<16xf32>,
              %add3A_884 = arith.constant 2 : i32
              %add3A_885 = arith.addi %min3A_546, %add3A_884 : i32
              %broadcast_in_dim3A_886 = arith.constant 0.000000e+00 : f32
              %broadcast_in_dim3A_887 = vector.broadcast %broadcast_in_dim3A_886 : f32 to vector<16xf32>
              %swap3A_888 = arith.index_cast %add3A_885 : i32 to index
              %swap3A_889 = arith.constant 48 : index
              %swap3A_890 = tpu.vector_load %arg8[%swap3A_888, %swap3A_889] {strides = array<i32>} : memref<200x128xf32, #tpu.memory_space<vmem>>, vector<16xf32>,
              tpu.vector_store %arg8[%swap3A_888, %swap3A_889], %broadcast_in_dim3A_887 {strides = array<i32>} : memref<200x128xf32, #tpu.memory_space<vmem>>, vector<16xf32>,
            } else {
            }
            %eq3A_617 = arith.constant 3 : i32
            %eq3A_618 = vector.broadcast %eq3A_617 : i32 to vector<16xi32>
            %eq3A_619 = arith.cmpi eq, %iota3A, %eq3A_618 : vector<16xi32>
            %jit3A_620 = arith.constant 1 : i32
            %broadcast_in_dim3A_621 = vector.broadcast %jit3A_620 : i32 to vector<16xi32>
            %select_n3A_622 = arith.select %eq3A_619, %get3A_549, %broadcast_in_dim3A_621 : vector<16xi1>, vector<16xi32>
            %reduce_min3A_623 = arith.constant true
            %reduce_min3A_624 = vector.broadcast %reduce_min3A_623 : i1 to vector<16xi1>
            %reduce_min3A_625 = arith.constant -2147483648 : i32
            %reduce_min3A_626 = vector.broadcast %reduce_min3A_625 : i32 to vector<16xi32>
            %reduce_min3A_627 = arith.xori %select_n3A_622, %reduce_min3A_626 : vector<16xi32>
            %reduce_min3A_628 = tpu.scan <min>, %reduce_min3A_627 masked %reduce_min3A_624 : vector<16xi32>, vector<16xi1> -> vector<16xi32>
            %reduce_min3A_629 = arith.xori %reduce_min3A_628, %reduce_min3A_626 : vector<16xi32>
            %reduce_min3A_630 = vector.extract %reduce_min3A_629[15] : i32 from vector<16xi32>
            %eq3A_631 = arith.constant 0 : i32
            %eq3A_632 = arith.cmpi eq, %reduce_min3A_630, %eq3A_631 : i32
            %convert_element_type3A_633 = arith.extui %eq3A_632 : i1 to i32
            %cond3A_634 = arith.constant 0 : i32
            %cond3A_635 = arith.cmpi ne, %convert_element_type3A_633, %cond3A_634 : i32
            scf.if %cond3A_635 {
              %add3A_864 = arith.constant 3 : i32
              %add3A_865 = arith.addi %min3A_546, %add3A_864 : i32
              %broadcast_in_dim3A_866 = arith.constant 0.000000e+00 : f32
              %broadcast_in_dim3A_867 = vector.broadcast %broadcast_in_dim3A_866 : f32 to vector<16xf32>
              %swap3A = arith.index_cast %add3A_865 : i32 to index
              %swap3A_868 = arith.constant 0 : index
              %swap3A_869 = tpu.vector_load %arg8[%swap3A, %swap3A_868] {strides = array<i32>} : memref<200x128xf32, #tpu.memory_space<vmem>>, vector<16xf32>,
              tpu.vector_store %arg8[%swap3A, %swap3A_868], %broadcast_in_dim3A_867 {strides = array<i32>} : memref<200x128xf32, #tpu.memory_space<vmem>>, vector<16xf32>,
              %add3A_870 = arith.constant 3 : i32
              %add3A_871 = arith.addi %min3A_546, %add3A_870 : i32
              %broadcast_in_dim3A_872 = arith.constant 0.000000e+00 : f32
              %broadcast_in_dim3A_873 = vector.broadcast %broadcast_in_dim3A_872 : f32 to vector<16xf32>
              %swap3A_874 = arith.index_cast %add3A_871 : i32 to index
              %swap3A_875 = arith.constant 16 : index
              %swap3A_876 = tpu.vector_load %arg8[%swap3A_874, %swap3A_875] {strides = array<i32>} : memref<200x128xf32, #tpu.memory_space<vmem>>, vector<16xf32>,
              tpu.vector_store %arg8[%swap3A_874, %swap3A_875], %broadcast_in_dim3A_873 {strides = array<i32>} : memref<200x128xf32, #tpu.memory_space<vmem>>, vector<16xf32>,
              %add3A_877 = arith.constant 3 : i32
              %add3A_878 = arith.addi %min3A_546, %add3A_877 : i32
              %broadcast_in_dim3A_879 = arith.constant 0.000000e+00 : f32
              %broadcast_in_dim3A_880 = vector.broadcast %broadcast_in_dim3A_879 : f32 to vector<16xf32>
              %swap3A_881 = arith.index_cast %add3A_878 : i32 to index
              %swap3A_882 = arith.constant 32 : index
              %swap3A_883 = tpu.vector_load %arg8[%swap3A_881, %swap3A_882] {strides = array<i32>} : memref<200x128xf32, #tpu.memory_space<vmem>>, vector<16xf32>,
              tpu.vector_store %arg8[%swap3A_881, %swap3A_882], %broadcast_in_dim3A_880 {strides = array<i32>} : memref<200x128xf32, #tpu.memory_space<vmem>>, vector<16xf32>,
              %add3A_884 = arith.constant 3 : i32
              %add3A_885 = arith.addi %min3A_546, %add3A_884 : i32
              %broadcast_in_dim3A_886 = arith.constant 0.000000e+00 : f32
              %broadcast_in_dim3A_887 = vector.broadcast %broadcast_in_dim3A_886 : f32 to vector<16xf32>
              %swap3A_888 = arith.index_cast %add3A_885 : i32 to index
              %swap3A_889 = arith.constant 48 : index
              %swap3A_890 = tpu.vector_load %arg8[%swap3A_888, %swap3A_889] {strides = array<i32>} : memref<200x128xf32, #tpu.memory_space<vmem>>, vector<16xf32>,
              tpu.vector_store %arg8[%swap3A_888, %swap3A_889], %broadcast_in_dim3A_887 {strides = array<i32>} : memref<200x128xf32, #tpu.memory_space<vmem>>, vector<16xf32>,
            } else {
            }
            %eq3A_636 = arith.constant 4 : i32
            %eq3A_637 = vector.broadcast %eq3A_636 : i32 to vector<16xi32>
            %eq3A_638 = arith.cmpi eq, %iota3A, %eq3A_637 : vector<16xi32>
            %jit3A_639 = arith.constant 1 : i32
            %broadcast_in_dim3A_640 = vector.broadcast %jit3A_639 : i32 to vector<16xi32>
            %select_n3A_641 = arith.select %eq3A_638, %get3A_549, %broadcast_in_dim3A_640 : vector<16xi1>, vector<16xi32>
            %reduce_min3A_642 = arith.constant true
            %reduce_min3A_643 = vector.broadcast %reduce_min3A_642 : i1 to vector<16xi1>
            %reduce_min3A_644 = arith.constant -2147483648 : i32
            %reduce_min3A_645 = vector.broadcast %reduce_min3A_644 : i32 to vector<16xi32>
            %reduce_min3A_646 = arith.xori %select_n3A_641, %reduce_min3A_645 : vector<16xi32>
            %reduce_min3A_647 = tpu.scan <min>, %reduce_min3A_646 masked %reduce_min3A_643 : vector<16xi32>, vector<16xi1> -> vector<16xi32>
            %reduce_min3A_648 = arith.xori %reduce_min3A_647, %reduce_min3A_645 : vector<16xi32>
            %reduce_min3A_649 = vector.extract %reduce_min3A_648[15] : i32 from vector<16xi32>
            %eq3A_650 = arith.constant 0 : i32
            %eq3A_651 = arith.cmpi eq, %reduce_min3A_649, %eq3A_650 : i32
            %convert_element_type3A_652 = arith.extui %eq3A_651 : i1 to i32
            %cond3A_653 = arith.constant 0 : i32
            %cond3A_654 = arith.cmpi ne, %convert_element_type3A_652, %cond3A_653 : i32
            scf.if %cond3A_654 {
              %add3A_864 = arith.constant 4 : i32
              %add3A_865 = arith.addi %min3A_546, %add3A_864 : i32
              %broadcast_in_dim3A_866 = arith.constant 0.000000e+00 : f32
              %broadcast_in_dim3A_867 = vector.broadcast %broadcast_in_dim3A_866 : f32 to vector<16xf32>
              %swap3A = arith.index_cast %add3A_865 : i32 to index
              %swap3A_868 = arith.constant 0 : index
              %swap3A_869 = tpu.vector_load %arg8[%swap3A, %swap3A_868] {strides = array<i32>} : memref<200x128xf32, #tpu.memory_space<vmem>>, vector<16xf32>,
              tpu.vector_store %arg8[%swap3A, %swap3A_868], %broadcast_in_dim3A_867 {strides = array<i32>} : memref<200x128xf32, #tpu.memory_space<vmem>>, vector<16xf32>,
              %add3A_870 = arith.constant 4 : i32
              %add3A_871 = arith.addi %min3A_546, %add3A_870 : i32
              %broadcast_in_dim3A_872 = arith.constant 0.000000e+00 : f32
              %broadcast_in_dim3A_873 = vector.broadcast %broadcast_in_dim3A_872 : f32 to vector<16xf32>
              %swap3A_874 = arith.index_cast %add3A_871 : i32 to index
              %swap3A_875 = arith.constant 16 : index
              %swap3A_876 = tpu.vector_load %arg8[%swap3A_874, %swap3A_875] {strides = array<i32>} : memref<200x128xf32, #tpu.memory_space<vmem>>, vector<16xf32>,
              tpu.vector_store %arg8[%swap3A_874, %swap3A_875], %broadcast_in_dim3A_873 {strides = array<i32>} : memref<200x128xf32, #tpu.memory_space<vmem>>, vector<16xf32>,
              %add3A_877 = arith.constant 4 : i32
              %add3A_878 = arith.addi %min3A_546, %add3A_877 : i32
              %broadcast_in_dim3A_879 = arith.constant 0.000000e+00 : f32
              %broadcast_in_dim3A_880 = vector.broadcast %broadcast_in_dim3A_879 : f32 to vector<16xf32>
              %swap3A_881 = arith.index_cast %add3A_878 : i32 to index
              %swap3A_882 = arith.constant 32 : index
              %swap3A_883 = tpu.vector_load %arg8[%swap3A_881, %swap3A_882] {strides = array<i32>} : memref<200x128xf32, #tpu.memory_space<vmem>>, vector<16xf32>,
              tpu.vector_store %arg8[%swap3A_881, %swap3A_882], %broadcast_in_dim3A_880 {strides = array<i32>} : memref<200x128xf32, #tpu.memory_space<vmem>>, vector<16xf32>,
              %add3A_884 = arith.constant 4 : i32
              %add3A_885 = arith.addi %min3A_546, %add3A_884 : i32
              %broadcast_in_dim3A_886 = arith.constant 0.000000e+00 : f32
              %broadcast_in_dim3A_887 = vector.broadcast %broadcast_in_dim3A_886 : f32 to vector<16xf32>
              %swap3A_888 = arith.index_cast %add3A_885 : i32 to index
              %swap3A_889 = arith.constant 48 : index
              %swap3A_890 = tpu.vector_load %arg8[%swap3A_888, %swap3A_889] {strides = array<i32>} : memref<200x128xf32, #tpu.memory_space<vmem>>, vector<16xf32>,
              tpu.vector_store %arg8[%swap3A_888, %swap3A_889], %broadcast_in_dim3A_887 {strides = array<i32>} : memref<200x128xf32, #tpu.memory_space<vmem>>, vector<16xf32>,
            } else {
            }
            %eq3A_655 = arith.constant 5 : i32
            %eq3A_656 = vector.broadcast %eq3A_655 : i32 to vector<16xi32>
            %eq3A_657 = arith.cmpi eq, %iota3A, %eq3A_656 : vector<16xi32>
            %jit3A_658 = arith.constant 1 : i32
            %broadcast_in_dim3A_659 = vector.broadcast %jit3A_658 : i32 to vector<16xi32>
            %select_n3A_660 = arith.select %eq3A_657, %get3A_549, %broadcast_in_dim3A_659 : vector<16xi1>, vector<16xi32>
            %reduce_min3A_661 = arith.constant true
            %reduce_min3A_662 = vector.broadcast %reduce_min3A_661 : i1 to vector<16xi1>
            %reduce_min3A_663 = arith.constant -2147483648 : i32
            %reduce_min3A_664 = vector.broadcast %reduce_min3A_663 : i32 to vector<16xi32>
            %reduce_min3A_665 = arith.xori %select_n3A_660, %reduce_min3A_664 : vector<16xi32>
            %reduce_min3A_666 = tpu.scan <min>, %reduce_min3A_665 masked %reduce_min3A_662 : vector<16xi32>, vector<16xi1> -> vector<16xi32>
            %reduce_min3A_667 = arith.xori %reduce_min3A_666, %reduce_min3A_664 : vector<16xi32>
            %reduce_min3A_668 = vector.extract %reduce_min3A_667[15] : i32 from vector<16xi32>
            %eq3A_669 = arith.constant 0 : i32
            %eq3A_670 = arith.cmpi eq, %reduce_min3A_668, %eq3A_669 : i32
            %convert_element_type3A_671 = arith.extui %eq3A_670 : i1 to i32
            %cond3A_672 = arith.constant 0 : i32
            %cond3A_673 = arith.cmpi ne, %convert_element_type3A_671, %cond3A_672 : i32
            scf.if %cond3A_673 {
              %add3A_864 = arith.constant 5 : i32
              %add3A_865 = arith.addi %min3A_546, %add3A_864 : i32
              %broadcast_in_dim3A_866 = arith.constant 0.000000e+00 : f32
              %broadcast_in_dim3A_867 = vector.broadcast %broadcast_in_dim3A_866 : f32 to vector<16xf32>
              %swap3A = arith.index_cast %add3A_865 : i32 to index
              %swap3A_868 = arith.constant 0 : index
              %swap3A_869 = tpu.vector_load %arg8[%swap3A, %swap3A_868] {strides = array<i32>} : memref<200x128xf32, #tpu.memory_space<vmem>>, vector<16xf32>,
              tpu.vector_store %arg8[%swap3A, %swap3A_868], %broadcast_in_dim3A_867 {strides = array<i32>} : memref<200x128xf32, #tpu.memory_space<vmem>>, vector<16xf32>,
              %add3A_870 = arith.constant 5 : i32
              %add3A_871 = arith.addi %min3A_546, %add3A_870 : i32
              %broadcast_in_dim3A_872 = arith.constant 0.000000e+00 : f32
              %broadcast_in_dim3A_873 = vector.broadcast %broadcast_in_dim3A_872 : f32 to vector<16xf32>
              %swap3A_874 = arith.index_cast %add3A_871 : i32 to index
              %swap3A_875 = arith.constant 16 : index
              %swap3A_876 = tpu.vector_load %arg8[%swap3A_874, %swap3A_875] {strides = array<i32>} : memref<200x128xf32, #tpu.memory_space<vmem>>, vector<16xf32>,
              tpu.vector_store %arg8[%swap3A_874, %swap3A_875], %broadcast_in_dim3A_873 {strides = array<i32>} : memref<200x128xf32, #tpu.memory_space<vmem>>, vector<16xf32>,
              %add3A_877 = arith.constant 5 : i32
              %add3A_878 = arith.addi %min3A_546, %add3A_877 : i32
              %broadcast_in_dim3A_879 = arith.constant 0.000000e+00 : f32
              %broadcast_in_dim3A_880 = vector.broadcast %broadcast_in_dim3A_879 : f32 to vector<16xf32>
              %swap3A_881 = arith.index_cast %add3A_878 : i32 to index
              %swap3A_882 = arith.constant 32 : index
              %swap3A_883 = tpu.vector_load %arg8[%swap3A_881, %swap3A_882] {strides = array<i32>} : memref<200x128xf32, #tpu.memory_space<vmem>>, vector<16xf32>,
              tpu.vector_store %arg8[%swap3A_881, %swap3A_882], %broadcast_in_dim3A_880 {strides = array<i32>} : memref<200x128xf32, #tpu.memory_space<vmem>>, vector<16xf32>,
              %add3A_884 = arith.constant 5 : i32
              %add3A_885 = arith.addi %min3A_546, %add3A_884 : i32
              %broadcast_in_dim3A_886 = arith.constant 0.000000e+00 : f32
              %broadcast_in_dim3A_887 = vector.broadcast %broadcast_in_dim3A_886 : f32 to vector<16xf32>
              %swap3A_888 = arith.index_cast %add3A_885 : i32 to index
              %swap3A_889 = arith.constant 48 : index
              %swap3A_890 = tpu.vector_load %arg8[%swap3A_888, %swap3A_889] {strides = array<i32>} : memref<200x128xf32, #tpu.memory_space<vmem>>, vector<16xf32>,
              tpu.vector_store %arg8[%swap3A_888, %swap3A_889], %broadcast_in_dim3A_887 {strides = array<i32>} : memref<200x128xf32, #tpu.memory_space<vmem>>, vector<16xf32>,
            } else {
            }
            %eq3A_674 = arith.constant 6 : i32
            %eq3A_675 = vector.broadcast %eq3A_674 : i32 to vector<16xi32>
            %eq3A_676 = arith.cmpi eq, %iota3A, %eq3A_675 : vector<16xi32>
            %jit3A_677 = arith.constant 1 : i32
            %broadcast_in_dim3A_678 = vector.broadcast %jit3A_677 : i32 to vector<16xi32>
            %select_n3A_679 = arith.select %eq3A_676, %get3A_549, %broadcast_in_dim3A_678 : vector<16xi1>, vector<16xi32>
            %reduce_min3A_680 = arith.constant true
            %reduce_min3A_681 = vector.broadcast %reduce_min3A_680 : i1 to vector<16xi1>
            %reduce_min3A_682 = arith.constant -2147483648 : i32
            %reduce_min3A_683 = vector.broadcast %reduce_min3A_682 : i32 to vector<16xi32>
            %reduce_min3A_684 = arith.xori %select_n3A_679, %reduce_min3A_683 : vector<16xi32>
            %reduce_min3A_685 = tpu.scan <min>, %reduce_min3A_684 masked %reduce_min3A_681 : vector<16xi32>, vector<16xi1> -> vector<16xi32>
            %reduce_min3A_686 = arith.xori %reduce_min3A_685, %reduce_min3A_683 : vector<16xi32>
            %reduce_min3A_687 = vector.extract %reduce_min3A_686[15] : i32 from vector<16xi32>
            %eq3A_688 = arith.constant 0 : i32
            %eq3A_689 = arith.cmpi eq, %reduce_min3A_687, %eq3A_688 : i32
            %convert_element_type3A_690 = arith.extui %eq3A_689 : i1 to i32
            %cond3A_691 = arith.constant 0 : i32
            %cond3A_692 = arith.cmpi ne, %convert_element_type3A_690, %cond3A_691 : i32
            scf.if %cond3A_692 {
              %add3A_864 = arith.constant 6 : i32
              %add3A_865 = arith.addi %min3A_546, %add3A_864 : i32
              %broadcast_in_dim3A_866 = arith.constant 0.000000e+00 : f32
              %broadcast_in_dim3A_867 = vector.broadcast %broadcast_in_dim3A_866 : f32 to vector<16xf32>
              %swap3A = arith.index_cast %add3A_865 : i32 to index
              %swap3A_868 = arith.constant 0 : index
              %swap3A_869 = tpu.vector_load %arg8[%swap3A, %swap3A_868] {strides = array<i32>} : memref<200x128xf32, #tpu.memory_space<vmem>>, vector<16xf32>,
              tpu.vector_store %arg8[%swap3A, %swap3A_868], %broadcast_in_dim3A_867 {strides = array<i32>} : memref<200x128xf32, #tpu.memory_space<vmem>>, vector<16xf32>,
              %add3A_870 = arith.constant 6 : i32
              %add3A_871 = arith.addi %min3A_546, %add3A_870 : i32
              %broadcast_in_dim3A_872 = arith.constant 0.000000e+00 : f32
              %broadcast_in_dim3A_873 = vector.broadcast %broadcast_in_dim3A_872 : f32 to vector<16xf32>
              %swap3A_874 = arith.index_cast %add3A_871 : i32 to index
              %swap3A_875 = arith.constant 16 : index
              %swap3A_876 = tpu.vector_load %arg8[%swap3A_874, %swap3A_875] {strides = array<i32>} : memref<200x128xf32, #tpu.memory_space<vmem>>, vector<16xf32>,
              tpu.vector_store %arg8[%swap3A_874, %swap3A_875], %broadcast_in_dim3A_873 {strides = array<i32>} : memref<200x128xf32, #tpu.memory_space<vmem>>, vector<16xf32>,
              %add3A_877 = arith.constant 6 : i32
              %add3A_878 = arith.addi %min3A_546, %add3A_877 : i32
              %broadcast_in_dim3A_879 = arith.constant 0.000000e+00 : f32
              %broadcast_in_dim3A_880 = vector.broadcast %broadcast_in_dim3A_879 : f32 to vector<16xf32>
              %swap3A_881 = arith.index_cast %add3A_878 : i32 to index
              %swap3A_882 = arith.constant 32 : index
              %swap3A_883 = tpu.vector_load %arg8[%swap3A_881, %swap3A_882] {strides = array<i32>} : memref<200x128xf32, #tpu.memory_space<vmem>>, vector<16xf32>,
              tpu.vector_store %arg8[%swap3A_881, %swap3A_882], %broadcast_in_dim3A_880 {strides = array<i32>} : memref<200x128xf32, #tpu.memory_space<vmem>>, vector<16xf32>,
              %add3A_884 = arith.constant 6 : i32
              %add3A_885 = arith.addi %min3A_546, %add3A_884 : i32
              %broadcast_in_dim3A_886 = arith.constant 0.000000e+00 : f32
              %broadcast_in_dim3A_887 = vector.broadcast %broadcast_in_dim3A_886 : f32 to vector<16xf32>
              %swap3A_888 = arith.index_cast %add3A_885 : i32 to index
              %swap3A_889 = arith.constant 48 : index
              %swap3A_890 = tpu.vector_load %arg8[%swap3A_888, %swap3A_889] {strides = array<i32>} : memref<200x128xf32, #tpu.memory_space<vmem>>, vector<16xf32>,
              tpu.vector_store %arg8[%swap3A_888, %swap3A_889], %broadcast_in_dim3A_887 {strides = array<i32>} : memref<200x128xf32, #tpu.memory_space<vmem>>, vector<16xf32>,
            } else {
            }
            %eq3A_693 = arith.constant 7 : i32
            %eq3A_694 = vector.broadcast %eq3A_693 : i32 to vector<16xi32>
            %eq3A_695 = arith.cmpi eq, %iota3A, %eq3A_694 : vector<16xi32>
            %jit3A_696 = arith.constant 1 : i32
            %broadcast_in_dim3A_697 = vector.broadcast %jit3A_696 : i32 to vector<16xi32>
            %select_n3A_698 = arith.select %eq3A_695, %get3A_549, %broadcast_in_dim3A_697 : vector<16xi1>, vector<16xi32>
            %reduce_min3A_699 = arith.constant true
            %reduce_min3A_700 = vector.broadcast %reduce_min3A_699 : i1 to vector<16xi1>
            %reduce_min3A_701 = arith.constant -2147483648 : i32
            %reduce_min3A_702 = vector.broadcast %reduce_min3A_701 : i32 to vector<16xi32>
            %reduce_min3A_703 = arith.xori %select_n3A_698, %reduce_min3A_702 : vector<16xi32>
            %reduce_min3A_704 = tpu.scan <min>, %reduce_min3A_703 masked %reduce_min3A_700 : vector<16xi32>, vector<16xi1> -> vector<16xi32>
            %reduce_min3A_705 = arith.xori %reduce_min3A_704, %reduce_min3A_702 : vector<16xi32>
            %reduce_min3A_706 = vector.extract %reduce_min3A_705[15] : i32 from vector<16xi32>
            %eq3A_707 = arith.constant 0 : i32
            %eq3A_708 = arith.cmpi eq, %reduce_min3A_706, %eq3A_707 : i32
            %convert_element_type3A_709 = arith.extui %eq3A_708 : i1 to i32
            %cond3A_710 = arith.constant 0 : i32
            %cond3A_711 = arith.cmpi ne, %convert_element_type3A_709, %cond3A_710 : i32
            scf.if %cond3A_711 {
              %add3A_864 = arith.constant 7 : i32
              %add3A_865 = arith.addi %min3A_546, %add3A_864 : i32
              %broadcast_in_dim3A_866 = arith.constant 0.000000e+00 : f32
              %broadcast_in_dim3A_867 = vector.broadcast %broadcast_in_dim3A_866 : f32 to vector<16xf32>
              %swap3A = arith.index_cast %add3A_865 : i32 to index
              %swap3A_868 = arith.constant 0 : index
              %swap3A_869 = tpu.vector_load %arg8[%swap3A, %swap3A_868] {strides = array<i32>} : memref<200x128xf32, #tpu.memory_space<vmem>>, vector<16xf32>,
              tpu.vector_store %arg8[%swap3A, %swap3A_868], %broadcast_in_dim3A_867 {strides = array<i32>} : memref<200x128xf32, #tpu.memory_space<vmem>>, vector<16xf32>,
              %add3A_870 = arith.constant 7 : i32
              %add3A_871 = arith.addi %min3A_546, %add3A_870 : i32
              %broadcast_in_dim3A_872 = arith.constant 0.000000e+00 : f32
              %broadcast_in_dim3A_873 = vector.broadcast %broadcast_in_dim3A_872 : f32 to vector<16xf32>
              %swap3A_874 = arith.index_cast %add3A_871 : i32 to index
              %swap3A_875 = arith.constant 16 : index
              %swap3A_876 = tpu.vector_load %arg8[%swap3A_874, %swap3A_875] {strides = array<i32>} : memref<200x128xf32, #tpu.memory_space<vmem>>, vector<16xf32>,
              tpu.vector_store %arg8[%swap3A_874, %swap3A_875], %broadcast_in_dim3A_873 {strides = array<i32>} : memref<200x128xf32, #tpu.memory_space<vmem>>, vector<16xf32>,
              %add3A_877 = arith.constant 7 : i32
              %add3A_878 = arith.addi %min3A_546, %add3A_877 : i32
              %broadcast_in_dim3A_879 = arith.constant 0.000000e+00 : f32
              %broadcast_in_dim3A_880 = vector.broadcast %broadcast_in_dim3A_879 : f32 to vector<16xf32>
              %swap3A_881 = arith.index_cast %add3A_878 : i32 to index
              %swap3A_882 = arith.constant 32 : index
              %swap3A_883 = tpu.vector_load %arg8[%swap3A_881, %swap3A_882] {strides = array<i32>} : memref<200x128xf32, #tpu.memory_space<vmem>>, vector<16xf32>,
              tpu.vector_store %arg8[%swap3A_881, %swap3A_882], %broadcast_in_dim3A_880 {strides = array<i32>} : memref<200x128xf32, #tpu.memory_space<vmem>>, vector<16xf32>,
              %add3A_884 = arith.constant 7 : i32
              %add3A_885 = arith.addi %min3A_546, %add3A_884 : i32
              %broadcast_in_dim3A_886 = arith.constant 0.000000e+00 : f32
              %broadcast_in_dim3A_887 = vector.broadcast %broadcast_in_dim3A_886 : f32 to vector<16xf32>
              %swap3A_888 = arith.index_cast %add3A_885 : i32 to index
              %swap3A_889 = arith.constant 48 : index
              %swap3A_890 = tpu.vector_load %arg8[%swap3A_888, %swap3A_889] {strides = array<i32>} : memref<200x128xf32, #tpu.memory_space<vmem>>, vector<16xf32>,
              tpu.vector_store %arg8[%swap3A_888, %swap3A_889], %broadcast_in_dim3A_887 {strides = array<i32>} : memref<200x128xf32, #tpu.memory_space<vmem>>, vector<16xf32>,
            } else {
            }
            %eq3A_712 = arith.constant 8 : i32
            %eq3A_713 = vector.broadcast %eq3A_712 : i32 to vector<16xi32>
            %eq3A_714 = arith.cmpi eq, %iota3A, %eq3A_713 : vector<16xi32>
            %jit3A_715 = arith.constant 1 : i32
            %broadcast_in_dim3A_716 = vector.broadcast %jit3A_715 : i32 to vector<16xi32>
            %select_n3A_717 = arith.select %eq3A_714, %get3A_549, %broadcast_in_dim3A_716 : vector<16xi1>, vector<16xi32>
            %reduce_min3A_718 = arith.constant true
            %reduce_min3A_719 = vector.broadcast %reduce_min3A_718 : i1 to vector<16xi1>
            %reduce_min3A_720 = arith.constant -2147483648 : i32
            %reduce_min3A_721 = vector.broadcast %reduce_min3A_720 : i32 to vector<16xi32>
            %reduce_min3A_722 = arith.xori %select_n3A_717, %reduce_min3A_721 : vector<16xi32>
            %reduce_min3A_723 = tpu.scan <min>, %reduce_min3A_722 masked %reduce_min3A_719 : vector<16xi32>, vector<16xi1> -> vector<16xi32>
            %reduce_min3A_724 = arith.xori %reduce_min3A_723, %reduce_min3A_721 : vector<16xi32>
            %reduce_min3A_725 = vector.extract %reduce_min3A_724[15] : i32 from vector<16xi32>
            %eq3A_726 = arith.constant 0 : i32
            %eq3A_727 = arith.cmpi eq, %reduce_min3A_725, %eq3A_726 : i32
            %convert_element_type3A_728 = arith.extui %eq3A_727 : i1 to i32
            %cond3A_729 = arith.constant 0 : i32
            %cond3A_730 = arith.cmpi ne, %convert_element_type3A_728, %cond3A_729 : i32
            scf.if %cond3A_730 {
              %add3A_864 = arith.constant 8 : i32
              %add3A_865 = arith.addi %min3A_546, %add3A_864 : i32
              %broadcast_in_dim3A_866 = arith.constant 0.000000e+00 : f32
              %broadcast_in_dim3A_867 = vector.broadcast %broadcast_in_dim3A_866 : f32 to vector<16xf32>
              %swap3A = arith.index_cast %add3A_865 : i32 to index
              %swap3A_868 = arith.constant 0 : index
              %swap3A_869 = tpu.vector_load %arg8[%swap3A, %swap3A_868] {strides = array<i32>} : memref<200x128xf32, #tpu.memory_space<vmem>>, vector<16xf32>,
              tpu.vector_store %arg8[%swap3A, %swap3A_868], %broadcast_in_dim3A_867 {strides = array<i32>} : memref<200x128xf32, #tpu.memory_space<vmem>>, vector<16xf32>,
              %add3A_870 = arith.constant 8 : i32
              %add3A_871 = arith.addi %min3A_546, %add3A_870 : i32
              %broadcast_in_dim3A_872 = arith.constant 0.000000e+00 : f32
              %broadcast_in_dim3A_873 = vector.broadcast %broadcast_in_dim3A_872 : f32 to vector<16xf32>
              %swap3A_874 = arith.index_cast %add3A_871 : i32 to index
              %swap3A_875 = arith.constant 16 : index
              %swap3A_876 = tpu.vector_load %arg8[%swap3A_874, %swap3A_875] {strides = array<i32>} : memref<200x128xf32, #tpu.memory_space<vmem>>, vector<16xf32>,
              tpu.vector_store %arg8[%swap3A_874, %swap3A_875], %broadcast_in_dim3A_873 {strides = array<i32>} : memref<200x128xf32, #tpu.memory_space<vmem>>, vector<16xf32>,
              %add3A_877 = arith.constant 8 : i32
              %add3A_878 = arith.addi %min3A_546, %add3A_877 : i32
              %broadcast_in_dim3A_879 = arith.constant 0.000000e+00 : f32
              %broadcast_in_dim3A_880 = vector.broadcast %broadcast_in_dim3A_879 : f32 to vector<16xf32>
              %swap3A_881 = arith.index_cast %add3A_878 : i32 to index
              %swap3A_882 = arith.constant 32 : index
              %swap3A_883 = tpu.vector_load %arg8[%swap3A_881, %swap3A_882] {strides = array<i32>} : memref<200x128xf32, #tpu.memory_space<vmem>>, vector<16xf32>,
              tpu.vector_store %arg8[%swap3A_881, %swap3A_882], %broadcast_in_dim3A_880 {strides = array<i32>} : memref<200x128xf32, #tpu.memory_space<vmem>>, vector<16xf32>,
              %add3A_884 = arith.constant 8 : i32
              %add3A_885 = arith.addi %min3A_546, %add3A_884 : i32
              %broadcast_in_dim3A_886 = arith.constant 0.000000e+00 : f32
              %broadcast_in_dim3A_887 = vector.broadcast %broadcast_in_dim3A_886 : f32 to vector<16xf32>
              %swap3A_888 = arith.index_cast %add3A_885 : i32 to index
              %swap3A_889 = arith.constant 48 : index
              %swap3A_890 = tpu.vector_load %arg8[%swap3A_888, %swap3A_889] {strides = array<i32>} : memref<200x128xf32, #tpu.memory_space<vmem>>, vector<16xf32>,
              tpu.vector_store %arg8[%swap3A_888, %swap3A_889], %broadcast_in_dim3A_887 {strides = array<i32>} : memref<200x128xf32, #tpu.memory_space<vmem>>, vector<16xf32>,
            } else {
            }
            %eq3A_731 = arith.constant 9 : i32
            %eq3A_732 = vector.broadcast %eq3A_731 : i32 to vector<16xi32>
            %eq3A_733 = arith.cmpi eq, %iota3A, %eq3A_732 : vector<16xi32>
            %jit3A_734 = arith.constant 1 : i32
            %broadcast_in_dim3A_735 = vector.broadcast %jit3A_734 : i32 to vector<16xi32>
            %select_n3A_736 = arith.select %eq3A_733, %get3A_549, %broadcast_in_dim3A_735 : vector<16xi1>, vector<16xi32>
            %reduce_min3A_737 = arith.constant true
            %reduce_min3A_738 = vector.broadcast %reduce_min3A_737 : i1 to vector<16xi1>
            %reduce_min3A_739 = arith.constant -2147483648 : i32
            %reduce_min3A_740 = vector.broadcast %reduce_min3A_739 : i32 to vector<16xi32>
            %reduce_min3A_741 = arith.xori %select_n3A_736, %reduce_min3A_740 : vector<16xi32>
            %reduce_min3A_742 = tpu.scan <min>, %reduce_min3A_741 masked %reduce_min3A_738 : vector<16xi32>, vector<16xi1> -> vector<16xi32>
            %reduce_min3A_743 = arith.xori %reduce_min3A_742, %reduce_min3A_740 : vector<16xi32>
            %reduce_min3A_744 = vector.extract %reduce_min3A_743[15] : i32 from vector<16xi32>
            %eq3A_745 = arith.constant 0 : i32
            %eq3A_746 = arith.cmpi eq, %reduce_min3A_744, %eq3A_745 : i32
            %convert_element_type3A_747 = arith.extui %eq3A_746 : i1 to i32
            %cond3A_748 = arith.constant 0 : i32
            %cond3A_749 = arith.cmpi ne, %convert_element_type3A_747, %cond3A_748 : i32
            scf.if %cond3A_749 {
              %add3A_864 = arith.constant 9 : i32
              %add3A_865 = arith.addi %min3A_546, %add3A_864 : i32
              %broadcast_in_dim3A_866 = arith.constant 0.000000e+00 : f32
              %broadcast_in_dim3A_867 = vector.broadcast %broadcast_in_dim3A_866 : f32 to vector<16xf32>
              %swap3A = arith.index_cast %add3A_865 : i32 to index
              %swap3A_868 = arith.constant 0 : index
              %swap3A_869 = tpu.vector_load %arg8[%swap3A, %swap3A_868] {strides = array<i32>} : memref<200x128xf32, #tpu.memory_space<vmem>>, vector<16xf32>,
              tpu.vector_store %arg8[%swap3A, %swap3A_868], %broadcast_in_dim3A_867 {strides = array<i32>} : memref<200x128xf32, #tpu.memory_space<vmem>>, vector<16xf32>,
              %add3A_870 = arith.constant 9 : i32
              %add3A_871 = arith.addi %min3A_546, %add3A_870 : i32
              %broadcast_in_dim3A_872 = arith.constant 0.000000e+00 : f32
              %broadcast_in_dim3A_873 = vector.broadcast %broadcast_in_dim3A_872 : f32 to vector<16xf32>
              %swap3A_874 = arith.index_cast %add3A_871 : i32 to index
              %swap3A_875 = arith.constant 16 : index
              %swap3A_876 = tpu.vector_load %arg8[%swap3A_874, %swap3A_875] {strides = array<i32>} : memref<200x128xf32, #tpu.memory_space<vmem>>, vector<16xf32>,
              tpu.vector_store %arg8[%swap3A_874, %swap3A_875], %broadcast_in_dim3A_873 {strides = array<i32>} : memref<200x128xf32, #tpu.memory_space<vmem>>, vector<16xf32>,
              %add3A_877 = arith.constant 9 : i32
              %add3A_878 = arith.addi %min3A_546, %add3A_877 : i32
              %broadcast_in_dim3A_879 = arith.constant 0.000000e+00 : f32
              %broadcast_in_dim3A_880 = vector.broadcast %broadcast_in_dim3A_879 : f32 to vector<16xf32>
              %swap3A_881 = arith.index_cast %add3A_878 : i32 to index
              %swap3A_882 = arith.constant 32 : index
              %swap3A_883 = tpu.vector_load %arg8[%swap3A_881, %swap3A_882] {strides = array<i32>} : memref<200x128xf32, #tpu.memory_space<vmem>>, vector<16xf32>,
              tpu.vector_store %arg8[%swap3A_881, %swap3A_882], %broadcast_in_dim3A_880 {strides = array<i32>} : memref<200x128xf32, #tpu.memory_space<vmem>>, vector<16xf32>,
              %add3A_884 = arith.constant 9 : i32
              %add3A_885 = arith.addi %min3A_546, %add3A_884 : i32
              %broadcast_in_dim3A_886 = arith.constant 0.000000e+00 : f32
              %broadcast_in_dim3A_887 = vector.broadcast %broadcast_in_dim3A_886 : f32 to vector<16xf32>
              %swap3A_888 = arith.index_cast %add3A_885 : i32 to index
              %swap3A_889 = arith.constant 48 : index
              %swap3A_890 = tpu.vector_load %arg8[%swap3A_888, %swap3A_889] {strides = array<i32>} : memref<200x128xf32, #tpu.memory_space<vmem>>, vector<16xf32>,
              tpu.vector_store %arg8[%swap3A_888, %swap3A_889], %broadcast_in_dim3A_887 {strides = array<i32>} : memref<200x128xf32, #tpu.memory_space<vmem>>, vector<16xf32>,
            } else {
            }
            %eq3A_750 = arith.constant 10 : i32
            %eq3A_751 = vector.broadcast %eq3A_750 : i32 to vector<16xi32>
            %eq3A_752 = arith.cmpi eq, %iota3A, %eq3A_751 : vector<16xi32>
            %jit3A_753 = arith.constant 1 : i32
            %broadcast_in_dim3A_754 = vector.broadcast %jit3A_753 : i32 to vector<16xi32>
            %select_n3A_755 = arith.select %eq3A_752, %get3A_549, %broadcast_in_dim3A_754 : vector<16xi1>, vector<16xi32>
            %reduce_min3A_756 = arith.constant true
            %reduce_min3A_757 = vector.broadcast %reduce_min3A_756 : i1 to vector<16xi1>
            %reduce_min3A_758 = arith.constant -2147483648 : i32
            %reduce_min3A_759 = vector.broadcast %reduce_min3A_758 : i32 to vector<16xi32>
            %reduce_min3A_760 = arith.xori %select_n3A_755, %reduce_min3A_759 : vector<16xi32>
            %reduce_min3A_761 = tpu.scan <min>, %reduce_min3A_760 masked %reduce_min3A_757 : vector<16xi32>, vector<16xi1> -> vector<16xi32>
            %reduce_min3A_762 = arith.xori %reduce_min3A_761, %reduce_min3A_759 : vector<16xi32>
            %reduce_min3A_763 = vector.extract %reduce_min3A_762[15] : i32 from vector<16xi32>
            %eq3A_764 = arith.constant 0 : i32
            %eq3A_765 = arith.cmpi eq, %reduce_min3A_763, %eq3A_764 : i32
            %convert_element_type3A_766 = arith.extui %eq3A_765 : i1 to i32
            %cond3A_767 = arith.constant 0 : i32
            %cond3A_768 = arith.cmpi ne, %convert_element_type3A_766, %cond3A_767 : i32
            scf.if %cond3A_768 {
              %add3A_864 = arith.constant 10 : i32
              %add3A_865 = arith.addi %min3A_546, %add3A_864 : i32
              %broadcast_in_dim3A_866 = arith.constant 0.000000e+00 : f32
              %broadcast_in_dim3A_867 = vector.broadcast %broadcast_in_dim3A_866 : f32 to vector<16xf32>
              %swap3A = arith.index_cast %add3A_865 : i32 to index
              %swap3A_868 = arith.constant 0 : index
              %swap3A_869 = tpu.vector_load %arg8[%swap3A, %swap3A_868] {strides = array<i32>} : memref<200x128xf32, #tpu.memory_space<vmem>>, vector<16xf32>,
              tpu.vector_store %arg8[%swap3A, %swap3A_868], %broadcast_in_dim3A_867 {strides = array<i32>} : memref<200x128xf32, #tpu.memory_space<vmem>>, vector<16xf32>,
              %add3A_870 = arith.constant 10 : i32
              %add3A_871 = arith.addi %min3A_546, %add3A_870 : i32
              %broadcast_in_dim3A_872 = arith.constant 0.000000e+00 : f32
              %broadcast_in_dim3A_873 = vector.broadcast %broadcast_in_dim3A_872 : f32 to vector<16xf32>
              %swap3A_874 = arith.index_cast %add3A_871 : i32 to index
              %swap3A_875 = arith.constant 16 : index
              %swap3A_876 = tpu.vector_load %arg8[%swap3A_874, %swap3A_875] {strides = array<i32>} : memref<200x128xf32, #tpu.memory_space<vmem>>, vector<16xf32>,
              tpu.vector_store %arg8[%swap3A_874, %swap3A_875], %broadcast_in_dim3A_873 {strides = array<i32>} : memref<200x128xf32, #tpu.memory_space<vmem>>, vector<16xf32>,
              %add3A_877 = arith.constant 10 : i32
              %add3A_878 = arith.addi %min3A_546, %add3A_877 : i32
              %broadcast_in_dim3A_879 = arith.constant 0.000000e+00 : f32
              %broadcast_in_dim3A_880 = vector.broadcast %broadcast_in_dim3A_879 : f32 to vector<16xf32>
              %swap3A_881 = arith.index_cast %add3A_878 : i32 to index
              %swap3A_882 = arith.constant 32 : index
              %swap3A_883 = tpu.vector_load %arg8[%swap3A_881, %swap3A_882] {strides = array<i32>} : memref<200x128xf32, #tpu.memory_space<vmem>>, vector<16xf32>,
              tpu.vector_store %arg8[%swap3A_881, %swap3A_882], %broadcast_in_dim3A_880 {strides = array<i32>} : memref<200x128xf32, #tpu.memory_space<vmem>>, vector<16xf32>,
              %add3A_884 = arith.constant 10 : i32
              %add3A_885 = arith.addi %min3A_546, %add3A_884 : i32
              %broadcast_in_dim3A_886 = arith.constant 0.000000e+00 : f32
              %broadcast_in_dim3A_887 = vector.broadcast %broadcast_in_dim3A_886 : f32 to vector<16xf32>
              %swap3A_888 = arith.index_cast %add3A_885 : i32 to index
              %swap3A_889 = arith.constant 48 : index
              %swap3A_890 = tpu.vector_load %arg8[%swap3A_888, %swap3A_889] {strides = array<i32>} : memref<200x128xf32, #tpu.memory_space<vmem>>, vector<16xf32>,
              tpu.vector_store %arg8[%swap3A_888, %swap3A_889], %broadcast_in_dim3A_887 {strides = array<i32>} : memref<200x128xf32, #tpu.memory_space<vmem>>, vector<16xf32>,
            } else {
            }
            %eq3A_769 = arith.constant 11 : i32
            %eq3A_770 = vector.broadcast %eq3A_769 : i32 to vector<16xi32>
            %eq3A_771 = arith.cmpi eq, %iota3A, %eq3A_770 : vector<16xi32>
            %jit3A_772 = arith.constant 1 : i32
            %broadcast_in_dim3A_773 = vector.broadcast %jit3A_772 : i32 to vector<16xi32>
            %select_n3A_774 = arith.select %eq3A_771, %get3A_549, %broadcast_in_dim3A_773 : vector<16xi1>, vector<16xi32>
            %reduce_min3A_775 = arith.constant true
            %reduce_min3A_776 = vector.broadcast %reduce_min3A_775 : i1 to vector<16xi1>
            %reduce_min3A_777 = arith.constant -2147483648 : i32
            %reduce_min3A_778 = vector.broadcast %reduce_min3A_777 : i32 to vector<16xi32>
            %reduce_min3A_779 = arith.xori %select_n3A_774, %reduce_min3A_778 : vector<16xi32>
            %reduce_min3A_780 = tpu.scan <min>, %reduce_min3A_779 masked %reduce_min3A_776 : vector<16xi32>, vector<16xi1> -> vector<16xi32>
            %reduce_min3A_781 = arith.xori %reduce_min3A_780, %reduce_min3A_778 : vector<16xi32>
            %reduce_min3A_782 = vector.extract %reduce_min3A_781[15] : i32 from vector<16xi32>
            %eq3A_783 = arith.constant 0 : i32
            %eq3A_784 = arith.cmpi eq, %reduce_min3A_782, %eq3A_783 : i32
            %convert_element_type3A_785 = arith.extui %eq3A_784 : i1 to i32
            %cond3A_786 = arith.constant 0 : i32
            %cond3A_787 = arith.cmpi ne, %convert_element_type3A_785, %cond3A_786 : i32
            scf.if %cond3A_787 {
              %add3A_864 = arith.constant 11 : i32
              %add3A_865 = arith.addi %min3A_546, %add3A_864 : i32
              %broadcast_in_dim3A_866 = arith.constant 0.000000e+00 : f32
              %broadcast_in_dim3A_867 = vector.broadcast %broadcast_in_dim3A_866 : f32 to vector<16xf32>
              %swap3A = arith.index_cast %add3A_865 : i32 to index
              %swap3A_868 = arith.constant 0 : index
              %swap3A_869 = tpu.vector_load %arg8[%swap3A, %swap3A_868] {strides = array<i32>} : memref<200x128xf32, #tpu.memory_space<vmem>>, vector<16xf32>,
              tpu.vector_store %arg8[%swap3A, %swap3A_868], %broadcast_in_dim3A_867 {strides = array<i32>} : memref<200x128xf32, #tpu.memory_space<vmem>>, vector<16xf32>,
              %add3A_870 = arith.constant 11 : i32
              %add3A_871 = arith.addi %min3A_546, %add3A_870 : i32
              %broadcast_in_dim3A_872 = arith.constant 0.000000e+00 : f32
              %broadcast_in_dim3A_873 = vector.broadcast %broadcast_in_dim3A_872 : f32 to vector<16xf32>
              %swap3A_874 = arith.index_cast %add3A_871 : i32 to index
              %swap3A_875 = arith.constant 16 : index
              %swap3A_876 = tpu.vector_load %arg8[%swap3A_874, %swap3A_875] {strides = array<i32>} : memref<200x128xf32, #tpu.memory_space<vmem>>, vector<16xf32>,
              tpu.vector_store %arg8[%swap3A_874, %swap3A_875], %broadcast_in_dim3A_873 {strides = array<i32>} : memref<200x128xf32, #tpu.memory_space<vmem>>, vector<16xf32>,
              %add3A_877 = arith.constant 11 : i32
              %add3A_878 = arith.addi %min3A_546, %add3A_877 : i32
              %broadcast_in_dim3A_879 = arith.constant 0.000000e+00 : f32
              %broadcast_in_dim3A_880 = vector.broadcast %broadcast_in_dim3A_879 : f32 to vector<16xf32>
              %swap3A_881 = arith.index_cast %add3A_878 : i32 to index
              %swap3A_882 = arith.constant 32 : index
              %swap3A_883 = tpu.vector_load %arg8[%swap3A_881, %swap3A_882] {strides = array<i32>} : memref<200x128xf32, #tpu.memory_space<vmem>>, vector<16xf32>,
              tpu.vector_store %arg8[%swap3A_881, %swap3A_882], %broadcast_in_dim3A_880 {strides = array<i32>} : memref<200x128xf32, #tpu.memory_space<vmem>>, vector<16xf32>,
              %add3A_884 = arith.constant 11 : i32
              %add3A_885 = arith.addi %min3A_546, %add3A_884 : i32
              %broadcast_in_dim3A_886 = arith.constant 0.000000e+00 : f32
              %broadcast_in_dim3A_887 = vector.broadcast %broadcast_in_dim3A_886 : f32 to vector<16xf32>
              %swap3A_888 = arith.index_cast %add3A_885 : i32 to index
              %swap3A_889 = arith.constant 48 : index
              %swap3A_890 = tpu.vector_load %arg8[%swap3A_888, %swap3A_889] {strides = array<i32>} : memref<200x128xf32, #tpu.memory_space<vmem>>, vector<16xf32>,
              tpu.vector_store %arg8[%swap3A_888, %swap3A_889], %broadcast_in_dim3A_887 {strides = array<i32>} : memref<200x128xf32, #tpu.memory_space<vmem>>, vector<16xf32>,
            } else {
            }
            %eq3A_788 = arith.constant 12 : i32
            %eq3A_789 = vector.broadcast %eq3A_788 : i32 to vector<16xi32>
            %eq3A_790 = arith.cmpi eq, %iota3A, %eq3A_789 : vector<16xi32>
            %jit3A_791 = arith.constant 1 : i32
            %broadcast_in_dim3A_792 = vector.broadcast %jit3A_791 : i32 to vector<16xi32>
            %select_n3A_793 = arith.select %eq3A_790, %get3A_549, %broadcast_in_dim3A_792 : vector<16xi1>, vector<16xi32>
            %reduce_min3A_794 = arith.constant true
            %reduce_min3A_795 = vector.broadcast %reduce_min3A_794 : i1 to vector<16xi1>
            %reduce_min3A_796 = arith.constant -2147483648 : i32
            %reduce_min3A_797 = vector.broadcast %reduce_min3A_796 : i32 to vector<16xi32>
            %reduce_min3A_798 = arith.xori %select_n3A_793, %reduce_min3A_797 : vector<16xi32>
            %reduce_min3A_799 = tpu.scan <min>, %reduce_min3A_798 masked %reduce_min3A_795 : vector<16xi32>, vector<16xi1> -> vector<16xi32>
            %reduce_min3A_800 = arith.xori %reduce_min3A_799, %reduce_min3A_797 : vector<16xi32>
            %reduce_min3A_801 = vector.extract %reduce_min3A_800[15] : i32 from vector<16xi32>
            %eq3A_802 = arith.constant 0 : i32
            %eq3A_803 = arith.cmpi eq, %reduce_min3A_801, %eq3A_802 : i32
            %convert_element_type3A_804 = arith.extui %eq3A_803 : i1 to i32
            %cond3A_805 = arith.constant 0 : i32
            %cond3A_806 = arith.cmpi ne, %convert_element_type3A_804, %cond3A_805 : i32
            scf.if %cond3A_806 {
              %add3A_864 = arith.constant 12 : i32
              %add3A_865 = arith.addi %min3A_546, %add3A_864 : i32
              %broadcast_in_dim3A_866 = arith.constant 0.000000e+00 : f32
              %broadcast_in_dim3A_867 = vector.broadcast %broadcast_in_dim3A_866 : f32 to vector<16xf32>
              %swap3A = arith.index_cast %add3A_865 : i32 to index
              %swap3A_868 = arith.constant 0 : index
              %swap3A_869 = tpu.vector_load %arg8[%swap3A, %swap3A_868] {strides = array<i32>} : memref<200x128xf32, #tpu.memory_space<vmem>>, vector<16xf32>,
              tpu.vector_store %arg8[%swap3A, %swap3A_868], %broadcast_in_dim3A_867 {strides = array<i32>} : memref<200x128xf32, #tpu.memory_space<vmem>>, vector<16xf32>,
              %add3A_870 = arith.constant 12 : i32
              %add3A_871 = arith.addi %min3A_546, %add3A_870 : i32
              %broadcast_in_dim3A_872 = arith.constant 0.000000e+00 : f32
              %broadcast_in_dim3A_873 = vector.broadcast %broadcast_in_dim3A_872 : f32 to vector<16xf32>
              %swap3A_874 = arith.index_cast %add3A_871 : i32 to index
              %swap3A_875 = arith.constant 16 : index
              %swap3A_876 = tpu.vector_load %arg8[%swap3A_874, %swap3A_875] {strides = array<i32>} : memref<200x128xf32, #tpu.memory_space<vmem>>, vector<16xf32>,
              tpu.vector_store %arg8[%swap3A_874, %swap3A_875], %broadcast_in_dim3A_873 {strides = array<i32>} : memref<200x128xf32, #tpu.memory_space<vmem>>, vector<16xf32>,
              %add3A_877 = arith.constant 12 : i32
              %add3A_878 = arith.addi %min3A_546, %add3A_877 : i32
              %broadcast_in_dim3A_879 = arith.constant 0.000000e+00 : f32
              %broadcast_in_dim3A_880 = vector.broadcast %broadcast_in_dim3A_879 : f32 to vector<16xf32>
              %swap3A_881 = arith.index_cast %add3A_878 : i32 to index
              %swap3A_882 = arith.constant 32 : index
              %swap3A_883 = tpu.vector_load %arg8[%swap3A_881, %swap3A_882] {strides = array<i32>} : memref<200x128xf32, #tpu.memory_space<vmem>>, vector<16xf32>,
              tpu.vector_store %arg8[%swap3A_881, %swap3A_882], %broadcast_in_dim3A_880 {strides = array<i32>} : memref<200x128xf32, #tpu.memory_space<vmem>>, vector<16xf32>,
              %add3A_884 = arith.constant 12 : i32
              %add3A_885 = arith.addi %min3A_546, %add3A_884 : i32
              %broadcast_in_dim3A_886 = arith.constant 0.000000e+00 : f32
              %broadcast_in_dim3A_887 = vector.broadcast %broadcast_in_dim3A_886 : f32 to vector<16xf32>
              %swap3A_888 = arith.index_cast %add3A_885 : i32 to index
              %swap3A_889 = arith.constant 48 : index
              %swap3A_890 = tpu.vector_load %arg8[%swap3A_888, %swap3A_889] {strides = array<i32>} : memref<200x128xf32, #tpu.memory_space<vmem>>, vector<16xf32>,
              tpu.vector_store %arg8[%swap3A_888, %swap3A_889], %broadcast_in_dim3A_887 {strides = array<i32>} : memref<200x128xf32, #tpu.memory_space<vmem>>, vector<16xf32>,
            } else {
            }
            %eq3A_807 = arith.constant 13 : i32
            %eq3A_808 = vector.broadcast %eq3A_807 : i32 to vector<16xi32>
            %eq3A_809 = arith.cmpi eq, %iota3A, %eq3A_808 : vector<16xi32>
            %jit3A_810 = arith.constant 1 : i32
            %broadcast_in_dim3A_811 = vector.broadcast %jit3A_810 : i32 to vector<16xi32>
            %select_n3A_812 = arith.select %eq3A_809, %get3A_549, %broadcast_in_dim3A_811 : vector<16xi1>, vector<16xi32>
            %reduce_min3A_813 = arith.constant true
            %reduce_min3A_814 = vector.broadcast %reduce_min3A_813 : i1 to vector<16xi1>
            %reduce_min3A_815 = arith.constant -2147483648 : i32
            %reduce_min3A_816 = vector.broadcast %reduce_min3A_815 : i32 to vector<16xi32>
            %reduce_min3A_817 = arith.xori %select_n3A_812, %reduce_min3A_816 : vector<16xi32>
            %reduce_min3A_818 = tpu.scan <min>, %reduce_min3A_817 masked %reduce_min3A_814 : vector<16xi32>, vector<16xi1> -> vector<16xi32>
            %reduce_min3A_819 = arith.xori %reduce_min3A_818, %reduce_min3A_816 : vector<16xi32>
            %reduce_min3A_820 = vector.extract %reduce_min3A_819[15] : i32 from vector<16xi32>
            %eq3A_821 = arith.constant 0 : i32
            %eq3A_822 = arith.cmpi eq, %reduce_min3A_820, %eq3A_821 : i32
            %convert_element_type3A_823 = arith.extui %eq3A_822 : i1 to i32
            %cond3A_824 = arith.constant 0 : i32
            %cond3A_825 = arith.cmpi ne, %convert_element_type3A_823, %cond3A_824 : i32
            scf.if %cond3A_825 {
              %add3A_864 = arith.constant 13 : i32
              %add3A_865 = arith.addi %min3A_546, %add3A_864 : i32
              %broadcast_in_dim3A_866 = arith.constant 0.000000e+00 : f32
              %broadcast_in_dim3A_867 = vector.broadcast %broadcast_in_dim3A_866 : f32 to vector<16xf32>
              %swap3A = arith.index_cast %add3A_865 : i32 to index
              %swap3A_868 = arith.constant 0 : index
              %swap3A_869 = tpu.vector_load %arg8[%swap3A, %swap3A_868] {strides = array<i32>} : memref<200x128xf32, #tpu.memory_space<vmem>>, vector<16xf32>,
              tpu.vector_store %arg8[%swap3A, %swap3A_868], %broadcast_in_dim3A_867 {strides = array<i32>} : memref<200x128xf32, #tpu.memory_space<vmem>>, vector<16xf32>,
              %add3A_870 = arith.constant 13 : i32
              %add3A_871 = arith.addi %min3A_546, %add3A_870 : i32
              %broadcast_in_dim3A_872 = arith.constant 0.000000e+00 : f32
              %broadcast_in_dim3A_873 = vector.broadcast %broadcast_in_dim3A_872 : f32 to vector<16xf32>
              %swap3A_874 = arith.index_cast %add3A_871 : i32 to index
              %swap3A_875 = arith.constant 16 : index
              %swap3A_876 = tpu.vector_load %arg8[%swap3A_874, %swap3A_875] {strides = array<i32>} : memref<200x128xf32, #tpu.memory_space<vmem>>, vector<16xf32>,
              tpu.vector_store %arg8[%swap3A_874, %swap3A_875], %broadcast_in_dim3A_873 {strides = array<i32>} : memref<200x128xf32, #tpu.memory_space<vmem>>, vector<16xf32>,
              %add3A_877 = arith.constant 13 : i32
              %add3A_878 = arith.addi %min3A_546, %add3A_877 : i32
              %broadcast_in_dim3A_879 = arith.constant 0.000000e+00 : f32
              %broadcast_in_dim3A_880 = vector.broadcast %broadcast_in_dim3A_879 : f32 to vector<16xf32>
              %swap3A_881 = arith.index_cast %add3A_878 : i32 to index
              %swap3A_882 = arith.constant 32 : index
              %swap3A_883 = tpu.vector_load %arg8[%swap3A_881, %swap3A_882] {strides = array<i32>} : memref<200x128xf32, #tpu.memory_space<vmem>>, vector<16xf32>,
              tpu.vector_store %arg8[%swap3A_881, %swap3A_882], %broadcast_in_dim3A_880 {strides = array<i32>} : memref<200x128xf32, #tpu.memory_space<vmem>>, vector<16xf32>,
              %add3A_884 = arith.constant 13 : i32
              %add3A_885 = arith.addi %min3A_546, %add3A_884 : i32
              %broadcast_in_dim3A_886 = arith.constant 0.000000e+00 : f32
              %broadcast_in_dim3A_887 = vector.broadcast %broadcast_in_dim3A_886 : f32 to vector<16xf32>
              %swap3A_888 = arith.index_cast %add3A_885 : i32 to index
              %swap3A_889 = arith.constant 48 : index
              %swap3A_890 = tpu.vector_load %arg8[%swap3A_888, %swap3A_889] {strides = array<i32>} : memref<200x128xf32, #tpu.memory_space<vmem>>, vector<16xf32>,
              tpu.vector_store %arg8[%swap3A_888, %swap3A_889], %broadcast_in_dim3A_887 {strides = array<i32>} : memref<200x128xf32, #tpu.memory_space<vmem>>, vector<16xf32>,
            } else {
            }
            %eq3A_826 = arith.constant 14 : i32
            %eq3A_827 = vector.broadcast %eq3A_826 : i32 to vector<16xi32>
            %eq3A_828 = arith.cmpi eq, %iota3A, %eq3A_827 : vector<16xi32>
            %jit3A_829 = arith.constant 1 : i32
            %broadcast_in_dim3A_830 = vector.broadcast %jit3A_829 : i32 to vector<16xi32>
            %select_n3A_831 = arith.select %eq3A_828, %get3A_549, %broadcast_in_dim3A_830 : vector<16xi1>, vector<16xi32>
            %reduce_min3A_832 = arith.constant true
            %reduce_min3A_833 = vector.broadcast %reduce_min3A_832 : i1 to vector<16xi1>
            %reduce_min3A_834 = arith.constant -2147483648 : i32
            %reduce_min3A_835 = vector.broadcast %reduce_min3A_834 : i32 to vector<16xi32>
            %reduce_min3A_836 = arith.xori %select_n3A_831, %reduce_min3A_835 : vector<16xi32>
            %reduce_min3A_837 = tpu.scan <min>, %reduce_min3A_836 masked %reduce_min3A_833 : vector<16xi32>, vector<16xi1> -> vector<16xi32>
            %reduce_min3A_838 = arith.xori %reduce_min3A_837, %reduce_min3A_835 : vector<16xi32>
            %reduce_min3A_839 = vector.extract %reduce_min3A_838[15] : i32 from vector<16xi32>
            %eq3A_840 = arith.constant 0 : i32
            %eq3A_841 = arith.cmpi eq, %reduce_min3A_839, %eq3A_840 : i32
            %convert_element_type3A_842 = arith.extui %eq3A_841 : i1 to i32
            %cond3A_843 = arith.constant 0 : i32
            %cond3A_844 = arith.cmpi ne, %convert_element_type3A_842, %cond3A_843 : i32
            scf.if %cond3A_844 {
              %add3A_864 = arith.constant 14 : i32
              %add3A_865 = arith.addi %min3A_546, %add3A_864 : i32
              %broadcast_in_dim3A_866 = arith.constant 0.000000e+00 : f32
              %broadcast_in_dim3A_867 = vector.broadcast %broadcast_in_dim3A_866 : f32 to vector<16xf32>
              %swap3A = arith.index_cast %add3A_865 : i32 to index
              %swap3A_868 = arith.constant 0 : index
              %swap3A_869 = tpu.vector_load %arg8[%swap3A, %swap3A_868] {strides = array<i32>} : memref<200x128xf32, #tpu.memory_space<vmem>>, vector<16xf32>,
              tpu.vector_store %arg8[%swap3A, %swap3A_868], %broadcast_in_dim3A_867 {strides = array<i32>} : memref<200x128xf32, #tpu.memory_space<vmem>>, vector<16xf32>,
              %add3A_870 = arith.constant 14 : i32
              %add3A_871 = arith.addi %min3A_546, %add3A_870 : i32
              %broadcast_in_dim3A_872 = arith.constant 0.000000e+00 : f32
              %broadcast_in_dim3A_873 = vector.broadcast %broadcast_in_dim3A_872 : f32 to vector<16xf32>
              %swap3A_874 = arith.index_cast %add3A_871 : i32 to index
              %swap3A_875 = arith.constant 16 : index
              %swap3A_876 = tpu.vector_load %arg8[%swap3A_874, %swap3A_875] {strides = array<i32>} : memref<200x128xf32, #tpu.memory_space<vmem>>, vector<16xf32>,
              tpu.vector_store %arg8[%swap3A_874, %swap3A_875], %broadcast_in_dim3A_873 {strides = array<i32>} : memref<200x128xf32, #tpu.memory_space<vmem>>, vector<16xf32>,
              %add3A_877 = arith.constant 14 : i32
              %add3A_878 = arith.addi %min3A_546, %add3A_877 : i32
              %broadcast_in_dim3A_879 = arith.constant 0.000000e+00 : f32
              %broadcast_in_dim3A_880 = vector.broadcast %broadcast_in_dim3A_879 : f32 to vector<16xf32>
              %swap3A_881 = arith.index_cast %add3A_878 : i32 to index
              %swap3A_882 = arith.constant 32 : index
              %swap3A_883 = tpu.vector_load %arg8[%swap3A_881, %swap3A_882] {strides = array<i32>} : memref<200x128xf32, #tpu.memory_space<vmem>>, vector<16xf32>,
              tpu.vector_store %arg8[%swap3A_881, %swap3A_882], %broadcast_in_dim3A_880 {strides = array<i32>} : memref<200x128xf32, #tpu.memory_space<vmem>>, vector<16xf32>,
              %add3A_884 = arith.constant 14 : i32
              %add3A_885 = arith.addi %min3A_546, %add3A_884 : i32
              %broadcast_in_dim3A_886 = arith.constant 0.000000e+00 : f32
              %broadcast_in_dim3A_887 = vector.broadcast %broadcast_in_dim3A_886 : f32 to vector<16xf32>
              %swap3A_888 = arith.index_cast %add3A_885 : i32 to index
              %swap3A_889 = arith.constant 48 : index
              %swap3A_890 = tpu.vector_load %arg8[%swap3A_888, %swap3A_889] {strides = array<i32>} : memref<200x128xf32, #tpu.memory_space<vmem>>, vector<16xf32>,
              tpu.vector_store %arg8[%swap3A_888, %swap3A_889], %broadcast_in_dim3A_887 {strides = array<i32>} : memref<200x128xf32, #tpu.memory_space<vmem>>, vector<16xf32>,
            } else {
            }
            %eq3A_845 = arith.constant 15 : i32
            %eq3A_846 = vector.broadcast %eq3A_845 : i32 to vector<16xi32>
            %eq3A_847 = arith.cmpi eq, %iota3A, %eq3A_846 : vector<16xi32>
            %jit3A_848 = arith.constant 1 : i32
            %broadcast_in_dim3A_849 = vector.broadcast %jit3A_848 : i32 to vector<16xi32>
            %select_n3A_850 = arith.select %eq3A_847, %get3A_549, %broadcast_in_dim3A_849 : vector<16xi1>, vector<16xi32>
            %reduce_min3A_851 = arith.constant true
            %reduce_min3A_852 = vector.broadcast %reduce_min3A_851 : i1 to vector<16xi1>
            %reduce_min3A_853 = arith.constant -2147483648 : i32
            %reduce_min3A_854 = vector.broadcast %reduce_min3A_853 : i32 to vector<16xi32>
            %reduce_min3A_855 = arith.xori %select_n3A_850, %reduce_min3A_854 : vector<16xi32>
            %reduce_min3A_856 = tpu.scan <min>, %reduce_min3A_855 masked %reduce_min3A_852 : vector<16xi32>, vector<16xi1> -> vector<16xi32>
            %reduce_min3A_857 = arith.xori %reduce_min3A_856, %reduce_min3A_854 : vector<16xi32>
            %reduce_min3A_858 = vector.extract %reduce_min3A_857[15] : i32 from vector<16xi32>
            %eq3A_859 = arith.constant 0 : i32
            %eq3A_860 = arith.cmpi eq, %reduce_min3A_858, %eq3A_859 : i32
            %convert_element_type3A_861 = arith.extui %eq3A_860 : i1 to i32
            %cond3A_862 = arith.constant 0 : i32
            %cond3A_863 = arith.cmpi ne, %convert_element_type3A_861, %cond3A_862 : i32
            scf.if %cond3A_863 {
              %add3A_864 = arith.constant 15 : i32
              %add3A_865 = arith.addi %min3A_546, %add3A_864 : i32
              %broadcast_in_dim3A_866 = arith.constant 0.000000e+00 : f32
              %broadcast_in_dim3A_867 = vector.broadcast %broadcast_in_dim3A_866 : f32 to vector<16xf32>
              %swap3A = arith.index_cast %add3A_865 : i32 to index
              %swap3A_868 = arith.constant 0 : index
              %swap3A_869 = tpu.vector_load %arg8[%swap3A, %swap3A_868] {strides = array<i32>} : memref<200x128xf32, #tpu.memory_space<vmem>>, vector<16xf32>,
              tpu.vector_store %arg8[%swap3A, %swap3A_868], %broadcast_in_dim3A_867 {strides = array<i32>} : memref<200x128xf32, #tpu.memory_space<vmem>>, vector<16xf32>,
              %add3A_870 = arith.constant 15 : i32
              %add3A_871 = arith.addi %min3A_546, %add3A_870 : i32
              %broadcast_in_dim3A_872 = arith.constant 0.000000e+00 : f32
              %broadcast_in_dim3A_873 = vector.broadcast %broadcast_in_dim3A_872 : f32 to vector<16xf32>
              %swap3A_874 = arith.index_cast %add3A_871 : i32 to index
              %swap3A_875 = arith.constant 16 : index
              %swap3A_876 = tpu.vector_load %arg8[%swap3A_874, %swap3A_875] {strides = array<i32>} : memref<200x128xf32, #tpu.memory_space<vmem>>, vector<16xf32>,
              tpu.vector_store %arg8[%swap3A_874, %swap3A_875], %broadcast_in_dim3A_873 {strides = array<i32>} : memref<200x128xf32, #tpu.memory_space<vmem>>, vector<16xf32>,
              %add3A_877 = arith.constant 15 : i32
              %add3A_878 = arith.addi %min3A_546, %add3A_877 : i32
              %broadcast_in_dim3A_879 = arith.constant 0.000000e+00 : f32
              %broadcast_in_dim3A_880 = vector.broadcast %broadcast_in_dim3A_879 : f32 to vector<16xf32>
              %swap3A_881 = arith.index_cast %add3A_878 : i32 to index
              %swap3A_882 = arith.constant 32 : index
              %swap3A_883 = tpu.vector_load %arg8[%swap3A_881, %swap3A_882] {strides = array<i32>} : memref<200x128xf32, #tpu.memory_space<vmem>>, vector<16xf32>,
              tpu.vector_store %arg8[%swap3A_881, %swap3A_882], %broadcast_in_dim3A_880 {strides = array<i32>} : memref<200x128xf32, #tpu.memory_space<vmem>>, vector<16xf32>,
              %add3A_884 = arith.constant 15 : i32
              %add3A_885 = arith.addi %min3A_546, %add3A_884 : i32
              %broadcast_in_dim3A_886 = arith.constant 0.000000e+00 : f32
              %broadcast_in_dim3A_887 = vector.broadcast %broadcast_in_dim3A_886 : f32 to vector<16xf32>
              %swap3A_888 = arith.index_cast %add3A_885 : i32 to index
              %swap3A_889 = arith.constant 48 : index
              %swap3A_890 = tpu.vector_load %arg8[%swap3A_888, %swap3A_889] {strides = array<i32>} : memref<200x128xf32, #tpu.memory_space<vmem>>, vector<16xf32>,
              tpu.vector_store %arg8[%swap3A_888, %swap3A_889], %broadcast_in_dim3A_887 {strides = array<i32>} : memref<200x128xf32, #tpu.memory_space<vmem>>, vector<16xf32>,
            } else {
            }
          } else {
          }
        }
        %scan3A_537 = arith.constant 13 : i32
      } else {
      }
      %add3A_406 = arith.addi %mul3A_2, %add3A_312 : i32
      %dma_start3A_407 = arith.constant 0 : i32
      %dma_start3A_408 = arith.constant 0 : i32
      %dma_start3A_409 = tpu.memref_slice %arg4[%add3A_406, %dma_start3A_407, %dma_start3A_408] : memref<4096x200x128xf32, #tpu.memory_space<hbm>> -> memref<1x200x128xf32, #tpu.memory_space<hbm>>
      %dma_start3A_410 = tpu.memref_squeeze %dma_start3A_409 : memref<1x200x128xf32, #tpu.memory_space<hbm>> -> memref<200x128xf32, #tpu.memory_space<hbm>>
      %dma_start3A_411 = arith.constant 0 : i32
      %dma_start3A_412 = arith.constant 0 : i32
      %dma_start3A_413 = tpu.memref_slice %arg4[%add3A_406, %dma_start3A_411, %dma_start3A_412] : memref<4096x200x128xf32, #tpu.memory_space<hbm>> -> memref<1x200x128xf32, #tpu.memory_space<hbm>>
      %dma_start3A_414 = tpu.memref_squeeze %dma_start3A_413 : memref<1x200x128xf32, #tpu.memory_space<hbm>> -> memref<200x128xf32, #tpu.memory_space<hbm>>
      tpu.enqueue_dma source(%arg8 : memref<200x128xf32, #tpu.memory_space<vmem>>) target(%dma_start3A_414 : memref<200x128xf32, #tpu.memory_space<hbm>>) target_semaphore(%arg17 : memref<!tpu.dma_semaphore, #tpu.memory_space<semaphore_mem>>)
      %add3A_415 = arith.constant 3 : i32
      %add3A_416 = arith.addi %add3A_312, %add3A_415 : i32
      %lt3A_417 = arith.constant 128 : i32
      %lt3A_418 = arith.cmpi slt, %add3A_416, %lt3A_417 : i32
      %convert_element_type3A_419 = arith.extui %lt3A_418 : i1 to i32
      %cond3A_420 = arith.constant 0 : i32
      %cond3A_421 = arith.cmpi ne, %convert_element_type3A_419, %cond3A_420 : i32
      scf.if %cond3A_421 {
        %ge3A = arith.constant 1 : i32
        %ge3A_533 = arith.cmpi sge, %add3A_312, %ge3A : i32
        %convert_element_type3A_534 = arith.extui %ge3A_533 : i1 to i32
        %cond3A_535 = arith.constant 0 : i32
        %cond3A_536 = arith.cmpi ne, %convert_element_type3A_534, %cond3A_535 : i32
        scf.if %cond3A_536 {
          %dma_wait3A_559 = arith.constant 0 : i32
          %dma_wait3A_560 = arith.constant 0 : i32
          %dma_wait3A_561 = tpu.memref_slice %arg4[%mul3A_2, %dma_wait3A_559, %dma_wait3A_560] : memref<4096x200x128xf32, #tpu.memory_space<hbm>> -> memref<1x200x128xf32, #tpu.memory_space<hbm>>
          %dma_wait3A_562 = tpu.memref_squeeze %dma_wait3A_561 : memref<1x200x128xf32, #tpu.memory_space<hbm>> -> memref<200x128xf32, #tpu.memory_space<hbm>>
          %dma_wait3A_563 = arith.constant 0 : i32
          %dma_wait3A_564 = arith.constant 0 : i32
          %dma_wait3A_565 = tpu.memref_slice %arg4[%mul3A_2, %dma_wait3A_563, %dma_wait3A_564] : memref<4096x200x128xf32, #tpu.memory_space<hbm>> -> memref<1x200x128xf32, #tpu.memory_space<hbm>>
          %dma_wait3A_566 = tpu.memref_squeeze %dma_wait3A_565 : memref<1x200x128xf32, #tpu.memory_space<hbm>> -> memref<200x128xf32, #tpu.memory_space<hbm>>
          tpu.wait_dma2 semaphore(%arg16 : memref<!tpu.dma_semaphore, #tpu.memory_space<semaphore_mem>>) src(%arg7 : memref<200x128xf32, #tpu.memory_space<vmem>>) dst(%dma_wait3A_566 : memref<200x128xf32, #tpu.memory_space<hbm>>)
        } else {
        }
        %mul3A_537 = arith.constant 208 : i32
        %mul3A_538 = arith.muli %add3A_416, %mul3A_537 : i32
        %add3A_539 = arith.constant 0 : i32
        %add3A_540 = arith.addi %mul3A_538, %add3A_539 : i32
        %dma_start3A_541 = arith.constant 0 : i32
        %dma_start3A_542 = arith.constant 0 : i32
        %dma_start3A_543 = tpu.memref_slice %arg7[%dma_start3A_541, %dma_start3A_542] : memref<200x128xf32, #tpu.memory_space<vmem>> -> memref<128x128xf32, #tpu.memory_space<vmem>>
        %dma_start3A_544 = tpu.memref_slice %arg5[%add3A_540] : memref<26624xi32, #tpu.memory_space<vmem>> -> memref<128xi32, #tpu.memory_space<vmem>>
        %dma_start3A_545 = arith.constant 0 : i32
        %dma_start3A_546 = arith.constant 0 : i32
        %dma_start3A_547 = tpu.memref_slice %arg2[%dma_start3A_545, %dma_start3A_546] : memref<100000x128xf32, #tpu.memory_space<hbm>> -> memref<100000x128xf32, #tpu.memory_space<hbm>>
        tpu.enqueue_indirect_dma source(%dma_start3A_547 : memref<100000x128xf32, #tpu.memory_space<hbm>>) target(%dma_start3A_543 : memref<128x128xf32, #tpu.memory_space<vmem>>) offsets(%dma_start3A_544 : memref<128xi32, #tpu.memory_space<vmem>>) semaphore(%arg12 : memref<!tpu.dma_semaphore, #tpu.memory_space<semaphore_mem>>)
        %mul3A_548 = arith.constant 208 : i32
        %mul3A_549 = arith.muli %add3A_416, %mul3A_548 : i32
        %add3A_550 = arith.constant 128 : i32
        %add3A_551 = arith.addi %mul3A_549, %add3A_550 : i32
        %dma_start3A_552 = arith.constant 128 : i32
        %dma_start3A_553 = arith.constant 0 : i32
        %dma_start3A_554 = tpu.memref_slice %arg7[%dma_start3A_552, %dma_start3A_553] : memref<200x128xf32, #tpu.memory_space<vmem>> -> memref<72x128xf32, #tpu.memory_space<vmem>>
        %dma_start3A_555 = tpu.memref_slice %arg5[%add3A_551] : memref<26624xi32, #tpu.memory_space<vmem>> -> memref<72xi32, #tpu.memory_space<vmem>>
        %dma_start3A_556 = arith.constant 0 : i32
        %dma_start3A_557 = arith.constant 0 : i32
        %dma_start3A_558 = tpu.memref_slice %arg2[%dma_start3A_556, %dma_start3A_557] : memref<100000x128xf32, #tpu.memory_space<hbm>> -> memref<100000x128xf32, #tpu.memory_space<hbm>>
        tpu.enqueue_indirect_dma source(%dma_start3A_558 : memref<100000x128xf32, #tpu.memory_space<hbm>>) target(%dma_start3A_554 : memref<72x128xf32, #tpu.memory_space<vmem>>) offsets(%dma_start3A_555 : memref<72xi32, #tpu.memory_space<vmem>>) semaphore(%arg12 : memref<!tpu.dma_semaphore, #tpu.memory_space<semaphore_mem>>)
      } else {
      }
      %add3A_422 = arith.constant 3 : i32
      %add3A_423 = arith.addi %add3A_95, %add3A_422 : i32
      %dma_wait3A_424 = arith.constant 0 : i32
      %dma_wait3A_425 = arith.constant 0 : i32
      %dma_wait3A_426 = tpu.memref_slice %arg9[%dma_wait3A_424, %dma_wait3A_425] : memref<200x128xf32, #tpu.memory_space<vmem>> -> memref<128x128xf32, #tpu.memory_space<vmem>>
      %dma_wait3A_427 = arith.constant 0 : i32
      %dma_wait3A_428 = tpu.memref_slice %arg5[%dma_wait3A_427] : memref<26624xi32, #tpu.memory_space<vmem>> -> memref<128xi32, #tpu.memory_space<vmem>>
      %dma_wait3A_429 = arith.constant 0 : i32
      %dma_wait3A_430 = arith.constant 0 : i32
      %dma_wait3A_431 = tpu.memref_slice %arg2[%dma_wait3A_429, %dma_wait3A_430] : memref<100000x128xf32, #tpu.memory_space<hbm>> -> memref<100000x128xf32, #tpu.memory_space<hbm>>
      tpu.wait_indirect_dma semaphore(%arg14 : memref<!tpu.dma_semaphore, #tpu.memory_space<semaphore_mem>>) src(%dma_wait3A_431 : memref<100000x128xf32, #tpu.memory_space<hbm>>) dst(%dma_wait3A_426 : memref<128x128xf32, #tpu.memory_space<vmem>>)
      %dma_wait3A_432 = arith.constant 128 : i32
      %dma_wait3A_433 = arith.constant 0 : i32
      %dma_wait3A_434 = tpu.memref_slice %arg9[%dma_wait3A_432, %dma_wait3A_433] : memref<200x128xf32, #tpu.memory_space<vmem>> -> memref<72x128xf32, #tpu.memory_space<vmem>>
      %dma_wait3A_435 = arith.constant 128 : i32
      %dma_wait3A_436 = tpu.memref_slice %arg5[%dma_wait3A_435] : memref<26624xi32, #tpu.memory_space<vmem>> -> memref<72xi32, #tpu.memory_space<vmem>>
      %dma_wait3A_437 = arith.constant 0 : i32
      %dma_wait3A_438 = arith.constant 0 : i32
      %dma_wait3A_439 = tpu.memref_slice %arg2[%dma_wait3A_437, %dma_wait3A_438] : memref<100000x128xf32, #tpu.memory_space<hbm>> -> memref<100000x128xf32, #tpu.memory_space<hbm>>
      tpu.wait_indirect_dma semaphore(%arg14 : memref<!tpu.dma_semaphore, #tpu.memory_space<semaphore_mem>>) src(%dma_wait3A_439 : memref<100000x128xf32, #tpu.memory_space<hbm>>) dst(%dma_wait3A_434 : memref<72x128xf32, #tpu.memory_space<vmem>>)
      %mul3A_440 = arith.constant 208 : i32
      %mul3A_441 = arith.muli %add3A_423, %mul3A_440 : i32
      %get3A_442 = arith.index_cast %mul3A_441 : i32 to index
      %get3A_443 = tpu.vector_load %arg5[%get3A_442] {strides = array<i32>} : memref<26624xi32, #tpu.memory_space<vmem>>, vector<16xi32>,
      %add3A_444 = arith.constant 16 : i32
      %add3A_445 = arith.addi %mul3A_441, %add3A_444 : i32
      %get3A_446 = arith.index_cast %add3A_445 : i32 to index
      %get3A_447 = tpu.vector_load %arg5[%get3A_446] {strides = array<i32>} : memref<26624xi32, #tpu.memory_space<vmem>>, vector<16xi32>,
      %min3A_448 = arith.minsi %get3A_443, %get3A_447 : vector<16xi32>
      %add3A_449 = arith.constant 32 : i32
      %add3A_450 = arith.addi %mul3A_441, %add3A_449 : i32
      %get3A_451 = arith.index_cast %add3A_450 : i32 to index
      %get3A_452 = tpu.vector_load %arg5[%get3A_451] {strides = array<i32>} : memref<26624xi32, #tpu.memory_space<vmem>>, vector<16xi32>,
      %min3A_453 = arith.minsi %min3A_448, %get3A_452 : vector<16xi32>
      %add3A_454 = arith.constant 48 : i32
      %add3A_455 = arith.addi %mul3A_441, %add3A_454 : i32
      %get3A_456 = arith.index_cast %add3A_455 : i32 to index
      %get3A_457 = tpu.vector_load %arg5[%get3A_456] {strides = array<i32>} : memref<26624xi32, #tpu.memory_space<vmem>>, vector<16xi32>,
      %min3A_458 = arith.minsi %min3A_453, %get3A_457 : vector<16xi32>
      %add3A_459 = arith.constant 64 : i32
      %add3A_460 = arith.addi %mul3A_441, %add3A_459 : i32
      %get3A_461 = arith.index_cast %add3A_460 : i32 to index
      %get3A_462 = tpu.vector_load %arg5[%get3A_461] {strides = array<i32>} : memref<26624xi32, #tpu.memory_space<vmem>>, vector<16xi32>,
      %min3A_463 = arith.minsi %min3A_458, %get3A_462 : vector<16xi32>
      %add3A_464 = arith.constant 80 : i32
      %add3A_465 = arith.addi %mul3A_441, %add3A_464 : i32
      %get3A_466 = arith.index_cast %add3A_465 : i32 to index
      %get3A_467 = tpu.vector_load %arg5[%get3A_466] {strides = array<i32>} : memref<26624xi32, #tpu.memory_space<vmem>>, vector<16xi32>,
      %min3A_468 = arith.minsi %min3A_463, %get3A_467 : vector<16xi32>
      %add3A_469 = arith.constant 96 : i32
      %add3A_470 = arith.addi %mul3A_441, %add3A_469 : i32
      %get3A_471 = arith.index_cast %add3A_470 : i32 to index
      %get3A_472 = tpu.vector_load %arg5[%get3A_471] {strides = array<i32>} : memref<26624xi32, #tpu.memory_space<vmem>>, vector<16xi32>,
      %min3A_473 = arith.minsi %min3A_468, %get3A_472 : vector<16xi32>
      %add3A_474 = arith.constant 112 : i32
      %add3A_475 = arith.addi %mul3A_441, %add3A_474 : i32
      %get3A_476 = arith.index_cast %add3A_475 : i32 to index
      %get3A_477 = tpu.vector_load %arg5[%get3A_476] {strides = array<i32>} : memref<26624xi32, #tpu.memory_space<vmem>>, vector<16xi32>,
      %min3A_478 = arith.minsi %min3A_473, %get3A_477 : vector<16xi32>
      %add3A_479 = arith.constant 128 : i32
      %add3A_480 = arith.addi %mul3A_441, %add3A_479 : i32
      %get3A_481 = arith.index_cast %add3A_480 : i32 to index
      %get3A_482 = tpu.vector_load %arg5[%get3A_481] {strides = array<i32>} : memref<26624xi32, #tpu.memory_space<vmem>>, vector<16xi32>,
      %min3A_483 = arith.minsi %min3A_478, %get3A_482 : vector<16xi32>
      %add3A_484 = arith.constant 144 : i32
      %add3A_485 = arith.addi %mul3A_441, %add3A_484 : i32
      %get3A_486 = arith.index_cast %add3A_485 : i32 to index
      %get3A_487 = tpu.vector_load %arg5[%get3A_486] {strides = array<i32>} : memref<26624xi32, #tpu.memory_space<vmem>>, vector<16xi32>,
      %min3A_488 = arith.minsi %min3A_483, %get3A_487 : vector<16xi32>
      %add3A_489 = arith.constant 160 : i32
      %add3A_490 = arith.addi %mul3A_441, %add3A_489 : i32
      %get3A_491 = arith.index_cast %add3A_490 : i32 to index
      %get3A_492 = tpu.vector_load %arg5[%get3A_491] {strides = array<i32>} : memref<26624xi32, #tpu.memory_space<vmem>>, vector<16xi32>,
      %min3A_493 = arith.minsi %min3A_488, %get3A_492 : vector<16xi32>
      %add3A_494 = arith.constant 176 : i32
      %add3A_495 = arith.addi %mul3A_441, %add3A_494 : i32
      %get3A_496 = arith.index_cast %add3A_495 : i32 to index
      %get3A_497 = tpu.vector_load %arg5[%get3A_496] {strides = array<i32>} : memref<26624xi32, #tpu.memory_space<vmem>>, vector<16xi32>,
      %min3A_498 = arith.minsi %min3A_493, %get3A_497 : vector<16xi32>
      %add3A_499 = arith.constant 192 : i32
      %add3A_500 = arith.addi %mul3A_441, %add3A_499 : i32
      %get3A_501 = arith.index_cast %add3A_500 : i32 to index
      %get3A_502 = tpu.vector_load %arg5[%get3A_501] {strides = array<i32>} : memref<26624xi32, #tpu.memory_space<vmem>>, vector<16xi32>,
      %min3A_503 = arith.minsi %min3A_498, %get3A_502 : vector<16xi32>
      %reduce_min3A_504 = arith.constant true
      %reduce_min3A_505 = vector.broadcast %reduce_min3A_504 : i1 to vector<16xi1>
      %reduce_min3A_506 = arith.constant -2147483648 : i32
      %reduce_min3A_507 = vector.broadcast %reduce_min3A_506 : i32 to vector<16xi32>
      %reduce_min3A_508 = arith.xori %min3A_503, %reduce_min3A_507 : vector<16xi32>
      %reduce_min3A_509 = tpu.scan <min>, %reduce_min3A_508 masked %reduce_min3A_505 : vector<16xi32>, vector<16xi1> -> vector<16xi32>
      %reduce_min3A_510 = arith.xori %reduce_min3A_509, %reduce_min3A_507 : vector<16xi32>
      %reduce_min3A_511 = vector.extract %reduce_min3A_510[15] : i32 from vector<16xi32>
      %eq3A_512 = arith.constant 0 : i32
      %eq3A_513 = arith.cmpi eq, %reduce_min3A_511, %eq3A_512 : i32
      %convert_element_type3A_514 = arith.extui %eq3A_513 : i1 to i32
      %cond3A_515 = arith.constant 0 : i32
      %cond3A_516 = arith.cmpi ne, %convert_element_type3A_514, %cond3A_515 : i32
      scf.if %cond3A_516 {
        %scan3A_533 = arith.constant 0 : i32
        %scan3A_534 = arith.constant 13 : i32
        %scan3A_535 = arith.addi %scan3A_533, %scan3A_534 : i32
        %scan3A_536 = arith.constant 1 : i32
        scf.for %scan3A_538 = %scan3A_533 to %scan3A_535 step %scan3A_536  : i32 {
          %mul3A_539 = arith.constant 1 : i32
          %mul3A_540 = arith.muli %scan3A_538, %mul3A_539 : i32
          %add3A_541 = arith.constant 0 : i32
          %add3A_542 = arith.addi %add3A_541, %mul3A_540 : i32
          %mul3A_543 = arith.constant 16 : i32
          %mul3A_544 = arith.muli %add3A_542, %mul3A_543 : i32
          %min3A_545 = arith.constant 192 : i32
          %min3A_546 = arith.minsi %mul3A_544, %min3A_545 : i32
          %add3A_547 = arith.addi %mul3A_441, %min3A_546 : i32
          %get3A_548 = arith.index_cast %add3A_547 : i32 to index
          %get3A_549 = tpu.vector_load %arg5[%get3A_548] {strides = array<i32>} : memref<26624xi32, #tpu.memory_space<vmem>>, vector<16xi32>,
          %reduce_min3A_550 = arith.constant true
          %reduce_min3A_551 = vector.broadcast %reduce_min3A_550 : i1 to vector<16xi1>
          %reduce_min3A_552 = arith.constant -2147483648 : i32
          %reduce_min3A_553 = vector.broadcast %reduce_min3A_552 : i32 to vector<16xi32>
          %reduce_min3A_554 = arith.xori %get3A_549, %reduce_min3A_553 : vector<16xi32>
          %reduce_min3A_555 = tpu.scan <min>, %reduce_min3A_554 masked %reduce_min3A_551 : vector<16xi32>, vector<16xi1> -> vector<16xi32>
          %reduce_min3A_556 = arith.xori %reduce_min3A_555, %reduce_min3A_553 : vector<16xi32>
          %reduce_min3A_557 = vector.extract %reduce_min3A_556[15] : i32 from vector<16xi32>
          %eq3A_558 = arith.constant 0 : i32
          %eq3A_559 = arith.cmpi eq, %reduce_min3A_557, %eq3A_558 : i32
          %convert_element_type3A_560 = arith.extui %eq3A_559 : i1 to i32
          %cond3A_561 = arith.constant 0 : i32
          %cond3A_562 = arith.cmpi ne, %convert_element_type3A_560, %cond3A_561 : i32
          scf.if %cond3A_562 {
            %iota3A = tpu.iota {dimensions = array<i32: 0>} : vector<16xi32>
            %eq3A_563 = arith.constant 0 : i32
            %eq3A_564 = vector.broadcast %eq3A_563 : i32 to vector<16xi32>
            %eq3A_565 = arith.cmpi eq, %iota3A, %eq3A_564 : vector<16xi32>
            %jit3A = arith.constant 1 : i32
            %broadcast_in_dim3A = vector.broadcast %jit3A : i32 to vector<16xi32>
            %select_n3A = arith.select %eq3A_565, %get3A_549, %broadcast_in_dim3A : vector<16xi1>, vector<16xi32>
            %reduce_min3A_566 = arith.constant true
            %reduce_min3A_567 = vector.broadcast %reduce_min3A_566 : i1 to vector<16xi1>
            %reduce_min3A_568 = arith.constant -2147483648 : i32
            %reduce_min3A_569 = vector.broadcast %reduce_min3A_568 : i32 to vector<16xi32>
            %reduce_min3A_570 = arith.xori %select_n3A, %reduce_min3A_569 : vector<16xi32>
            %reduce_min3A_571 = tpu.scan <min>, %reduce_min3A_570 masked %reduce_min3A_567 : vector<16xi32>, vector<16xi1> -> vector<16xi32>
            %reduce_min3A_572 = arith.xori %reduce_min3A_571, %reduce_min3A_569 : vector<16xi32>
            %reduce_min3A_573 = vector.extract %reduce_min3A_572[15] : i32 from vector<16xi32>
            %eq3A_574 = arith.constant 0 : i32
            %eq3A_575 = arith.cmpi eq, %reduce_min3A_573, %eq3A_574 : i32
            %convert_element_type3A_576 = arith.extui %eq3A_575 : i1 to i32
            %cond3A_577 = arith.constant 0 : i32
            %cond3A_578 = arith.cmpi ne, %convert_element_type3A_576, %cond3A_577 : i32
            scf.if %cond3A_578 {
              %add3A_864 = arith.constant 0 : i32
              %add3A_865 = arith.addi %min3A_546, %add3A_864 : i32
              %broadcast_in_dim3A_866 = arith.constant 0.000000e+00 : f32
              %broadcast_in_dim3A_867 = vector.broadcast %broadcast_in_dim3A_866 : f32 to vector<16xf32>
              %swap3A = arith.index_cast %add3A_865 : i32 to index
              %swap3A_868 = arith.constant 0 : index
              %swap3A_869 = tpu.vector_load %arg9[%swap3A, %swap3A_868] {strides = array<i32>} : memref<200x128xf32, #tpu.memory_space<vmem>>, vector<16xf32>,
              tpu.vector_store %arg9[%swap3A, %swap3A_868], %broadcast_in_dim3A_867 {strides = array<i32>} : memref<200x128xf32, #tpu.memory_space<vmem>>, vector<16xf32>,
              %add3A_870 = arith.constant 0 : i32
              %add3A_871 = arith.addi %min3A_546, %add3A_870 : i32
              %broadcast_in_dim3A_872 = arith.constant 0.000000e+00 : f32
              %broadcast_in_dim3A_873 = vector.broadcast %broadcast_in_dim3A_872 : f32 to vector<16xf32>
              %swap3A_874 = arith.index_cast %add3A_871 : i32 to index
              %swap3A_875 = arith.constant 16 : index
              %swap3A_876 = tpu.vector_load %arg9[%swap3A_874, %swap3A_875] {strides = array<i32>} : memref<200x128xf32, #tpu.memory_space<vmem>>, vector<16xf32>,
              tpu.vector_store %arg9[%swap3A_874, %swap3A_875], %broadcast_in_dim3A_873 {strides = array<i32>} : memref<200x128xf32, #tpu.memory_space<vmem>>, vector<16xf32>,
              %add3A_877 = arith.constant 0 : i32
              %add3A_878 = arith.addi %min3A_546, %add3A_877 : i32
              %broadcast_in_dim3A_879 = arith.constant 0.000000e+00 : f32
              %broadcast_in_dim3A_880 = vector.broadcast %broadcast_in_dim3A_879 : f32 to vector<16xf32>
              %swap3A_881 = arith.index_cast %add3A_878 : i32 to index
              %swap3A_882 = arith.constant 32 : index
              %swap3A_883 = tpu.vector_load %arg9[%swap3A_881, %swap3A_882] {strides = array<i32>} : memref<200x128xf32, #tpu.memory_space<vmem>>, vector<16xf32>,
              tpu.vector_store %arg9[%swap3A_881, %swap3A_882], %broadcast_in_dim3A_880 {strides = array<i32>} : memref<200x128xf32, #tpu.memory_space<vmem>>, vector<16xf32>,
              %add3A_884 = arith.constant 0 : i32
              %add3A_885 = arith.addi %min3A_546, %add3A_884 : i32
              %broadcast_in_dim3A_886 = arith.constant 0.000000e+00 : f32
              %broadcast_in_dim3A_887 = vector.broadcast %broadcast_in_dim3A_886 : f32 to vector<16xf32>
              %swap3A_888 = arith.index_cast %add3A_885 : i32 to index
              %swap3A_889 = arith.constant 48 : index
              %swap3A_890 = tpu.vector_load %arg9[%swap3A_888, %swap3A_889] {strides = array<i32>} : memref<200x128xf32, #tpu.memory_space<vmem>>, vector<16xf32>,
              tpu.vector_store %arg9[%swap3A_888, %swap3A_889], %broadcast_in_dim3A_887 {strides = array<i32>} : memref<200x128xf32, #tpu.memory_space<vmem>>, vector<16xf32>,
            } else {
            }
            %eq3A_579 = arith.constant 1 : i32
            %eq3A_580 = vector.broadcast %eq3A_579 : i32 to vector<16xi32>
            %eq3A_581 = arith.cmpi eq, %iota3A, %eq3A_580 : vector<16xi32>
            %jit3A_582 = arith.constant 1 : i32
            %broadcast_in_dim3A_583 = vector.broadcast %jit3A_582 : i32 to vector<16xi32>
            %select_n3A_584 = arith.select %eq3A_581, %get3A_549, %broadcast_in_dim3A_583 : vector<16xi1>, vector<16xi32>
            %reduce_min3A_585 = arith.constant true
            %reduce_min3A_586 = vector.broadcast %reduce_min3A_585 : i1 to vector<16xi1>
            %reduce_min3A_587 = arith.constant -2147483648 : i32
            %reduce_min3A_588 = vector.broadcast %reduce_min3A_587 : i32 to vector<16xi32>
            %reduce_min3A_589 = arith.xori %select_n3A_584, %reduce_min3A_588 : vector<16xi32>
            %reduce_min3A_590 = tpu.scan <min>, %reduce_min3A_589 masked %reduce_min3A_586 : vector<16xi32>, vector<16xi1> -> vector<16xi32>
            %reduce_min3A_591 = arith.xori %reduce_min3A_590, %reduce_min3A_588 : vector<16xi32>
            %reduce_min3A_592 = vector.extract %reduce_min3A_591[15] : i32 from vector<16xi32>
            %eq3A_593 = arith.constant 0 : i32
            %eq3A_594 = arith.cmpi eq, %reduce_min3A_592, %eq3A_593 : i32
            %convert_element_type3A_595 = arith.extui %eq3A_594 : i1 to i32
            %cond3A_596 = arith.constant 0 : i32
            %cond3A_597 = arith.cmpi ne, %convert_element_type3A_595, %cond3A_596 : i32
            scf.if %cond3A_597 {
              %add3A_864 = arith.constant 1 : i32
              %add3A_865 = arith.addi %min3A_546, %add3A_864 : i32
              %broadcast_in_dim3A_866 = arith.constant 0.000000e+00 : f32
              %broadcast_in_dim3A_867 = vector.broadcast %broadcast_in_dim3A_866 : f32 to vector<16xf32>
              %swap3A = arith.index_cast %add3A_865 : i32 to index
              %swap3A_868 = arith.constant 0 : index
              %swap3A_869 = tpu.vector_load %arg9[%swap3A, %swap3A_868] {strides = array<i32>} : memref<200x128xf32, #tpu.memory_space<vmem>>, vector<16xf32>,
              tpu.vector_store %arg9[%swap3A, %swap3A_868], %broadcast_in_dim3A_867 {strides = array<i32>} : memref<200x128xf32, #tpu.memory_space<vmem>>, vector<16xf32>,
              %add3A_870 = arith.constant 1 : i32
              %add3A_871 = arith.addi %min3A_546, %add3A_870 : i32
              %broadcast_in_dim3A_872 = arith.constant 0.000000e+00 : f32
              %broadcast_in_dim3A_873 = vector.broadcast %broadcast_in_dim3A_872 : f32 to vector<16xf32>
              %swap3A_874 = arith.index_cast %add3A_871 : i32 to index
              %swap3A_875 = arith.constant 16 : index
              %swap3A_876 = tpu.vector_load %arg9[%swap3A_874, %swap3A_875] {strides = array<i32>} : memref<200x128xf32, #tpu.memory_space<vmem>>, vector<16xf32>,
              tpu.vector_store %arg9[%swap3A_874, %swap3A_875], %broadcast_in_dim3A_873 {strides = array<i32>} : memref<200x128xf32, #tpu.memory_space<vmem>>, vector<16xf32>,
              %add3A_877 = arith.constant 1 : i32
              %add3A_878 = arith.addi %min3A_546, %add3A_877 : i32
              %broadcast_in_dim3A_879 = arith.constant 0.000000e+00 : f32
              %broadcast_in_dim3A_880 = vector.broadcast %broadcast_in_dim3A_879 : f32 to vector<16xf32>
              %swap3A_881 = arith.index_cast %add3A_878 : i32 to index
              %swap3A_882 = arith.constant 32 : index
              %swap3A_883 = tpu.vector_load %arg9[%swap3A_881, %swap3A_882] {strides = array<i32>} : memref<200x128xf32, #tpu.memory_space<vmem>>, vector<16xf32>,
              tpu.vector_store %arg9[%swap3A_881, %swap3A_882], %broadcast_in_dim3A_880 {strides = array<i32>} : memref<200x128xf32, #tpu.memory_space<vmem>>, vector<16xf32>,
              %add3A_884 = arith.constant 1 : i32
              %add3A_885 = arith.addi %min3A_546, %add3A_884 : i32
              %broadcast_in_dim3A_886 = arith.constant 0.000000e+00 : f32
              %broadcast_in_dim3A_887 = vector.broadcast %broadcast_in_dim3A_886 : f32 to vector<16xf32>
              %swap3A_888 = arith.index_cast %add3A_885 : i32 to index
              %swap3A_889 = arith.constant 48 : index
              %swap3A_890 = tpu.vector_load %arg9[%swap3A_888, %swap3A_889] {strides = array<i32>} : memref<200x128xf32, #tpu.memory_space<vmem>>, vector<16xf32>,
              tpu.vector_store %arg9[%swap3A_888, %swap3A_889], %broadcast_in_dim3A_887 {strides = array<i32>} : memref<200x128xf32, #tpu.memory_space<vmem>>, vector<16xf32>,
            } else {
            }
            %eq3A_598 = arith.constant 2 : i32
            %eq3A_599 = vector.broadcast %eq3A_598 : i32 to vector<16xi32>
            %eq3A_600 = arith.cmpi eq, %iota3A, %eq3A_599 : vector<16xi32>
            %jit3A_601 = arith.constant 1 : i32
            %broadcast_in_dim3A_602 = vector.broadcast %jit3A_601 : i32 to vector<16xi32>
            %select_n3A_603 = arith.select %eq3A_600, %get3A_549, %broadcast_in_dim3A_602 : vector<16xi1>, vector<16xi32>
            %reduce_min3A_604 = arith.constant true
            %reduce_min3A_605 = vector.broadcast %reduce_min3A_604 : i1 to vector<16xi1>
            %reduce_min3A_606 = arith.constant -2147483648 : i32
            %reduce_min3A_607 = vector.broadcast %reduce_min3A_606 : i32 to vector<16xi32>
            %reduce_min3A_608 = arith.xori %select_n3A_603, %reduce_min3A_607 : vector<16xi32>
            %reduce_min3A_609 = tpu.scan <min>, %reduce_min3A_608 masked %reduce_min3A_605 : vector<16xi32>, vector<16xi1> -> vector<16xi32>
            %reduce_min3A_610 = arith.xori %reduce_min3A_609, %reduce_min3A_607 : vector<16xi32>
            %reduce_min3A_611 = vector.extract %reduce_min3A_610[15] : i32 from vector<16xi32>
            %eq3A_612 = arith.constant 0 : i32
            %eq3A_613 = arith.cmpi eq, %reduce_min3A_611, %eq3A_612 : i32
            %convert_element_type3A_614 = arith.extui %eq3A_613 : i1 to i32
            %cond3A_615 = arith.constant 0 : i32
            %cond3A_616 = arith.cmpi ne, %convert_element_type3A_614, %cond3A_615 : i32
            scf.if %cond3A_616 {
              %add3A_864 = arith.constant 2 : i32
              %add3A_865 = arith.addi %min3A_546, %add3A_864 : i32
              %broadcast_in_dim3A_866 = arith.constant 0.000000e+00 : f32
              %broadcast_in_dim3A_867 = vector.broadcast %broadcast_in_dim3A_866 : f32 to vector<16xf32>
              %swap3A = arith.index_cast %add3A_865 : i32 to index
              %swap3A_868 = arith.constant 0 : index
              %swap3A_869 = tpu.vector_load %arg9[%swap3A, %swap3A_868] {strides = array<i32>} : memref<200x128xf32, #tpu.memory_space<vmem>>, vector<16xf32>,
              tpu.vector_store %arg9[%swap3A, %swap3A_868], %broadcast_in_dim3A_867 {strides = array<i32>} : memref<200x128xf32, #tpu.memory_space<vmem>>, vector<16xf32>,
              %add3A_870 = arith.constant 2 : i32
              %add3A_871 = arith.addi %min3A_546, %add3A_870 : i32
              %broadcast_in_dim3A_872 = arith.constant 0.000000e+00 : f32
              %broadcast_in_dim3A_873 = vector.broadcast %broadcast_in_dim3A_872 : f32 to vector<16xf32>
              %swap3A_874 = arith.index_cast %add3A_871 : i32 to index
              %swap3A_875 = arith.constant 16 : index
              %swap3A_876 = tpu.vector_load %arg9[%swap3A_874, %swap3A_875] {strides = array<i32>} : memref<200x128xf32, #tpu.memory_space<vmem>>, vector<16xf32>,
              tpu.vector_store %arg9[%swap3A_874, %swap3A_875], %broadcast_in_dim3A_873 {strides = array<i32>} : memref<200x128xf32, #tpu.memory_space<vmem>>, vector<16xf32>,
              %add3A_877 = arith.constant 2 : i32
              %add3A_878 = arith.addi %min3A_546, %add3A_877 : i32
              %broadcast_in_dim3A_879 = arith.constant 0.000000e+00 : f32
              %broadcast_in_dim3A_880 = vector.broadcast %broadcast_in_dim3A_879 : f32 to vector<16xf32>
              %swap3A_881 = arith.index_cast %add3A_878 : i32 to index
              %swap3A_882 = arith.constant 32 : index
              %swap3A_883 = tpu.vector_load %arg9[%swap3A_881, %swap3A_882] {strides = array<i32>} : memref<200x128xf32, #tpu.memory_space<vmem>>, vector<16xf32>,
              tpu.vector_store %arg9[%swap3A_881, %swap3A_882], %broadcast_in_dim3A_880 {strides = array<i32>} : memref<200x128xf32, #tpu.memory_space<vmem>>, vector<16xf32>,
              %add3A_884 = arith.constant 2 : i32
              %add3A_885 = arith.addi %min3A_546, %add3A_884 : i32
              %broadcast_in_dim3A_886 = arith.constant 0.000000e+00 : f32
              %broadcast_in_dim3A_887 = vector.broadcast %broadcast_in_dim3A_886 : f32 to vector<16xf32>
              %swap3A_888 = arith.index_cast %add3A_885 : i32 to index
              %swap3A_889 = arith.constant 48 : index
              %swap3A_890 = tpu.vector_load %arg9[%swap3A_888, %swap3A_889] {strides = array<i32>} : memref<200x128xf32, #tpu.memory_space<vmem>>, vector<16xf32>,
              tpu.vector_store %arg9[%swap3A_888, %swap3A_889], %broadcast_in_dim3A_887 {strides = array<i32>} : memref<200x128xf32, #tpu.memory_space<vmem>>, vector<16xf32>,
            } else {
            }
            %eq3A_617 = arith.constant 3 : i32
            %eq3A_618 = vector.broadcast %eq3A_617 : i32 to vector<16xi32>
            %eq3A_619 = arith.cmpi eq, %iota3A, %eq3A_618 : vector<16xi32>
            %jit3A_620 = arith.constant 1 : i32
            %broadcast_in_dim3A_621 = vector.broadcast %jit3A_620 : i32 to vector<16xi32>
            %select_n3A_622 = arith.select %eq3A_619, %get3A_549, %broadcast_in_dim3A_621 : vector<16xi1>, vector<16xi32>
            %reduce_min3A_623 = arith.constant true
            %reduce_min3A_624 = vector.broadcast %reduce_min3A_623 : i1 to vector<16xi1>
            %reduce_min3A_625 = arith.constant -2147483648 : i32
            %reduce_min3A_626 = vector.broadcast %reduce_min3A_625 : i32 to vector<16xi32>
            %reduce_min3A_627 = arith.xori %select_n3A_622, %reduce_min3A_626 : vector<16xi32>
            %reduce_min3A_628 = tpu.scan <min>, %reduce_min3A_627 masked %reduce_min3A_624 : vector<16xi32>, vector<16xi1> -> vector<16xi32>
            %reduce_min3A_629 = arith.xori %reduce_min3A_628, %reduce_min3A_626 : vector<16xi32>
            %reduce_min3A_630 = vector.extract %reduce_min3A_629[15] : i32 from vector<16xi32>
            %eq3A_631 = arith.constant 0 : i32
            %eq3A_632 = arith.cmpi eq, %reduce_min3A_630, %eq3A_631 : i32
            %convert_element_type3A_633 = arith.extui %eq3A_632 : i1 to i32
            %cond3A_634 = arith.constant 0 : i32
            %cond3A_635 = arith.cmpi ne, %convert_element_type3A_633, %cond3A_634 : i32
            scf.if %cond3A_635 {
              %add3A_864 = arith.constant 3 : i32
              %add3A_865 = arith.addi %min3A_546, %add3A_864 : i32
              %broadcast_in_dim3A_866 = arith.constant 0.000000e+00 : f32
              %broadcast_in_dim3A_867 = vector.broadcast %broadcast_in_dim3A_866 : f32 to vector<16xf32>
              %swap3A = arith.index_cast %add3A_865 : i32 to index
              %swap3A_868 = arith.constant 0 : index
              %swap3A_869 = tpu.vector_load %arg9[%swap3A, %swap3A_868] {strides = array<i32>} : memref<200x128xf32, #tpu.memory_space<vmem>>, vector<16xf32>,
              tpu.vector_store %arg9[%swap3A, %swap3A_868], %broadcast_in_dim3A_867 {strides = array<i32>} : memref<200x128xf32, #tpu.memory_space<vmem>>, vector<16xf32>,
              %add3A_870 = arith.constant 3 : i32
              %add3A_871 = arith.addi %min3A_546, %add3A_870 : i32
              %broadcast_in_dim3A_872 = arith.constant 0.000000e+00 : f32
              %broadcast_in_dim3A_873 = vector.broadcast %broadcast_in_dim3A_872 : f32 to vector<16xf32>
              %swap3A_874 = arith.index_cast %add3A_871 : i32 to index
              %swap3A_875 = arith.constant 16 : index
              %swap3A_876 = tpu.vector_load %arg9[%swap3A_874, %swap3A_875] {strides = array<i32>} : memref<200x128xf32, #tpu.memory_space<vmem>>, vector<16xf32>,
              tpu.vector_store %arg9[%swap3A_874, %swap3A_875], %broadcast_in_dim3A_873 {strides = array<i32>} : memref<200x128xf32, #tpu.memory_space<vmem>>, vector<16xf32>,
              %add3A_877 = arith.constant 3 : i32
              %add3A_878 = arith.addi %min3A_546, %add3A_877 : i32
              %broadcast_in_dim3A_879 = arith.constant 0.000000e+00 : f32
              %broadcast_in_dim3A_880 = vector.broadcast %broadcast_in_dim3A_879 : f32 to vector<16xf32>
              %swap3A_881 = arith.index_cast %add3A_878 : i32 to index
              %swap3A_882 = arith.constant 32 : index
              %swap3A_883 = tpu.vector_load %arg9[%swap3A_881, %swap3A_882] {strides = array<i32>} : memref<200x128xf32, #tpu.memory_space<vmem>>, vector<16xf32>,
              tpu.vector_store %arg9[%swap3A_881, %swap3A_882], %broadcast_in_dim3A_880 {strides = array<i32>} : memref<200x128xf32, #tpu.memory_space<vmem>>, vector<16xf32>,
              %add3A_884 = arith.constant 3 : i32
              %add3A_885 = arith.addi %min3A_546, %add3A_884 : i32
              %broadcast_in_dim3A_886 = arith.constant 0.000000e+00 : f32
              %broadcast_in_dim3A_887 = vector.broadcast %broadcast_in_dim3A_886 : f32 to vector<16xf32>
              %swap3A_888 = arith.index_cast %add3A_885 : i32 to index
              %swap3A_889 = arith.constant 48 : index
              %swap3A_890 = tpu.vector_load %arg9[%swap3A_888, %swap3A_889] {strides = array<i32>} : memref<200x128xf32, #tpu.memory_space<vmem>>, vector<16xf32>,
              tpu.vector_store %arg9[%swap3A_888, %swap3A_889], %broadcast_in_dim3A_887 {strides = array<i32>} : memref<200x128xf32, #tpu.memory_space<vmem>>, vector<16xf32>,
            } else {
            }
            %eq3A_636 = arith.constant 4 : i32
            %eq3A_637 = vector.broadcast %eq3A_636 : i32 to vector<16xi32>
            %eq3A_638 = arith.cmpi eq, %iota3A, %eq3A_637 : vector<16xi32>
            %jit3A_639 = arith.constant 1 : i32
            %broadcast_in_dim3A_640 = vector.broadcast %jit3A_639 : i32 to vector<16xi32>
            %select_n3A_641 = arith.select %eq3A_638, %get3A_549, %broadcast_in_dim3A_640 : vector<16xi1>, vector<16xi32>
            %reduce_min3A_642 = arith.constant true
            %reduce_min3A_643 = vector.broadcast %reduce_min3A_642 : i1 to vector<16xi1>
            %reduce_min3A_644 = arith.constant -2147483648 : i32
            %reduce_min3A_645 = vector.broadcast %reduce_min3A_644 : i32 to vector<16xi32>
            %reduce_min3A_646 = arith.xori %select_n3A_641, %reduce_min3A_645 : vector<16xi32>
            %reduce_min3A_647 = tpu.scan <min>, %reduce_min3A_646 masked %reduce_min3A_643 : vector<16xi32>, vector<16xi1> -> vector<16xi32>
            %reduce_min3A_648 = arith.xori %reduce_min3A_647, %reduce_min3A_645 : vector<16xi32>
            %reduce_min3A_649 = vector.extract %reduce_min3A_648[15] : i32 from vector<16xi32>
            %eq3A_650 = arith.constant 0 : i32
            %eq3A_651 = arith.cmpi eq, %reduce_min3A_649, %eq3A_650 : i32
            %convert_element_type3A_652 = arith.extui %eq3A_651 : i1 to i32
            %cond3A_653 = arith.constant 0 : i32
            %cond3A_654 = arith.cmpi ne, %convert_element_type3A_652, %cond3A_653 : i32
            scf.if %cond3A_654 {
              %add3A_864 = arith.constant 4 : i32
              %add3A_865 = arith.addi %min3A_546, %add3A_864 : i32
              %broadcast_in_dim3A_866 = arith.constant 0.000000e+00 : f32
              %broadcast_in_dim3A_867 = vector.broadcast %broadcast_in_dim3A_866 : f32 to vector<16xf32>
              %swap3A = arith.index_cast %add3A_865 : i32 to index
              %swap3A_868 = arith.constant 0 : index
              %swap3A_869 = tpu.vector_load %arg9[%swap3A, %swap3A_868] {strides = array<i32>} : memref<200x128xf32, #tpu.memory_space<vmem>>, vector<16xf32>,
              tpu.vector_store %arg9[%swap3A, %swap3A_868], %broadcast_in_dim3A_867 {strides = array<i32>} : memref<200x128xf32, #tpu.memory_space<vmem>>, vector<16xf32>,
              %add3A_870 = arith.constant 4 : i32
              %add3A_871 = arith.addi %min3A_546, %add3A_870 : i32
              %broadcast_in_dim3A_872 = arith.constant 0.000000e+00 : f32
              %broadcast_in_dim3A_873 = vector.broadcast %broadcast_in_dim3A_872 : f32 to vector<16xf32>
              %swap3A_874 = arith.index_cast %add3A_871 : i32 to index
              %swap3A_875 = arith.constant 16 : index
              %swap3A_876 = tpu.vector_load %arg9[%swap3A_874, %swap3A_875] {strides = array<i32>} : memref<200x128xf32, #tpu.memory_space<vmem>>, vector<16xf32>,
              tpu.vector_store %arg9[%swap3A_874, %swap3A_875], %broadcast_in_dim3A_873 {strides = array<i32>} : memref<200x128xf32, #tpu.memory_space<vmem>>, vector<16xf32>,
              %add3A_877 = arith.constant 4 : i32
              %add3A_878 = arith.addi %min3A_546, %add3A_877 : i32
              %broadcast_in_dim3A_879 = arith.constant 0.000000e+00 : f32
              %broadcast_in_dim3A_880 = vector.broadcast %broadcast_in_dim3A_879 : f32 to vector<16xf32>
              %swap3A_881 = arith.index_cast %add3A_878 : i32 to index
              %swap3A_882 = arith.constant 32 : index
              %swap3A_883 = tpu.vector_load %arg9[%swap3A_881, %swap3A_882] {strides = array<i32>} : memref<200x128xf32, #tpu.memory_space<vmem>>, vector<16xf32>,
              tpu.vector_store %arg9[%swap3A_881, %swap3A_882], %broadcast_in_dim3A_880 {strides = array<i32>} : memref<200x128xf32, #tpu.memory_space<vmem>>, vector<16xf32>,
              %add3A_884 = arith.constant 4 : i32
              %add3A_885 = arith.addi %min3A_546, %add3A_884 : i32
              %broadcast_in_dim3A_886 = arith.constant 0.000000e+00 : f32
              %broadcast_in_dim3A_887 = vector.broadcast %broadcast_in_dim3A_886 : f32 to vector<16xf32>
              %swap3A_888 = arith.index_cast %add3A_885 : i32 to index
              %swap3A_889 = arith.constant 48 : index
              %swap3A_890 = tpu.vector_load %arg9[%swap3A_888, %swap3A_889] {strides = array<i32>} : memref<200x128xf32, #tpu.memory_space<vmem>>, vector<16xf32>,
              tpu.vector_store %arg9[%swap3A_888, %swap3A_889], %broadcast_in_dim3A_887 {strides = array<i32>} : memref<200x128xf32, #tpu.memory_space<vmem>>, vector<16xf32>,
            } else {
            }
            %eq3A_655 = arith.constant 5 : i32
            %eq3A_656 = vector.broadcast %eq3A_655 : i32 to vector<16xi32>
            %eq3A_657 = arith.cmpi eq, %iota3A, %eq3A_656 : vector<16xi32>
            %jit3A_658 = arith.constant 1 : i32
            %broadcast_in_dim3A_659 = vector.broadcast %jit3A_658 : i32 to vector<16xi32>
            %select_n3A_660 = arith.select %eq3A_657, %get3A_549, %broadcast_in_dim3A_659 : vector<16xi1>, vector<16xi32>
            %reduce_min3A_661 = arith.constant true
            %reduce_min3A_662 = vector.broadcast %reduce_min3A_661 : i1 to vector<16xi1>
            %reduce_min3A_663 = arith.constant -2147483648 : i32
            %reduce_min3A_664 = vector.broadcast %reduce_min3A_663 : i32 to vector<16xi32>
            %reduce_min3A_665 = arith.xori %select_n3A_660, %reduce_min3A_664 : vector<16xi32>
            %reduce_min3A_666 = tpu.scan <min>, %reduce_min3A_665 masked %reduce_min3A_662 : vector<16xi32>, vector<16xi1> -> vector<16xi32>
            %reduce_min3A_667 = arith.xori %reduce_min3A_666, %reduce_min3A_664 : vector<16xi32>
            %reduce_min3A_668 = vector.extract %reduce_min3A_667[15] : i32 from vector<16xi32>
            %eq3A_669 = arith.constant 0 : i32
            %eq3A_670 = arith.cmpi eq, %reduce_min3A_668, %eq3A_669 : i32
            %convert_element_type3A_671 = arith.extui %eq3A_670 : i1 to i32
            %cond3A_672 = arith.constant 0 : i32
            %cond3A_673 = arith.cmpi ne, %convert_element_type3A_671, %cond3A_672 : i32
            scf.if %cond3A_673 {
              %add3A_864 = arith.constant 5 : i32
              %add3A_865 = arith.addi %min3A_546, %add3A_864 : i32
              %broadcast_in_dim3A_866 = arith.constant 0.000000e+00 : f32
              %broadcast_in_dim3A_867 = vector.broadcast %broadcast_in_dim3A_866 : f32 to vector<16xf32>
              %swap3A = arith.index_cast %add3A_865 : i32 to index
              %swap3A_868 = arith.constant 0 : index
              %swap3A_869 = tpu.vector_load %arg9[%swap3A, %swap3A_868] {strides = array<i32>} : memref<200x128xf32, #tpu.memory_space<vmem>>, vector<16xf32>,
              tpu.vector_store %arg9[%swap3A, %swap3A_868], %broadcast_in_dim3A_867 {strides = array<i32>} : memref<200x128xf32, #tpu.memory_space<vmem>>, vector<16xf32>,
              %add3A_870 = arith.constant 5 : i32
              %add3A_871 = arith.addi %min3A_546, %add3A_870 : i32
              %broadcast_in_dim3A_872 = arith.constant 0.000000e+00 : f32
              %broadcast_in_dim3A_873 = vector.broadcast %broadcast_in_dim3A_872 : f32 to vector<16xf32>
              %swap3A_874 = arith.index_cast %add3A_871 : i32 to index
              %swap3A_875 = arith.constant 16 : index
              %swap3A_876 = tpu.vector_load %arg9[%swap3A_874, %swap3A_875] {strides = array<i32>} : memref<200x128xf32, #tpu.memory_space<vmem>>, vector<16xf32>,
              tpu.vector_store %arg9[%swap3A_874, %swap3A_875], %broadcast_in_dim3A_873 {strides = array<i32>} : memref<200x128xf32, #tpu.memory_space<vmem>>, vector<16xf32>,
              %add3A_877 = arith.constant 5 : i32
              %add3A_878 = arith.addi %min3A_546, %add3A_877 : i32
              %broadcast_in_dim3A_879 = arith.constant 0.000000e+00 : f32
              %broadcast_in_dim3A_880 = vector.broadcast %broadcast_in_dim3A_879 : f32 to vector<16xf32>
              %swap3A_881 = arith.index_cast %add3A_878 : i32 to index
              %swap3A_882 = arith.constant 32 : index
              %swap3A_883 = tpu.vector_load %arg9[%swap3A_881, %swap3A_882] {strides = array<i32>} : memref<200x128xf32, #tpu.memory_space<vmem>>, vector<16xf32>,
              tpu.vector_store %arg9[%swap3A_881, %swap3A_882], %broadcast_in_dim3A_880 {strides = array<i32>} : memref<200x128xf32, #tpu.memory_space<vmem>>, vector<16xf32>,
              %add3A_884 = arith.constant 5 : i32
              %add3A_885 = arith.addi %min3A_546, %add3A_884 : i32
              %broadcast_in_dim3A_886 = arith.constant 0.000000e+00 : f32
              %broadcast_in_dim3A_887 = vector.broadcast %broadcast_in_dim3A_886 : f32 to vector<16xf32>
              %swap3A_888 = arith.index_cast %add3A_885 : i32 to index
              %swap3A_889 = arith.constant 48 : index
              %swap3A_890 = tpu.vector_load %arg9[%swap3A_888, %swap3A_889] {strides = array<i32>} : memref<200x128xf32, #tpu.memory_space<vmem>>, vector<16xf32>,
              tpu.vector_store %arg9[%swap3A_888, %swap3A_889], %broadcast_in_dim3A_887 {strides = array<i32>} : memref<200x128xf32, #tpu.memory_space<vmem>>, vector<16xf32>,
            } else {
            }
            %eq3A_674 = arith.constant 6 : i32
            %eq3A_675 = vector.broadcast %eq3A_674 : i32 to vector<16xi32>
            %eq3A_676 = arith.cmpi eq, %iota3A, %eq3A_675 : vector<16xi32>
            %jit3A_677 = arith.constant 1 : i32
            %broadcast_in_dim3A_678 = vector.broadcast %jit3A_677 : i32 to vector<16xi32>
            %select_n3A_679 = arith.select %eq3A_676, %get3A_549, %broadcast_in_dim3A_678 : vector<16xi1>, vector<16xi32>
            %reduce_min3A_680 = arith.constant true
            %reduce_min3A_681 = vector.broadcast %reduce_min3A_680 : i1 to vector<16xi1>
            %reduce_min3A_682 = arith.constant -2147483648 : i32
            %reduce_min3A_683 = vector.broadcast %reduce_min3A_682 : i32 to vector<16xi32>
            %reduce_min3A_684 = arith.xori %select_n3A_679, %reduce_min3A_683 : vector<16xi32>
            %reduce_min3A_685 = tpu.scan <min>, %reduce_min3A_684 masked %reduce_min3A_681 : vector<16xi32>, vector<16xi1> -> vector<16xi32>
            %reduce_min3A_686 = arith.xori %reduce_min3A_685, %reduce_min3A_683 : vector<16xi32>
            %reduce_min3A_687 = vector.extract %reduce_min3A_686[15] : i32 from vector<16xi32>
            %eq3A_688 = arith.constant 0 : i32
            %eq3A_689 = arith.cmpi eq, %reduce_min3A_687, %eq3A_688 : i32
            %convert_element_type3A_690 = arith.extui %eq3A_689 : i1 to i32
            %cond3A_691 = arith.constant 0 : i32
            %cond3A_692 = arith.cmpi ne, %convert_element_type3A_690, %cond3A_691 : i32
            scf.if %cond3A_692 {
              %add3A_864 = arith.constant 6 : i32
              %add3A_865 = arith.addi %min3A_546, %add3A_864 : i32
              %broadcast_in_dim3A_866 = arith.constant 0.000000e+00 : f32
              %broadcast_in_dim3A_867 = vector.broadcast %broadcast_in_dim3A_866 : f32 to vector<16xf32>
              %swap3A = arith.index_cast %add3A_865 : i32 to index
              %swap3A_868 = arith.constant 0 : index
              %swap3A_869 = tpu.vector_load %arg9[%swap3A, %swap3A_868] {strides = array<i32>} : memref<200x128xf32, #tpu.memory_space<vmem>>, vector<16xf32>,
              tpu.vector_store %arg9[%swap3A, %swap3A_868], %broadcast_in_dim3A_867 {strides = array<i32>} : memref<200x128xf32, #tpu.memory_space<vmem>>, vector<16xf32>,
              %add3A_870 = arith.constant 6 : i32
              %add3A_871 = arith.addi %min3A_546, %add3A_870 : i32
              %broadcast_in_dim3A_872 = arith.constant 0.000000e+00 : f32
              %broadcast_in_dim3A_873 = vector.broadcast %broadcast_in_dim3A_872 : f32 to vector<16xf32>
              %swap3A_874 = arith.index_cast %add3A_871 : i32 to index
              %swap3A_875 = arith.constant 16 : index
              %swap3A_876 = tpu.vector_load %arg9[%swap3A_874, %swap3A_875] {strides = array<i32>} : memref<200x128xf32, #tpu.memory_space<vmem>>, vector<16xf32>,
              tpu.vector_store %arg9[%swap3A_874, %swap3A_875], %broadcast_in_dim3A_873 {strides = array<i32>} : memref<200x128xf32, #tpu.memory_space<vmem>>, vector<16xf32>,
              %add3A_877 = arith.constant 6 : i32
              %add3A_878 = arith.addi %min3A_546, %add3A_877 : i32
              %broadcast_in_dim3A_879 = arith.constant 0.000000e+00 : f32
              %broadcast_in_dim3A_880 = vector.broadcast %broadcast_in_dim3A_879 : f32 to vector<16xf32>
              %swap3A_881 = arith.index_cast %add3A_878 : i32 to index
              %swap3A_882 = arith.constant 32 : index
              %swap3A_883 = tpu.vector_load %arg9[%swap3A_881, %swap3A_882] {strides = array<i32>} : memref<200x128xf32, #tpu.memory_space<vmem>>, vector<16xf32>,
              tpu.vector_store %arg9[%swap3A_881, %swap3A_882], %broadcast_in_dim3A_880 {strides = array<i32>} : memref<200x128xf32, #tpu.memory_space<vmem>>, vector<16xf32>,
              %add3A_884 = arith.constant 6 : i32
              %add3A_885 = arith.addi %min3A_546, %add3A_884 : i32
              %broadcast_in_dim3A_886 = arith.constant 0.000000e+00 : f32
              %broadcast_in_dim3A_887 = vector.broadcast %broadcast_in_dim3A_886 : f32 to vector<16xf32>
              %swap3A_888 = arith.index_cast %add3A_885 : i32 to index
              %swap3A_889 = arith.constant 48 : index
              %swap3A_890 = tpu.vector_load %arg9[%swap3A_888, %swap3A_889] {strides = array<i32>} : memref<200x128xf32, #tpu.memory_space<vmem>>, vector<16xf32>,
              tpu.vector_store %arg9[%swap3A_888, %swap3A_889], %broadcast_in_dim3A_887 {strides = array<i32>} : memref<200x128xf32, #tpu.memory_space<vmem>>, vector<16xf32>,
            } else {
            }
            %eq3A_693 = arith.constant 7 : i32
            %eq3A_694 = vector.broadcast %eq3A_693 : i32 to vector<16xi32>
            %eq3A_695 = arith.cmpi eq, %iota3A, %eq3A_694 : vector<16xi32>
            %jit3A_696 = arith.constant 1 : i32
            %broadcast_in_dim3A_697 = vector.broadcast %jit3A_696 : i32 to vector<16xi32>
            %select_n3A_698 = arith.select %eq3A_695, %get3A_549, %broadcast_in_dim3A_697 : vector<16xi1>, vector<16xi32>
            %reduce_min3A_699 = arith.constant true
            %reduce_min3A_700 = vector.broadcast %reduce_min3A_699 : i1 to vector<16xi1>
            %reduce_min3A_701 = arith.constant -2147483648 : i32
            %reduce_min3A_702 = vector.broadcast %reduce_min3A_701 : i32 to vector<16xi32>
            %reduce_min3A_703 = arith.xori %select_n3A_698, %reduce_min3A_702 : vector<16xi32>
            %reduce_min3A_704 = tpu.scan <min>, %reduce_min3A_703 masked %reduce_min3A_700 : vector<16xi32>, vector<16xi1> -> vector<16xi32>
            %reduce_min3A_705 = arith.xori %reduce_min3A_704, %reduce_min3A_702 : vector<16xi32>
            %reduce_min3A_706 = vector.extract %reduce_min3A_705[15] : i32 from vector<16xi32>
            %eq3A_707 = arith.constant 0 : i32
            %eq3A_708 = arith.cmpi eq, %reduce_min3A_706, %eq3A_707 : i32
            %convert_element_type3A_709 = arith.extui %eq3A_708 : i1 to i32
            %cond3A_710 = arith.constant 0 : i32
            %cond3A_711 = arith.cmpi ne, %convert_element_type3A_709, %cond3A_710 : i32
            scf.if %cond3A_711 {
              %add3A_864 = arith.constant 7 : i32
              %add3A_865 = arith.addi %min3A_546, %add3A_864 : i32
              %broadcast_in_dim3A_866 = arith.constant 0.000000e+00 : f32
              %broadcast_in_dim3A_867 = vector.broadcast %broadcast_in_dim3A_866 : f32 to vector<16xf32>
              %swap3A = arith.index_cast %add3A_865 : i32 to index
              %swap3A_868 = arith.constant 0 : index
              %swap3A_869 = tpu.vector_load %arg9[%swap3A, %swap3A_868] {strides = array<i32>} : memref<200x128xf32, #tpu.memory_space<vmem>>, vector<16xf32>,
              tpu.vector_store %arg9[%swap3A, %swap3A_868], %broadcast_in_dim3A_867 {strides = array<i32>} : memref<200x128xf32, #tpu.memory_space<vmem>>, vector<16xf32>,
              %add3A_870 = arith.constant 7 : i32
              %add3A_871 = arith.addi %min3A_546, %add3A_870 : i32
              %broadcast_in_dim3A_872 = arith.constant 0.000000e+00 : f32
              %broadcast_in_dim3A_873 = vector.broadcast %broadcast_in_dim3A_872 : f32 to vector<16xf32>
              %swap3A_874 = arith.index_cast %add3A_871 : i32 to index
              %swap3A_875 = arith.constant 16 : index
              %swap3A_876 = tpu.vector_load %arg9[%swap3A_874, %swap3A_875] {strides = array<i32>} : memref<200x128xf32, #tpu.memory_space<vmem>>, vector<16xf32>,
              tpu.vector_store %arg9[%swap3A_874, %swap3A_875], %broadcast_in_dim3A_873 {strides = array<i32>} : memref<200x128xf32, #tpu.memory_space<vmem>>, vector<16xf32>,
              %add3A_877 = arith.constant 7 : i32
              %add3A_878 = arith.addi %min3A_546, %add3A_877 : i32
              %broadcast_in_dim3A_879 = arith.constant 0.000000e+00 : f32
              %broadcast_in_dim3A_880 = vector.broadcast %broadcast_in_dim3A_879 : f32 to vector<16xf32>
              %swap3A_881 = arith.index_cast %add3A_878 : i32 to index
              %swap3A_882 = arith.constant 32 : index
              %swap3A_883 = tpu.vector_load %arg9[%swap3A_881, %swap3A_882] {strides = array<i32>} : memref<200x128xf32, #tpu.memory_space<vmem>>, vector<16xf32>,
              tpu.vector_store %arg9[%swap3A_881, %swap3A_882], %broadcast_in_dim3A_880 {strides = array<i32>} : memref<200x128xf32, #tpu.memory_space<vmem>>, vector<16xf32>,
              %add3A_884 = arith.constant 7 : i32
              %add3A_885 = arith.addi %min3A_546, %add3A_884 : i32
              %broadcast_in_dim3A_886 = arith.constant 0.000000e+00 : f32
              %broadcast_in_dim3A_887 = vector.broadcast %broadcast_in_dim3A_886 : f32 to vector<16xf32>
              %swap3A_888 = arith.index_cast %add3A_885 : i32 to index
              %swap3A_889 = arith.constant 48 : index
              %swap3A_890 = tpu.vector_load %arg9[%swap3A_888, %swap3A_889] {strides = array<i32>} : memref<200x128xf32, #tpu.memory_space<vmem>>, vector<16xf32>,
              tpu.vector_store %arg9[%swap3A_888, %swap3A_889], %broadcast_in_dim3A_887 {strides = array<i32>} : memref<200x128xf32, #tpu.memory_space<vmem>>, vector<16xf32>,
            } else {
            }
            %eq3A_712 = arith.constant 8 : i32
            %eq3A_713 = vector.broadcast %eq3A_712 : i32 to vector<16xi32>
            %eq3A_714 = arith.cmpi eq, %iota3A, %eq3A_713 : vector<16xi32>
            %jit3A_715 = arith.constant 1 : i32
            %broadcast_in_dim3A_716 = vector.broadcast %jit3A_715 : i32 to vector<16xi32>
            %select_n3A_717 = arith.select %eq3A_714, %get3A_549, %broadcast_in_dim3A_716 : vector<16xi1>, vector<16xi32>
            %reduce_min3A_718 = arith.constant true
            %reduce_min3A_719 = vector.broadcast %reduce_min3A_718 : i1 to vector<16xi1>
            %reduce_min3A_720 = arith.constant -2147483648 : i32
            %reduce_min3A_721 = vector.broadcast %reduce_min3A_720 : i32 to vector<16xi32>
            %reduce_min3A_722 = arith.xori %select_n3A_717, %reduce_min3A_721 : vector<16xi32>
            %reduce_min3A_723 = tpu.scan <min>, %reduce_min3A_722 masked %reduce_min3A_719 : vector<16xi32>, vector<16xi1> -> vector<16xi32>
            %reduce_min3A_724 = arith.xori %reduce_min3A_723, %reduce_min3A_721 : vector<16xi32>
            %reduce_min3A_725 = vector.extract %reduce_min3A_724[15] : i32 from vector<16xi32>
            %eq3A_726 = arith.constant 0 : i32
            %eq3A_727 = arith.cmpi eq, %reduce_min3A_725, %eq3A_726 : i32
            %convert_element_type3A_728 = arith.extui %eq3A_727 : i1 to i32
            %cond3A_729 = arith.constant 0 : i32
            %cond3A_730 = arith.cmpi ne, %convert_element_type3A_728, %cond3A_729 : i32
            scf.if %cond3A_730 {
              %add3A_864 = arith.constant 8 : i32
              %add3A_865 = arith.addi %min3A_546, %add3A_864 : i32
              %broadcast_in_dim3A_866 = arith.constant 0.000000e+00 : f32
              %broadcast_in_dim3A_867 = vector.broadcast %broadcast_in_dim3A_866 : f32 to vector<16xf32>
              %swap3A = arith.index_cast %add3A_865 : i32 to index
              %swap3A_868 = arith.constant 0 : index
              %swap3A_869 = tpu.vector_load %arg9[%swap3A, %swap3A_868] {strides = array<i32>} : memref<200x128xf32, #tpu.memory_space<vmem>>, vector<16xf32>,
              tpu.vector_store %arg9[%swap3A, %swap3A_868], %broadcast_in_dim3A_867 {strides = array<i32>} : memref<200x128xf32, #tpu.memory_space<vmem>>, vector<16xf32>,
              %add3A_870 = arith.constant 8 : i32
              %add3A_871 = arith.addi %min3A_546, %add3A_870 : i32
              %broadcast_in_dim3A_872 = arith.constant 0.000000e+00 : f32
              %broadcast_in_dim3A_873 = vector.broadcast %broadcast_in_dim3A_872 : f32 to vector<16xf32>
              %swap3A_874 = arith.index_cast %add3A_871 : i32 to index
              %swap3A_875 = arith.constant 16 : index
              %swap3A_876 = tpu.vector_load %arg9[%swap3A_874, %swap3A_875] {strides = array<i32>} : memref<200x128xf32, #tpu.memory_space<vmem>>, vector<16xf32>,
              tpu.vector_store %arg9[%swap3A_874, %swap3A_875], %broadcast_in_dim3A_873 {strides = array<i32>} : memref<200x128xf32, #tpu.memory_space<vmem>>, vector<16xf32>,
              %add3A_877 = arith.constant 8 : i32
              %add3A_878 = arith.addi %min3A_546, %add3A_877 : i32
              %broadcast_in_dim3A_879 = arith.constant 0.000000e+00 : f32
              %broadcast_in_dim3A_880 = vector.broadcast %broadcast_in_dim3A_879 : f32 to vector<16xf32>
              %swap3A_881 = arith.index_cast %add3A_878 : i32 to index
              %swap3A_882 = arith.constant 32 : index
              %swap3A_883 = tpu.vector_load %arg9[%swap3A_881, %swap3A_882] {strides = array<i32>} : memref<200x128xf32, #tpu.memory_space<vmem>>, vector<16xf32>,
              tpu.vector_store %arg9[%swap3A_881, %swap3A_882], %broadcast_in_dim3A_880 {strides = array<i32>} : memref<200x128xf32, #tpu.memory_space<vmem>>, vector<16xf32>,
              %add3A_884 = arith.constant 8 : i32
              %add3A_885 = arith.addi %min3A_546, %add3A_884 : i32
              %broadcast_in_dim3A_886 = arith.constant 0.000000e+00 : f32
              %broadcast_in_dim3A_887 = vector.broadcast %broadcast_in_dim3A_886 : f32 to vector<16xf32>
              %swap3A_888 = arith.index_cast %add3A_885 : i32 to index
              %swap3A_889 = arith.constant 48 : index
              %swap3A_890 = tpu.vector_load %arg9[%swap3A_888, %swap3A_889] {strides = array<i32>} : memref<200x128xf32, #tpu.memory_space<vmem>>, vector<16xf32>,
              tpu.vector_store %arg9[%swap3A_888, %swap3A_889], %broadcast_in_dim3A_887 {strides = array<i32>} : memref<200x128xf32, #tpu.memory_space<vmem>>, vector<16xf32>,
            } else {
            }
            %eq3A_731 = arith.constant 9 : i32
            %eq3A_732 = vector.broadcast %eq3A_731 : i32 to vector<16xi32>
            %eq3A_733 = arith.cmpi eq, %iota3A, %eq3A_732 : vector<16xi32>
            %jit3A_734 = arith.constant 1 : i32
            %broadcast_in_dim3A_735 = vector.broadcast %jit3A_734 : i32 to vector<16xi32>
            %select_n3A_736 = arith.select %eq3A_733, %get3A_549, %broadcast_in_dim3A_735 : vector<16xi1>, vector<16xi32>
            %reduce_min3A_737 = arith.constant true
            %reduce_min3A_738 = vector.broadcast %reduce_min3A_737 : i1 to vector<16xi1>
            %reduce_min3A_739 = arith.constant -2147483648 : i32
            %reduce_min3A_740 = vector.broadcast %reduce_min3A_739 : i32 to vector<16xi32>
            %reduce_min3A_741 = arith.xori %select_n3A_736, %reduce_min3A_740 : vector<16xi32>
            %reduce_min3A_742 = tpu.scan <min>, %reduce_min3A_741 masked %reduce_min3A_738 : vector<16xi32>, vector<16xi1> -> vector<16xi32>
            %reduce_min3A_743 = arith.xori %reduce_min3A_742, %reduce_min3A_740 : vector<16xi32>
            %reduce_min3A_744 = vector.extract %reduce_min3A_743[15] : i32 from vector<16xi32>
            %eq3A_745 = arith.constant 0 : i32
            %eq3A_746 = arith.cmpi eq, %reduce_min3A_744, %eq3A_745 : i32
            %convert_element_type3A_747 = arith.extui %eq3A_746 : i1 to i32
            %cond3A_748 = arith.constant 0 : i32
            %cond3A_749 = arith.cmpi ne, %convert_element_type3A_747, %cond3A_748 : i32
            scf.if %cond3A_749 {
              %add3A_864 = arith.constant 9 : i32
              %add3A_865 = arith.addi %min3A_546, %add3A_864 : i32
              %broadcast_in_dim3A_866 = arith.constant 0.000000e+00 : f32
              %broadcast_in_dim3A_867 = vector.broadcast %broadcast_in_dim3A_866 : f32 to vector<16xf32>
              %swap3A = arith.index_cast %add3A_865 : i32 to index
              %swap3A_868 = arith.constant 0 : index
              %swap3A_869 = tpu.vector_load %arg9[%swap3A, %swap3A_868] {strides = array<i32>} : memref<200x128xf32, #tpu.memory_space<vmem>>, vector<16xf32>,
              tpu.vector_store %arg9[%swap3A, %swap3A_868], %broadcast_in_dim3A_867 {strides = array<i32>} : memref<200x128xf32, #tpu.memory_space<vmem>>, vector<16xf32>,
              %add3A_870 = arith.constant 9 : i32
              %add3A_871 = arith.addi %min3A_546, %add3A_870 : i32
              %broadcast_in_dim3A_872 = arith.constant 0.000000e+00 : f32
              %broadcast_in_dim3A_873 = vector.broadcast %broadcast_in_dim3A_872 : f32 to vector<16xf32>
              %swap3A_874 = arith.index_cast %add3A_871 : i32 to index
              %swap3A_875 = arith.constant 16 : index
              %swap3A_876 = tpu.vector_load %arg9[%swap3A_874, %swap3A_875] {strides = array<i32>} : memref<200x128xf32, #tpu.memory_space<vmem>>, vector<16xf32>,
              tpu.vector_store %arg9[%swap3A_874, %swap3A_875], %broadcast_in_dim3A_873 {strides = array<i32>} : memref<200x128xf32, #tpu.memory_space<vmem>>, vector<16xf32>,
              %add3A_877 = arith.constant 9 : i32
              %add3A_878 = arith.addi %min3A_546, %add3A_877 : i32
              %broadcast_in_dim3A_879 = arith.constant 0.000000e+00 : f32
              %broadcast_in_dim3A_880 = vector.broadcast %broadcast_in_dim3A_879 : f32 to vector<16xf32>
              %swap3A_881 = arith.index_cast %add3A_878 : i32 to index
              %swap3A_882 = arith.constant 32 : index
              %swap3A_883 = tpu.vector_load %arg9[%swap3A_881, %swap3A_882] {strides = array<i32>} : memref<200x128xf32, #tpu.memory_space<vmem>>, vector<16xf32>,
              tpu.vector_store %arg9[%swap3A_881, %swap3A_882], %broadcast_in_dim3A_880 {strides = array<i32>} : memref<200x128xf32, #tpu.memory_space<vmem>>, vector<16xf32>,
              %add3A_884 = arith.constant 9 : i32
              %add3A_885 = arith.addi %min3A_546, %add3A_884 : i32
              %broadcast_in_dim3A_886 = arith.constant 0.000000e+00 : f32
              %broadcast_in_dim3A_887 = vector.broadcast %broadcast_in_dim3A_886 : f32 to vector<16xf32>
              %swap3A_888 = arith.index_cast %add3A_885 : i32 to index
              %swap3A_889 = arith.constant 48 : index
              %swap3A_890 = tpu.vector_load %arg9[%swap3A_888, %swap3A_889] {strides = array<i32>} : memref<200x128xf32, #tpu.memory_space<vmem>>, vector<16xf32>,
              tpu.vector_store %arg9[%swap3A_888, %swap3A_889], %broadcast_in_dim3A_887 {strides = array<i32>} : memref<200x128xf32, #tpu.memory_space<vmem>>, vector<16xf32>,
            } else {
            }
            %eq3A_750 = arith.constant 10 : i32
            %eq3A_751 = vector.broadcast %eq3A_750 : i32 to vector<16xi32>
            %eq3A_752 = arith.cmpi eq, %iota3A, %eq3A_751 : vector<16xi32>
            %jit3A_753 = arith.constant 1 : i32
            %broadcast_in_dim3A_754 = vector.broadcast %jit3A_753 : i32 to vector<16xi32>
            %select_n3A_755 = arith.select %eq3A_752, %get3A_549, %broadcast_in_dim3A_754 : vector<16xi1>, vector<16xi32>
            %reduce_min3A_756 = arith.constant true
            %reduce_min3A_757 = vector.broadcast %reduce_min3A_756 : i1 to vector<16xi1>
            %reduce_min3A_758 = arith.constant -2147483648 : i32
            %reduce_min3A_759 = vector.broadcast %reduce_min3A_758 : i32 to vector<16xi32>
            %reduce_min3A_760 = arith.xori %select_n3A_755, %reduce_min3A_759 : vector<16xi32>
            %reduce_min3A_761 = tpu.scan <min>, %reduce_min3A_760 masked %reduce_min3A_757 : vector<16xi32>, vector<16xi1> -> vector<16xi32>
            %reduce_min3A_762 = arith.xori %reduce_min3A_761, %reduce_min3A_759 : vector<16xi32>
            %reduce_min3A_763 = vector.extract %reduce_min3A_762[15] : i32 from vector<16xi32>
            %eq3A_764 = arith.constant 0 : i32
            %eq3A_765 = arith.cmpi eq, %reduce_min3A_763, %eq3A_764 : i32
            %convert_element_type3A_766 = arith.extui %eq3A_765 : i1 to i32
            %cond3A_767 = arith.constant 0 : i32
            %cond3A_768 = arith.cmpi ne, %convert_element_type3A_766, %cond3A_767 : i32
            scf.if %cond3A_768 {
              %add3A_864 = arith.constant 10 : i32
              %add3A_865 = arith.addi %min3A_546, %add3A_864 : i32
              %broadcast_in_dim3A_866 = arith.constant 0.000000e+00 : f32
              %broadcast_in_dim3A_867 = vector.broadcast %broadcast_in_dim3A_866 : f32 to vector<16xf32>
              %swap3A = arith.index_cast %add3A_865 : i32 to index
              %swap3A_868 = arith.constant 0 : index
              %swap3A_869 = tpu.vector_load %arg9[%swap3A, %swap3A_868] {strides = array<i32>} : memref<200x128xf32, #tpu.memory_space<vmem>>, vector<16xf32>,
              tpu.vector_store %arg9[%swap3A, %swap3A_868], %broadcast_in_dim3A_867 {strides = array<i32>} : memref<200x128xf32, #tpu.memory_space<vmem>>, vector<16xf32>,
              %add3A_870 = arith.constant 10 : i32
              %add3A_871 = arith.addi %min3A_546, %add3A_870 : i32
              %broadcast_in_dim3A_872 = arith.constant 0.000000e+00 : f32
              %broadcast_in_dim3A_873 = vector.broadcast %broadcast_in_dim3A_872 : f32 to vector<16xf32>
              %swap3A_874 = arith.index_cast %add3A_871 : i32 to index
              %swap3A_875 = arith.constant 16 : index
              %swap3A_876 = tpu.vector_load %arg9[%swap3A_874, %swap3A_875] {strides = array<i32>} : memref<200x128xf32, #tpu.memory_space<vmem>>, vector<16xf32>,
              tpu.vector_store %arg9[%swap3A_874, %swap3A_875], %broadcast_in_dim3A_873 {strides = array<i32>} : memref<200x128xf32, #tpu.memory_space<vmem>>, vector<16xf32>,
              %add3A_877 = arith.constant 10 : i32
              %add3A_878 = arith.addi %min3A_546, %add3A_877 : i32
              %broadcast_in_dim3A_879 = arith.constant 0.000000e+00 : f32
              %broadcast_in_dim3A_880 = vector.broadcast %broadcast_in_dim3A_879 : f32 to vector<16xf32>
              %swap3A_881 = arith.index_cast %add3A_878 : i32 to index
              %swap3A_882 = arith.constant 32 : index
              %swap3A_883 = tpu.vector_load %arg9[%swap3A_881, %swap3A_882] {strides = array<i32>} : memref<200x128xf32, #tpu.memory_space<vmem>>, vector<16xf32>,
              tpu.vector_store %arg9[%swap3A_881, %swap3A_882], %broadcast_in_dim3A_880 {strides = array<i32>} : memref<200x128xf32, #tpu.memory_space<vmem>>, vector<16xf32>,
              %add3A_884 = arith.constant 10 : i32
              %add3A_885 = arith.addi %min3A_546, %add3A_884 : i32
              %broadcast_in_dim3A_886 = arith.constant 0.000000e+00 : f32
              %broadcast_in_dim3A_887 = vector.broadcast %broadcast_in_dim3A_886 : f32 to vector<16xf32>
              %swap3A_888 = arith.index_cast %add3A_885 : i32 to index
              %swap3A_889 = arith.constant 48 : index
              %swap3A_890 = tpu.vector_load %arg9[%swap3A_888, %swap3A_889] {strides = array<i32>} : memref<200x128xf32, #tpu.memory_space<vmem>>, vector<16xf32>,
              tpu.vector_store %arg9[%swap3A_888, %swap3A_889], %broadcast_in_dim3A_887 {strides = array<i32>} : memref<200x128xf32, #tpu.memory_space<vmem>>, vector<16xf32>,
            } else {
            }
            %eq3A_769 = arith.constant 11 : i32
            %eq3A_770 = vector.broadcast %eq3A_769 : i32 to vector<16xi32>
            %eq3A_771 = arith.cmpi eq, %iota3A, %eq3A_770 : vector<16xi32>
            %jit3A_772 = arith.constant 1 : i32
            %broadcast_in_dim3A_773 = vector.broadcast %jit3A_772 : i32 to vector<16xi32>
            %select_n3A_774 = arith.select %eq3A_771, %get3A_549, %broadcast_in_dim3A_773 : vector<16xi1>, vector<16xi32>
            %reduce_min3A_775 = arith.constant true
            %reduce_min3A_776 = vector.broadcast %reduce_min3A_775 : i1 to vector<16xi1>
            %reduce_min3A_777 = arith.constant -2147483648 : i32
            %reduce_min3A_778 = vector.broadcast %reduce_min3A_777 : i32 to vector<16xi32>
            %reduce_min3A_779 = arith.xori %select_n3A_774, %reduce_min3A_778 : vector<16xi32>
            %reduce_min3A_780 = tpu.scan <min>, %reduce_min3A_779 masked %reduce_min3A_776 : vector<16xi32>, vector<16xi1> -> vector<16xi32>
            %reduce_min3A_781 = arith.xori %reduce_min3A_780, %reduce_min3A_778 : vector<16xi32>
            %reduce_min3A_782 = vector.extract %reduce_min3A_781[15] : i32 from vector<16xi32>
            %eq3A_783 = arith.constant 0 : i32
            %eq3A_784 = arith.cmpi eq, %reduce_min3A_782, %eq3A_783 : i32
            %convert_element_type3A_785 = arith.extui %eq3A_784 : i1 to i32
            %cond3A_786 = arith.constant 0 : i32
            %cond3A_787 = arith.cmpi ne, %convert_element_type3A_785, %cond3A_786 : i32
            scf.if %cond3A_787 {
              %add3A_864 = arith.constant 11 : i32
              %add3A_865 = arith.addi %min3A_546, %add3A_864 : i32
              %broadcast_in_dim3A_866 = arith.constant 0.000000e+00 : f32
              %broadcast_in_dim3A_867 = vector.broadcast %broadcast_in_dim3A_866 : f32 to vector<16xf32>
              %swap3A = arith.index_cast %add3A_865 : i32 to index
              %swap3A_868 = arith.constant 0 : index
              %swap3A_869 = tpu.vector_load %arg9[%swap3A, %swap3A_868] {strides = array<i32>} : memref<200x128xf32, #tpu.memory_space<vmem>>, vector<16xf32>,
              tpu.vector_store %arg9[%swap3A, %swap3A_868], %broadcast_in_dim3A_867 {strides = array<i32>} : memref<200x128xf32, #tpu.memory_space<vmem>>, vector<16xf32>,
              %add3A_870 = arith.constant 11 : i32
              %add3A_871 = arith.addi %min3A_546, %add3A_870 : i32
              %broadcast_in_dim3A_872 = arith.constant 0.000000e+00 : f32
              %broadcast_in_dim3A_873 = vector.broadcast %broadcast_in_dim3A_872 : f32 to vector<16xf32>
              %swap3A_874 = arith.index_cast %add3A_871 : i32 to index
              %swap3A_875 = arith.constant 16 : index
              %swap3A_876 = tpu.vector_load %arg9[%swap3A_874, %swap3A_875] {strides = array<i32>} : memref<200x128xf32, #tpu.memory_space<vmem>>, vector<16xf32>,
              tpu.vector_store %arg9[%swap3A_874, %swap3A_875], %broadcast_in_dim3A_873 {strides = array<i32>} : memref<200x128xf32, #tpu.memory_space<vmem>>, vector<16xf32>,
              %add3A_877 = arith.constant 11 : i32
              %add3A_878 = arith.addi %min3A_546, %add3A_877 : i32
              %broadcast_in_dim3A_879 = arith.constant 0.000000e+00 : f32
              %broadcast_in_dim3A_880 = vector.broadcast %broadcast_in_dim3A_879 : f32 to vector<16xf32>
              %swap3A_881 = arith.index_cast %add3A_878 : i32 to index
              %swap3A_882 = arith.constant 32 : index
              %swap3A_883 = tpu.vector_load %arg9[%swap3A_881, %swap3A_882] {strides = array<i32>} : memref<200x128xf32, #tpu.memory_space<vmem>>, vector<16xf32>,
              tpu.vector_store %arg9[%swap3A_881, %swap3A_882], %broadcast_in_dim3A_880 {strides = array<i32>} : memref<200x128xf32, #tpu.memory_space<vmem>>, vector<16xf32>,
              %add3A_884 = arith.constant 11 : i32
              %add3A_885 = arith.addi %min3A_546, %add3A_884 : i32
              %broadcast_in_dim3A_886 = arith.constant 0.000000e+00 : f32
              %broadcast_in_dim3A_887 = vector.broadcast %broadcast_in_dim3A_886 : f32 to vector<16xf32>
              %swap3A_888 = arith.index_cast %add3A_885 : i32 to index
              %swap3A_889 = arith.constant 48 : index
              %swap3A_890 = tpu.vector_load %arg9[%swap3A_888, %swap3A_889] {strides = array<i32>} : memref<200x128xf32, #tpu.memory_space<vmem>>, vector<16xf32>,
              tpu.vector_store %arg9[%swap3A_888, %swap3A_889], %broadcast_in_dim3A_887 {strides = array<i32>} : memref<200x128xf32, #tpu.memory_space<vmem>>, vector<16xf32>,
            } else {
            }
            %eq3A_788 = arith.constant 12 : i32
            %eq3A_789 = vector.broadcast %eq3A_788 : i32 to vector<16xi32>
            %eq3A_790 = arith.cmpi eq, %iota3A, %eq3A_789 : vector<16xi32>
            %jit3A_791 = arith.constant 1 : i32
            %broadcast_in_dim3A_792 = vector.broadcast %jit3A_791 : i32 to vector<16xi32>
            %select_n3A_793 = arith.select %eq3A_790, %get3A_549, %broadcast_in_dim3A_792 : vector<16xi1>, vector<16xi32>
            %reduce_min3A_794 = arith.constant true
            %reduce_min3A_795 = vector.broadcast %reduce_min3A_794 : i1 to vector<16xi1>
            %reduce_min3A_796 = arith.constant -2147483648 : i32
            %reduce_min3A_797 = vector.broadcast %reduce_min3A_796 : i32 to vector<16xi32>
            %reduce_min3A_798 = arith.xori %select_n3A_793, %reduce_min3A_797 : vector<16xi32>
            %reduce_min3A_799 = tpu.scan <min>, %reduce_min3A_798 masked %reduce_min3A_795 : vector<16xi32>, vector<16xi1> -> vector<16xi32>
            %reduce_min3A_800 = arith.xori %reduce_min3A_799, %reduce_min3A_797 : vector<16xi32>
            %reduce_min3A_801 = vector.extract %reduce_min3A_800[15] : i32 from vector<16xi32>
            %eq3A_802 = arith.constant 0 : i32
            %eq3A_803 = arith.cmpi eq, %reduce_min3A_801, %eq3A_802 : i32
            %convert_element_type3A_804 = arith.extui %eq3A_803 : i1 to i32
            %cond3A_805 = arith.constant 0 : i32
            %cond3A_806 = arith.cmpi ne, %convert_element_type3A_804, %cond3A_805 : i32
            scf.if %cond3A_806 {
              %add3A_864 = arith.constant 12 : i32
              %add3A_865 = arith.addi %min3A_546, %add3A_864 : i32
              %broadcast_in_dim3A_866 = arith.constant 0.000000e+00 : f32
              %broadcast_in_dim3A_867 = vector.broadcast %broadcast_in_dim3A_866 : f32 to vector<16xf32>
              %swap3A = arith.index_cast %add3A_865 : i32 to index
              %swap3A_868 = arith.constant 0 : index
              %swap3A_869 = tpu.vector_load %arg9[%swap3A, %swap3A_868] {strides = array<i32>} : memref<200x128xf32, #tpu.memory_space<vmem>>, vector<16xf32>,
              tpu.vector_store %arg9[%swap3A, %swap3A_868], %broadcast_in_dim3A_867 {strides = array<i32>} : memref<200x128xf32, #tpu.memory_space<vmem>>, vector<16xf32>,
              %add3A_870 = arith.constant 12 : i32
              %add3A_871 = arith.addi %min3A_546, %add3A_870 : i32
              %broadcast_in_dim3A_872 = arith.constant 0.000000e+00 : f32
              %broadcast_in_dim3A_873 = vector.broadcast %broadcast_in_dim3A_872 : f32 to vector<16xf32>
              %swap3A_874 = arith.index_cast %add3A_871 : i32 to index
              %swap3A_875 = arith.constant 16 : index
              %swap3A_876 = tpu.vector_load %arg9[%swap3A_874, %swap3A_875] {strides = array<i32>} : memref<200x128xf32, #tpu.memory_space<vmem>>, vector<16xf32>,
              tpu.vector_store %arg9[%swap3A_874, %swap3A_875], %broadcast_in_dim3A_873 {strides = array<i32>} : memref<200x128xf32, #tpu.memory_space<vmem>>, vector<16xf32>,
              %add3A_877 = arith.constant 12 : i32
              %add3A_878 = arith.addi %min3A_546, %add3A_877 : i32
              %broadcast_in_dim3A_879 = arith.constant 0.000000e+00 : f32
              %broadcast_in_dim3A_880 = vector.broadcast %broadcast_in_dim3A_879 : f32 to vector<16xf32>
              %swap3A_881 = arith.index_cast %add3A_878 : i32 to index
              %swap3A_882 = arith.constant 32 : index
              %swap3A_883 = tpu.vector_load %arg9[%swap3A_881, %swap3A_882] {strides = array<i32>} : memref<200x128xf32, #tpu.memory_space<vmem>>, vector<16xf32>,
              tpu.vector_store %arg9[%swap3A_881, %swap3A_882], %broadcast_in_dim3A_880 {strides = array<i32>} : memref<200x128xf32, #tpu.memory_space<vmem>>, vector<16xf32>,
              %add3A_884 = arith.constant 12 : i32
              %add3A_885 = arith.addi %min3A_546, %add3A_884 : i32
              %broadcast_in_dim3A_886 = arith.constant 0.000000e+00 : f32
              %broadcast_in_dim3A_887 = vector.broadcast %broadcast_in_dim3A_886 : f32 to vector<16xf32>
              %swap3A_888 = arith.index_cast %add3A_885 : i32 to index
              %swap3A_889 = arith.constant 48 : index
              %swap3A_890 = tpu.vector_load %arg9[%swap3A_888, %swap3A_889] {strides = array<i32>} : memref<200x128xf32, #tpu.memory_space<vmem>>, vector<16xf32>,
              tpu.vector_store %arg9[%swap3A_888, %swap3A_889], %broadcast_in_dim3A_887 {strides = array<i32>} : memref<200x128xf32, #tpu.memory_space<vmem>>, vector<16xf32>,
            } else {
            }
            %eq3A_807 = arith.constant 13 : i32
            %eq3A_808 = vector.broadcast %eq3A_807 : i32 to vector<16xi32>
            %eq3A_809 = arith.cmpi eq, %iota3A, %eq3A_808 : vector<16xi32>
            %jit3A_810 = arith.constant 1 : i32
            %broadcast_in_dim3A_811 = vector.broadcast %jit3A_810 : i32 to vector<16xi32>
            %select_n3A_812 = arith.select %eq3A_809, %get3A_549, %broadcast_in_dim3A_811 : vector<16xi1>, vector<16xi32>
            %reduce_min3A_813 = arith.constant true
            %reduce_min3A_814 = vector.broadcast %reduce_min3A_813 : i1 to vector<16xi1>
            %reduce_min3A_815 = arith.constant -2147483648 : i32
            %reduce_min3A_816 = vector.broadcast %reduce_min3A_815 : i32 to vector<16xi32>
            %reduce_min3A_817 = arith.xori %select_n3A_812, %reduce_min3A_816 : vector<16xi32>
            %reduce_min3A_818 = tpu.scan <min>, %reduce_min3A_817 masked %reduce_min3A_814 : vector<16xi32>, vector<16xi1> -> vector<16xi32>
            %reduce_min3A_819 = arith.xori %reduce_min3A_818, %reduce_min3A_816 : vector<16xi32>
            %reduce_min3A_820 = vector.extract %reduce_min3A_819[15] : i32 from vector<16xi32>
            %eq3A_821 = arith.constant 0 : i32
            %eq3A_822 = arith.cmpi eq, %reduce_min3A_820, %eq3A_821 : i32
            %convert_element_type3A_823 = arith.extui %eq3A_822 : i1 to i32
            %cond3A_824 = arith.constant 0 : i32
            %cond3A_825 = arith.cmpi ne, %convert_element_type3A_823, %cond3A_824 : i32
            scf.if %cond3A_825 {
              %add3A_864 = arith.constant 13 : i32
              %add3A_865 = arith.addi %min3A_546, %add3A_864 : i32
              %broadcast_in_dim3A_866 = arith.constant 0.000000e+00 : f32
              %broadcast_in_dim3A_867 = vector.broadcast %broadcast_in_dim3A_866 : f32 to vector<16xf32>
              %swap3A = arith.index_cast %add3A_865 : i32 to index
              %swap3A_868 = arith.constant 0 : index
              %swap3A_869 = tpu.vector_load %arg9[%swap3A, %swap3A_868] {strides = array<i32>} : memref<200x128xf32, #tpu.memory_space<vmem>>, vector<16xf32>,
              tpu.vector_store %arg9[%swap3A, %swap3A_868], %broadcast_in_dim3A_867 {strides = array<i32>} : memref<200x128xf32, #tpu.memory_space<vmem>>, vector<16xf32>,
              %add3A_870 = arith.constant 13 : i32
              %add3A_871 = arith.addi %min3A_546, %add3A_870 : i32
              %broadcast_in_dim3A_872 = arith.constant 0.000000e+00 : f32
              %broadcast_in_dim3A_873 = vector.broadcast %broadcast_in_dim3A_872 : f32 to vector<16xf32>
              %swap3A_874 = arith.index_cast %add3A_871 : i32 to index
              %swap3A_875 = arith.constant 16 : index
              %swap3A_876 = tpu.vector_load %arg9[%swap3A_874, %swap3A_875] {strides = array<i32>} : memref<200x128xf32, #tpu.memory_space<vmem>>, vector<16xf32>,
              tpu.vector_store %arg9[%swap3A_874, %swap3A_875], %broadcast_in_dim3A_873 {strides = array<i32>} : memref<200x128xf32, #tpu.memory_space<vmem>>, vector<16xf32>,
              %add3A_877 = arith.constant 13 : i32
              %add3A_878 = arith.addi %min3A_546, %add3A_877 : i32
              %broadcast_in_dim3A_879 = arith.constant 0.000000e+00 : f32
              %broadcast_in_dim3A_880 = vector.broadcast %broadcast_in_dim3A_879 : f32 to vector<16xf32>
              %swap3A_881 = arith.index_cast %add3A_878 : i32 to index
              %swap3A_882 = arith.constant 32 : index
              %swap3A_883 = tpu.vector_load %arg9[%swap3A_881, %swap3A_882] {strides = array<i32>} : memref<200x128xf32, #tpu.memory_space<vmem>>, vector<16xf32>,
              tpu.vector_store %arg9[%swap3A_881, %swap3A_882], %broadcast_in_dim3A_880 {strides = array<i32>} : memref<200x128xf32, #tpu.memory_space<vmem>>, vector<16xf32>,
              %add3A_884 = arith.constant 13 : i32
              %add3A_885 = arith.addi %min3A_546, %add3A_884 : i32
              %broadcast_in_dim3A_886 = arith.constant 0.000000e+00 : f32
              %broadcast_in_dim3A_887 = vector.broadcast %broadcast_in_dim3A_886 : f32 to vector<16xf32>
              %swap3A_888 = arith.index_cast %add3A_885 : i32 to index
              %swap3A_889 = arith.constant 48 : index
              %swap3A_890 = tpu.vector_load %arg9[%swap3A_888, %swap3A_889] {strides = array<i32>} : memref<200x128xf32, #tpu.memory_space<vmem>>, vector<16xf32>,
              tpu.vector_store %arg9[%swap3A_888, %swap3A_889], %broadcast_in_dim3A_887 {strides = array<i32>} : memref<200x128xf32, #tpu.memory_space<vmem>>, vector<16xf32>,
            } else {
            }
            %eq3A_826 = arith.constant 14 : i32
            %eq3A_827 = vector.broadcast %eq3A_826 : i32 to vector<16xi32>
            %eq3A_828 = arith.cmpi eq, %iota3A, %eq3A_827 : vector<16xi32>
            %jit3A_829 = arith.constant 1 : i32
            %broadcast_in_dim3A_830 = vector.broadcast %jit3A_829 : i32 to vector<16xi32>
            %select_n3A_831 = arith.select %eq3A_828, %get3A_549, %broadcast_in_dim3A_830 : vector<16xi1>, vector<16xi32>
            %reduce_min3A_832 = arith.constant true
            %reduce_min3A_833 = vector.broadcast %reduce_min3A_832 : i1 to vector<16xi1>
            %reduce_min3A_834 = arith.constant -2147483648 : i32
            %reduce_min3A_835 = vector.broadcast %reduce_min3A_834 : i32 to vector<16xi32>
            %reduce_min3A_836 = arith.xori %select_n3A_831, %reduce_min3A_835 : vector<16xi32>
            %reduce_min3A_837 = tpu.scan <min>, %reduce_min3A_836 masked %reduce_min3A_833 : vector<16xi32>, vector<16xi1> -> vector<16xi32>
            %reduce_min3A_838 = arith.xori %reduce_min3A_837, %reduce_min3A_835 : vector<16xi32>
            %reduce_min3A_839 = vector.extract %reduce_min3A_838[15] : i32 from vector<16xi32>
            %eq3A_840 = arith.constant 0 : i32
            %eq3A_841 = arith.cmpi eq, %reduce_min3A_839, %eq3A_840 : i32
            %convert_element_type3A_842 = arith.extui %eq3A_841 : i1 to i32
            %cond3A_843 = arith.constant 0 : i32
            %cond3A_844 = arith.cmpi ne, %convert_element_type3A_842, %cond3A_843 : i32
            scf.if %cond3A_844 {
              %add3A_864 = arith.constant 14 : i32
              %add3A_865 = arith.addi %min3A_546, %add3A_864 : i32
              %broadcast_in_dim3A_866 = arith.constant 0.000000e+00 : f32
              %broadcast_in_dim3A_867 = vector.broadcast %broadcast_in_dim3A_866 : f32 to vector<16xf32>
              %swap3A = arith.index_cast %add3A_865 : i32 to index
              %swap3A_868 = arith.constant 0 : index
              %swap3A_869 = tpu.vector_load %arg9[%swap3A, %swap3A_868] {strides = array<i32>} : memref<200x128xf32, #tpu.memory_space<vmem>>, vector<16xf32>,
              tpu.vector_store %arg9[%swap3A, %swap3A_868], %broadcast_in_dim3A_867 {strides = array<i32>} : memref<200x128xf32, #tpu.memory_space<vmem>>, vector<16xf32>,
              %add3A_870 = arith.constant 14 : i32
              %add3A_871 = arith.addi %min3A_546, %add3A_870 : i32
              %broadcast_in_dim3A_872 = arith.constant 0.000000e+00 : f32
              %broadcast_in_dim3A_873 = vector.broadcast %broadcast_in_dim3A_872 : f32 to vector<16xf32>
              %swap3A_874 = arith.index_cast %add3A_871 : i32 to index
              %swap3A_875 = arith.constant 16 : index
              %swap3A_876 = tpu.vector_load %arg9[%swap3A_874, %swap3A_875] {strides = array<i32>} : memref<200x128xf32, #tpu.memory_space<vmem>>, vector<16xf32>,
              tpu.vector_store %arg9[%swap3A_874, %swap3A_875], %broadcast_in_dim3A_873 {strides = array<i32>} : memref<200x128xf32, #tpu.memory_space<vmem>>, vector<16xf32>,
              %add3A_877 = arith.constant 14 : i32
              %add3A_878 = arith.addi %min3A_546, %add3A_877 : i32
              %broadcast_in_dim3A_879 = arith.constant 0.000000e+00 : f32
              %broadcast_in_dim3A_880 = vector.broadcast %broadcast_in_dim3A_879 : f32 to vector<16xf32>
              %swap3A_881 = arith.index_cast %add3A_878 : i32 to index
              %swap3A_882 = arith.constant 32 : index
              %swap3A_883 = tpu.vector_load %arg9[%swap3A_881, %swap3A_882] {strides = array<i32>} : memref<200x128xf32, #tpu.memory_space<vmem>>, vector<16xf32>,
              tpu.vector_store %arg9[%swap3A_881, %swap3A_882], %broadcast_in_dim3A_880 {strides = array<i32>} : memref<200x128xf32, #tpu.memory_space<vmem>>, vector<16xf32>,
              %add3A_884 = arith.constant 14 : i32
              %add3A_885 = arith.addi %min3A_546, %add3A_884 : i32
              %broadcast_in_dim3A_886 = arith.constant 0.000000e+00 : f32
              %broadcast_in_dim3A_887 = vector.broadcast %broadcast_in_dim3A_886 : f32 to vector<16xf32>
              %swap3A_888 = arith.index_cast %add3A_885 : i32 to index
              %swap3A_889 = arith.constant 48 : index
              %swap3A_890 = tpu.vector_load %arg9[%swap3A_888, %swap3A_889] {strides = array<i32>} : memref<200x128xf32, #tpu.memory_space<vmem>>, vector<16xf32>,
              tpu.vector_store %arg9[%swap3A_888, %swap3A_889], %broadcast_in_dim3A_887 {strides = array<i32>} : memref<200x128xf32, #tpu.memory_space<vmem>>, vector<16xf32>,
            } else {
            }
            %eq3A_845 = arith.constant 15 : i32
            %eq3A_846 = vector.broadcast %eq3A_845 : i32 to vector<16xi32>
            %eq3A_847 = arith.cmpi eq, %iota3A, %eq3A_846 : vector<16xi32>
            %jit3A_848 = arith.constant 1 : i32
            %broadcast_in_dim3A_849 = vector.broadcast %jit3A_848 : i32 to vector<16xi32>
            %select_n3A_850 = arith.select %eq3A_847, %get3A_549, %broadcast_in_dim3A_849 : vector<16xi1>, vector<16xi32>
            %reduce_min3A_851 = arith.constant true
            %reduce_min3A_852 = vector.broadcast %reduce_min3A_851 : i1 to vector<16xi1>
            %reduce_min3A_853 = arith.constant -2147483648 : i32
            %reduce_min3A_854 = vector.broadcast %reduce_min3A_853 : i32 to vector<16xi32>
            %reduce_min3A_855 = arith.xori %select_n3A_850, %reduce_min3A_854 : vector<16xi32>
            %reduce_min3A_856 = tpu.scan <min>, %reduce_min3A_855 masked %reduce_min3A_852 : vector<16xi32>, vector<16xi1> -> vector<16xi32>
            %reduce_min3A_857 = arith.xori %reduce_min3A_856, %reduce_min3A_854 : vector<16xi32>
            %reduce_min3A_858 = vector.extract %reduce_min3A_857[15] : i32 from vector<16xi32>
            %eq3A_859 = arith.constant 0 : i32
            %eq3A_860 = arith.cmpi eq, %reduce_min3A_858, %eq3A_859 : i32
            %convert_element_type3A_861 = arith.extui %eq3A_860 : i1 to i32
            %cond3A_862 = arith.constant 0 : i32
            %cond3A_863 = arith.cmpi ne, %convert_element_type3A_861, %cond3A_862 : i32
            scf.if %cond3A_863 {
              %add3A_864 = arith.constant 15 : i32
              %add3A_865 = arith.addi %min3A_546, %add3A_864 : i32
              %broadcast_in_dim3A_866 = arith.constant 0.000000e+00 : f32
              %broadcast_in_dim3A_867 = vector.broadcast %broadcast_in_dim3A_866 : f32 to vector<16xf32>
              %swap3A = arith.index_cast %add3A_865 : i32 to index
              %swap3A_868 = arith.constant 0 : index
              %swap3A_869 = tpu.vector_load %arg9[%swap3A, %swap3A_868] {strides = array<i32>} : memref<200x128xf32, #tpu.memory_space<vmem>>, vector<16xf32>,
              tpu.vector_store %arg9[%swap3A, %swap3A_868], %broadcast_in_dim3A_867 {strides = array<i32>} : memref<200x128xf32, #tpu.memory_space<vmem>>, vector<16xf32>,
              %add3A_870 = arith.constant 15 : i32
              %add3A_871 = arith.addi %min3A_546, %add3A_870 : i32
              %broadcast_in_dim3A_872 = arith.constant 0.000000e+00 : f32
              %broadcast_in_dim3A_873 = vector.broadcast %broadcast_in_dim3A_872 : f32 to vector<16xf32>
              %swap3A_874 = arith.index_cast %add3A_871 : i32 to index
              %swap3A_875 = arith.constant 16 : index
              %swap3A_876 = tpu.vector_load %arg9[%swap3A_874, %swap3A_875] {strides = array<i32>} : memref<200x128xf32, #tpu.memory_space<vmem>>, vector<16xf32>,
              tpu.vector_store %arg9[%swap3A_874, %swap3A_875], %broadcast_in_dim3A_873 {strides = array<i32>} : memref<200x128xf32, #tpu.memory_space<vmem>>, vector<16xf32>,
              %add3A_877 = arith.constant 15 : i32
              %add3A_878 = arith.addi %min3A_546, %add3A_877 : i32
              %broadcast_in_dim3A_879 = arith.constant 0.000000e+00 : f32
              %broadcast_in_dim3A_880 = vector.broadcast %broadcast_in_dim3A_879 : f32 to vector<16xf32>
              %swap3A_881 = arith.index_cast %add3A_878 : i32 to index
              %swap3A_882 = arith.constant 32 : index
              %swap3A_883 = tpu.vector_load %arg9[%swap3A_881, %swap3A_882] {strides = array<i32>} : memref<200x128xf32, #tpu.memory_space<vmem>>, vector<16xf32>,
              tpu.vector_store %arg9[%swap3A_881, %swap3A_882], %broadcast_in_dim3A_880 {strides = array<i32>} : memref<200x128xf32, #tpu.memory_space<vmem>>, vector<16xf32>,
              %add3A_884 = arith.constant 15 : i32
              %add3A_885 = arith.addi %min3A_546, %add3A_884 : i32
              %broadcast_in_dim3A_886 = arith.constant 0.000000e+00 : f32
              %broadcast_in_dim3A_887 = vector.broadcast %broadcast_in_dim3A_886 : f32 to vector<16xf32>
              %swap3A_888 = arith.index_cast %add3A_885 : i32 to index
              %swap3A_889 = arith.constant 48 : index
              %swap3A_890 = tpu.vector_load %arg9[%swap3A_888, %swap3A_889] {strides = array<i32>} : memref<200x128xf32, #tpu.memory_space<vmem>>, vector<16xf32>,
              tpu.vector_store %arg9[%swap3A_888, %swap3A_889], %broadcast_in_dim3A_887 {strides = array<i32>} : memref<200x128xf32, #tpu.memory_space<vmem>>, vector<16xf32>,
            } else {
            }
          } else {
          }
        }
        %scan3A_537 = arith.constant 13 : i32
      } else {
      }
      %add3A_517 = arith.addi %mul3A_2, %add3A_423 : i32
      %dma_start3A_518 = arith.constant 0 : i32
      %dma_start3A_519 = arith.constant 0 : i32
      %dma_start3A_520 = tpu.memref_slice %arg4[%add3A_517, %dma_start3A_518, %dma_start3A_519] : memref<4096x200x128xf32, #tpu.memory_space<hbm>> -> memref<1x200x128xf32, #tpu.memory_space<hbm>>
      %dma_start3A_521 = tpu.memref_squeeze %dma_start3A_520 : memref<1x200x128xf32, #tpu.memory_space<hbm>> -> memref<200x128xf32, #tpu.memory_space<hbm>>
      %dma_start3A_522 = arith.constant 0 : i32
      %dma_start3A_523 = arith.constant 0 : i32
      %dma_start3A_524 = tpu.memref_slice %arg4[%add3A_517, %dma_start3A_522, %dma_start3A_523] : memref<4096x200x128xf32, #tpu.memory_space<hbm>> -> memref<1x200x128xf32, #tpu.memory_space<hbm>>
      %dma_start3A_525 = tpu.memref_squeeze %dma_start3A_524 : memref<1x200x128xf32, #tpu.memory_space<hbm>> -> memref<200x128xf32, #tpu.memory_space<hbm>>
      tpu.enqueue_dma source(%arg9 : memref<200x128xf32, #tpu.memory_space<vmem>>) target(%dma_start3A_525 : memref<200x128xf32, #tpu.memory_space<hbm>>) target_semaphore(%arg18 : memref<!tpu.dma_semaphore, #tpu.memory_space<semaphore_mem>>)
      %add3A_526 = arith.constant 3 : i32
      %add3A_527 = arith.addi %add3A_423, %add3A_526 : i32
      %lt3A_528 = arith.constant 128 : i32
      %lt3A_529 = arith.cmpi slt, %add3A_527, %lt3A_528 : i32
      %convert_element_type3A_530 = arith.extui %lt3A_529 : i1 to i32
      %cond3A_531 = arith.constant 0 : i32
      %cond3A_532 = arith.cmpi ne, %convert_element_type3A_530, %cond3A_531 : i32
      scf.if %cond3A_532 {
        %ge3A = arith.constant 1 : i32
        %ge3A_533 = arith.cmpi sge, %add3A_423, %ge3A : i32
        %convert_element_type3A_534 = arith.extui %ge3A_533 : i1 to i32
        %cond3A_535 = arith.constant 0 : i32
        %cond3A_536 = arith.cmpi ne, %convert_element_type3A_534, %cond3A_535 : i32
        scf.if %cond3A_536 {
          %dma_wait3A_559 = arith.constant 0 : i32
          %dma_wait3A_560 = arith.constant 0 : i32
          %dma_wait3A_561 = tpu.memref_slice %arg4[%mul3A_2, %dma_wait3A_559, %dma_wait3A_560] : memref<4096x200x128xf32, #tpu.memory_space<hbm>> -> memref<1x200x128xf32, #tpu.memory_space<hbm>>
          %dma_wait3A_562 = tpu.memref_squeeze %dma_wait3A_561 : memref<1x200x128xf32, #tpu.memory_space<hbm>> -> memref<200x128xf32, #tpu.memory_space<hbm>>
          %dma_wait3A_563 = arith.constant 0 : i32
          %dma_wait3A_564 = arith.constant 0 : i32
          %dma_wait3A_565 = tpu.memref_slice %arg4[%mul3A_2, %dma_wait3A_563, %dma_wait3A_564] : memref<4096x200x128xf32, #tpu.memory_space<hbm>> -> memref<1x200x128xf32, #tpu.memory_space<hbm>>
          %dma_wait3A_566 = tpu.memref_squeeze %dma_wait3A_565 : memref<1x200x128xf32, #tpu.memory_space<hbm>> -> memref<200x128xf32, #tpu.memory_space<hbm>>
          tpu.wait_dma2 semaphore(%arg17 : memref<!tpu.dma_semaphore, #tpu.memory_space<semaphore_mem>>) src(%arg8 : memref<200x128xf32, #tpu.memory_space<vmem>>) dst(%dma_wait3A_566 : memref<200x128xf32, #tpu.memory_space<hbm>>)
        } else {
        }
        %mul3A_537 = arith.constant 208 : i32
        %mul3A_538 = arith.muli %add3A_527, %mul3A_537 : i32
        %add3A_539 = arith.constant 0 : i32
        %add3A_540 = arith.addi %mul3A_538, %add3A_539 : i32
        %dma_start3A_541 = arith.constant 0 : i32
        %dma_start3A_542 = arith.constant 0 : i32
        %dma_start3A_543 = tpu.memref_slice %arg8[%dma_start3A_541, %dma_start3A_542] : memref<200x128xf32, #tpu.memory_space<vmem>> -> memref<128x128xf32, #tpu.memory_space<vmem>>
        %dma_start3A_544 = tpu.memref_slice %arg5[%add3A_540] : memref<26624xi32, #tpu.memory_space<vmem>> -> memref<128xi32, #tpu.memory_space<vmem>>
        %dma_start3A_545 = arith.constant 0 : i32
        %dma_start3A_546 = arith.constant 0 : i32
        %dma_start3A_547 = tpu.memref_slice %arg2[%dma_start3A_545, %dma_start3A_546] : memref<100000x128xf32, #tpu.memory_space<hbm>> -> memref<100000x128xf32, #tpu.memory_space<hbm>>
        tpu.enqueue_indirect_dma source(%dma_start3A_547 : memref<100000x128xf32, #tpu.memory_space<hbm>>) target(%dma_start3A_543 : memref<128x128xf32, #tpu.memory_space<vmem>>) offsets(%dma_start3A_544 : memref<128xi32, #tpu.memory_space<vmem>>) semaphore(%arg13 : memref<!tpu.dma_semaphore, #tpu.memory_space<semaphore_mem>>)
        %mul3A_548 = arith.constant 208 : i32
        %mul3A_549 = arith.muli %add3A_527, %mul3A_548 : i32
        %add3A_550 = arith.constant 128 : i32
        %add3A_551 = arith.addi %mul3A_549, %add3A_550 : i32
        %dma_start3A_552 = arith.constant 128 : i32
        %dma_start3A_553 = arith.constant 0 : i32
        %dma_start3A_554 = tpu.memref_slice %arg8[%dma_start3A_552, %dma_start3A_553] : memref<200x128xf32, #tpu.memory_space<vmem>> -> memref<72x128xf32, #tpu.memory_space<vmem>>
        %dma_start3A_555 = tpu.memref_slice %arg5[%add3A_551] : memref<26624xi32, #tpu.memory_space<vmem>> -> memref<72xi32, #tpu.memory_space<vmem>>
        %dma_start3A_556 = arith.constant 0 : i32
        %dma_start3A_557 = arith.constant 0 : i32
        %dma_start3A_558 = tpu.memref_slice %arg2[%dma_start3A_556, %dma_start3A_557] : memref<100000x128xf32, #tpu.memory_space<hbm>> -> memref<100000x128xf32, #tpu.memory_space<hbm>>
        tpu.enqueue_indirect_dma source(%dma_start3A_558 : memref<100000x128xf32, #tpu.memory_space<hbm>>) target(%dma_start3A_554 : memref<72x128xf32, #tpu.memory_space<vmem>>) offsets(%dma_start3A_555 : memref<72xi32, #tpu.memory_space<vmem>>) semaphore(%arg13 : memref<!tpu.dma_semaphore, #tpu.memory_space<semaphore_mem>>)
      } else {
      }
    }
    %scan3A_58 = arith.constant 32 : i32
    %dma_wait3A_59 = arith.constant 0 : i32
    %dma_wait3A_60 = arith.constant 0 : i32
    %dma_wait3A_61 = tpu.memref_slice %arg4[%mul3A_2, %dma_wait3A_59, %dma_wait3A_60] : memref<4096x200x128xf32, #tpu.memory_space<hbm>> -> memref<1x200x128xf32, #tpu.memory_space<hbm>>
    %dma_wait3A_62 = tpu.memref_squeeze %dma_wait3A_61 : memref<1x200x128xf32, #tpu.memory_space<hbm>> -> memref<200x128xf32, #tpu.memory_space<hbm>>
    %dma_wait3A_63 = arith.constant 0 : i32
    %dma_wait3A_64 = arith.constant 0 : i32
    %dma_wait3A_65 = tpu.memref_slice %arg4[%mul3A_2, %dma_wait3A_63, %dma_wait3A_64] : memref<4096x200x128xf32, #tpu.memory_space<hbm>> -> memref<1x200x128xf32, #tpu.memory_space<hbm>>
    %dma_wait3A_66 = tpu.memref_squeeze %dma_wait3A_65 : memref<1x200x128xf32, #tpu.memory_space<hbm>> -> memref<200x128xf32, #tpu.memory_space<hbm>>
    tpu.wait_dma2 semaphore(%arg15 : memref<!tpu.dma_semaphore, #tpu.memory_space<semaphore_mem>>) src(%arg6 : memref<200x128xf32, #tpu.memory_space<vmem>>) dst(%dma_wait3A_66 : memref<200x128xf32, #tpu.memory_space<hbm>>)
    %dma_wait3A_67 = arith.constant 0 : i32
    %dma_wait3A_68 = arith.constant 0 : i32
    %dma_wait3A_69 = tpu.memref_slice %arg4[%mul3A_2, %dma_wait3A_67, %dma_wait3A_68] : memref<4096x200x128xf32, #tpu.memory_space<hbm>> -> memref<1x200x128xf32, #tpu.memory_space<hbm>>
    %dma_wait3A_70 = tpu.memref_squeeze %dma_wait3A_69 : memref<1x200x128xf32, #tpu.memory_space<hbm>> -> memref<200x128xf32, #tpu.memory_space<hbm>>
    %dma_wait3A_71 = arith.constant 0 : i32
    %dma_wait3A_72 = arith.constant 0 : i32
    %dma_wait3A_73 = tpu.memref_slice %arg4[%mul3A_2, %dma_wait3A_71, %dma_wait3A_72] : memref<4096x200x128xf32, #tpu.memory_space<hbm>> -> memref<1x200x128xf32, #tpu.memory_space<hbm>>
    %dma_wait3A_74 = tpu.memref_squeeze %dma_wait3A_73 : memref<1x200x128xf32, #tpu.memory_space<hbm>> -> memref<200x128xf32, #tpu.memory_space<hbm>>
    tpu.wait_dma2 semaphore(%arg16 : memref<!tpu.dma_semaphore, #tpu.memory_space<semaphore_mem>>) src(%arg7 : memref<200x128xf32, #tpu.memory_space<vmem>>) dst(%dma_wait3A_74 : memref<200x128xf32, #tpu.memory_space<hbm>>)
    %dma_wait3A_75 = arith.constant 0 : i32
    %dma_wait3A_76 = arith.constant 0 : i32
    %dma_wait3A_77 = tpu.memref_slice %arg4[%mul3A_2, %dma_wait3A_75, %dma_wait3A_76] : memref<4096x200x128xf32, #tpu.memory_space<hbm>> -> memref<1x200x128xf32, #tpu.memory_space<hbm>>
    %dma_wait3A_78 = tpu.memref_squeeze %dma_wait3A_77 : memref<1x200x128xf32, #tpu.memory_space<hbm>> -> memref<200x128xf32, #tpu.memory_space<hbm>>
    %dma_wait3A_79 = arith.constant 0 : i32
    %dma_wait3A_80 = arith.constant 0 : i32
    %dma_wait3A_81 = tpu.memref_slice %arg4[%mul3A_2, %dma_wait3A_79, %dma_wait3A_80] : memref<4096x200x128xf32, #tpu.memory_space<hbm>> -> memref<1x200x128xf32, #tpu.memory_space<hbm>>
    %dma_wait3A_82 = tpu.memref_squeeze %dma_wait3A_81 : memref<1x200x128xf32, #tpu.memory_space<hbm>> -> memref<200x128xf32, #tpu.memory_space<hbm>>
    tpu.wait_dma2 semaphore(%arg17 : memref<!tpu.dma_semaphore, #tpu.memory_space<semaphore_mem>>) src(%arg8 : memref<200x128xf32, #tpu.memory_space<vmem>>) dst(%dma_wait3A_82 : memref<200x128xf32, #tpu.memory_space<hbm>>)
    %dma_wait3A_83 = arith.constant 0 : i32
    %dma_wait3A_84 = arith.constant 0 : i32
    %dma_wait3A_85 = tpu.memref_slice %arg4[%mul3A_2, %dma_wait3A_83, %dma_wait3A_84] : memref<4096x200x128xf32, #tpu.memory_space<hbm>> -> memref<1x200x128xf32, #tpu.memory_space<hbm>>
    %dma_wait3A_86 = tpu.memref_squeeze %dma_wait3A_85 : memref<1x200x128xf32, #tpu.memory_space<hbm>> -> memref<200x128xf32, #tpu.memory_space<hbm>>
    %dma_wait3A_87 = arith.constant 0 : i32
    %dma_wait3A_88 = arith.constant 0 : i32
    %dma_wait3A_89 = tpu.memref_slice %arg4[%mul3A_2, %dma_wait3A_87, %dma_wait3A_88] : memref<4096x200x128xf32, #tpu.memory_space<hbm>> -> memref<1x200x128xf32, #tpu.memory_space<hbm>>
    %dma_wait3A_90 = tpu.memref_squeeze %dma_wait3A_89 : memref<1x200x128xf32, #tpu.memory_space<hbm>> -> memref<200x128xf32, #tpu.memory_space<hbm>>
    tpu.wait_dma2 semaphore(%arg18 : memref<!tpu.dma_semaphore, #tpu.memory_space<semaphore_mem>>) src(%arg9 : memref<200x128xf32, #tpu.memory_space<vmem>>) dst(%dma_wait3A_90 : memref<200x128xf32, #tpu.memory_space<hbm>>)
    return
  }
}

</mosaic_0001>

<sc_bundles>
// kernel: kernel.3.cloned.1.call-start
scs
__scs_entry_jumppad:
0x0: {  	(pc) =	sbr.rel $0x88, $3  }
0x1: {  	(tag) =	ssettag $0x0;
	lr =	simm.s32 $0x1  }
0x2: {  	[smem:$0x3F9F] =	sst lr;
	_ =	strace $0xD0000000  }
0x3: {  	_ = 	snop  }
0x4: {  	_ = 	snop  }
0x5: {  	_ = 	snop  }
0x6: {  	_ = 	snop  }
0x7: {  	_ = 	snop  }
__scs_overlays_trampoline_lowered:
0x8: {  	[smem:$0x3FAE] =	sst s0  }
0x9: {  	[smem:$0x3FAF] =	sst s1  }
0xa: {  	[smem:$0x3FB0] =	sst s2  }
0xb: {  	[smem:$0x3FB1] =	sst s3  }
0xc: {  	[smem:$0x3FB2] =	sst s4  }
0xd: {  	[smem:$0x3FB3] =	sst s5  }
0xe: {  	[smem:$0x3FB4] =	sst s6  }
0xf: {  	[smem:$0x3FB5] =	sst s7  }
0x10: {  	[smem:$0x3FB6] =	sst s8  }
0x11: {  	[smem:$0x3FB7] =	sst s9;
	s0 =	simm.s32 @!p0 $0x0  }
0x12: {  	s1 =	sld [smem:$0x3F9D];
	s0 =	simm.s32 @p0 $0x1  }
0x13: {  	[smem:$0x3FB8] =	sst s0;
	s0 =	simm.s32 @!p1 $0x0  }
0x14: {  	s2 =	sld [smem:$0x3F9C];
	s0 =	simm.s32 @p1 $0x1  }
0x15: {  	[smem:$0x3FB9] =	sst s0;
	s0 =	simm.s32 @!p2 $0x0  }
0x16: {  	s3 =	sld [smem:$0x3FDB];
	s0 =	simm.s32 @p2 $0x1  }
0x17: {  	s4 =	simm.s32 $0x1BF5;
	[smem:$0x3FBB] =	sst s0  }
0x18: {  	s0 =	sld [smem:$0x3F9E];
	_ =	swait.ge [sflag:s4], $0x0  }
0x19: {  	s7 =	sld [smem:$0x3F9F]  }
0x1a: {  	s8 =	sadd.s32 $0xFFFFE003, lr  }
0x1b: {  	s9 =	sadd.s32 $0xFFFFFEF7, lr;
	s5 =	simm.s32 $0xFFFFFFFF;
	p2 =	slt.u32 s8, $0xFFFFF086  }
0x1c: {  	p1 =	slt.u32 s9, $0xF7A;
	s5 =	simm.s32 @!p2 $0x0  }
0x1d: {  	s5 =	simm.s32 @p1 $0x1;
	p0 =	seq.s32 s7, s2  }
0x1e: {  	s7 =	smul.u32 @!p0 $0xF7A, s2;
	p2 =	seq.s32 @!p0 s5, $0x0  }
0x1f: {  	s9 =	smul.u32 $0xF7A, s1;
	s8 =	simm.s32 @!p0 $0x1BF5;
	p2 =	por !p2, p0  }
0x20: {  	[sflag:s8] =	ssyncset.s32 @!p0 $0xFFFFF086;
	s6 =	sadd.s32 @!p0 s3, s7;
	s7 =	simm.s32 @!p0 $0x108  }
0x21: {  	s3 =	sadd.s32 s3, s9;
	s6 =	sadd.s32 @!p0 $0x88, s6;
	s7 =	simm.s32 @p2 $0x1082  }
0x22: {  	[simem:s7], [sflag:s8] =	dma.local @!p0 [hbm:s6], $0xF7A  }
0x23: {  	s9 =	sor.u32 $0xD0000000, s2;
	s6 =	simm.s32 $0x108;
	_ =	swait.ge @!p0 [sflag:s8], $0x0  }
0x24: {  	s3 =	sadd.s32 $0x88, s3;
	s6 =	simm.s32 @!p1 $0x1082;
	[sflag:s4] =	ssyncset.s32 $0xFFFFF086  }
0x25: {  	[simem:s6], [sflag:s4] =	dma.local [hbm:s3], $0xF7A  }
0x26: {  	[smem:$0x3F9F] =	sst s1;
	(tag) =	ssettag s2;
	_ =	strace s9  }
0x27: {  	s1 =	sld [smem:$0x3FAF]  }
0x28: {  	s2 =	sld [smem:$0x3FB0]  }
0x29: {  	s4 =	sld [smem:$0x3FB2]  }
0x2a: {  	p0 =	seq.s32 s5, $0x0;
	s5 =	sld [smem:$0x3FB3]  }
0x2b: {  	s6 =	sld [smem:$0x3FB4]  }
0x2c: {  	s7 =	sld [smem:$0x3FB5]  }
0x2d: {  	s3 =	simm.s32 $0x108;
	s8 =	sld [smem:$0x3FB6]  }
0x2e: {  	s3 =	simm.s32 @!p0 $0x1082;
	s9 =	sld [smem:$0x3FB7]  }
0x2f: {  	lr =	sadd.s32 s0, s3;
	s0 =	sld [smem:$0x3FAE]  }
0x30: {  	s3 =	sld [smem:$0x3FB1]  }
0x31: {  	[smem:$0x3FBA] =	sst s10  }
0x32: {  	s10 =	sld [smem:$0x3FB8];
	_ =	sdelay $0x3  }
0x33: {  	p0 =	seq.s32 s10, $0x1;
	s10 =	sld [smem:$0x3FBA];
	_ =	sdelay $0x3  }
0x34: {  	[smem:$0x3FBA] =	sst s10  }
0x35: {  	s10 =	sld [smem:$0x3FB9];
	_ =	sdelay $0x3  }
0x36: {  	p1 =	seq.s32 s10, $0x1;
	s10 =	sld [smem:$0x3FBA];
	_ =	sdelay $0x3  }
0x37: {  	[smem:$0x3FBA] =	sst s10  }
0x38: {  	s10 =	sld [smem:$0x3FBB]  }
0x39: {  	_ = 	snop;
	(pc) =	sbr.ind lr, $3  }
0x3a: {  	_ = 	snop  }
0x3b: {  	_ = 	snop  }
0x3c: {  	p2 =	seq.s32 s10, $0x1;
	s10 =	sld [smem:$0x3FBA]  }
0x3d: {  	_ =	shalt  }
0x3e: {  	_ =	shalt  }
0x3f: {  	_ =	shalt  }
0x40: {  	_ =	shalt  }
0x41: {  	_ =	shalt  }
0x42: {  	_ =	shalt  }
0x43: {  	_ =	shalt  }
0x44: {  	_ =	shalt  }
0x45: {  	_ =	shalt  }
0x46: {  	_ =	shalt  }
0x47: {  	_ =	shalt  }
0x48: {  	_ =	shalt  }
0x49: {  	_ =	shalt  }
0x4a: {  	_ =	shalt  }
0x4b: {  	_ =	shalt  }
0x4c: {  	_ =	shalt  }
0x4d: {  	_ =	shalt  }
0x4e: {  	_ =	shalt  }
0x4f: {  	_ =	shalt  }
0x50: {  	_ =	shalt  }
0x51: {  	_ =	shalt  }
0x52: {  	_ =	shalt  }
0x53: {  	_ =	shalt  }
0x54: {  	_ =	shalt  }
0x55: {  	_ =	shalt  }
0x56: {  	_ =	shalt  }
0x57: {  	_ =	shalt  }
0x58: {  	_ =	shalt  }
0x59: {  	_ =	shalt  }
0x5a: {  	_ =	shalt  }
0x5b: {  	_ =	shalt  }
0x5c: {  	_ =	shalt  }
0x5d: {  	_ =	shalt  }
0x5e: {  	_ =	shalt  }
0x5f: {  	_ =	shalt  }
0x60: {  	_ =	shalt  }
0x61: {  	_ =	shalt  }
0x62: {  	_ =	shalt  }
0x63: {  	_ =	shalt  }
0x64: {  	_ =	shalt  }
0x65: {  	_ =	shalt  }
0x66: {  	_ =	shalt  }
0x67: {  	_ =	shalt  }
0x68: {  	_ =	shalt  }
0x69: {  	_ =	shalt  }
0x6a: {  	_ =	shalt  }
0x6b: {  	_ =	shalt  }
0x6c: {  	_ =	shalt  }
0x6d: {  	_ =	shalt  }
0x6e: {  	_ =	shalt  }
0x6f: {  	_ =	shalt  }
0x70: {  	_ =	shalt  }
0x71: {  	_ =	shalt  }
0x72: {  	_ =	shalt  }
0x73: {  	_ =	shalt  }
0x74: {  	_ =	shalt  }
0x75: {  	_ =	shalt  }
0x76: {  	_ =	shalt  }
0x77: {  	_ =	shalt  }
0x78: {  	_ =	shalt  }
0x79: {  	_ =	shalt  }
0x7a: {  	_ =	shalt  }
0x7b: {  	_ =	shalt  }
0x7c: {  	_ =	shalt  }
0x7d: {  	_ =	shalt  }
0x7e: {  	_ =	shalt  }
0x7f: {  	_ =	shalt  }
0x80: {  	_ =	shalt  }
0x81: {  	_ =	shalt  }
0x82: {  	_ =	shalt  }
0x83: {  	_ =	shalt  }
0x84: {  	_ =	shalt  }
0x85: {  	_ =	shalt  }
0x86: {  	_ =	shalt  }
0x87: {  	_ =	shalt  }
.Lfunc_end0:
.L_simem_size_0:
called_computation.1_lowered:
.L_overlay_start_0:
0x88: {  	s2 =	sld [smem:$0x3FD9]  }
0x89: {  	s3 =	sld [smem:$0x3FFE];
	_ =	sdelay $0x1  }
0x8a: {  	s1 =	srdreg.scid  }
0x8b: {  	s0 =	sand.u32 $0x1, s1  }
0x8c: {  	s16 =	sshll.u32 s0, $0xA;
	s2 =	sadd.s32 s3, s2  }
0x8d: {  	s2 =	sadd.s32 s2, s16  }
0x8e: {  	[smem:$0x3FC6] =	sst s2  }
0x8f: {  	_ = 	snop  }
0x90: {  	(tm) =	ssettm $0x1  }
0x91: {  	s17 =	sld [smem:$0x3FFB];
	_ =	sdelay $0x3  }
0x92: {  	_ =	strace s17  }
0x93: {  	s2 =	sld [smem:$0x3FFC];
	_ =	sdelay $0x3  }
0x94: {  	_ =	strace s2  }
0x95: {  	s2 =	sld [smem:$0x3FFD];
	_ =	sdelay $0x3  }
0x96: {  	_ =	strace s2  }
0x97: {  	_ =	strace $0x8FFFFFFF  }
0x98: {  	s18 =	sld [smem:$0x3FDB];
	_ =	sdelay $0x1  }
0x99: {  	s19 =	simm.s32 $_scs_section_size  }
0x9a: {  	s4 =	simm.s32 $_size__tile_overlayer_lowered;
	s5 =	simm.s32 $_tile_overlayer_lowered  }
0x9b: {  	s22 =	simm.s32 $0x1BFF;
	s21 =	sshll.u32 s5, $0x1;
	s2 =	sadd.s32 s19, s18  }
0x9c: {  	s6 =	simm.s32 $0x0;
	s20 =	sshll.u32 s4, $0x1;
	s4 =	sadd.s32 s21, s2  }
0x9d: {  	[timem:s6], [sflag:s22] =	dma.local [hbm:s4], s20  }
0x9e: {  	_ =	swait.ge [sflag:s22], s20  }
0x9f: {  	s3 =	ssub.s32 $0x0, s20;
	[sflag:s22] =	ssyncset.done $0x0  }
0xa0: {  	[sflag:s22] =	ssyncadd.s32 s3;
	_ =	sdelay $0x1  }
0xa1: {  	s23 =	simm.s32 $0x1B8B  }
0xa2: {  	_ =	swait.ge [sflag:s23], $0x1  }
0xa3: {  	[sflag:s23] =	ssyncset.done $0x0  }
0xa4: {  	s25 =	simm.s32 $0x1B8E;
	s24 =	sld [smem:$0x3FFE];
	[sflag:s23] =	ssyncadd.s32 $0xFFFFFFFF  }
0xa5: {  	s26 =	simm.s32 $execute0_lowered;
	[smem:$0x3FD2] =	sst s25  }
0xa6: {  	s4 =	sshll.u32 s26, $0x1;
	_ =	strace $0x80000046;
	[dreg:$0x1] =	wrdreg $0xFFFFFFFF  }
0xa7: {  	s28 =	simm.s32 $_size_execute0_lowered;
	s2 =	sadd.s32 s2, s4;
	[dreg:$0x0] =	wrdreg $0x0  }
0xa8: {  	s4 =	sshll.u32 s28, $0x1;
	[dreg:$0x2] =	wrdreg s2  }
0xa9: {  	[dreg:$0x3] =	wrdreg s4  }
0xaa: {  	[dreg:$0x4] =	wrdreg $0xC0  }
0xab: {  	_ =	task [dreg:s6], $0x5FFFF  }
0xac: {  	[dreg:$0x1] =	wrdreg $0xFFFFFFFF  }
0xad: {  	[dreg:$0x0] =	wrdreg $0x60  }
0xae: {  	[dreg:$0x2] =	wrdreg s24  }
0xaf: {  	[dreg:$0x3] =	wrdreg $0x9  }
0xb0: {  	_ =	task.clear_ibuf [dreg:s6], $0x4FFFF;
	_ =	strace $0x90000046  }
0xb1: {  	s29 =	simm.s32 $0x9;
	_ =	strace $0x80000048  }
0xb2: {  	_ =	swait.ge [sflag:s29], $0x1  }
0xb3: {  	[sflag:s29] =	ssyncadd.s32 $0xFFFFFFFF  }
0xb4: {  	_ =	strace $0x90000048  }
0xb5: {  	_ =	sfence  }
0xb6: {  	s30 =	sld [smem:$0x0];
	_ =	sdelay $0x2  }
0xb7: {  	s31 =	sshll.u32 s1, $0xD;
	s1 =	sshrl.u32 s1, $0x2  }
0xb8: {  	s3 =	sand.u32 $0x4000, s31;
	s1 =	sadd.s32 s1, s30  }
0xb9: {  	s0 =	sor.u32 s3, s0;
	s1 =	sshll.u32 s1, $0x11  }
0xba: {  	s0 =	sor.u32 s1, s0  }
0xbb: {  	s0 =	sadd.s32 $0x8F2B, s0  }
0xbc: {  	[sflag:s0] =	ssyncadd.remote.s32 $0x1  }
0xbd: {  	_ =	sfence.sel $0xFFFF  }
0xbe: {  	[dreg:$0x0] =	wrdreg $0xFFFFFFFF;
	(pc) =	sbr.abs _section_cstart, $3  }
0xbf: {  	[dreg:$0x1] =	wrdreg $0xFFFFFFFF  }
0xc0: {  	_ =	task.clear_ibuf [dreg:s6], $0x2FFFF;
	_ =	strace $0x9FFFFFFF  }
0xc1: {  	(tm) =	ssettm $0x7FFFFFFF  }
tec
execute0_lowered:
.L_overlay_start_1:
0x0: {  	(tag) =	ssettag $0x1  }
0x1: {  	s0 =	srdreg.scid  }
0x2: {  	s2 =	stileid.u32;
	s1 =	rddreg [dreg:$0x0]  }
0x3: {  	s9 =	simm.s32 $0x80;
	s10 =	simm.s32 $0x6800;
	s11 =	simm.s32 $0x48  }
0x4: {  	s13 =	simm.s32 $0xCC00;
	s16 =	simm.s32 $0x13000;
	s18 =	simm.s32 $0x17000  }
0x5: {  	s19 =	simm.s32 $0x2;
	s20 =	simm.s32 $0x19400;
	s21 =	simm.s32 $0x1D400  }
0x6: {  	s22 =	simm.s32 $0x3;
	s0 =	sand.u32 $0x1, s0;
	s3 =	sshll.u32 s2, $0x1  }
0x7: {  	s23 =	simm.s32 $0x4;
	s24 =	simm.s32 $0x5;
	s5 =	sor.u32 s0, s3  }
0x8: {  	s28 =	simm.s32 $0x8;
	s0 =	ssub.s32 $0x2, s0;
	s4 =	smul.u32 $0xD00, s5  }
.Ltmp0:
0x9: {  	vm0 =	vmmov $0x1;
	vm2 =	vcmask $0x70C;
	vm3 =	vcmask $0xB10;
	s2 =	simm.s32 $0x0;
	s7 =	sshrl.u32 s0, $0x1;
	(pc) =	sbr.rel .LBB2_1-.Ltmp0, $4  }
0xa: {  	vm4 =	vcmask $0xF14;
	vm5 =	vcmask $0x1318;
	vm6 =	vcmask $0x171C;
	[smem:$0x7FF] =	sst s2;
	s3 =	sadd.s32 $0x1A800, s1;
	s0 =	ssub.s32 s0, s7  }
0xb: {  	vm7 =	vcmask $0x1B20;
	vm8 =	vcmask $0x1F24;
	vm9 =	vcmask $0x2328;
	_ =	strace $0x80000047;
	s6 =	sadd.s32 s4, s1;
	s0 =	smax.u32 s0, $0x1  }
0xc: {  	vm10 =	vcmask $0x272C;
	vm11 =	vcmask $0x2B30;
	vm12 =	vcmask $0x2F34;
	s5 =	sshll.u32 s5, $0x7;
	s31 =	sadd.s32 $0x800, s6;
	[dreg:$0x3] =	wrdreg s0  }
0xd: {  	vm13 =	vcmask $0x3338;
	vm14 =	vcmask $0x373C;
	vm15 =	vmmov $0x7fff;
	s4 =	sadd.s32 $0x1A1200, s1;
	s6 =	simm.s32 $0x0;
	[dreg:$0x2] =	wrdreg s31  }
.LBB2_24:
0xe: {  	s0 =	simm.s32 $0x6  }
0xf: {  	_ =	swait.ge [sflag:s0], $0x6400  }
0x10: {  	[sflag:s0] =	ssyncset.done $0x0  }
0x11: {  	s30 =	simm.s32 $0x7;
	[sflag:s0] =	ssyncadd.s32 $0xFFFF9C00  }
0x12: {  	_ =	swait.ge [sflag:s30], $0x6400  }
0x13: {  	[sflag:s30] =	ssyncset.done $0x0  }
0x14: {  	[sflag:s30] =	ssyncadd.s32 $0xFFFF9C00  }
0x15: {  	_ =	swait.ge [sflag:s28], $0x6400  }
0x16: {  	[sflag:s28] =	ssyncset.done $0x0  }
0x17: {  	s1 =	simm.s32 $0x9;
	[sflag:s28] =	ssyncadd.s32 $0xFFFF9C00  }
0x18: {  	_ =	swait.ge [sflag:s1], $0x6400  }
0x19: {  	s6 =	rddreg [dreg:$0x4]  }
0x1a: {  	s31 =	rddreg [dreg:$0x3];
	s6 =	sadd.s32 $0x1, s6  }
0x1b: {  	p0 =	sne.s32 s6, s31  }
.Ltmp1:
0x1c: {  	_ = 	snop;
	(pc) =	sbr.rel @!p0 .LBB2_25-.Ltmp1, $3  }
0x1d: {  	_ =	sdelay $0x1  }
0x1e: {  	[sflag:s1] =	ssyncset.done $0x0  }
0x1f: {  	[sflag:s1] =	ssyncadd.s32 $0xFFFF9C00  }
.LBB2_1:
0x20: {  	[dreg:$0x4] =	wrdreg s6  }
0x21: {  	s0 =	rddreg [dreg:$0x2];
	s25 =	simm.s32 $0x1  }
0x22: {  	[tilespmem:s2], [sflag:$0x1] =	stream.linear.gather [hbm4b:s0+s2], $0x6800, $0x38;
	[tilespmem:$0x1F800] =	vst v63  }
0x23: {  	_ =	swait.ge [sflag:s25], $0x6800  }
0x24: {  	[sflag:s25] =	ssyncset.done $0x0  }
0x25: {  	[sflag:s25] =	ssyncadd.s32 $0xFFFF9800  }
0x26: {  	[tilespmem:s10], [sflag:$0x2] =	stream.indirect.gather [hbm4b:s3+s9], $0x80, s2, s9, $0xb8;
	[tilespmem:$0x1F800] =	vst v63  }
0x27: {  	s26 =	simm.s32 $0xA800  }
0x28: {  	[tilespmem:s26], [sflag:$0x2] =	stream.indirect.gather [hbm4b:s3+s11], $0x80, s9, s11, $0xb8;
	[tilespmem:$0x1F800] =	vst v63  }
0x29: {  	s31 =	simm.s32 $0xD0  }
0x2a: {  	[tilespmem:s13], [sflag:$0x3] =	stream.indirect.gather [hbm4b:s3+s9], $0x80, s31, s9, $0xb8;
	[tilespmem:$0x1F800] =	vst v63  }
0x2b: {  	s29 =	simm.s32 $0x150;
	s1 =	simm.s32 $0x10C00  }
0x2c: {  	[tilespmem:s1], [sflag:$0x3] =	stream.indirect.gather [hbm4b:s3+s11], $0x80, s29, s11, $0xb8;
	[tilespmem:$0x1F800] =	vst v63  }
0x2d: {  	s30 =	simm.s32 $0x220;
	s1 =	simm.s32 $0x1A0  }
0x2e: {  	[tilespmem:s16], [sflag:$0x4] =	stream.indirect.gather [hbm4b:s3+s9], $0x80, s1, s9, $0xb8;
	[tilespmem:$0x1F800] =	vst v63  }
0x2f: {  	s12 =	simm.s32 $0x0;
	s14 =	simm.s32 $0x0;
	s0 =	simm.s32 $0x270  }
0x30: {  	[tilespmem:s18], [sflag:$0x4] =	stream.indirect.gather [hbm4b:s3+s11], $0x80, s30, s11, $0xb8;
	[tilespmem:$0x1F800] =	vst v63  }
.LBB2_2:
0x31: {  	_ =	swait.ge [sflag:s19], $0x4000  }
0x32: {  	[sflag:s19] =	ssyncset.done $0x0  }
0x33: {  	[sflag:s19] =	ssyncadd.s32 $0xFFFFC000  }
0x34: {  	_ =	swait.ge [sflag:s19], $0x2400  }
0x35: {  	s15 =	smul.u32 $0x340, s14;
	[sflag:s19] =	ssyncset.done $0x0  }
0x36: {  	[sflag:s19] =	ssyncadd.s32 $0xFFFFDC00  }
0x37: {  	v0 =	vld [tilespmem:s15+$0x0]  }
0x38: {  	v1 =	vld [tilespmem:s15+$0x10];
	_ =	sdelay $0x1  }
0x39: {  	v2 =	vld [tilespmem:s15+$0x20];
	_ =	sdelay $0x1  }
0x3a: {  	v3 =	vld [tilespmem:s15+$0x30]  }
0x3b: {  	vm1 =	vlt.s32 v0, v1  }
0x3c: {  	v55 =	vld [tilespmem:s15+$0x40];
	v0 =	vsel vm1, v0, v1  }
0x3d: {  	vm1 =	vlt.s32 v0, v2  }
0x3e: {  	v56 =	vld [tilespmem:s15+$0x50];
	v0 =	vsel vm1, v0, v2  }
0x3f: {  	vm1 =	vlt.s32 v0, v3  }
0x40: {  	v57 =	vld [tilespmem:s15+$0x60];
	v0 =	vsel vm1, v0, v3  }
0x41: {  	vm1 =	vlt.s32 v0, v55  }
0x42: {  	v58 =	vld [tilespmem:s15+$0x70];
	v0 =	vsel vm1, v0, v55  }
0x43: {  	s6 =	sand.u32 $0x7FC0, s15;
	vm1 =	vlt.s32 v0, v56  }
0x44: {  	v59 =	vld [tilespmem:s6+$0x80];
	v0 =	vsel vm1, v0, v56  }
0x45: {  	vm1 =	vlt.s32 v0, v57  }
0x46: {  	v60 =	vld [tilespmem:s15+$0x90];
	v0 =	vsel vm1, v0, v57  }
0x47: {  	vm1 =	vlt.s32 v0, v58  }
0x48: {  	v61 =	vld [tilespmem:s15+$0xA0];
	v0 =	vsel vm1, v0, v58  }
0x49: {  	vm1 =	vlt.s32 v0, v59  }
0x4a: {  	v62 =	vld [tilespmem:s15+$0xB0];
	v0 =	vsel vm1, v0, v59  }
0x4b: {  	vm1 =	vlt.s32 v0, v60  }
0x4c: {  	v63 =	vld [tilespmem:s15+$0xC0];
	v0 =	vsel vm1, v0, v60  }
0x4d: {  	vm1 =	vlt.s32 v0, v61  }
0x4e: {  	v0 =	vsel vm1, v0, v61  }
0x4f: {  	vm1 =	vlt.s32 v0, v62  }
0x50: {  	v0 =	vsel vm1, v0, v62  }
0x51: {  	vm1 =	vlt.s32 v0, v63  }
0x52: {  	v0 =	vsel vm1, v0, v63  }
0x53: {  	v0 =	vxor.u32 $0x80000000, v0  }
0x54: {  	(xrf0) =	vmin.scan.msk.u32 $0xffff, v0;
	_ =	sdelay $0x5  }
0x55: {  	v0, _, _ =	vpop (xrf0)  }
0x56: {  	(v2sf) =	vpush v0, $0xF;
	_ =	sdelay $0xe  }
0x57: {  	s30 =	spop (v2sf)  }
0x58: {  	p0 =	sne.s32 s30, $0x80000000  }
.Ltmp2:
0x59: {  	_ = 	snop;
	(pc) =	sbr.rel @p0 .LBB2_7-.Ltmp2, $2  }
0x5a: {  	_ =	sdelay $0x2  }
0x5b: {  	vm1 =	vcmask $0x308  }
.Ltmp3:
0x5c: {  	(pc) =	sbr.rel .LBB2_4-.Ltmp3, $2  }
0x5d: {  	_ =	sdelay $0x2  }
0x5e: {  	s6 =	simm.s32 $0x0;
	s7 =	simm.s32 $0x6C00;
	v0 =	vmov s12  }
.LBB2_6:
0x5f: {  	s6 =	sadd.s32 $0x40, s6  }
0x60: {  	p0 =	sne.s32 s6, $0x340  }
.Ltmp4:
0x61: {  	_ = 	snop;
	(pc) =	sbr.rel @!p0 .LBB2_7-.Ltmp4, $2  }
0x62: {  	_ =	sdelay $0x2  }
0x63: {  	s7 =	sadd.s32 $0x800, s7  }
.LBB2_4:
0x64: {  	_ =	sdelay $0x2  }
0x65: {  	s8 =	sshra.s32 s6, $0x2  }
0x66: {  	v1 =	vld.idx.msk [tilespmem:v0+s8+$0x0 ss:$0x1], $0xffff;
	_ =	sdelay $0x4  }
0x67: {  	v2 =	vxor.u32 $0x80000000, v1  }
0x68: {  	(xrf0) =	vmin.scan.msk.u32 $0xffff, v2;
	_ =	sdelay $0x5  }
0x69: {  	v2, _, _ =	vpop (xrf0)  }
0x6a: {  	(v2sf) =	vpush v2, $0xF;
	_ =	sdelay $0xe  }
0x6b: {  	s30 =	spop (v2sf)  }
0x6c: {  	p0 =	sne.s32 s30, $0x80000000  }
.Ltmp5:
0x6d: {  	_ = 	snop;
	(pc) =	sbr.rel @p0 .LBB2_6-.Ltmp5, $1  }
0x6e: {  	_ =	sdelay $0x3  }
0x6f: {  	v2 =	vnsel vm0, $0x1, v1  }
0x70: {  	v2 =	vxor.u32 $0x80000000, v2  }
0x71: {  	(xrf0) =	vmin.scan.msk.u32 $0xffff, v2;
	_ =	sdelay $0x1  }
0x72: {  	v2 =	vsel vm1, $0x1, v1  }
0x73: {  	v2 =	vxor.u32 $0x80000000, v2  }
0x74: {  	(xrf0) =	vmin.scan.msk.u32 $0xffff, v2;
	_ =	sdelay $0x1  }
0x75: {  	v3 =	vsel vm2, $0x1, v1;
	v2, _, _ =	vpop (xrf0)  }
0x76: {  	(v2sf) =	vpush v2, $0xF;
	v2 =	vxor.u32 $0x80000000, v3  }
0x77: {  	(xrf0) =	vmin.scan.msk.u32 $0xffff, v2;
	_ =	sdelay $0x1  }
0x78: {  	v3 =	vsel vm3, $0x1, v1;
	v2, _, _ =	vpop (xrf0)  }
0x79: {  	(v2sf) =	vpush v2, $0xF;
	v2 =	vxor.u32 $0x80000000, v3  }
0x7a: {  	(xrf0) =	vmin.scan.msk.u32 $0xffff, v2;
	_ =	sdelay $0x1  }
0x7b: {  	v3 =	vsel vm4, $0x1, v1;
	v2, _, _ =	vpop (xrf0)  }
0x7c: {  	(v2sf) =	vpush v2, $0xF;
	v2 =	vxor.u32 $0x80000000, v3  }
0x7d: {  	(xrf0) =	vmin.scan.msk.u32 $0xffff, v2;
	_ =	sdelay $0x1  }
0x7e: {  	v3 =	vsel vm5, $0x1, v1;
	v2, _, _ =	vpop (xrf0)  }
0x7f: {  	(v2sf) =	vpush v2, $0xF;
	v2 =	vxor.u32 $0x80000000, v3  }
0x80: {  	(xrf0) =	vmin.scan.msk.u32 $0xffff, v2;
	_ =	sdelay $0x1  }
0x81: {  	v3 =	vsel vm6, $0x1, v1;
	s8 =	spop (v2sf);
	v2, _, _ =	vpop (xrf0)  }
0x82: {  	p1 =	sne.s32 s8, $0x80000000;
	(v2sf) =	vpush v2, $0xF;
	v2 =	vxor.u32 $0x80000000, v3  }
0x83: {  	v3 =	vimm.f32 @!p1 $0.0e+00;
	(xrf0) =	vmin.scan.msk.u32 $0xffff, v2  }
0x84: {  	[tilespmem:s7+$0xFFFFFC00] =	vst @!p1 v3  }
0x85: {  	v4 =	vsel vm7, $0x1, v1;
	[tilespmem:s7+$0xFFFFFC10] =	vst @!p1 v3;
	s17 =	spop (v2sf);
	v2, _, _ =	vpop (xrf0)  }
0x86: {  	[tilespmem:s7+$0xFFFFFC20] =	vst @!p1 v3;
	p0 =	sne.s32 s17, $0x80000000;
	(v2sf) =	vpush v2, $0xF;
	v2 =	vxor.u32 $0x80000000, v4  }
0x87: {  	[tilespmem:s7+$0xFFFFFC30] =	vst @!p1 v3;
	v3 =	vimm.f32 @!p0 $0.0e+00;
	(xrf0) =	vmin.scan.msk.u32 $0xffff, v2  }
0x88: {  	[tilespmem:s7+$0xFFFFFC80] =	vst @!p0 v3  }
0x89: {  	v57 =	vsel vm8, $0x1, v1;
	[tilespmem:s7+$0xFFFFFC90] =	vst @!p0 v3;
	s25 =	spop (v2sf);
	v2, _, _ =	vpop (xrf0)  }
0x8a: {  	[tilespmem:s7+$0xFFFFFCA0] =	vst @!p0 v3;
	p1 =	sne.s32 s25, $0x80000000;
	(v2sf) =	vpush v2, $0xF;
	v2 =	vxor.u32 $0x80000000, v57  }
0x8b: {  	[tilespmem:s7+$0xFFFFFCB0] =	vst @!p0 v3;
	v3 =	vimm.f32 @!p1 $0.0e+00;
	(xrf0) =	vmin.scan.msk.u32 $0xffff, v2  }
0x8c: {  	[tilespmem:s7+$0xFFFFFD00] =	vst @!p1 v3  }
0x8d: {  	v58 =	vsel vm9, $0x1, v1;
	[tilespmem:s7+$0xFFFFFD10] =	vst @!p1 v3;
	s26 =	spop (v2sf);
	v2, _, _ =	vpop (xrf0)  }
0x8e: {  	[tilespmem:s7+$0xFFFFFD20] =	vst @!p1 v3;
	p0 =	sne.s32 s26, $0x80000000;
	(v2sf) =	vpush v2, $0xF;
	v2 =	vxor.u32 $0x80000000, v58  }
0x8f: {  	[tilespmem:s7+$0xFFFFFD30] =	vst @!p1 v3;
	v3 =	vimm.f32 @!p0 $0.0e+00;
	(xrf0) =	vmin.scan.msk.u32 $0xffff, v2  }
0x90: {  	[tilespmem:s7+$0xFFFFFD80] =	vst @!p0 v3  }
0x91: {  	v59 =	vsel vm10, $0x1, v1;
	[tilespmem:s7+$0xFFFFFD90] =	vst @!p0 v3;
	s29 =	spop (v2sf);
	v2, _, _ =	vpop (xrf0)  }
0x92: {  	[tilespmem:s7+$0xFFFFFDA0] =	vst @!p0 v3;
	p1 =	sne.s32 s29, $0x80000000;
	(v2sf) =	vpush v2, $0xF;
	v2 =	vxor.u32 $0x80000000, v59  }
0x93: {  	[tilespmem:s7+$0xFFFFFDB0] =	vst @!p0 v3;
	v3 =	vimm.f32 @!p1 $0.0e+00;
	(xrf0) =	vmin.scan.msk.u32 $0xffff, v2  }
0x94: {  	[tilespmem:s7+$0xFFFFFE00] =	vst @!p1 v3  }
0x95: {  	v60 =	vsel vm11, $0x1, v1;
	[tilespmem:s7+$0xFFFFFE10] =	vst @!p1 v3;
	s30 =	spop (v2sf);
	v2, _, _ =	vpop (xrf0)  }
0x96: {  	[tilespmem:s7+$0xFFFFFE20] =	vst @!p1 v3;
	p0 =	sne.s32 s30, $0x80000000;
	(v2sf) =	vpush v2, $0xF;
	v2 =	vxor.u32 $0x80000000, v60  }
0x97: {  	[tilespmem:s7+$0xFFFFFE30] =	vst @!p1 v3;
	v3 =	vimm.f32 @!p0 $0.0e+00;
	(xrf0) =	vmin.scan.msk.u32 $0xffff, v2  }
0x98: {  	[tilespmem:s7+$0xFFFFFE80] =	vst @!p0 v3  }
0x99: {  	v61 =	vsel vm12, $0x1, v1;
	[tilespmem:s7+$0xFFFFFE90] =	vst @!p0 v3;
	s17 =	spop (v2sf);
	v2, _, _ =	vpop (xrf0)  }
0x9a: {  	[tilespmem:s7+$0xFFFFFEA0] =	vst @!p0 v3;
	p1 =	sne.s32 s17, $0x80000000;
	(v2sf) =	vpush v2, $0xF;
	v2 =	vxor.u32 $0x80000000, v61  }
0x9b: {  	[tilespmem:s7+$0xFFFFFEB0] =	vst @!p0 v3;
	v3 =	vimm.f32 @!p1 $0.0e+00;
	(xrf0) =	vmin.scan.msk.u32 $0xffff, v2  }
0x9c: {  	[tilespmem:s7+$0xFFFFFF00] =	vst @!p1 v3  }
0x9d: {  	v62 =	vsel vm13, $0x1, v1;
	[tilespmem:s7+$0xFFFFFF10] =	vst @!p1 v3;
	s25 =	spop (v2sf);
	v2, _, _ =	vpop (xrf0)  }
0x9e: {  	[tilespmem:s7+$0xFFFFFF20] =	vst @!p1 v3;
	p0 =	sne.s32 s25, $0x80000000;
	(v2sf) =	vpush v2, $0xF;
	v2 =	vxor.u32 $0x80000000, v62  }
0x9f: {  	[tilespmem:s7+$0xFFFFFF30] =	vst @!p1 v3;
	v3 =	vimm.f32 @!p0 $0.0e+00;
	(xrf0) =	vmin.scan.msk.u32 $0xffff, v2  }
0xa0: {  	[tilespmem:s7+$0xFFFFFF80] =	vst @!p0 v3  }
0xa1: {  	v63 =	vsel vm14, $0x1, v1;
	[tilespmem:s7+$0xFFFFFF90] =	vst @!p0 v3;
	s26 =	spop (v2sf);
	v2, _, _ =	vpop (xrf0)  }
0xa2: {  	[tilespmem:s7+$0xFFFFFFA0] =	vst @!p0 v3;
	(v2sf) =	vpush v2, $0xF;
	p1 =	sne.s32 s26, $0x80000000;
	v2 =	vxor.u32 $0x80000000, v63  }
0xa3: {  	[tilespmem:s7+$0xFFFFFFB0] =	vst @!p0 v3;
	v3 =	vimm.f32 @!p1 $0.0e+00;
	(xrf0) =	vmin.scan.msk.u32 $0xffff, v2  }
0xa4: {  	[tilespmem:s7+$0x0] =	vst @!p1 v3  }
0xa5: {  	v1 =	vsel vm15, $0x1, v1;
	[tilespmem:s7+$0x10] =	vst @!p1 v3;
	s29 =	spop (v2sf);
	v2, _, _ =	vpop (xrf0)  }
0xa6: {  	v1 =	vxor.u32 $0x80000000, v1;
	[tilespmem:s7+$0x20] =	vst @!p1 v3;
	(v2sf) =	vpush v2, $0xF;
	p0 =	sne.s32 s29, $0x80000000  }
0xa7: {  	[tilespmem:s7+$0x30] =	vst @!p1 v3;
	(xrf0) =	vmin.scan.msk.u32 $0xffff, v1;
	v2 =	vimm.f32 @!p0 $0.0e+00  }
0xa8: {  	[tilespmem:s7+$0x80] =	vst @!p0 v2  }
0xa9: {  	[tilespmem:s7+$0x90] =	vst @!p0 v2;
	v1, _, _ =	vpop (xrf0);
	s30 =	spop (v2sf)  }
0xaa: {  	[tilespmem:s7+$0xA0] =	vst @!p0 v2;
	p1 =	sne.s32 s30, $0x80000000;
	(v2sf) =	vpush v1, $0xF  }
0xab: {  	[tilespmem:s7+$0xB0] =	vst @!p0 v2;
	v1 =	vimm.f32 @!p1 $0.0e+00  }
0xac: {  	[tilespmem:s7+$0x100] =	vst @!p1 v1  }
0xad: {  	v2, _, _ =	vpop (xrf0);
	[tilespmem:s7+$0x110] =	vst @!p1 v1;
	s17 =	spop (v2sf)  }
0xae: {  	[tilespmem:s7+$0x120] =	vst @!p1 v1;
	(v2sf) =	vpush v2, $0xF;
	p0 =	sne.s32 s17, $0x80000000  }
0xaf: {  	[tilespmem:s7+$0x130] =	vst @!p1 v1;
	v1 =	vimm.f32 @!p0 $0.0e+00  }
0xb0: {  	[tilespmem:s7+$0x180] =	vst @!p0 v1  }
0xb1: {  	[tilespmem:s7+$0x190] =	vst @!p0 v1;
	s25 =	spop (v2sf)  }
0xb2: {  	[tilespmem:s7+$0x1A0] =	vst @!p0 v1;
	p1 =	sne.s32 s25, $0x80000000  }
0xb3: {  	[tilespmem:s7+$0x1B0] =	vst @!p0 v1;
	v1 =	vimm.f32 @!p1 $0.0e+00  }
0xb4: {  	[tilespmem:s7+$0x200] =	vst @!p1 v1  }
0xb5: {  	[tilespmem:s7+$0x210] =	vst @!p1 v1;
	s26 =	spop (v2sf)  }
0xb6: {  	[tilespmem:s7+$0x220] =	vst @!p1 v1;
	p0 =	sne.s32 s26, $0x80000000  }
0xb7: {  	[tilespmem:s7+$0x230] =	vst @!p1 v1;
	v1 =	vimm.f32 @!p0 $0.0e+00  }
0xb8: {  	[tilespmem:s7+$0x280] =	vst @!p0 v1  }
0xb9: {  	[tilespmem:s7+$0x290] =	vst @!p0 v1;
	s29 =	spop (v2sf)  }
0xba: {  	[tilespmem:s7+$0x2A0] =	vst @!p0 v1;
	p1 =	sne.s32 s29, $0x80000000  }
0xbb: {  	[tilespmem:s7+$0x2B0] =	vst @!p0 v1;
	v1 =	vimm.f32 @!p1 $0.0e+00  }
0xbc: {  	[tilespmem:s7+$0x300] =	vst @!p1 v1  }
0xbd: {  	[tilespmem:s7+$0x310] =	vst @!p1 v1;
	s30 =	spop (v2sf)  }
0xbe: {  	[tilespmem:s7+$0x320] =	vst @!p1 v1;
	p0 =	sne.s32 s30, $0x80000000  }
.Ltmp6:
0xbf: {  	[tilespmem:s7+$0x330] =	vst @!p1 v1;
	v1 =	vimm.f32 @!p0 $0.0e+00;
	(pc) =	sbr.rel .LBB2_6-.Ltmp6, $4  }
0xc0: {  	[tilespmem:s7+$0x380] =	vst @!p0 v1  }
0xc1: {  	[tilespmem:s7+$0x390] =	vst @!p0 v1  }
0xc2: {  	[tilespmem:s7+$0x3A0] =	vst @!p0 v1  }
0xc3: {  	[tilespmem:s7+$0x3B0] =	vst @!p0 v1  }
.LBB2_7:
0xc4: {  	s7 =	sshll.u32 s14, $0x2  }
0xc5: {  	s6 =	sadd.s32 s5, s7  }
0xc6: {  	s6 =	smul.u32 $0xC80, s6  }
0xc7: {  	p0 =	seq.s32 s14, $0x0  }
0xc8: {  	s8 =	simm.s32 @!p0 $0x9;
	s6 =	sadd.s32 s4, s6  }
0xc9: {  	[hbm4b:s6+s2] =	stream.linear.scatter [tilespmem:s10], [sflag:$0x6], $0x6400, $0x38;
	[tilespmem:$0x1F800] =	vst v63  }
0xca: {  	s17 =	sor.u32 $0x3, s7;
	_ =	swait.ge @!p0 [sflag:s8], $0x6400  }
0xcb: {  	s6 =	smul.u32 $0xD0, s17;
	[sflag:s8] =	ssyncset.done @!p0 $0x0  }
0xcc: {  	[sflag:s8] =	ssyncadd.s32 @!p0 $0xFFFF9C00  }
0xcd: {  	[tilespmem:s20], [sflag:$0x5] =	stream.indirect.gather [hbm4b:s3+s9], $0x80, s6, s9, $0xb8;
	[tilespmem:$0x1F800] =	vst v63  }
0xce: {  	s29 =	sadd.s32 $0x80, s6  }
0xcf: {  	[tilespmem:s21], [sflag:$0x5] =	stream.indirect.gather [hbm4b:s3+s11], $0x80, s29, s11, $0xb8;
	[tilespmem:$0x1F800] =	vst v63  }
0xd0: {  	_ =	swait.ge [sflag:s22], $0x4000  }
0xd1: {  	[sflag:s22] =	ssyncset.done $0x0  }
0xd2: {  	[sflag:s22] =	ssyncadd.s32 $0xFFFFC000  }
0xd3: {  	s8 =	sor.u32 $0x1, s7;
	_ =	swait.ge [sflag:s22], $0x2400  }
0xd4: {  	s25 =	smul.u32 $0xD0, s8;
	[sflag:s22] =	ssyncset.done $0x0  }
0xd5: {  	[sflag:s22] =	ssyncadd.s32 $0xFFFFDC00  }
0xd6: {  	v0 =	vld [tilespmem:s25+$0x0]  }
0xd7: {  	v1 =	vld [tilespmem:s25+$0x10];
	_ =	sdelay $0x1  }
0xd8: {  	v2 =	vld [tilespmem:s25+$0x20];
	_ =	sdelay $0x1  }
0xd9: {  	v3 =	vld [tilespmem:s25+$0x30]  }
0xda: {  	vm1 =	vlt.s32 v0, v1  }
0xdb: {  	v55 =	vld [tilespmem:s25+$0x40];
	v0 =	vsel vm1, v0, v1  }
0xdc: {  	vm1 =	vlt.s32 v0, v2  }
0xdd: {  	v56 =	vld [tilespmem:s25+$0x50];
	v0 =	vsel vm1, v0, v2  }
0xde: {  	vm1 =	vlt.s32 v0, v3  }
0xdf: {  	v57 =	vld [tilespmem:s25+$0x60];
	v0 =	vsel vm1, v0, v3  }
0xe0: {  	vm1 =	vlt.s32 v0, v55  }
0xe1: {  	v58 =	vld [tilespmem:s25+$0x70];
	v0 =	vsel vm1, v0, v55  }
0xe2: {  	s26 =	sand.u32 $0x7FD0, s25;
	vm1 =	vlt.s32 v0, v56  }
0xe3: {  	v59 =	vld [tilespmem:s26+$0x80];
	v0 =	vsel vm1, v0, v56  }
0xe4: {  	vm1 =	vlt.s32 v0, v57  }
0xe5: {  	v60 =	vld [tilespmem:s25+$0x90];
	v0 =	vsel vm1, v0, v57  }
0xe6: {  	vm1 =	vlt.s32 v0, v58  }
0xe7: {  	v61 =	vld [tilespmem:s25+$0xA0];
	v0 =	vsel vm1, v0, v58  }
0xe8: {  	vm1 =	vlt.s32 v0, v59  }
0xe9: {  	v62 =	vld [tilespmem:s25+$0xB0];
	v0 =	vsel vm1, v0, v59  }
0xea: {  	vm1 =	vlt.s32 v0, v60  }
0xeb: {  	v63 =	vld [tilespmem:s25+$0xC0];
	v0 =	vsel vm1, v0, v60  }
0xec: {  	vm1 =	vlt.s32 v0, v61  }
0xed: {  	v0 =	vsel vm1, v0, v61  }
0xee: {  	vm1 =	vlt.s32 v0, v62  }
0xef: {  	v0 =	vsel vm1, v0, v62  }
0xf0: {  	vm1 =	vlt.s32 v0, v63  }
0xf1: {  	v0 =	vsel vm1, v0, v63  }
0xf2: {  	v0 =	vxor.u32 $0x80000000, v0  }
0xf3: {  	(xrf0) =	vmin.scan.msk.u32 $0xffff, v0;
	_ =	sdelay $0x5  }
0xf4: {  	v0, _, _ =	vpop (xrf0)  }
0xf5: {  	(v2sf) =	vpush v0, $0xF;
	_ =	sdelay $0xe  }
0xf6: {  	s30 =	spop (v2sf)  }
0xf7: {  	p0 =	sne.s32 s30, $0x80000000  }
.Ltmp7:
0xf8: {  	_ = 	snop;
	(pc) =	sbr.rel @p0 .LBB2_12-.Ltmp7, $2  }
0xf9: {  	_ =	sdelay $0x2  }
0xfa: {  	vm1 =	vcmask $0x308  }
.Ltmp8:
0xfb: {  	(pc) =	sbr.rel .LBB2_9-.Ltmp8, $2  }
0xfc: {  	_ =	sdelay $0x2  }
0xfd: {  	s25 =	simm.s32 $0x0;
	s26 =	simm.s32 $0xD000;
	v0 =	vmov s31  }
.LBB2_11:
0xfe: {  	s25 =	sadd.s32 $0x40, s25  }
0xff: {  	p0 =	sne.s32 s25, $0x340  }
.Ltmp9:
0x100: {  	_ = 	snop;
	(pc) =	sbr.rel @!p0 .LBB2_12-.Ltmp9, $2  }
0x101: {  	_ =	sdelay $0x2  }
0x102: {  	s26 =	sadd.s32 $0x800, s26  }
.LBB2_9:
0x103: {  	_ =	sdelay $0x2  }
0x104: {  	s29 =	sshra.s32 s25, $0x2  }
0x105: {  	v1 =	vld.idx.msk [tilespmem:v0+s29+$0x0 ss:$0x1], $0xffff;
	_ =	sdelay $0x4  }
0x106: {  	v2 =	vxor.u32 $0x80000000, v1  }
0x107: {  	(xrf0) =	vmin.scan.msk.u32 $0xffff, v2;
	_ =	sdelay $0x5  }
0x108: {  	v2, _, _ =	vpop (xrf0)  }
0x109: {  	(v2sf) =	vpush v2, $0xF;
	_ =	sdelay $0xe  }
0x10a: {  	s30 =	spop (v2sf)  }
0x10b: {  	p0 =	sne.s32 s30, $0x80000000  }
.Ltmp10:
0x10c: {  	_ = 	snop;
	(pc) =	sbr.rel @p0 .LBB2_11-.Ltmp10, $1  }
0x10d: {  	_ =	sdelay $0x3  }
0x10e: {  	v2 =	vnsel vm0, $0x1, v1  }
0x10f: {  	v2 =	vxor.u32 $0x80000000, v2  }
0x110: {  	(xrf0) =	vmin.scan.msk.u32 $0xffff, v2;
	_ =	sdelay $0x1  }
0x111: {  	v2 =	vsel vm1, $0x1, v1  }
0x112: {  	v2 =	vxor.u32 $0x80000000, v2  }
0x113: {  	(xrf0) =	vmin.scan.msk.u32 $0xffff, v2;
	_ =	sdelay $0x1  }
0x114: {  	v3 =	vsel vm2, $0x1, v1;
	v2, _, _ =	vpop (xrf0)  }
0x115: {  	(v2sf) =	vpush v2, $0xF;
	v2 =	vxor.u32 $0x80000000, v3  }
0x116: {  	(xrf0) =	vmin.scan.msk.u32 $0xffff, v2;
	_ =	sdelay $0x1  }
0x117: {  	v3 =	vsel vm3, $0x1, v1;
	v2, _, _ =	vpop (xrf0)  }
0x118: {  	(v2sf) =	vpush v2, $0xF;
	v2 =	vxor.u32 $0x80000000, v3  }
0x119: {  	(xrf0) =	vmin.scan.msk.u32 $0xffff, v2;
	_ =	sdelay $0x1  }
0x11a: {  	v3 =	vsel vm4, $0x1, v1;
	v2, _, _ =	vpop (xrf0)  }
0x11b: {  	(v2sf) =	vpush v2, $0xF;
	v2 =	vxor.u32 $0x80000000, v3  }
0x11c: {  	(xrf0) =	vmin.scan.msk.u32 $0xffff, v2;
	_ =	sdelay $0x1  }
0x11d: {  	v3 =	vsel vm5, $0x1, v1;
	v2, _, _ =	vpop (xrf0)  }
0x11e: {  	(v2sf) =	vpush v2, $0xF;
	v2 =	vxor.u32 $0x80000000, v3  }
0x11f: {  	(xrf0) =	vmin.scan.msk.u32 $0xffff, v2;
	_ =	sdelay $0x1  }
0x120: {  	v3 =	vsel vm6, $0x1, v1;
	s29 =	spop (v2sf);
	v2, _, _ =	vpop (xrf0)  }
0x121: {  	p1 =	sne.s32 s29, $0x80000000;
	(v2sf) =	vpush v2, $0xF;
	v2 =	vxor.u32 $0x80000000, v3  }
0x122: {  	v3 =	vimm.f32 @!p1 $0.0e+00;
	(xrf0) =	vmin.scan.msk.u32 $0xffff, v2  }
0x123: {  	[tilespmem:s26+$0xFFFFFC00] =	vst @!p1 v3  }
0x124: {  	v4 =	vsel vm7, $0x1, v1;
	[tilespmem:s26+$0xFFFFFC10] =	vst @!p1 v3;
	s30 =	spop (v2sf);
	v2, _, _ =	vpop (xrf0)  }
0x125: {  	[tilespmem:s26+$0xFFFFFC20] =	vst @!p1 v3;
	p0 =	sne.s32 s30, $0x80000000;
	(v2sf) =	vpush v2, $0xF;
	v2 =	vxor.u32 $0x80000000, v4  }
0x126: {  	[tilespmem:s26+$0xFFFFFC30] =	vst @!p1 v3;
	v3 =	vimm.f32 @!p0 $0.0e+00;
	(xrf0) =	vmin.scan.msk.u32 $0xffff, v2  }
0x127: {  	[tilespmem:s26+$0xFFFFFC80] =	vst @!p0 v3  }
0x128: {  	v57 =	vsel vm8, $0x1, v1;
	[tilespmem:s26+$0xFFFFFC90] =	vst @!p0 v3;
	s30 =	spop (v2sf);
	v2, _, _ =	vpop (xrf0)  }
0x129: {  	[tilespmem:s26+$0xFFFFFCA0] =	vst @!p0 v3;
	p1 =	sne.s32 s30, $0x80000000;
	(v2sf) =	vpush v2, $0xF;
	v2 =	vxor.u32 $0x80000000, v57  }
0x12a: {  	[tilespmem:s26+$0xFFFFFCB0] =	vst @!p0 v3;
	v3 =	vimm.f32 @!p1 $0.0e+00;
	(xrf0) =	vmin.scan.msk.u32 $0xffff, v2  }
0x12b: {  	[tilespmem:s26+$0xFFFFFD00] =	vst @!p1 v3  }
0x12c: {  	v58 =	vsel vm9, $0x1, v1;
	[tilespmem:s26+$0xFFFFFD10] =	vst @!p1 v3;
	s30 =	spop (v2sf);
	v2, _, _ =	vpop (xrf0)  }
0x12d: {  	[tilespmem:s26+$0xFFFFFD20] =	vst @!p1 v3;
	p0 =	sne.s32 s30, $0x80000000;
	(v2sf) =	vpush v2, $0xF;
	v2 =	vxor.u32 $0x80000000, v58  }
0x12e: {  	[tilespmem:s26+$0xFFFFFD30] =	vst @!p1 v3;
	v3 =	vimm.f32 @!p0 $0.0e+00;
	(xrf0) =	vmin.scan.msk.u32 $0xffff, v2  }
0x12f: {  	[tilespmem:s26+$0xFFFFFD80] =	vst @!p0 v3  }
0x130: {  	v59 =	vsel vm10, $0x1, v1;
	[tilespmem:s26+$0xFFFFFD90] =	vst @!p0 v3;
	s30 =	spop (v2sf);
	v2, _, _ =	vpop (xrf0)  }
0x131: {  	[tilespmem:s26+$0xFFFFFDA0] =	vst @!p0 v3;
	p1 =	sne.s32 s30, $0x80000000;
	(v2sf) =	vpush v2, $0xF;
	v2 =	vxor.u32 $0x80000000, v59  }
0x132: {  	[tilespmem:s26+$0xFFFFFDB0] =	vst @!p0 v3;
	v3 =	vimm.f32 @!p1 $0.0e+00;
	(xrf0) =	vmin.scan.msk.u32 $0xffff, v2  }
0x133: {  	[tilespmem:s26+$0xFFFFFE00] =	vst @!p1 v3  }
0x134: {  	v60 =	vsel vm11, $0x1, v1;
	[tilespmem:s26+$0xFFFFFE10] =	vst @!p1 v3;
	s30 =	spop (v2sf);
	v2, _, _ =	vpop (xrf0)  }
0x135: {  	[tilespmem:s26+$0xFFFFFE20] =	vst @!p1 v3;
	p0 =	sne.s32 s30, $0x80000000;
	(v2sf) =	vpush v2, $0xF;
	v2 =	vxor.u32 $0x80000000, v60  }
0x136: {  	[tilespmem:s26+$0xFFFFFE30] =	vst @!p1 v3;
	v3 =	vimm.f32 @!p0 $0.0e+00;
	(xrf0) =	vmin.scan.msk.u32 $0xffff, v2  }
0x137: {  	[tilespmem:s26+$0xFFFFFE80] =	vst @!p0 v3  }
0x138: {  	v61 =	vsel vm12, $0x1, v1;
	[tilespmem:s26+$0xFFFFFE90] =	vst @!p0 v3;
	s30 =	spop (v2sf);
	v2, _, _ =	vpop (xrf0)  }
0x139: {  	[tilespmem:s26+$0xFFFFFEA0] =	vst @!p0 v3;
	p1 =	sne.s32 s30, $0x80000000;
	(v2sf) =	vpush v2, $0xF;
	v2 =	vxor.u32 $0x80000000, v61  }
0x13a: {  	[tilespmem:s26+$0xFFFFFEB0] =	vst @!p0 v3;
	v3 =	vimm.f32 @!p1 $0.0e+00;
	(xrf0) =	vmin.scan.msk.u32 $0xffff, v2  }
0x13b: {  	[tilespmem:s26+$0xFFFFFF00] =	vst @!p1 v3  }
0x13c: {  	v62 =	vsel vm13, $0x1, v1;
	[tilespmem:s26+$0xFFFFFF10] =	vst @!p1 v3;
	s30 =	spop (v2sf);
	v2, _, _ =	vpop (xrf0)  }
0x13d: {  	[tilespmem:s26+$0xFFFFFF20] =	vst @!p1 v3;
	p0 =	sne.s32 s30, $0x80000000;
	(v2sf) =	vpush v2, $0xF;
	v2 =	vxor.u32 $0x80000000, v62  }
0x13e: {  	[tilespmem:s26+$0xFFFFFF30] =	vst @!p1 v3;
	v3 =	vimm.f32 @!p0 $0.0e+00;
	(xrf0) =	vmin.scan.msk.u32 $0xffff, v2  }
0x13f: {  	[tilespmem:s26+$0xFFFFFF80] =	vst @!p0 v3  }
0x140: {  	v63 =	vsel vm14, $0x1, v1;
	[tilespmem:s26+$0xFFFFFF90] =	vst @!p0 v3;
	s30 =	spop (v2sf);
	v2, _, _ =	vpop (xrf0)  }
0x141: {  	[tilespmem:s26+$0xFFFFFFA0] =	vst @!p0 v3;
	(v2sf) =	vpush v2, $0xF;
	p1 =	sne.s32 s30, $0x80000000;
	v2 =	vxor.u32 $0x80000000, v63  }
0x142: {  	[tilespmem:s26+$0xFFFFFFB0] =	vst @!p0 v3;
	v3 =	vimm.f32 @!p1 $0.0e+00;
	(xrf0) =	vmin.scan.msk.u32 $0xffff, v2  }
0x143: {  	[tilespmem:s26+$0x0] =	vst @!p1 v3  }
0x144: {  	v1 =	vsel vm15, $0x1, v1;
	[tilespmem:s26+$0x10] =	vst @!p1 v3;
	s30 =	spop (v2sf);
	v2, _, _ =	vpop (xrf0)  }
0x145: {  	v1 =	vxor.u32 $0x80000000, v1;
	[tilespmem:s26+$0x20] =	vst @!p1 v3;
	(v2sf) =	vpush v2, $0xF;
	p0 =	sne.s32 s30, $0x80000000  }
0x146: {  	[tilespmem:s26+$0x30] =	vst @!p1 v3;
	(xrf0) =	vmin.scan.msk.u32 $0xffff, v1;
	v2 =	vimm.f32 @!p0 $0.0e+00  }
0x147: {  	[tilespmem:s26+$0x80] =	vst @!p0 v2  }
0x148: {  	[tilespmem:s26+$0x90] =	vst @!p0 v2;
	v1, _, _ =	vpop (xrf0);
	s30 =	spop (v2sf)  }
0x149: {  	[tilespmem:s26+$0xA0] =	vst @!p0 v2;
	p1 =	sne.s32 s30, $0x80000000;
	(v2sf) =	vpush v1, $0xF  }
0x14a: {  	[tilespmem:s26+$0xB0] =	vst @!p0 v2;
	v1 =	vimm.f32 @!p1 $0.0e+00  }
0x14b: {  	[tilespmem:s26+$0x100] =	vst @!p1 v1  }
0x14c: {  	v2, _, _ =	vpop (xrf0);
	[tilespmem:s26+$0x110] =	vst @!p1 v1;
	s30 =	spop (v2sf)  }
0x14d: {  	[tilespmem:s26+$0x120] =	vst @!p1 v1;
	(v2sf) =	vpush v2, $0xF;
	p0 =	sne.s32 s30, $0x80000000  }
0x14e: {  	[tilespmem:s26+$0x130] =	vst @!p1 v1;
	v1 =	vimm.f32 @!p0 $0.0e+00  }
0x14f: {  	[tilespmem:s26+$0x180] =	vst @!p0 v1  }
0x150: {  	[tilespmem:s26+$0x190] =	vst @!p0 v1;
	s30 =	spop (v2sf)  }
0x151: {  	[tilespmem:s26+$0x1A0] =	vst @!p0 v1;
	p1 =	sne.s32 s30, $0x80000000  }
0x152: {  	[tilespmem:s26+$0x1B0] =	vst @!p0 v1;
	v1 =	vimm.f32 @!p1 $0.0e+00  }
0x153: {  	[tilespmem:s26+$0x200] =	vst @!p1 v1  }
0x154: {  	[tilespmem:s26+$0x210] =	vst @!p1 v1;
	s30 =	spop (v2sf)  }
0x155: {  	[tilespmem:s26+$0x220] =	vst @!p1 v1;
	p0 =	sne.s32 s30, $0x80000000  }
0x156: {  	[tilespmem:s26+$0x230] =	vst @!p1 v1;
	v1 =	vimm.f32 @!p0 $0.0e+00  }
0x157: {  	[tilespmem:s26+$0x280] =	vst @!p0 v1  }
0x158: {  	[tilespmem:s26+$0x290] =	vst @!p0 v1;
	s30 =	spop (v2sf)  }
0x159: {  	[tilespmem:s26+$0x2A0] =	vst @!p0 v1;
	p1 =	sne.s32 s30, $0x80000000  }
0x15a: {  	[tilespmem:s26+$0x2B0] =	vst @!p0 v1;
	v1 =	vimm.f32 @!p1 $0.0e+00  }
0x15b: {  	[tilespmem:s26+$0x300] =	vst @!p1 v1  }
0x15c: {  	[tilespmem:s26+$0x310] =	vst @!p1 v1;
	s30 =	spop (v2sf)  }
0x15d: {  	[tilespmem:s26+$0x320] =	vst @!p1 v1;
	p0 =	sne.s32 s30, $0x80000000  }
.Ltmp11:
0x15e: {  	[tilespmem:s26+$0x330] =	vst @!p1 v1;
	v1 =	vimm.f32 @!p0 $0.0e+00;
	(pc) =	sbr.rel .LBB2_11-.Ltmp11, $4  }
0x15f: {  	[tilespmem:s26+$0x380] =	vst @!p0 v1  }
0x160: {  	[tilespmem:s26+$0x390] =	vst @!p0 v1  }
0x161: {  	[tilespmem:s26+$0x3A0] =	vst @!p0 v1  }
0x162: {  	[tilespmem:s26+$0x3B0] =	vst @!p0 v1  }
.LBB2_12:
0x163: {  	s8 =	sadd.s32 s5, s8  }
0x164: {  	s8 =	smul.u32 $0xC80, s8;
	_ =	sdelay $0x1  }
0x165: {  	p0 =	seq.s32 s14, $0x1F;
	s8 =	sadd.s32 s4, s8  }
0x166: {  	[hbm4b:s8+s2] =	stream.linear.scatter [tilespmem:s13], [sflag:$0x7], $0x6400, $0x38;
	[tilespmem:$0x1F800] =	vst v63  }
0x167: {  	s8 =	simm.s32 @!p0 $0x6  }
0x168: {  	_ =	swait.ge @!p0 [sflag:s8], $0x6400  }
0x169: {  	s25 =	sadd.s32 @!p0 $0x340, s15;
	[sflag:s8] =	ssyncset.done @!p0 $0x0  }
0x16a: {  	s26 =	simm.s32 @!p0 $0x6800;
	[sflag:s8] =	ssyncadd.s32 @!p0 $0xFFFF9C00;
	s8 =	simm.s32 @!p0 $0x80  }
0x16b: {  	[tilespmem:s26], [sflag:$0x2] =	stream.indirect.gather @!p0 [hbm4b:s3+s8], $0x80, s25, s8, $0xb8;
	[tilespmem:$0x1F800] =	vst v63  }
0x16c: {  	s29 =	simm.s32 @!p0 $0xA800;
	s26 =	sadd.s32 @!p0 $0x3C0, s15;
	s25 =	simm.s32 @!p0 $0x48  }
0x16d: {  	[tilespmem:s29], [sflag:$0x2] =	stream.indirect.gather @!p0 [hbm4b:s3+s25], $0x80, s26, s25, $0xb8;
	[tilespmem:$0x1F800] =	vst v63  }
0x16e: {  	_ =	swait.ge [sflag:s23], $0x4000  }
0x16f: {  	[sflag:s23] =	ssyncset.done $0x0  }
0x170: {  	[sflag:s23] =	ssyncadd.s32 $0xFFFFC000  }
0x171: {  	s7 =	sor.u32 $0x2, s7;
	_ =	swait.ge [sflag:s23], $0x2400  }
0x172: {  	s26 =	smul.u32 $0xD0, s7;
	[sflag:s23] =	ssyncset.done $0x0  }
0x173: {  	[sflag:s23] =	ssyncadd.s32 $0xFFFFDC00  }
0x174: {  	v0 =	vld [tilespmem:s26+$0x0]  }
0x175: {  	v1 =	vld [tilespmem:s26+$0x10];
	_ =	sdelay $0x1  }
0x176: {  	v2 =	vld [tilespmem:s26+$0x20];
	_ =	sdelay $0x1  }
0x177: {  	v3 =	vld [tilespmem:s26+$0x30]  }
0x178: {  	vm1 =	vlt.s32 v0, v1  }
0x179: {  	v55 =	vld [tilespmem:s26+$0x40];
	v0 =	vsel vm1, v0, v1  }
0x17a: {  	vm1 =	vlt.s32 v0, v2  }
0x17b: {  	v56 =	vld [tilespmem:s26+$0x50];
	v0 =	vsel vm1, v0, v2  }
0x17c: {  	vm1 =	vlt.s32 v0, v3  }
0x17d: {  	v57 =	vld [tilespmem:s26+$0x60];
	v0 =	vsel vm1, v0, v3  }
0x17e: {  	vm1 =	vlt.s32 v0, v55  }
0x17f: {  	v58 =	vld [tilespmem:s26+$0x70];
	v0 =	vsel vm1, v0, v55  }
0x180: {  	s30 =	sand.u32 $0x7FE0, s26;
	vm1 =	vlt.s32 v0, v56  }
0x181: {  	v59 =	vld [tilespmem:s30+$0x80];
	v0 =	vsel vm1, v0, v56  }
0x182: {  	vm1 =	vlt.s32 v0, v57  }
0x183: {  	v60 =	vld [tilespmem:s26+$0x90];
	v0 =	vsel vm1, v0, v57  }
0x184: {  	vm1 =	vlt.s32 v0, v58  }
0x185: {  	v61 =	vld [tilespmem:s26+$0xA0];
	v0 =	vsel vm1, v0, v58  }
0x186: {  	vm1 =	vlt.s32 v0, v59  }
0x187: {  	v62 =	vld [tilespmem:s26+$0xB0];
	v0 =	vsel vm1, v0, v59  }
0x188: {  	vm1 =	vlt.s32 v0, v60  }
0x189: {  	v63 =	vld [tilespmem:s26+$0xC0];
	v0 =	vsel vm1, v0, v60  }
0x18a: {  	vm1 =	vlt.s32 v0, v61  }
0x18b: {  	v0 =	vsel vm1, v0, v61  }
0x18c: {  	vm1 =	vlt.s32 v0, v62  }
0x18d: {  	v0 =	vsel vm1, v0, v62  }
0x18e: {  	vm1 =	vlt.s32 v0, v63  }
0x18f: {  	v0 =	vsel vm1, v0, v63  }
0x190: {  	v0 =	vxor.u32 $0x80000000, v0  }
0x191: {  	(xrf0) =	vmin.scan.msk.u32 $0xffff, v0;
	_ =	sdelay $0x5  }
0x192: {  	v0, _, _ =	vpop (xrf0)  }
0x193: {  	(v2sf) =	vpush v0, $0xF;
	_ =	sdelay $0xe  }
0x194: {  	s30 =	spop (v2sf)  }
0x195: {  	p1 =	sne.s32 s30, $0x80000000  }
.Ltmp12:
0x196: {  	_ = 	snop;
	(pc) =	sbr.rel @p1 .LBB2_17-.Ltmp12, $2  }
0x197: {  	_ =	sdelay $0x2  }
0x198: {  	vm1 =	vcmask $0x308  }
.Ltmp13:
0x199: {  	(pc) =	sbr.rel .LBB2_14-.Ltmp13, $2  }
0x19a: {  	_ =	sdelay $0x2  }
0x19b: {  	s26 =	simm.s32 $0x0;
	s29 =	simm.s32 $0x13400;
	v0 =	vmov s1  }
.LBB2_16:
0x19c: {  	s26 =	sadd.s32 $0x40, s26  }
0x19d: {  	p1 =	sne.s32 s26, $0x340  }
.Ltmp14:
0x19e: {  	_ = 	snop;
	(pc) =	sbr.rel @!p1 .LBB2_17-.Ltmp14, $2  }
0x19f: {  	_ =	sdelay $0x2  }
0x1a0: {  	s29 =	sadd.s32 $0x800, s29  }
.LBB2_14:
0x1a1: {  	_ =	sdelay $0x2  }
0x1a2: {  	s30 =	sshra.s32 s26, $0x2  }
0x1a3: {  	v1 =	vld.idx.msk [tilespmem:v0+s30+$0x0 ss:$0x1], $0xffff;
	_ =	sdelay $0x4  }
0x1a4: {  	v2 =	vxor.u32 $0x80000000, v1  }
0x1a5: {  	(xrf0) =	vmin.scan.msk.u32 $0xffff, v2;
	_ =	sdelay $0x5  }
0x1a6: {  	v2, _, _ =	vpop (xrf0)  }
0x1a7: {  	(v2sf) =	vpush v2, $0xF;
	_ =	sdelay $0xe  }
0x1a8: {  	s30 =	spop (v2sf)  }
0x1a9: {  	p1 =	sne.s32 s30, $0x80000000  }
.Ltmp15:
0x1aa: {  	_ = 	snop;
	(pc) =	sbr.rel @p1 .LBB2_16-.Ltmp15, $1  }
0x1ab: {  	_ =	sdelay $0x3  }
0x1ac: {  	v2 =	vnsel vm0, $0x1, v1  }
0x1ad: {  	v2 =	vxor.u32 $0x80000000, v2  }
0x1ae: {  	(xrf0) =	vmin.scan.msk.u32 $0xffff, v2;
	_ =	sdelay $0x1  }
0x1af: {  	v2 =	vsel vm1, $0x1, v1  }
0x1b0: {  	v2 =	vxor.u32 $0x80000000, v2  }
0x1b1: {  	(xrf0) =	vmin.scan.msk.u32 $0xffff, v2;
	_ =	sdelay $0x1  }
0x1b2: {  	v3 =	vsel vm2, $0x1, v1;
	v2, _, _ =	vpop (xrf0)  }
0x1b3: {  	(v2sf) =	vpush v2, $0xF;
	v2 =	vxor.u32 $0x80000000, v3  }
0x1b4: {  	(xrf0) =	vmin.scan.msk.u32 $0xffff, v2;
	_ =	sdelay $0x1  }
0x1b5: {  	v3 =	vsel vm3, $0x1, v1;
	v2, _, _ =	vpop (xrf0)  }
0x1b6: {  	(v2sf) =	vpush v2, $0xF;
	v2 =	vxor.u32 $0x80000000, v3  }
0x1b7: {  	(xrf0) =	vmin.scan.msk.u32 $0xffff, v2;
	_ =	sdelay $0x1  }
0x1b8: {  	v3 =	vsel vm4, $0x1, v1;
	v2, _, _ =	vpop (xrf0)  }
0x1b9: {  	(v2sf) =	vpush v2, $0xF;
	v2 =	vxor.u32 $0x80000000, v3  }
0x1ba: {  	(xrf0) =	vmin.scan.msk.u32 $0xffff, v2;
	_ =	sdelay $0x1  }
0x1bb: {  	v3 =	vsel vm5, $0x1, v1;
	v2, _, _ =	vpop (xrf0)  }
0x1bc: {  	(v2sf) =	vpush v2, $0xF;
	v2 =	vxor.u32 $0x80000000, v3  }
0x1bd: {  	(xrf0) =	vmin.scan.msk.u32 $0xffff, v2;
	_ =	sdelay $0x1  }
0x1be: {  	v3 =	vsel vm6, $0x1, v1;
	s30 =	spop (v2sf);
	v2, _, _ =	vpop (xrf0)  }
0x1bf: {  	p2 =	sne.s32 s30, $0x80000000;
	(v2sf) =	vpush v2, $0xF;
	v2 =	vxor.u32 $0x80000000, v3  }
0x1c0: {  	v3 =	vimm.f32 @!p2 $0.0e+00;
	(xrf0) =	vmin.scan.msk.u32 $0xffff, v2  }
0x1c1: {  	[tilespmem:s29+$0xFFFFFC00] =	vst @!p2 v3  }
0x1c2: {  	v4 =	vsel vm7, $0x1, v1;
	[tilespmem:s29+$0xFFFFFC10] =	vst @!p2 v3;
	s30 =	spop (v2sf);
	v2, _, _ =	vpop (xrf0)  }
0x1c3: {  	[tilespmem:s29+$0xFFFFFC20] =	vst @!p2 v3;
	p1 =	sne.s32 s30, $0x80000000;
	(v2sf) =	vpush v2, $0xF;
	v2 =	vxor.u32 $0x80000000, v4  }
0x1c4: {  	[tilespmem:s29+$0xFFFFFC30] =	vst @!p2 v3;
	v3 =	vimm.f32 @!p1 $0.0e+00;
	(xrf0) =	vmin.scan.msk.u32 $0xffff, v2  }
0x1c5: {  	[tilespmem:s29+$0xFFFFFC80] =	vst @!p1 v3  }
0x1c6: {  	v57 =	vsel vm8, $0x1, v1;
	[tilespmem:s29+$0xFFFFFC90] =	vst @!p1 v3;
	s30 =	spop (v2sf);
	v2, _, _ =	vpop (xrf0)  }
0x1c7: {  	[tilespmem:s29+$0xFFFFFCA0] =	vst @!p1 v3;
	p2 =	sne.s32 s30, $0x80000000;
	(v2sf) =	vpush v2, $0xF;
	v2 =	vxor.u32 $0x80000000, v57  }
0x1c8: {  	[tilespmem:s29+$0xFFFFFCB0] =	vst @!p1 v3;
	v3 =	vimm.f32 @!p2 $0.0e+00;
	(xrf0) =	vmin.scan.msk.u32 $0xffff, v2  }
0x1c9: {  	[tilespmem:s29+$0xFFFFFD00] =	vst @!p2 v3  }
0x1ca: {  	v58 =	vsel vm9, $0x1, v1;
	[tilespmem:s29+$0xFFFFFD10] =	vst @!p2 v3;
	s30 =	spop (v2sf);
	v2, _, _ =	vpop (xrf0)  }
0x1cb: {  	[tilespmem:s29+$0xFFFFFD20] =	vst @!p2 v3;
	p1 =	sne.s32 s30, $0x80000000;
	(v2sf) =	vpush v2, $0xF;
	v2 =	vxor.u32 $0x80000000, v58  }
0x1cc: {  	[tilespmem:s29+$0xFFFFFD30] =	vst @!p2 v3;
	v3 =	vimm.f32 @!p1 $0.0e+00;
	(xrf0) =	vmin.scan.msk.u32 $0xffff, v2  }
0x1cd: {  	[tilespmem:s29+$0xFFFFFD80] =	vst @!p1 v3  }
0x1ce: {  	v59 =	vsel vm10, $0x1, v1;
	[tilespmem:s29+$0xFFFFFD90] =	vst @!p1 v3;
	s30 =	spop (v2sf);
	v2, _, _ =	vpop (xrf0)  }
0x1cf: {  	[tilespmem:s29+$0xFFFFFDA0] =	vst @!p1 v3;
	p2 =	sne.s32 s30, $0x80000000;
	(v2sf) =	vpush v2, $0xF;
	v2 =	vxor.u32 $0x80000000, v59  }
0x1d0: {  	[tilespmem:s29+$0xFFFFFDB0] =	vst @!p1 v3;
	v3 =	vimm.f32 @!p2 $0.0e+00;
	(xrf0) =	vmin.scan.msk.u32 $0xffff, v2  }
0x1d1: {  	[tilespmem:s29+$0xFFFFFE00] =	vst @!p2 v3  }
0x1d2: {  	v60 =	vsel vm11, $0x1, v1;
	[tilespmem:s29+$0xFFFFFE10] =	vst @!p2 v3;
	s30 =	spop (v2sf);
	v2, _, _ =	vpop (xrf0)  }
0x1d3: {  	[tilespmem:s29+$0xFFFFFE20] =	vst @!p2 v3;
	p1 =	sne.s32 s30, $0x80000000;
	(v2sf) =	vpush v2, $0xF;
	v2 =	vxor.u32 $0x80000000, v60  }
0x1d4: {  	[tilespmem:s29+$0xFFFFFE30] =	vst @!p2 v3;
	v3 =	vimm.f32 @!p1 $0.0e+00;
	(xrf0) =	vmin.scan.msk.u32 $0xffff, v2  }
0x1d5: {  	[tilespmem:s29+$0xFFFFFE80] =	vst @!p1 v3  }
0x1d6: {  	v61 =	vsel vm12, $0x1, v1;
	[tilespmem:s29+$0xFFFFFE90] =	vst @!p1 v3;
	s30 =	spop (v2sf);
	v2, _, _ =	vpop (xrf0)  }
0x1d7: {  	[tilespmem:s29+$0xFFFFFEA0] =	vst @!p1 v3;
	p2 =	sne.s32 s30, $0x80000000;
	(v2sf) =	vpush v2, $0xF;
	v2 =	vxor.u32 $0x80000000, v61  }
0x1d8: {  	[tilespmem:s29+$0xFFFFFEB0] =	vst @!p1 v3;
	v3 =	vimm.f32 @!p2 $0.0e+00;
	(xrf0) =	vmin.scan.msk.u32 $0xffff, v2  }
0x1d9: {  	[tilespmem:s29+$0xFFFFFF00] =	vst @!p2 v3  }
0x1da: {  	v62 =	vsel vm13, $0x1, v1;
	[tilespmem:s29+$0xFFFFFF10] =	vst @!p2 v3;
	s30 =	spop (v2sf);
	v2, _, _ =	vpop (xrf0)  }
0x1db: {  	[tilespmem:s29+$0xFFFFFF20] =	vst @!p2 v3;
	p1 =	sne.s32 s30, $0x80000000;
	(v2sf) =	vpush v2, $0xF;
	v2 =	vxor.u32 $0x80000000, v62  }
0x1dc: {  	[tilespmem:s29+$0xFFFFFF30] =	vst @!p2 v3;
	v3 =	vimm.f32 @!p1 $0.0e+00;
	(xrf0) =	vmin.scan.msk.u32 $0xffff, v2  }
0x1dd: {  	[tilespmem:s29+$0xFFFFFF80] =	vst @!p1 v3  }
0x1de: {  	v63 =	vsel vm14, $0x1, v1;
	[tilespmem:s29+$0xFFFFFF90] =	vst @!p1 v3;
	s30 =	spop (v2sf);
	v2, _, _ =	vpop (xrf0)  }
0x1df: {  	[tilespmem:s29+$0xFFFFFFA0] =	vst @!p1 v3;
	(v2sf) =	vpush v2, $0xF;
	p2 =	sne.s32 s30, $0x80000000;
	v2 =	vxor.u32 $0x80000000, v63  }
0x1e0: {  	[tilespmem:s29+$0xFFFFFFB0] =	vst @!p1 v3;
	v3 =	vimm.f32 @!p2 $0.0e+00;
	(xrf0) =	vmin.scan.msk.u32 $0xffff, v2  }
0x1e1: {  	[tilespmem:s29+$0x0] =	vst @!p2 v3  }
0x1e2: {  	v1 =	vsel vm15, $0x1, v1;
	[tilespmem:s29+$0x10] =	vst @!p2 v3;
	s30 =	spop (v2sf);
	v2, _, _ =	vpop (xrf0)  }
0x1e3: {  	v1 =	vxor.u32 $0x80000000, v1;
	[tilespmem:s29+$0x20] =	vst @!p2 v3;
	(v2sf) =	vpush v2, $0xF;
	p1 =	sne.s32 s30, $0x80000000  }
0x1e4: {  	[tilespmem:s29+$0x30] =	vst @!p2 v3;
	(xrf0) =	vmin.scan.msk.u32 $0xffff, v1;
	v2 =	vimm.f32 @!p1 $0.0e+00  }
0x1e5: {  	[tilespmem:s29+$0x80] =	vst @!p1 v2  }
0x1e6: {  	[tilespmem:s29+$0x90] =	vst @!p1 v2;
	v1, _, _ =	vpop (xrf0);
	s30 =	spop (v2sf)  }
0x1e7: {  	[tilespmem:s29+$0xA0] =	vst @!p1 v2;
	p2 =	sne.s32 s30, $0x80000000;
	(v2sf) =	vpush v1, $0xF  }
0x1e8: {  	[tilespmem:s29+$0xB0] =	vst @!p1 v2;
	v1 =	vimm.f32 @!p2 $0.0e+00  }
0x1e9: {  	[tilespmem:s29+$0x100] =	vst @!p2 v1  }
0x1ea: {  	v2, _, _ =	vpop (xrf0);
	[tilespmem:s29+$0x110] =	vst @!p2 v1;
	s30 =	spop (v2sf)  }
0x1eb: {  	[tilespmem:s29+$0x120] =	vst @!p2 v1;
	(v2sf) =	vpush v2, $0xF;
	p1 =	sne.s32 s30, $0x80000000  }
0x1ec: {  	[tilespmem:s29+$0x130] =	vst @!p2 v1;
	v1 =	vimm.f32 @!p1 $0.0e+00  }
0x1ed: {  	[tilespmem:s29+$0x180] =	vst @!p1 v1  }
0x1ee: {  	[tilespmem:s29+$0x190] =	vst @!p1 v1;
	s30 =	spop (v2sf)  }
0x1ef: {  	[tilespmem:s29+$0x1A0] =	vst @!p1 v1;
	p2 =	sne.s32 s30, $0x80000000  }
0x1f0: {  	[tilespmem:s29+$0x1B0] =	vst @!p1 v1;
	v1 =	vimm.f32 @!p2 $0.0e+00  }
0x1f1: {  	[tilespmem:s29+$0x200] =	vst @!p2 v1  }
0x1f2: {  	[tilespmem:s29+$0x210] =	vst @!p2 v1;
	s30 =	spop (v2sf)  }
0x1f3: {  	[tilespmem:s29+$0x220] =	vst @!p2 v1;
	p1 =	sne.s32 s30, $0x80000000  }
0x1f4: {  	[tilespmem:s29+$0x230] =	vst @!p2 v1;
	v1 =	vimm.f32 @!p1 $0.0e+00  }
0x1f5: {  	[tilespmem:s29+$0x280] =	vst @!p1 v1  }
0x1f6: {  	[tilespmem:s29+$0x290] =	vst @!p1 v1;
	s30 =	spop (v2sf)  }
0x1f7: {  	[tilespmem:s29+$0x2A0] =	vst @!p1 v1;
	p2 =	sne.s32 s30, $0x80000000  }
0x1f8: {  	[tilespmem:s29+$0x2B0] =	vst @!p1 v1;
	v1 =	vimm.f32 @!p2 $0.0e+00  }
0x1f9: {  	[tilespmem:s29+$0x300] =	vst @!p2 v1  }
0x1fa: {  	[tilespmem:s29+$0x310] =	vst @!p2 v1;
	s30 =	spop (v2sf)  }
0x1fb: {  	[tilespmem:s29+$0x320] =	vst @!p2 v1;
	p1 =	sne.s32 s30, $0x80000000  }
.Ltmp16:
0x1fc: {  	[tilespmem:s29+$0x330] =	vst @!p2 v1;
	v1 =	vimm.f32 @!p1 $0.0e+00;
	(pc) =	sbr.rel .LBB2_16-.Ltmp16, $4  }
0x1fd: {  	[tilespmem:s29+$0x380] =	vst @!p1 v1  }
0x1fe: {  	[tilespmem:s29+$0x390] =	vst @!p1 v1  }
0x1ff: {  	[tilespmem:s29+$0x3A0] =	vst @!p1 v1  }
0x200: {  	[tilespmem:s29+$0x3B0] =	vst @!p1 v1  }
.LBB2_17:
0x201: {  	s7 =	sadd.s32 s5, s7  }
0x202: {  	s7 =	smul.u32 $0xC80, s7;
	_ =	sdelay $0x1  }
0x203: {  	s7 =	sadd.s32 s4, s7  }
0x204: {  	[hbm4b:s7+s2] =	stream.linear.scatter [tilespmem:s16], [sflag:$0x8], $0x6400, $0x38;
	[tilespmem:$0x1F800] =	vst v63  }
0x205: {  	s7 =	simm.s32 @!p0 $0x7  }
0x206: {  	_ =	swait.ge @!p0 [sflag:s7], $0x6400  }
0x207: {  	[sflag:s7] =	ssyncset.done @!p0 $0x0  }
0x208: {  	s26 =	simm.s32 @!p0 $0xCC00;
	[sflag:s7] =	ssyncadd.s32 @!p0 $0xFFFF9C00;
	s7 =	sadd.s32 @!p0 $0x410, s15  }
0x209: {  	[tilespmem:s26], [sflag:$0x3] =	stream.indirect.gather @!p0 [hbm4b:s3+s8], $0x80, s7, s8, $0xb8;
	[tilespmem:$0x1F800] =	vst v63  }
0x20a: {  	s7 =	sadd.s32 @!p0 $0x490, s15;
	s8 =	simm.s32 @!p0 $0x10C00  }
0x20b: {  	[tilespmem:s8], [sflag:$0x3] =	stream.indirect.gather @!p0 [hbm4b:s3+s25], $0x80, s7, s25, $0xb8;
	[tilespmem:$0x1F800] =	vst v63  }
0x20c: {  	_ =	swait.ge [sflag:s24], $0x4000  }
0x20d: {  	[sflag:s24] =	ssyncset.done $0x0  }
0x20e: {  	[sflag:s24] =	ssyncadd.s32 $0xFFFFC000  }
0x20f: {  	_ =	swait.ge [sflag:s24], $0x2400  }
0x210: {  	[sflag:s24] =	ssyncset.done $0x0  }
0x211: {  	[sflag:s24] =	ssyncadd.s32 $0xFFFFDC00  }
0x212: {  	v0 =	vld [tilespmem:s6+$0x0]  }
0x213: {  	v1 =	vld [tilespmem:s6+$0x10];
	_ =	sdelay $0x1  }
0x214: {  	v2 =	vld [tilespmem:s6+$0x20];
	_ =	sdelay $0x1  }
0x215: {  	v3 =	vld [tilespmem:s6+$0x30]  }
0x216: {  	vm1 =	vlt.s32 v0, v1  }
0x217: {  	v55 =	vld [tilespmem:s6+$0x40];
	v0 =	vsel vm1, v0, v1  }
0x218: {  	vm1 =	vlt.s32 v0, v2  }
0x219: {  	v56 =	vld [tilespmem:s6+$0x50];
	v0 =	vsel vm1, v0, v2  }
0x21a: {  	vm1 =	vlt.s32 v0, v3  }
0x21b: {  	v57 =	vld [tilespmem:s6+$0x60];
	v0 =	vsel vm1, v0, v3  }
0x21c: {  	vm1 =	vlt.s32 v0, v55  }
0x21d: {  	v58 =	vld [tilespmem:s6+$0x70];
	v0 =	vsel vm1, v0, v55  }
0x21e: {  	s29 =	sand.u32 $0x7FF0, s6;
	vm1 =	vlt.s32 v0, v56  }
0x21f: {  	v59 =	vld [tilespmem:s29+$0x80];
	v0 =	vsel vm1, v0, v56  }
0x220: {  	vm1 =	vlt.s32 v0, v57  }
0x221: {  	v60 =	vld [tilespmem:s6+$0x90];
	v0 =	vsel vm1, v0, v57  }
0x222: {  	vm1 =	vlt.s32 v0, v58  }
0x223: {  	v61 =	vld [tilespmem:s6+$0xA0];
	v0 =	vsel vm1, v0, v58  }
0x224: {  	vm1 =	vlt.s32 v0, v59  }
0x225: {  	v62 =	vld [tilespmem:s6+$0xB0];
	v0 =	vsel vm1, v0, v59  }
0x226: {  	vm1 =	vlt.s32 v0, v60  }
0x227: {  	v63 =	vld [tilespmem:s6+$0xC0];
	v0 =	vsel vm1, v0, v60  }
0x228: {  	vm1 =	vlt.s32 v0, v61  }
0x229: {  	v0 =	vsel vm1, v0, v61  }
0x22a: {  	vm1 =	vlt.s32 v0, v62  }
0x22b: {  	v0 =	vsel vm1, v0, v62  }
0x22c: {  	vm1 =	vlt.s32 v0, v63  }
0x22d: {  	v0 =	vsel vm1, v0, v63  }
0x22e: {  	v0 =	vxor.u32 $0x80000000, v0  }
0x22f: {  	(xrf0) =	vmin.scan.msk.u32 $0xffff, v0;
	_ =	sdelay $0x5  }
0x230: {  	v0, _, _ =	vpop (xrf0)  }
0x231: {  	(v2sf) =	vpush v0, $0xF;
	_ =	sdelay $0xe  }
0x232: {  	s30 =	spop (v2sf)  }
0x233: {  	p1 =	sne.s32 s30, $0x80000000  }
.Ltmp17:
0x234: {  	_ = 	snop;
	(pc) =	sbr.rel @p1 .LBB2_22-.Ltmp17, $2  }
0x235: {  	_ =	sdelay $0x2  }
0x236: {  	vm1 =	vcmask $0x308  }
.Ltmp18:
0x237: {  	(pc) =	sbr.rel .LBB2_19-.Ltmp18, $2  }
0x238: {  	_ =	sdelay $0x2  }
0x239: {  	s6 =	simm.s32 $0x0;
	s7 =	simm.s32 $0x19800;
	v0 =	vmov s0  }
.LBB2_21:
0x23a: {  	s6 =	sadd.s32 $0x40, s6  }
0x23b: {  	p1 =	sne.s32 s6, $0x340  }
.Ltmp19:
0x23c: {  	_ = 	snop;
	(pc) =	sbr.rel @!p1 .LBB2_22-.Ltmp19, $2  }
0x23d: {  	_ =	sdelay $0x2  }
0x23e: {  	s7 =	sadd.s32 $0x800, s7  }
.LBB2_19:
0x23f: {  	_ =	sdelay $0x2  }
0x240: {  	s8 =	sshra.s32 s6, $0x2  }
0x241: {  	v1 =	vld.idx.msk [tilespmem:v0+s8+$0x0 ss:$0x1], $0xffff;
	_ =	sdelay $0x4  }
0x242: {  	v2 =	vxor.u32 $0x80000000, v1  }
0x243: {  	(xrf0) =	vmin.scan.msk.u32 $0xffff, v2;
	_ =	sdelay $0x5  }
0x244: {  	v2, _, _ =	vpop (xrf0)  }
0x245: {  	(v2sf) =	vpush v2, $0xF;
	_ =	sdelay $0xe  }
0x246: {  	s30 =	spop (v2sf)  }
0x247: {  	p1 =	sne.s32 s30, $0x80000000  }
.Ltmp20:
0x248: {  	_ = 	snop;
	(pc) =	sbr.rel @p1 .LBB2_21-.Ltmp20, $1  }
0x249: {  	_ =	sdelay $0x3  }
0x24a: {  	v2 =	vnsel vm0, $0x1, v1  }
0x24b: {  	v2 =	vxor.u32 $0x80000000, v2  }
0x24c: {  	(xrf0) =	vmin.scan.msk.u32 $0xffff, v2;
	_ =	sdelay $0x1  }
0x24d: {  	v2 =	vsel vm1, $0x1, v1  }
0x24e: {  	v2 =	vxor.u32 $0x80000000, v2  }
0x24f: {  	(xrf0) =	vmin.scan.msk.u32 $0xffff, v2;
	_ =	sdelay $0x1  }
0x250: {  	v3 =	vsel vm2, $0x1, v1;
	v2, _, _ =	vpop (xrf0)  }
0x251: {  	(v2sf) =	vpush v2, $0xF;
	v2 =	vxor.u32 $0x80000000, v3  }
0x252: {  	(xrf0) =	vmin.scan.msk.u32 $0xffff, v2;
	_ =	sdelay $0x1  }
0x253: {  	v3 =	vsel vm3, $0x1, v1;
	v2, _, _ =	vpop (xrf0)  }
0x254: {  	(v2sf) =	vpush v2, $0xF;
	v2 =	vxor.u32 $0x80000000, v3  }
0x255: {  	(xrf0) =	vmin.scan.msk.u32 $0xffff, v2;
	_ =	sdelay $0x1  }
0x256: {  	v3 =	vsel vm4, $0x1, v1;
	v2, _, _ =	vpop (xrf0)  }
0x257: {  	(v2sf) =	vpush v2, $0xF;
	v2 =	vxor.u32 $0x80000000, v3  }
0x258: {  	(xrf0) =	vmin.scan.msk.u32 $0xffff, v2;
	_ =	sdelay $0x1  }
0x259: {  	v3 =	vsel vm5, $0x1, v1;
	v2, _, _ =	vpop (xrf0)  }
0x25a: {  	(v2sf) =	vpush v2, $0xF;
	v2 =	vxor.u32 $0x80000000, v3  }
0x25b: {  	(xrf0) =	vmin.scan.msk.u32 $0xffff, v2;
	_ =	sdelay $0x1  }
0x25c: {  	v3 =	vsel vm6, $0x1, v1;
	s8 =	spop (v2sf);
	v2, _, _ =	vpop (xrf0)  }
0x25d: {  	p2 =	sne.s32 s8, $0x80000000;
	(v2sf) =	vpush v2, $0xF;
	v2 =	vxor.u32 $0x80000000, v3  }
0x25e: {  	v3 =	vimm.f32 @!p2 $0.0e+00;
	(xrf0) =	vmin.scan.msk.u32 $0xffff, v2  }
0x25f: {  	[tilespmem:s7+$0xFFFFFC00] =	vst @!p2 v3  }
0x260: {  	v4 =	vsel vm7, $0x1, v1;
	[tilespmem:s7+$0xFFFFFC10] =	vst @!p2 v3;
	s26 =	spop (v2sf);
	v2, _, _ =	vpop (xrf0)  }
0x261: {  	[tilespmem:s7+$0xFFFFFC20] =	vst @!p2 v3;
	p1 =	sne.s32 s26, $0x80000000;
	(v2sf) =	vpush v2, $0xF;
	v2 =	vxor.u32 $0x80000000, v4  }
0x262: {  	[tilespmem:s7+$0xFFFFFC30] =	vst @!p2 v3;
	v3 =	vimm.f32 @!p1 $0.0e+00;
	(xrf0) =	vmin.scan.msk.u32 $0xffff, v2  }
0x263: {  	[tilespmem:s7+$0xFFFFFC80] =	vst @!p1 v3  }
0x264: {  	v57 =	vsel vm8, $0x1, v1;
	[tilespmem:s7+$0xFFFFFC90] =	vst @!p1 v3;
	s29 =	spop (v2sf);
	v2, _, _ =	vpop (xrf0)  }
0x265: {  	[tilespmem:s7+$0xFFFFFCA0] =	vst @!p1 v3;
	p2 =	sne.s32 s29, $0x80000000;
	(v2sf) =	vpush v2, $0xF;
	v2 =	vxor.u32 $0x80000000, v57  }
0x266: {  	[tilespmem:s7+$0xFFFFFCB0] =	vst @!p1 v3;
	v3 =	vimm.f32 @!p2 $0.0e+00;
	(xrf0) =	vmin.scan.msk.u32 $0xffff, v2  }
0x267: {  	[tilespmem:s7+$0xFFFFFD00] =	vst @!p2 v3  }
0x268: {  	v58 =	vsel vm9, $0x1, v1;
	[tilespmem:s7+$0xFFFFFD10] =	vst @!p2 v3;
	s30 =	spop (v2sf);
	v2, _, _ =	vpop (xrf0)  }
0x269: {  	[tilespmem:s7+$0xFFFFFD20] =	vst @!p2 v3;
	p1 =	sne.s32 s30, $0x80000000;
	(v2sf) =	vpush v2, $0xF;
	v2 =	vxor.u32 $0x80000000, v58  }
0x26a: {  	[tilespmem:s7+$0xFFFFFD30] =	vst @!p2 v3;
	v3 =	vimm.f32 @!p1 $0.0e+00;
	(xrf0) =	vmin.scan.msk.u32 $0xffff, v2  }
0x26b: {  	[tilespmem:s7+$0xFFFFFD80] =	vst @!p1 v3  }
0x26c: {  	v59 =	vsel vm10, $0x1, v1;
	[tilespmem:s7+$0xFFFFFD90] =	vst @!p1 v3;
	s25 =	spop (v2sf);
	v2, _, _ =	vpop (xrf0)  }
0x26d: {  	[tilespmem:s7+$0xFFFFFDA0] =	vst @!p1 v3;
	p2 =	sne.s32 s25, $0x80000000;
	(v2sf) =	vpush v2, $0xF;
	v2 =	vxor.u32 $0x80000000, v59  }
0x26e: {  	[tilespmem:s7+$0xFFFFFDB0] =	vst @!p1 v3;
	v3 =	vimm.f32 @!p2 $0.0e+00;
	(xrf0) =	vmin.scan.msk.u32 $0xffff, v2  }
0x26f: {  	[tilespmem:s7+$0xFFFFFE00] =	vst @!p2 v3  }
0x270: {  	v60 =	vsel vm11, $0x1, v1;
	[tilespmem:s7+$0xFFFFFE10] =	vst @!p2 v3;
	s26 =	spop (v2sf);
	v2, _, _ =	vpop (xrf0)  }
0x271: {  	[tilespmem:s7+$0xFFFFFE20] =	vst @!p2 v3;
	p1 =	sne.s32 s26, $0x80000000;
	(v2sf) =	vpush v2, $0xF;
	v2 =	vxor.u32 $0x80000000, v60  }
0x272: {  	[tilespmem:s7+$0xFFFFFE30] =	vst @!p2 v3;
	v3 =	vimm.f32 @!p1 $0.0e+00;
	(xrf0) =	vmin.scan.msk.u32 $0xffff, v2  }
0x273: {  	[tilespmem:s7+$0xFFFFFE80] =	vst @!p1 v3  }
0x274: {  	v61 =	vsel vm12, $0x1, v1;
	[tilespmem:s7+$0xFFFFFE90] =	vst @!p1 v3;
	s29 =	spop (v2sf);
	v2, _, _ =	vpop (xrf0)  }
0x275: {  	[tilespmem:s7+$0xFFFFFEA0] =	vst @!p1 v3;
	p2 =	sne.s32 s29, $0x80000000;
	(v2sf) =	vpush v2, $0xF;
	v2 =	vxor.u32 $0x80000000, v61  }
0x276: {  	[tilespmem:s7+$0xFFFFFEB0] =	vst @!p1 v3;
	v3 =	vimm.f32 @!p2 $0.0e+00;
	(xrf0) =	vmin.scan.msk.u32 $0xffff, v2  }
0x277: {  	[tilespmem:s7+$0xFFFFFF00] =	vst @!p2 v3  }
0x278: {  	v62 =	vsel vm13, $0x1, v1;
	[tilespmem:s7+$0xFFFFFF10] =	vst @!p2 v3;
	s30 =	spop (v2sf);
	v2, _, _ =	vpop (xrf0)  }
0x279: {  	[tilespmem:s7+$0xFFFFFF20] =	vst @!p2 v3;
	p1 =	sne.s32 s30, $0x80000000;
	(v2sf) =	vpush v2, $0xF;
	v2 =	vxor.u32 $0x80000000, v62  }
0x27a: {  	[tilespmem:s7+$0xFFFFFF30] =	vst @!p2 v3;
	v3 =	vimm.f32 @!p1 $0.0e+00;
	(xrf0) =	vmin.scan.msk.u32 $0xffff, v2  }
0x27b: {  	[tilespmem:s7+$0xFFFFFF80] =	vst @!p1 v3  }
0x27c: {  	v63 =	vsel vm14, $0x1, v1;
	[tilespmem:s7+$0xFFFFFF90] =	vst @!p1 v3;
	s25 =	spop (v2sf);
	v2, _, _ =	vpop (xrf0)  }
0x27d: {  	[tilespmem:s7+$0xFFFFFFA0] =	vst @!p1 v3;
	(v2sf) =	vpush v2, $0xF;
	p2 =	sne.s32 s25, $0x80000000;
	v2 =	vxor.u32 $0x80000000, v63  }
0x27e: {  	[tilespmem:s7+$0xFFFFFFB0] =	vst @!p1 v3;
	v3 =	vimm.f32 @!p2 $0.0e+00;
	(xrf0) =	vmin.scan.msk.u32 $0xffff, v2  }
0x27f: {  	[tilespmem:s7+$0x0] =	vst @!p2 v3  }
0x280: {  	v1 =	vsel vm15, $0x1, v1;
	[tilespmem:s7+$0x10] =	vst @!p2 v3;
	s26 =	spop (v2sf);
	v2, _, _ =	vpop (xrf0)  }
0x281: {  	v1 =	vxor.u32 $0x80000000, v1;
	[tilespmem:s7+$0x20] =	vst @!p2 v3;
	(v2sf) =	vpush v2, $0xF;
	p1 =	sne.s32 s26, $0x80000000  }
0x282: {  	[tilespmem:s7+$0x30] =	vst @!p2 v3;
	(xrf0) =	vmin.scan.msk.u32 $0xffff, v1;
	v2 =	vimm.f32 @!p1 $0.0e+00  }
0x283: {  	[tilespmem:s7+$0x80] =	vst @!p1 v2  }
0x284: {  	[tilespmem:s7+$0x90] =	vst @!p1 v2;
	v1, _, _ =	vpop (xrf0);
	s29 =	spop (v2sf)  }
0x285: {  	[tilespmem:s7+$0xA0] =	vst @!p1 v2;
	p2 =	sne.s32 s29, $0x80000000;
	(v2sf) =	vpush v1, $0xF  }
0x286: {  	[tilespmem:s7+$0xB0] =	vst @!p1 v2;
	v1 =	vimm.f32 @!p2 $0.0e+00  }
0x287: {  	[tilespmem:s7+$0x100] =	vst @!p2 v1  }
0x288: {  	v2, _, _ =	vpop (xrf0);
	[tilespmem:s7+$0x110] =	vst @!p2 v1;
	s30 =	spop (v2sf)  }
0x289: {  	[tilespmem:s7+$0x120] =	vst @!p2 v1;
	(v2sf) =	vpush v2, $0xF;
	p1 =	sne.s32 s30, $0x80000000  }
0x28a: {  	[tilespmem:s7+$0x130] =	vst @!p2 v1;
	v1 =	vimm.f32 @!p1 $0.0e+00  }
0x28b: {  	[tilespmem:s7+$0x180] =	vst @!p1 v1  }
0x28c: {  	[tilespmem:s7+$0x190] =	vst @!p1 v1;
	s25 =	spop (v2sf)  }
0x28d: {  	[tilespmem:s7+$0x1A0] =	vst @!p1 v1;
	p2 =	sne.s32 s25, $0x80000000  }
0x28e: {  	[tilespmem:s7+$0x1B0] =	vst @!p1 v1;
	v1 =	vimm.f32 @!p2 $0.0e+00  }
0x28f: {  	[tilespmem:s7+$0x200] =	vst @!p2 v1  }
0x290: {  	[tilespmem:s7+$0x210] =	vst @!p2 v1;
	s26 =	spop (v2sf)  }
0x291: {  	[tilespmem:s7+$0x220] =	vst @!p2 v1;
	p1 =	sne.s32 s26, $0x80000000  }
0x292: {  	[tilespmem:s7+$0x230] =	vst @!p2 v1;
	v1 =	vimm.f32 @!p1 $0.0e+00  }
0x293: {  	[tilespmem:s7+$0x280] =	vst @!p1 v1  }
0x294: {  	[tilespmem:s7+$0x290] =	vst @!p1 v1;
	s29 =	spop (v2sf)  }
0x295: {  	[tilespmem:s7+$0x2A0] =	vst @!p1 v1;
	p2 =	sne.s32 s29, $0x80000000  }
0x296: {  	[tilespmem:s7+$0x2B0] =	vst @!p1 v1;
	v1 =	vimm.f32 @!p2 $0.0e+00  }
0x297: {  	[tilespmem:s7+$0x300] =	vst @!p2 v1  }
0x298: {  	[tilespmem:s7+$0x310] =	vst @!p2 v1;
	s30 =	spop (v2sf)  }
0x299: {  	[tilespmem:s7+$0x320] =	vst @!p2 v1;
	p1 =	sne.s32 s30, $0x80000000  }
.Ltmp21:
0x29a: {  	[tilespmem:s7+$0x330] =	vst @!p2 v1;
	v1 =	vimm.f32 @!p1 $0.0e+00;
	(pc) =	sbr.rel .LBB2_21-.Ltmp21, $4  }
0x29b: {  	[tilespmem:s7+$0x380] =	vst @!p1 v1  }
0x29c: {  	[tilespmem:s7+$0x390] =	vst @!p1 v1  }
0x29d: {  	[tilespmem:s7+$0x3A0] =	vst @!p1 v1  }
0x29e: {  	[tilespmem:s7+$0x3B0] =	vst @!p1 v1  }
.LBB2_22:
.Ltmp22:
0x29f: {  	s6 =	sadd.s32 s5, s17;
	(pc) =	sbr.rel @p0 .LBB2_24-.Ltmp22, $3  }
0x2a0: {  	s6 =	smul.u32 $0xC80, s6;
	_ =	sdelay $0x1  }
0x2a1: {  	s6 =	sadd.s32 s4, s6  }
0x2a2: {  	[hbm4b:s6+s2] =	stream.linear.scatter [tilespmem:s20], [sflag:$0x9], $0x6400, $0x38;
	[tilespmem:$0x1F800] =	vst v63  }
0x2a3: {  	_ =	swait.ge [sflag:s28], $0x6400;
	s6 =	sadd.s32 $0x4E0, s15  }
.Ltmp23:
0x2a4: {  	s30 =	sadd.s32 $0x560, s15;
	[sflag:s28] =	ssyncset.done $0x0;
	(pc) =	sbr.rel .LBB2_2-.Ltmp23, $4  }
0x2a5: {  	s14 =	sadd.s32 $0x1, s14;
	s12 =	sadd.s32 $0x340, s12;
	[sflag:s28] =	ssyncadd.s32 $0xFFFF9C00  }
0x2a6: {  	[tilespmem:s16], [sflag:$0x4] =	stream.indirect.gather [hbm4b:s3+s9], $0x80, s6, s9, $0xb8;
	[tilespmem:$0x1F800] =	vst v63  }
0x2a7: {  	s31 =	sadd.s32 $0x340, s31;
	s1 =	sadd.s32 $0x340, s1;
	s0 =	sadd.s32 $0x340, s0  }
0x2a8: {  	[tilespmem:s18], [sflag:$0x4] =	stream.indirect.gather [hbm4b:s3+s11], $0x80, s30, s11, $0xb8;
	[tilespmem:$0x1F800] =	vst v63  }
.LBB2_25:
0x2a9: {  	_ =	sfence.sel $0x180000  }
0x2aa: {  	[bflag:$0x0] =	sbarrier.arrive $0xFFFF  }
0x2ab: {  	_ =	strace $0x90000047  }
0x2ac: {  	s0 =	stileid.u32;
	[bflag:$0x2] =	sbarrier.arrive $0xFFFF  }
0x2ad: {  	p0 =	sne.s32 s0, $0x0;
	s0 =	rddreg [dreg:$0x1]  }
0x2ae: {  	s0 =	sadd.s32 @!p0 $0x100000, s0  }
0x2af: {  	[sflag:s0] =	ssyncadd.tile.s32 @!p0 $0x1;
	_ =	shalt  }
.Lfunc_end2:
_tile_overlayer_lowered:
.L_overlay_start_2:
0x2b0: {  	(tag) =	ssettag $0x2  }
0x2b1: {  	s0 =	rddreg [dreg:$0x0];
	s2 =	stileid.u32  }
0x2b2: {  	s1 =	rddreg [dreg:$0x1];
	p0 =	sne.s32 s2, $0x0  }
0x2b3: {  	s3 =	rddreg [dreg:$0x2];
	[bflag:$0x3] =	sbarrier.arrive $0xFFFF;
	s2 =	simm.s32 @!p0 $0x1C0A  }
0x2b4: {  	[timem:s3], [sflag:s2] =	dma.local @!p0 [hbm:s0], s1  }
0x2b5: {  	s0 =	simm.s32 @!p0 $0xA  }
0x2b6: {  	_ =	swait.ge @!p0 [sflag:s0], s1  }
0x2b7: {  	s1 =	ssub.s32 @!p0 $0x0, s1;
	[sflag:s0] =	ssyncset.done @!p0 $0x0  }
0x2b8: {  	[sflag:s0] =	ssyncadd.s32 @!p0 s1  }
0x2b9: {  	[bflag:$0x3] =	sbarrier.arrive $0xFFFF  }
0x2ba: {  	_ =	shalt  }

// kernel: sparse-core-data-format-call.cloned.1.call-start
scs
called_computation_lowered:
.L_overlay_start_0:
0x0: {  	s2 =	sld [smem:$0x3FD9]  }
0x1: {  	s3 =	sld [smem:$0x3FFE];
	_ =	sdelay $0x1  }
0x2: {  	s1 =	srdreg.scid  }
0x3: {  	s0 =	sand.u32 $0x1, s1  }
0x4: {  	s18 =	sshll.u32 s0, $0xA;
	s2 =	sadd.s32 s3, s2  }
0x5: {  	s2 =	sadd.s32 s2, s18  }
0x6: {  	[smem:$0x3FC6] =	sst s2  }
0x7: {  	_ = 	snop  }
0x8: {  	s2 =	sld [smem:$0x3FD0];
	(tm) =	ssettm $0x1  }
0x9: {  	s19 =	sld [smem:$0x3FFB];
	_ =	sdelay $0x3  }
0xa: {  	_ =	strace s19  }
0xb: {  	s3 =	sld [smem:$0x3FFC];
	_ =	sdelay $0x3  }
0xc: {  	_ =	strace s3  }
0xd: {  	s3 =	sld [smem:$0x3FFD];
	_ =	sdelay $0x3  }
0xe: {  	_ =	strace s3  }
0xf: {  	_ =	strace $0x8FFFFFFF  }
0x10: {  	s20 =	sld [smem:$0x3FDB];
	_ =	sdelay $0x1  }
0x11: {  	s4 =	simm.s32 $_scs_section_size  }
0x12: {  	s5 =	simm.s32 $_size__tile_overlayer_lowered;
	s6 =	simm.s32 $_tile_overlayer_lowered  }
0x13: {  	s23 =	simm.s32 $0x1BFF;
	s22 =	sshll.u32 s6, $0x1;
	s3 =	sadd.s32 s4, s20  }
0x14: {  	s7 =	simm.s32 $0x0;
	s21 =	sshll.u32 s5, $0x1;
	s5 =	sadd.s32 s22, s3  }
0x15: {  	[timem:s7], [sflag:s23] =	dma.local [hbm:s5], s21  }
0x16: {  	_ =	swait.ge [sflag:s23], s21  }
0x17: {  	s4 =	ssub.s32 $0x0, s21;
	[sflag:s23] =	ssyncset.done $0x0  }
0x18: {  	[sflag:s23] =	ssyncadd.s32 s4;
	_ =	sdelay $0x1  }
0x19: {  	s24 =	simm.s32 $0x1B8B  }
0x1a: {  	_ =	swait.ge [sflag:s24], $0x1  }
0x1b: {  	[sflag:s24] =	ssyncset.done $0x0  }
0x1c: {  	s26 =	simm.s32 $0x1B8E;
	s25 =	sld [smem:$0x3FFE];
	[sflag:s24] =	ssyncadd.s32 $0xFFFFFFFF  }
0x1d: {  	s27 =	simm.s32 $execute0_lowered;
	[smem:$0x3FD2] =	sst s26  }
0x1e: {  	s5 =	sshll.u32 s27, $0x1;
	_ =	strace $0x80000049;
	[dreg:$0x1] =	wrdreg $0xFFFFFFFF  }
0x1f: {  	s28 =	simm.s32 $_size_execute0_lowered;
	s3 =	sadd.s32 s3, s5;
	[dreg:$0x0] =	wrdreg $0x0  }
0x20: {  	s5 =	sshll.u32 s28, $0x1;
	[dreg:$0x2] =	wrdreg s3  }
0x21: {  	[dreg:$0x3] =	wrdreg s5  }
0x22: {  	[dreg:$0x4] =	wrdreg $0xC0  }
0x23: {  	_ =	task [dreg:s7], $0x5FFFF  }
0x24: {  	[dreg:$0x1] =	wrdreg $0xFFFFFFFF  }
0x25: {  	[dreg:$0x0] =	wrdreg $0x60  }
0x26: {  	[dreg:$0x2] =	wrdreg s25  }
0x27: {  	[dreg:$0x3] =	wrdreg s2  }
0x28: {  	[dreg:$0x4] =	wrdreg $0x9  }
0x29: {  	_ =	task.clear_ibuf [dreg:s7], $0x5FFFF;
	_ =	strace $0x90000049  }
0x2a: {  	s29 =	simm.s32 $0x9;
	_ =	strace $0x8000004B  }
0x2b: {  	_ =	swait.ge [sflag:s29], $0x1  }
0x2c: {  	[sflag:s29] =	ssyncadd.s32 $0xFFFFFFFF  }
0x2d: {  	_ =	strace $0x9000004B  }
0x2e: {  	_ =	sfence  }
0x2f: {  	s30 =	sld [smem:$0x0];
	_ =	sdelay $0x2  }
0x30: {  	s31 =	sshll.u32 s1, $0xD;
	s1 =	sshrl.u32 s1, $0x2  }
0x31: {  	s3 =	sand.u32 $0x4000, s31;
	s1 =	sadd.s32 s1, s30  }
0x32: {  	s0 =	sor.u32 s3, s0;
	s1 =	sshll.u32 s1, $0x11  }
0x33: {  	s0 =	sor.u32 s1, s0  }
0x34: {  	s0 =	sadd.s32 $0x8F2B, s0  }
0x35: {  	[sflag:s0] =	ssyncadd.remote.s32 $0x1  }
0x36: {  	_ =	sfence.sel $0xFFFF  }
0x37: {  	[dreg:$0x0] =	wrdreg $0xFFFFFFFF;
	(pc) =	sbr.abs _section_cstart, $3  }
0x38: {  	[dreg:$0x1] =	wrdreg $0xFFFFFFFF  }
0x39: {  	_ =	task.clear_ibuf [dreg:s7], $0x2FFFF;
	_ =	strace $0x9FFFFFFF  }
0x3a: {  	(tm) =	ssettm $0x7FFFFFFF  }
0x3b: {  	_ =	shalt  }
tec
execute0_lowered:
.L_overlay_start_1:
0x0: {  	(tag) =	ssettag $0x1  }
0x1: {  	s0 =	srdreg.scid  }
0x2: {  	s1 =	sshll.u32 s0, $0x4  }
0x3: {  	s0 =	stileid.u32;
	s1 =	sand.u32 $0x10, s1  }
0x4: {  	s1 =	sor.u32 s0, s1  }
0x5: {  	s6 =	rddreg [dreg:$0x0];
	s4 =	simm.s32 $0x1;
	s2 =	sshll.u32 s1, $0x7  }
0x6: {  	s7 =	simm.s32 $0x2;
	s12 =	simm.s32 $0x0;
	s1 =	ssub.s32 $0x1000, s2  }
0x7: {  	s8 =	simm.s32 $0x8000;
	s13 =	simm.s32 $0x0;
	s3 =	sand.u32 $0xF80, s1  }
0x8: {  	s9 =	simm.s32 $0x0;
	s5 =	sshrl.u32 s1, $0xC;
	p0 =	sne.s32 s3, $0x0  }
.Ltmp0:
0x9: {  	s1 =	rddreg [dreg:$0x2];
	s4 =	simm.s32 @!p0 $0x0;
	(pc) =	sbr.rel .LBB1_1-.Ltmp0, $4  }
0xa: {  	s11 =	simm.s32 $0x0;
	s3 =	rddreg [dreg:$0x1];
	s5 =	sadd.s32 s4, s5  }
0xb: {  	_ =	strace $0x8000004A;
	s4 =	simm.s32 $0x1;
	s5 =	smul.u32 $0xC8, s5  }
0xc: {  	s6 =	sadd.s32 $0x1A1200, s6;
	s10 =	smov.u32 s2;
	[sflag:s4] =	ssyncpa.u1 $0x0  }
0xd: {  	p0 =	por $0x0, $0x0;
	[sflag:s7] =	ssyncpa.u1 $0x0;
	s7 =	sor.u32 $0x1, s5  }
.LBB1_4:
0xe: {  	s16 =	sshll.u32 s13, $0x3;
	s17 =	sand.u32 $0x78, s13  }
0xf: {  	s30 =	sand.u32 $0x7E00, s13;
	s12 =	sshll.u32 s12, $0xF;
	s16 =	sand.u32 $0xC00, s16  }
0x10: {  	[tilespmem:s15+$0x810 ss:$0x81] =	vst.msk $0xffff, v2;
	s31 =	sand.u32 $0x7, s13;
	s16 =	sor.u32 s17, s16;
	s17 =	sadd.s32 s3, s30  }
0x11: {  	[tilespmem:s15+$0x1020 ss:$0x81] =	vst.msk $0xffff, v0;
	s13 =	sshll.u32 s31, $0x12;
	s12 =	sadd.s32 s12, s17;
	s16 =	sshrl.u32 s16, $0x3  }
0x12: {  	[tilespmem:s15+$0x0 ss:$0x81] =	vst.msk $0xffff, v1;
	s13 =	sor.u32 $0x400, s13;
	s12 =	sadd.s32 s16, s12  }
0x13: {  	[hbm4b:s12+s13] =	stream.strided.scatter [tilespmem:s14], [sflag:$0x2], $0x2000, s8, s13, $0x20;
	[tilespmem:$0x8080] =	vst v63  }
.LBB1_5:
0x14: {  	s14 =	sadd.s32 $0x1, s9  }
0x15: {  	s12 =	sadd.s32 $0x1000, s10;
	s16 =	smov.u32 s10;
	p2 =	sgt.s32 s14, $0xC7  }
0x16: {  	s16 =	smov.u32 @p2 s12  }
0x17: {  	s14 =	simm.s32 @p2 $0x0;
	p2 =	sgt.s32 s16, $0xFFF  }
0x18: {  	s16 =	smov.u32 @p2 s2;
	p2 =	sne.s32 s11, s7  }
.Ltmp1:
0x19: {  	p1 =	slt.u32 s11, $0x2;
	(pc) =	sbr.rel @!p2 .LBB1_6-.Ltmp1, $4  }
0x1a: {  	s15 =	simm.s32 @!p1 $0x2  }
0x1b: {  	s13 =	smov.u32 s10;
	p0 =	por !p0, !p0;
	_ =	swait.ge @!p1 [sflag:s15], $0x2000  }
0x1c: {  	s12 =	smov.u32 s9;
	[sflag:s15] =	ssyncset.done @!p1 $0x0;
	s9 =	smov.u32 s14  }
0x1d: {  	s11 =	sadd.s32 $0x1, s11;
	[sflag:s15] =	ssyncadd.s32 @!p1 $0xFFFFE000;
	s10 =	smov.u32 s16  }
.LBB1_1:
0x1e: {  	p1 =	sge.u32 s11, s5  }
0x1f: {  	s14 =	sand.u32 @!p1 $0x1FFFFFF, s9  }
0x20: {  	s15 =	smulhi.u32 @!p1 $0x147AE15, s14;
	_ =	sdelay $0x1  }
0x21: {  	s15 =	smul.u32 @!p1 $0xC8, s15  }
0x22: {  	s16 =	sxor.u32 @!p1 $0xFFFFFFFF, s11;
	s17 =	smul.u32 @!p1 $0xC80, s10  }
0x23: {  	s31 =	sadd.s32 $0xFFFFFFFF, s11;
	s16 =	sshll.u32 @!p1 s16, $0xD;
	s14 =	ssub.s32 @!p1 s14, s15  }
0x24: {  	s15 =	sand.u32 @!p1 $0x2000, s16;
	s16 =	sadd.s32 @!p1 s6, s17;
	s14 =	sshll.u32 @!p1 s14, $0x4  }
0x25: {  	s17 =	simm.s32 @!p1 $0x6400;
	s14 =	sadd.s32 @!p1 s14, s16;
	s16 =	simm.s32 @!p1 $0x40  }
0x26: {  	[tilespmem:s15], [sflag:$0x1] =	stream.strided.gather @!p1 [hbm4b:s14+s16], $0x2000, s17, s16, $0x38;
	[tilespmem:$0x8080] =	vst v63  }
0x27: {  	p1 =	sge.u32 s31, s5  }
.Ltmp2:
0x28: {  	_ = 	snop;
	(pc) =	sbr.rel @p1 .LBB1_5-.Ltmp2, $1  }
0x29: {  	_ =	sdelay $0x3  }
0x2a: {  	s14 =	simm.s32 $0x1  }
0x2b: {  	_ =	swait.ge [sflag:s4], $0x2000;
	s14 =	simm.s32 @!p0 $0x0  }
0x2c: {  	[sflag:s4] =	ssyncset.done $0x0;
	s15 =	sshll.u32 s14, $0xD  }
0x2d: {  	[sflag:s4] =	ssyncadd.s32 $0xFFFFE000;
	s18 =	sor.u32 $0x20, s15  }
0x2e: {  	s14 =	smul.u32 $0x8100, s14;
	v3 =	vld [tilespmem:s18+$0x10]  }
0x2f: {  	s30 =	sand.u32 $0x1, s11;
	v2 =	vld [tilespmem:s18+$0xFFFFFFF0]  }
0x30: {  	s15 =	smul.u32 $0x8100, s30;
	s14 =	sshrl.u32 s14, $0x2;
	v0 =	vld [tilespmem:s18+$0x0]  }
0x31: {  	v1 =	vld [tilespmem:s18+$0xFFFFFFE0];
	s16 =	sor.u32 $0x4000, s14  }
0x32: {  	s31 =	sshrl.u32 s15, $0x2;
	s15 =	sadd.s32 $0x0, s16  }
0x33: {  	s17 =	simm.s32 $0x4;
	s18 =	sadd.s32 $0x40, s18;
	s14 =	sor.u32 $0x4000, s31;
	[tilespmem:s15+$0x1830 ss:$0x81] =	vst.msk $0xffff, v3  }
.LBB1_3:
0x34: {  	v3 =	vld [tilespmem:s18+$0x10];
	p1 =	sne.s32 s17, $0x1FC;
	[tilespmem:s15+$0x810 ss:$0x81] =	vst.msk $0xffff, v2;
	s19 =	smov.u32 s17;
	s17 =	sadd.s32 $0x4, s17  }
.Ltmp3:
0x35: {  	v2 =	vld [tilespmem:s18+$0xFFFFFFF0];
	[tilespmem:s15+$0x1020 ss:$0x81] =	vst.msk $0xffff, v0;
	(pc) =	sbr.rel @p1 .LBB1_3-.Ltmp3, $4  }
0x36: {  	v0 =	vld [tilespmem:s18+$0x0];
	[tilespmem:s15+$0x0 ss:$0x81] =	vst.msk $0xffff, v1  }
0x37: {  	s15 =	sshra.s32 s19, $0x2;
	v1 =	vld [tilespmem:s18+$0xFFFFFFE0]  }
0x38: {  	s15 =	sadd.s32 s15, s16  }
0x39: {  	s18 =	sadd.s32 $0x40, s18;
	[tilespmem:s15+$0x1830 ss:$0x81] =	vst.msk $0xffff, v3  }
.Ltmp4:
0x3a: {  	_ = 	snop;
	(pc) =	sbr.rel .LBB1_4-.Ltmp4, $1  }
0x3b: {  	_ =	sdelay $0x3  }
.LBB1_6:
0x3c: {  	_ =	sfence.sel $0x180000  }
0x3d: {  	s2 =	simm.s32 $0x1;
	[bflag:$0x0] =	sbarrier.arrive $0xFFFF  }
0x3e: {  	s31 =	simm.s32 $0x2;
	[sflag:s2] =	ssyncpa.u1 $0x1  }
0x3f: {  	[sflag:s31] =	ssyncpa.u1 $0x1  }
0x40: {  	p0 =	sne.s32 s0, $0x0;
	_ =	strace $0x9000004A  }
0x41: {  	s0 =	sadd.s32 @!p0 $0x100000, s1;
	[bflag:$0x2] =	sbarrier.arrive $0xFFFF  }
0x42: {  	[sflag:s0] =	ssyncadd.tile.s32 @!p0 $0x1;
	_ =	shalt  }
.Lfunc_end1:
_tile_overlayer_lowered:
.L_overlay_start_2:
0x43: {  	(tag) =	ssettag $0x2  }
0x44: {  	s0 =	rddreg [dreg:$0x0];
	s2 =	stileid.u32  }
0x45: {  	s1 =	rddreg [dreg:$0x1];
	p0 =	sne.s32 s2, $0x0  }
0x46: {  	s3 =	rddreg [dreg:$0x2];
	[bflag:$0x3] =	sbarrier.arrive $0xFFFF;
	s2 =	simm.s32 @!p0 $0x1C01  }
0x47: {  	[timem:s3], [sflag:s2] =	dma.local @!p0 [hbm:s0], s1  }
0x48: {  	s0 =	simm.s32 @!p0 $0x1  }
0x49: {  	_ =	swait.ge @!p0 [sflag:s0], s1  }
0x4a: {  	s1 =	ssub.s32 @!p0 $0x0, s1;
	[sflag:s0] =	ssyncset.done @!p0 $0x0  }
0x4b: {  	[sflag:s0] =	ssyncadd.s32 @!p0 s1  }
0x4c: {  	[bflag:$0x3] =	sbarrier.arrive $0xFFFF  }
0x4d: {  	_ =	shalt  }

</sc_bundles>
